<compile_context>
chip_gen: v7x
topology: tpu7x:2x2x1
jax: 0.10.2.dev20260603
libtpu: 0.0.44.dev20260713+nightly
codegen_flags: <defaults>
</compile_context>

<pallas_src>
import functools

import jax
import jax.numpy as jnp
from jax import lax
from jax.experimental import pallas as pl
from jax.experimental.pallas import tpu as pltpu
from jax.experimental.pallas import tpu_sc as plsc

NC, NS, L = 2, 16, 16
NW = NC * NS
NEG_SLOPE = 0.2
NUM_GRAPHS = 512


BR = 8


def _pass_a(x, w_row, nrows, n, br):
    d = x.shape[1]
    nb = -(-nrows // br)

    def body(wt_ref, x_ref, h_ref, hmax_ref, hmin_ref):
        i = pl.program_id(0)
        xb = x_ref[...]
        wt = wt_ref[...]
        lane = lax.broadcasted_iota(jnp.int32, (1, 128), 1)
        bmax = None
        for r in range(br):
            hrow = lax.dot_general(wt, xb[r * 128:(r + 1) * 128, :],
                                   (((1,), (1,)), ((), ())),
                                   preferred_element_type=jnp.float32)
            valid = ((i * br + r) * 128 + lane) < n
            hrow = jnp.where(valid, hrow, 0.0)
            h_ref[r] = hrow
            rmax = jnp.max(hrow)
            rmin = jnp.min(hrow)
            bmax = rmax if bmax is None else jnp.maximum(bmax, rmax)
            bmin = rmin if r == 0 else jnp.minimum(bmin, rmin)

        @pl.when(i == 0)
        def _():
            hmax_ref[0] = bmax
            hmin_ref[0] = bmin

        @pl.when(i > 0)
        def _():
            hmax_ref[0] = jnp.maximum(hmax_ref[0], bmax)
            hmin_ref[0] = jnp.minimum(hmin_ref[0], bmin)

    return pl.pallas_call(
        body,
        grid=(nb,),
        in_specs=[pl.BlockSpec((1, d), lambda i: (0, 0)),
                  pl.BlockSpec((br * 128, d), lambda i: (i, 0))],
        out_specs=[pl.BlockSpec((br, 1, 128), lambda i: (i, 0, 0)),
                   pl.BlockSpec(memory_space=pltpu.SMEM),
                   pl.BlockSpec(memory_space=pltpu.SMEM)],
        out_shape=[jax.ShapeDtypeStruct((nrows, 1, 128), jnp.float32),
                   jax.ShapeDtypeStruct((1,), jnp.float32),
                   jax.ShapeDtypeStruct((1,), jnp.float32)],
    )(w_row, x)


def _make_edge_kernel(num_edges, npad, chunk):
    cpt = num_edges // (NW * chunk)
    assert cpt * NW * chunk == num_edges
    npw = npad // NS
    nvec = chunk // L
    mesh = plsc.VectorSubcoreMesh(core_axis_name="c", subcore_axis_name="s",
                                  num_cores=NC, num_subcores=NS)

    nhw = npw // 2

    def body(ei, h_hbm, par_hbm, num_out, den_out,
             h_v, par_v, src0, src1, dst0, dst1, e_v, eh_v,
             zero_v, num_sh, den_sh, sem_h, sem_ld0, sem_ld1, sem_sc):
        c = lax.axis_index("c")
        s = lax.axis_index("s")
        w = c * NS + s
        ebase = w * (cpt * chunk)
        srcs, dsts = [src0, src1], [dst0, dst1]
        lsems = [sem_ld0, sem_ld1]

        h_desc = pltpu.async_copy(h_hbm, h_v, sem_h)

        def zbody(j, _):
            zero_v[pl.ds(j * L, L)] = jnp.zeros((L,), jnp.float32)
            return 0

        lax.fori_loop(0, nhw // L, zbody, 0)
        if nhw % L:
            zero_v[pl.ds(nhw - L, L)] = jnp.zeros((L,), jnp.float32)
        for k in range(2):
            pltpu.sync_copy(zero_v, num_sh.at[pl.ds(s * npw + k * nhw, nhw)])
            pltpu.sync_copy(zero_v, den_sh.at[pl.ds(s * npw + k * nhw, nhw)])
        pltpu.sync_copy(par_hbm, par_v)
        h_desc.wait()
        plsc.subcore_barrier()
        ats = par_v[0]
        atd = par_v[1]
        cshift = par_v[2]

        def issue_loads(t, p):
            b = ebase + t * chunk
            return (pltpu.async_copy(ei.at[pl.ds(b, chunk)], srcs[p],
                                     lsems[p]),
                    pltpu.async_copy(ei.at[pl.ds(num_edges + b, chunk)],
                                     dsts[p], lsems[p]))

        ld = [None, None]
        sc_d = None
        ld[0] = issue_loads(0, 0)
        for t in range(cpt):
            p = t % 2
            q = 1 - p
            if sc_d is not None and t + 1 < cpt:
                for d_ in sc_d:
                    d_.wait()
                sc_d = None
            if t + 1 < cpt:
                ld[q] = issue_loads(t + 1, q)
            for d_ in ld[p]:
                d_.wait()
            if sc_d is not None:
                for d_ in sc_d:
                    d_.wait()
                sc_d = None
            src_v, dst_v = srcs[p], dsts[p]

            def vbody(j, _):
                sidx = src_v[pl.ds(j * L, L)]
                didx = dst_v[pl.ds(j * L, L)]
                hs = plsc.load_gather(h_v, [sidx])
                hd = plsc.load_gather(h_v, [didx])
                z = ats * hs + atd * hd
                v = jnp.where(z >= 0, z, NEG_SLOPE * z)
                e = jnp.exp(v - cshift)
                e_v[pl.ds(j * L, L)] = e
                eh_v[pl.ds(j * L, L)] = e * hs
                return 0

            lax.fori_loop(0, nvec, vbody, 0)
            sc_d = (pltpu.async_copy(e_v, den_sh.at[dst_v], sem_sc,
                                     add=True),
                    pltpu.async_copy(eh_v, num_sh.at[dst_v], sem_sc,
                                     add=True))
        for d_ in sc_d:
            d_.wait()
        plsc.subcore_barrier()
        for k in range(2):
            pltpu.sync_copy(num_sh.at[pl.ds(s * npw + k * nhw, nhw)], zero_v)
            pltpu.sync_copy(
                zero_v, num_out.at[pl.ds(c * npad + s * npw + k * nhw, nhw)])
            pltpu.sync_copy(den_sh.at[pl.ds(s * npw + k * nhw, nhw)], zero_v)
            pltpu.sync_copy(
                zero_v, den_out.at[pl.ds(c * npad + s * npw + k * nhw, nhw)])

    return pl.kernel(
        body,
        out_type=[jax.ShapeDtypeStruct((NC * npad,), jnp.float32),
                  jax.ShapeDtypeStruct((NC * npad,), jnp.float32)],
        mesh=mesh,
        compiler_params=pltpu.CompilerParams(needs_layout_passes=False),
        scratch_types=[
            pltpu.VMEM((npad,), jnp.float32),
            pltpu.VMEM((4, L), jnp.float32),
            pltpu.VMEM((chunk,), jnp.int32),
            pltpu.VMEM((chunk,), jnp.int32),
            pltpu.VMEM((chunk,), jnp.int32),
            pltpu.VMEM((chunk,), jnp.int32),
            pltpu.VMEM((chunk,), jnp.float32),
            pltpu.VMEM((chunk,), jnp.float32),
            pltpu.VMEM((npad // NS // 2,), jnp.float32),
            pltpu.VMEM_SHARED((npad,), jnp.float32),
            pltpu.VMEM_SHARED((npad,), jnp.float32),
            pltpu.SemaphoreType.DMA,
            pltpu.SemaphoreType.DMA,
            pltpu.SemaphoreType.DMA,
            pltpu.SemaphoreType.DMA,
        ],
    )


def _pass_c(par, x, h3, batch3, num4, den4, nrows, n, g):
    d = x.shape[1]

    nb = -(-nrows // BR)

    def body(par_ref, x_ref, h_ref, bat_ref, n0_ref, n1_ref, d0_ref, d1_ref,
             gx_ref, dacc):
        i = pl.program_id(0)
        atsum = par_ref[0]
        csh = par_ref[1]
        bb = par_ref[2]
        m2 = par_ref[3]
        h = h_ref[:, 0, :]
        n0 = n0_ref[0, :, 0, :]
        n1 = n1_ref[0, :, 0, :]
        d0 = d0_ref[0, :, 0, :]
        d1 = d1_ref[0, :, 0, :]
        z = atsum * h
        vv = jnp.where(z >= 0, z, NEG_SLOPE * z)
        es = jnp.exp(vv - csh)
        ntot = n0 + n1 + es * h
        dtot = d0 + d1 + es
        sval = ntot / dtot + bb
        e2 = jnp.exp(sval - m2)
        lane = lax.broadcasted_iota(jnp.int32, (BR, 128), 1)
        row = lax.broadcasted_iota(jnp.int32, (BR, 128), 0)
        nid = (i * BR + row) * 128 + lane
        e2 = jnp.where(nid < n, e2, 0.0)
        bat = bat_ref[:, 0, :]
        gid = lax.broadcasted_iota(jnp.int32, (g, 1), 0)
        xrow = lax.broadcasted_iota(jnp.int32, (BR * 128, 1), 0)
        xb = jnp.where(i * BR * 128 + xrow < n, x_ref[...], 0.0)
        part = None
        partd = None
        for r in range(BR):
            onehot_t = jnp.where(bat[r:r + 1, :] == gid, e2[r:r + 1, :], 0.0)
            pr = lax.dot_general(onehot_t, xb[r * 128:(r + 1) * 128, :],
                                 (((1,), (0,)), ((), ())),
                                 preferred_element_type=jnp.float32)
            dr = jnp.sum(onehot_t, axis=1, keepdims=True)
            part = pr if part is None else part + pr
            partd = dr if partd is None else partd + dr

        @pl.when(i == 0)
        def _():
            gx_ref[...] = part
            dacc[...] = partd

        @pl.when(i > 0)
        def _():
            gx_ref[...] += part
            dacc[...] += partd

        @pl.when(i == nb - 1)
        def _():
            gx_ref[...] = gx_ref[...] / (dacc[...] + 1e-16)

    return pl.pallas_call(
        body,
        grid=(nb,),
        in_specs=[pl.BlockSpec(memory_space=pltpu.SMEM),
                  pl.BlockSpec((BR * 128, d), lambda i: (i, 0)),
                  pl.BlockSpec((BR, 1, 128), lambda i: (i, 0, 0)),
                  pl.BlockSpec((BR, 1, 128), lambda i: (i, 0, 0)),
                  pl.BlockSpec((1, BR, 1, 128), lambda i: (0, i, 0, 0)),
                  pl.BlockSpec((1, BR, 1, 128), lambda i: (1, i, 0, 0)),
                  pl.BlockSpec((1, BR, 1, 128), lambda i: (0, i, 0, 0)),
                  pl.BlockSpec((1, BR, 1, 128), lambda i: (1, i, 0, 0))],
        out_specs=pl.BlockSpec((g, d), lambda i: (0, 0)),
        out_shape=jax.ShapeDtypeStruct((g, d), jnp.float32),
        scratch_shapes=[pltpu.VMEM((g, 1), jnp.float32)],
    )(par, x, h3, batch3, num4, num4, den4, den4)


def kernel(x, edge_index, batch, W, b, att_src, att_dst):
    n, d = x.shape
    num_edges = edge_index.shape[1]
    g = NUM_GRAPHS
    nrows = -(-n // 128)
    npad = nrows * 128
    chunk = 2000

    w_row = W.reshape(1, d)
    h3, hmax, hmin = _pass_a(x, w_row, nrows, n, 16)
    hmax_s = hmax[0]
    hmin_s = hmin[0]
    mas = jnp.where(att_src[0] >= 0, att_src[0] * hmax_s, att_src[0] * hmin_s)
    mad = jnp.where(att_dst[0] >= 0, att_dst[0] * hmax_s, att_dst[0] * hmin_s)
    amax = mas + mad
    cshift = jnp.where(amax >= 0, amax, NEG_SLOPE * amax)

    par_sc = jnp.stack([
        jnp.full((L,), att_src[0], jnp.float32),
        jnp.full((L,), att_dst[0], jnp.float32),
        jnp.full((L,), cshift, jnp.float32),
        jnp.zeros((L,), jnp.float32),
    ])
    h_flat = h3.reshape(npad)
    num2, den2 = _make_edge_kernel(num_edges, npad, chunk)(
        edge_index.reshape(2 * num_edges), h_flat, par_sc)

    m2 = hmax_s + b[0]
    par_tc = jnp.stack([att_src[0] + att_dst[0], cshift, b[0], m2])
    batch_p = jnp.concatenate(
        [batch, jnp.full((npad - n,), g, jnp.int32)]).reshape(nrows, 1, 128)
    num4 = num2.reshape(NC, nrows, 1, 128)
    den4 = den2.reshape(NC, nrows, 1, 128)
    return _pass_c(par_tc, x, h3, batch_p, num4, den4, nrows, n, g)

# --- scband reference (transcript-rebuilt; emitter-appended) ---
"""Pipeline reference for scband-global-attention-pool-3934190044025 (READ-ONLY COPY).

The authoritative reference and input builder live on the scoring server;
editing this copy changes nothing except your own understanding.
"""

import jax, jax.numpy as jnp
import numpy as np

N = 100000
E = 1600000
D = 128
G = 512


def setup_inputs(seed: int = 0) -> dict:
    key = jax.random.key(seed)
    k1, k2, k3, k4, k5, k6 = jax.random.split(key, 6)
    x = jax.random.normal(k1, (N, D), dtype=jnp.float32)
    edge_index = jax.random.randint(k2, (2, E), 0, N, dtype=jnp.int32)
    batch = jnp.sort(jax.random.randint(k3, (N,), 0, G, dtype=jnp.int32))
    W = jax.random.normal(k4, (D, 1), dtype=jnp.float32) * (1.0 / np.sqrt(D))
    b = jnp.zeros((1,), dtype=jnp.float32)
    att_src = jax.random.normal(k5, (1,), dtype=jnp.float32) * 0.1
    att_dst = jax.random.normal(k6, (1,), dtype=jnp.float32) * 0.1
    return {"x": x, "edge_index": edge_index, "batch": batch, "W": W, "b": b, "att_src": att_src, "att_dst": att_dst}


def _segment_softmax(vals, seg, num_segments):
    m = jax.ops.segment_max(vals, seg, num_segments=num_segments)
    m = jnp.where(jnp.isfinite(m), m, 0.0)
    m = jax.lax.stop_gradient(m)
    e = jnp.exp(vals - m[seg])
    d = jax.ops.segment_sum(e, seg, num_segments=num_segments)
    return e / (d[seg] + 1e-16)


def reference(x, edge_index, batch, W, b, att_src, att_dst):
    n = x.shape[0]
    # GATConv(hidden_dim, 1): heads=1, out_channels=1, add_self_loops=True
    loop = jnp.arange(n, dtype=edge_index.dtype)
    src = jnp.concatenate([edge_index[0], loop])
    dst = jnp.concatenate([edge_index[1], loop])
    h = x @ W  # [N, 1]
    a_src = (h * att_src).sum(-1)  # [N]
    a_dst = (h * att_dst).sum(-1)  # [N]
    alpha = jax.nn.leaky_relu(a_src[src] + a_dst[dst], negative_slope=0.2)  # [E+N]
    alpha = _segment_softmax(alpha, dst, n)
    x_conv = jax.ops.segment_sum(alpha[:, None] * h[src], dst, num_segments=n) + b  # [N, 1]
    # softmax(x_conv, batch, dim=0): per-graph softmax over nodes
    scores = _segment_softmax(x_conv[:, 0], batch, G)[:, None]  # [N, 1]
    # global_add_pool(x * scores, batch)
    gx = jax.ops.segment_sum(x * scores, batch, num_segments=G)  # [G, D]
    return gx

if __name__ == "__main__":
    import jax
    _d = setup_inputs()
    print(jax.jit(kernel)(*tuple(_d.values())))

</pallas_src>

<mosaic_0001>
#map = affine_map<(d0, d1) -> (0)>
#map1 = affine_map<(d0, d1) -> (0, 0)>
module attributes {stable_mosaic.version = 14 : i64} {
  func.func @body(%arg0: i32, %arg1: i32, %arg2: memref<3200000xi32, #tpu.memory_space<hbm>>, %arg3: memref<100096xf32, #tpu.memory_space<hbm>>, %arg4: memref<4x16xf32, #tpu.memory_space<hbm>>, %arg5: memref<200192xf32, #tpu.memory_space<hbm>>, %arg6: memref<200192xf32, #tpu.memory_space<hbm>>, %arg7: memref<100096xf32, #tpu.memory_space<vmem>>, %arg8: memref<4x16xf32, #tpu.memory_space<vmem>>, %arg9: memref<2000xi32, #tpu.memory_space<vmem>>, %arg10: memref<2000xi32, #tpu.memory_space<vmem>>, %arg11: memref<2000xi32, #tpu.memory_space<vmem>>, %arg12: memref<2000xi32, #tpu.memory_space<vmem>>, %arg13: memref<2000xf32, #tpu.memory_space<vmem>>, %arg14: memref<2000xf32, #tpu.memory_space<vmem>>, %arg15: memref<3128xf32, #tpu.memory_space<vmem>>, %arg16: memref<100096xf32, #tpu.memory_space<vmem_shared>>, %arg17: memref<100096xf32, #tpu.memory_space<vmem_shared>>, %arg18: memref<!tpu.dma_semaphore, #tpu.memory_space<semaphore_mem>>, %arg19: memref<!tpu.dma_semaphore, #tpu.memory_space<semaphore_mem>>, %arg20: memref<!tpu.dma_semaphore, #tpu.memory_space<semaphore_mem>>, %arg21: memref<!tpu.dma_semaphore, #tpu.memory_space<semaphore_mem>>) attributes {dimension_semantics = [#tpu.dimension_semantics<core_parallel>, #tpu.dimension_semantics<subcore_parallel>], iteration_bounds = array<i64: 2, 16>, scalar_prefetch = 0 : i64, scratch_operands = 15 : i64, tpu.core_type = #tpu.core_type<sc_vector_subcore>, window_params = [{transform_indices = #map}, {transform_indices = #map}, {transform_indices = #map1}, {transform_indices = #map}, {transform_indices = #map}]} {
    %mul3A = arith.constant 16 : i32
    %mul3A_0 = arith.muli %arg0, %mul3A : i32
    %add3A = arith.addi %mul3A_0, %arg1 : i32
    %mul3A_1 = arith.constant 50000 : i32
    %mul3A_2 = arith.muli %add3A, %mul3A_1 : i32
    tpu.enqueue_dma source(%arg3 : memref<100096xf32, #tpu.memory_space<hbm>>) target(%arg7 : memref<100096xf32, #tpu.memory_space<vmem>>) target_semaphore(%arg18 : memref<!tpu.dma_semaphore, #tpu.memory_space<semaphore_mem>>)
    %scan3A = arith.constant 0 : i32
    %scan3A_3 = arith.constant 0 : i32
    %scan3A_4 = arith.constant 195 : i32
    %scan3A_5 = arith.addi %scan3A_3, %scan3A_4 : i32
    %scan3A_6 = arith.constant 1 : i32
    %scan3A_7 = scf.for %scan3A_756 = %scan3A_3 to %scan3A_5 step %scan3A_6 iter_args(%scan3A_757 = %scan3A) -> (i32)  : i32 {
      %broadcast_in_dim3A_758 = arith.constant 0.000000e+00 : f32
      %broadcast_in_dim3A_759 = vector.broadcast %broadcast_in_dim3A_758 : f32 to vector<16xf32>
      %mul3A_760 = arith.constant 16 : i32
      %mul3A_761 = arith.muli %scan3A_756, %mul3A_760 : i32
      %swap3A_762 = arith.index_cast %mul3A_761 : i32 to index
      %swap3A_763 = tpu.vector_load %arg15[%swap3A_762] {strides = array<i32>} : memref<3128xf32, #tpu.memory_space<vmem>>, vector<16xf32>,
      tpu.vector_store %arg15[%swap3A_762], %broadcast_in_dim3A_759 {strides = array<i32>} : memref<3128xf32, #tpu.memory_space<vmem>>, vector<16xf32>,
      %scan3A_764 = arith.constant 0 : i32
      scf.yield %scan3A_764 : i32
    }
    %scan3A_8 = arith.constant 195 : i32
    %broadcast_in_dim3A = arith.constant 0.000000e+00 : f32
    %broadcast_in_dim3A_9 = vector.broadcast %broadcast_in_dim3A : f32 to vector<16xf32>
    %swap3A = arith.constant 3112 : index
    %swap3A_10 = tpu.vector_load %arg15[%swap3A] {strides = array<i32>} : memref<3128xf32, #tpu.memory_space<vmem>>, vector<16xf32>,
    tpu.vector_store %arg15[%swap3A], %broadcast_in_dim3A_9 {strides = array<i32>} : memref<3128xf32, #tpu.memory_space<vmem>>, vector<16xf32>,
    %mul3A_11 = arith.constant 6256 : i32
    %mul3A_12 = arith.muli %arg1, %mul3A_11 : i32
    %add3A_13 = arith.constant 0 : i32
    %add3A_14 = arith.addi %mul3A_12, %add3A_13 : i32
    "tpu.region"() ({
      %run_scoped3A = tpu.sem_alloc : memref<!tpu.dma_semaphore, #tpu.memory_space<semaphore_mem>>
      %dma_start3A_756 = tpu.memref_slice %arg16[%add3A_14] : memref<100096xf32, #tpu.memory_space<vmem_shared>> -> memref<3128xf32, #tpu.memory_space<vmem_shared>>
      %dma_start3A_757 = tpu.memref_slice %arg16[%add3A_14] : memref<100096xf32, #tpu.memory_space<vmem_shared>> -> memref<3128xf32, #tpu.memory_space<vmem_shared>>
      tpu.enqueue_dma source(%arg15 : memref<3128xf32, #tpu.memory_space<vmem>>) target(%dma_start3A_757 : memref<3128xf32, #tpu.memory_space<vmem_shared>>) target_semaphore(%run_scoped3A : memref<!tpu.dma_semaphore, #tpu.memory_space<semaphore_mem>>)
      %dma_wait3A_758 = tpu.memref_slice %arg16[%add3A_14] : memref<100096xf32, #tpu.memory_space<vmem_shared>> -> memref<3128xf32, #tpu.memory_space<vmem_shared>>
      %dma_wait3A_759 = tpu.memref_slice %arg16[%add3A_14] : memref<100096xf32, #tpu.memory_space<vmem_shared>> -> memref<3128xf32, #tpu.memory_space<vmem_shared>>
      tpu.wait_dma2 semaphore(%run_scoped3A : memref<!tpu.dma_semaphore, #tpu.memory_space<semaphore_mem>>) src(%arg15 : memref<3128xf32, #tpu.memory_space<vmem>>) dst(%dma_wait3A_759 : memref<3128xf32, #tpu.memory_space<vmem_shared>>)
      tpu.yield
    }) : () -> ()
    %mul3A_15 = arith.constant 6256 : i32
    %mul3A_16 = arith.muli %arg1, %mul3A_15 : i32
    %add3A_17 = arith.constant 0 : i32
    %add3A_18 = arith.addi %mul3A_16, %add3A_17 : i32
    "tpu.region"() ({
      %run_scoped3A = tpu.sem_alloc : memref<!tpu.dma_semaphore, #tpu.memory_space<semaphore_mem>>
      %dma_start3A_756 = tpu.memref_slice %arg17[%add3A_18] : memref<100096xf32, #tpu.memory_space<vmem_shared>> -> memref<3128xf32, #tpu.memory_space<vmem_shared>>
      %dma_start3A_757 = tpu.memref_slice %arg17[%add3A_18] : memref<100096xf32, #tpu.memory_space<vmem_shared>> -> memref<3128xf32, #tpu.memory_space<vmem_shared>>
      tpu.enqueue_dma source(%arg15 : memref<3128xf32, #tpu.memory_space<vmem>>) target(%dma_start3A_757 : memref<3128xf32, #tpu.memory_space<vmem_shared>>) target_semaphore(%run_scoped3A : memref<!tpu.dma_semaphore, #tpu.memory_space<semaphore_mem>>)
      %dma_wait3A_758 = tpu.memref_slice %arg17[%add3A_18] : memref<100096xf32, #tpu.memory_space<vmem_shared>> -> memref<3128xf32, #tpu.memory_space<vmem_shared>>
      %dma_wait3A_759 = tpu.memref_slice %arg17[%add3A_18] : memref<100096xf32, #tpu.memory_space<vmem_shared>> -> memref<3128xf32, #tpu.memory_space<vmem_shared>>
      tpu.wait_dma2 semaphore(%run_scoped3A : memref<!tpu.dma_semaphore, #tpu.memory_space<semaphore_mem>>) src(%arg15 : memref<3128xf32, #tpu.memory_space<vmem>>) dst(%dma_wait3A_759 : memref<3128xf32, #tpu.memory_space<vmem_shared>>)
      tpu.yield
    }) : () -> ()
    %mul3A_19 = arith.constant 6256 : i32
    %mul3A_20 = arith.muli %arg1, %mul3A_19 : i32
    %add3A_21 = arith.constant 3128 : i32
    %add3A_22 = arith.addi %mul3A_20, %add3A_21 : i32
    "tpu.region"() ({
      %run_scoped3A = tpu.sem_alloc : memref<!tpu.dma_semaphore, #tpu.memory_space<semaphore_mem>>
      %dma_start3A_756 = tpu.memref_slice %arg16[%add3A_22] : memref<100096xf32, #tpu.memory_space<vmem_shared>> -> memref<3128xf32, #tpu.memory_space<vmem_shared>>
      %dma_start3A_757 = tpu.memref_slice %arg16[%add3A_22] : memref<100096xf32, #tpu.memory_space<vmem_shared>> -> memref<3128xf32, #tpu.memory_space<vmem_shared>>
      tpu.enqueue_dma source(%arg15 : memref<3128xf32, #tpu.memory_space<vmem>>) target(%dma_start3A_757 : memref<3128xf32, #tpu.memory_space<vmem_shared>>) target_semaphore(%run_scoped3A : memref<!tpu.dma_semaphore, #tpu.memory_space<semaphore_mem>>)
      %dma_wait3A_758 = tpu.memref_slice %arg16[%add3A_22] : memref<100096xf32, #tpu.memory_space<vmem_shared>> -> memref<3128xf32, #tpu.memory_space<vmem_shared>>
      %dma_wait3A_759 = tpu.memref_slice %arg16[%add3A_22] : memref<100096xf32, #tpu.memory_space<vmem_shared>> -> memref<3128xf32, #tpu.memory_space<vmem_shared>>
      tpu.wait_dma2 semaphore(%run_scoped3A : memref<!tpu.dma_semaphore, #tpu.memory_space<semaphore_mem>>) src(%arg15 : memref<3128xf32, #tpu.memory_space<vmem>>) dst(%dma_wait3A_759 : memref<3128xf32, #tpu.memory_space<vmem_shared>>)
      tpu.yield
    }) : () -> ()
    %mul3A_23 = arith.constant 6256 : i32
    %mul3A_24 = arith.muli %arg1, %mul3A_23 : i32
    %add3A_25 = arith.constant 3128 : i32
    %add3A_26 = arith.addi %mul3A_24, %add3A_25 : i32
    "tpu.region"() ({
      %run_scoped3A = tpu.sem_alloc : memref<!tpu.dma_semaphore, #tpu.memory_space<semaphore_mem>>
      %dma_start3A_756 = tpu.memref_slice %arg17[%add3A_26] : memref<100096xf32, #tpu.memory_space<vmem_shared>> -> memref<3128xf32, #tpu.memory_space<vmem_shared>>
      %dma_start3A_757 = tpu.memref_slice %arg17[%add3A_26] : memref<100096xf32, #tpu.memory_space<vmem_shared>> -> memref<3128xf32, #tpu.memory_space<vmem_shared>>
      tpu.enqueue_dma source(%arg15 : memref<3128xf32, #tpu.memory_space<vmem>>) target(%dma_start3A_757 : memref<3128xf32, #tpu.memory_space<vmem_shared>>) target_semaphore(%run_scoped3A : memref<!tpu.dma_semaphore, #tpu.memory_space<semaphore_mem>>)
      %dma_wait3A_758 = tpu.memref_slice %arg17[%add3A_26] : memref<100096xf32, #tpu.memory_space<vmem_shared>> -> memref<3128xf32, #tpu.memory_space<vmem_shared>>
      %dma_wait3A_759 = tpu.memref_slice %arg17[%add3A_26] : memref<100096xf32, #tpu.memory_space<vmem_shared>> -> memref<3128xf32, #tpu.memory_space<vmem_shared>>
      tpu.wait_dma2 semaphore(%run_scoped3A : memref<!tpu.dma_semaphore, #tpu.memory_space<semaphore_mem>>) src(%arg15 : memref<3128xf32, #tpu.memory_space<vmem>>) dst(%dma_wait3A_759 : memref<3128xf32, #tpu.memory_space<vmem_shared>>)
      tpu.yield
    }) : () -> ()
    "tpu.region"() ({
      %run_scoped3A = tpu.sem_alloc : memref<!tpu.dma_semaphore, #tpu.memory_space<semaphore_mem>>
      tpu.enqueue_dma source(%arg4 : memref<4x16xf32, #tpu.memory_space<hbm>>) target(%arg8 : memref<4x16xf32, #tpu.memory_space<vmem>>) target_semaphore(%run_scoped3A : memref<!tpu.dma_semaphore, #tpu.memory_space<semaphore_mem>>)
      tpu.wait_dma2 semaphore(%run_scoped3A : memref<!tpu.dma_semaphore, #tpu.memory_space<semaphore_mem>>) src(%arg4 : memref<4x16xf32, #tpu.memory_space<hbm>>) dst(%arg8 : memref<4x16xf32, #tpu.memory_space<vmem>>)
      tpu.yield
    }) : () -> ()
    tpu.wait_dma2 semaphore(%arg18 : memref<!tpu.dma_semaphore, #tpu.memory_space<semaphore_mem>>) src(%arg3 : memref<100096xf32, #tpu.memory_space<hbm>>) dst(%arg7 : memref<100096xf32, #tpu.memory_space<vmem>>)
    %barrier3A = arith.constant 0 : index
    tpu.barrier barrier_id(%barrier3A)
    %get3A = arith.constant 0 : i32
    %get3A_27 = arith.index_cast %get3A : i32 to index
    %get3A_28 = arith.constant 0 : index
    %get3A_29 = tpu.vector_load %arg8[%get3A_27, %get3A_28] {strides = array<i32>} : memref<4x16xf32, #tpu.memory_space<vmem>>, vector<16xf32>,
    %get3A_30 = arith.constant 1 : i32
    %get3A_31 = arith.index_cast %get3A_30 : i32 to index
    %get3A_32 = arith.constant 0 : index
    %get3A_33 = tpu.vector_load %arg8[%get3A_31, %get3A_32] {strides = array<i32>} : memref<4x16xf32, #tpu.memory_space<vmem>>, vector<16xf32>,
    %get3A_34 = arith.constant 2 : i32
    %get3A_35 = arith.index_cast %get3A_34 : i32 to index
    %get3A_36 = arith.constant 0 : index
    %get3A_37 = tpu.vector_load %arg8[%get3A_35, %get3A_36] {strides = array<i32>} : memref<4x16xf32, #tpu.memory_space<vmem>>, vector<16xf32>,
    %add3A_38 = arith.constant 0 : i32
    %add3A_39 = arith.addi %mul3A_2, %add3A_38 : i32
    %dma_start3A = tpu.memref_slice %arg2[%add3A_39] : memref<3200000xi32, #tpu.memory_space<hbm>> -> memref<2000xi32, #tpu.memory_space<hbm>>
    %dma_start3A_40 = tpu.memref_slice %arg2[%add3A_39] : memref<3200000xi32, #tpu.memory_space<hbm>> -> memref<2000xi32, #tpu.memory_space<hbm>>
    tpu.enqueue_dma source(%dma_start3A_40 : memref<2000xi32, #tpu.memory_space<hbm>>) target(%arg9 : memref<2000xi32, #tpu.memory_space<vmem>>) target_semaphore(%arg19 : memref<!tpu.dma_semaphore, #tpu.memory_space<semaphore_mem>>)
    %add3A_41 = arith.constant 1600000 : i32
    %add3A_42 = arith.addi %add3A_41, %add3A_39 : i32
    %dma_start3A_43 = tpu.memref_slice %arg2[%add3A_42] : memref<3200000xi32, #tpu.memory_space<hbm>> -> memref<2000xi32, #tpu.memory_space<hbm>>
    %dma_start3A_44 = tpu.memref_slice %arg2[%add3A_42] : memref<3200000xi32, #tpu.memory_space<hbm>> -> memref<2000xi32, #tpu.memory_space<hbm>>
    tpu.enqueue_dma source(%dma_start3A_44 : memref<2000xi32, #tpu.memory_space<hbm>>) target(%arg11 : memref<2000xi32, #tpu.memory_space<vmem>>) target_semaphore(%arg19 : memref<!tpu.dma_semaphore, #tpu.memory_space<semaphore_mem>>)
    %add3A_45 = arith.constant 2000 : i32
    %add3A_46 = arith.addi %mul3A_2, %add3A_45 : i32
    %dma_start3A_47 = tpu.memref_slice %arg2[%add3A_46] : memref<3200000xi32, #tpu.memory_space<hbm>> -> memref<2000xi32, #tpu.memory_space<hbm>>
    %dma_start3A_48 = tpu.memref_slice %arg2[%add3A_46] : memref<3200000xi32, #tpu.memory_space<hbm>> -> memref<2000xi32, #tpu.memory_space<hbm>>
    tpu.enqueue_dma source(%dma_start3A_48 : memref<2000xi32, #tpu.memory_space<hbm>>) target(%arg10 : memref<2000xi32, #tpu.memory_space<vmem>>) target_semaphore(%arg20 : memref<!tpu.dma_semaphore, #tpu.memory_space<semaphore_mem>>)
    %add3A_49 = arith.constant 1600000 : i32
    %add3A_50 = arith.addi %add3A_49, %add3A_46 : i32
    %dma_start3A_51 = tpu.memref_slice %arg2[%add3A_50] : memref<3200000xi32, #tpu.memory_space<hbm>> -> memref<2000xi32, #tpu.memory_space<hbm>>
    %dma_start3A_52 = tpu.memref_slice %arg2[%add3A_50] : memref<3200000xi32, #tpu.memory_space<hbm>> -> memref<2000xi32, #tpu.memory_space<hbm>>
    tpu.enqueue_dma source(%dma_start3A_52 : memref<2000xi32, #tpu.memory_space<hbm>>) target(%arg12 : memref<2000xi32, #tpu.memory_space<vmem>>) target_semaphore(%arg20 : memref<!tpu.dma_semaphore, #tpu.memory_space<semaphore_mem>>)
    %dma_wait3A = tpu.memref_slice %arg2[%add3A_39] : memref<3200000xi32, #tpu.memory_space<hbm>> -> memref<2000xi32, #tpu.memory_space<hbm>>
    %dma_wait3A_53 = tpu.memref_slice %arg2[%add3A_39] : memref<3200000xi32, #tpu.memory_space<hbm>> -> memref<2000xi32, #tpu.memory_space<hbm>>
    tpu.wait_dma2 semaphore(%arg19 : memref<!tpu.dma_semaphore, #tpu.memory_space<semaphore_mem>>) src(%dma_wait3A_53 : memref<2000xi32, #tpu.memory_space<hbm>>) dst(%arg9 : memref<2000xi32, #tpu.memory_space<vmem>>)
    %dma_wait3A_54 = tpu.memref_slice %arg2[%add3A_42] : memref<3200000xi32, #tpu.memory_space<hbm>> -> memref<2000xi32, #tpu.memory_space<hbm>>
    %dma_wait3A_55 = tpu.memref_slice %arg2[%add3A_42] : memref<3200000xi32, #tpu.memory_space<hbm>> -> memref<2000xi32, #tpu.memory_space<hbm>>
    tpu.wait_dma2 semaphore(%arg19 : memref<!tpu.dma_semaphore, #tpu.memory_space<semaphore_mem>>) src(%dma_wait3A_55 : memref<2000xi32, #tpu.memory_space<hbm>>) dst(%arg11 : memref<2000xi32, #tpu.memory_space<vmem>>)
    %scan3A_56 = arith.constant 0 : i32
    %scan3A_57 = arith.constant 0 : i32
    %scan3A_58 = arith.constant 125 : i32
    %scan3A_59 = arith.addi %scan3A_57, %scan3A_58 : i32
    %scan3A_60 = arith.constant 1 : i32
    %scan3A_61 = scf.for %scan3A_756 = %scan3A_57 to %scan3A_59 step %scan3A_60 iter_args(%scan3A_757 = %scan3A_56) -> (i32)  : i32 {
      %mul3A_758 = arith.constant 16 : i32
      %mul3A_759 = arith.muli %scan3A_756, %mul3A_758 : i32
      %get3A_760 = arith.index_cast %mul3A_759 : i32 to index
      %get3A_761 = tpu.vector_load %arg9[%get3A_760] {strides = array<i32>} : memref<2000xi32, #tpu.memory_space<vmem>>, vector<16xi32>,
      %mul3A_762 = arith.constant 16 : i32
      %mul3A_763 = arith.muli %scan3A_756, %mul3A_762 : i32
      %get3A_764 = arith.index_cast %mul3A_763 : i32 to index
      %get3A_765 = tpu.vector_load %arg11[%get3A_764] {strides = array<i32>} : memref<2000xi32, #tpu.memory_space<vmem>>, vector<16xi32>,
      %gather3A = tpu.vector_load_idx %arg7[%get3A_761] : memref<100096xf32, #tpu.memory_space<vmem>>[vector<16xi32>], vector<16xf32>,
      %gather3A_766 = tpu.vector_load_idx %arg7[%get3A_765] : memref<100096xf32, #tpu.memory_space<vmem>>[vector<16xi32>], vector<16xf32>,
      %mul3A_767 = arith.mulf %get3A_29, %gather3A : vector<16xf32>
      %mul3A_768 = arith.mulf %get3A_33, %gather3A_766 : vector<16xf32>
      %add3A_769 = arith.addf %mul3A_767, %mul3A_768 : vector<16xf32>
      %ge3A = arith.constant 0.000000e+00 : f32
      %ge3A_770 = vector.broadcast %ge3A : f32 to vector<16xf32>
      %ge3A_771 = arith.cmpf oge, %add3A_769, %ge3A_770 : vector<16xf32>
      %mul3A_772 = arith.constant 2.000000e-01 : f32
      %mul3A_773 = vector.broadcast %mul3A_772 : f32 to vector<16xf32>
      %mul3A_774 = arith.mulf %mul3A_773, %add3A_769 : vector<16xf32>
      %select_n3A = arith.select %ge3A_771, %add3A_769, %mul3A_774 : vector<16xi1>, vector<16xf32>
      %sub3A = arith.subf %select_n3A, %get3A_37 : vector<16xf32>
      %exp3A = math.exp %sub3A : vector<16xf32>
      %mul3A_775 = arith.constant 16 : i32
      %mul3A_776 = arith.muli %scan3A_756, %mul3A_775 : i32
      %swap3A_777 = arith.index_cast %mul3A_776 : i32 to index
      %swap3A_778 = tpu.vector_load %arg13[%swap3A_777] {strides = array<i32>} : memref<2000xf32, #tpu.memory_space<vmem>>, vector<16xf32>,
      tpu.vector_store %arg13[%swap3A_777], %exp3A {strides = array<i32>} : memref<2000xf32, #tpu.memory_space<vmem>>, vector<16xf32>,
      %mul3A_779 = arith.mulf %exp3A, %gather3A : vector<16xf32>
      %mul3A_780 = arith.constant 16 : i32
      %mul3A_781 = arith.muli %scan3A_756, %mul3A_780 : i32
      %swap3A_782 = arith.index_cast %mul3A_781 : i32 to index
      %swap3A_783 = tpu.vector_load %arg14[%swap3A_782] {strides = array<i32>} : memref<2000xf32, #tpu.memory_space<vmem>>, vector<16xf32>,
      tpu.vector_store %arg14[%swap3A_782], %mul3A_779 {strides = array<i32>} : memref<2000xf32, #tpu.memory_space<vmem>>, vector<16xf32>,
      %scan3A_784 = arith.constant 0 : i32
      scf.yield %scan3A_784 : i32
    }
    %scan3A_62 = arith.constant 125 : i32
    %dma_start3A_63 = arith.constant 0 : i32
    %dma_start3A_64 = tpu.memref_slice %arg17[%dma_start3A_63] : memref<100096xf32, #tpu.memory_space<vmem_shared>> -> memref<100096xf32, #tpu.memory_space<vmem_shared>>
    tpu.enqueue_indirect_dma source(%arg13 : memref<2000xf32, #tpu.memory_space<vmem>>) target(%dma_start3A_64 : memref<100096xf32, #tpu.memory_space<vmem_shared>>) offsets(%arg11 : memref<2000xi32, #tpu.memory_space<vmem>>) semaphore(%arg21 : memref<!tpu.dma_semaphore, #tpu.memory_space<semaphore_mem>>) {add = true}
    %dma_start3A_65 = arith.constant 0 : i32
    %dma_start3A_66 = tpu.memref_slice %arg16[%dma_start3A_65] : memref<100096xf32, #tpu.memory_space<vmem_shared>> -> memref<100096xf32, #tpu.memory_space<vmem_shared>>
    tpu.enqueue_indirect_dma source(%arg14 : memref<2000xf32, #tpu.memory_space<vmem>>) target(%dma_start3A_66 : memref<100096xf32, #tpu.memory_space<vmem_shared>>) offsets(%arg11 : memref<2000xi32, #tpu.memory_space<vmem>>) semaphore(%arg21 : memref<!tpu.dma_semaphore, #tpu.memory_space<semaphore_mem>>) {add = true}
    %dma_wait3A_67 = arith.constant 0 : i32
    %dma_wait3A_68 = tpu.memref_slice %arg17[%dma_wait3A_67] : memref<100096xf32, #tpu.memory_space<vmem_shared>> -> memref<100096xf32, #tpu.memory_space<vmem_shared>>
    tpu.wait_indirect_dma semaphore(%arg21 : memref<!tpu.dma_semaphore, #tpu.memory_space<semaphore_mem>>) src(%arg13 : memref<2000xf32, #tpu.memory_space<vmem>>) dst(%dma_wait3A_68 : memref<100096xf32, #tpu.memory_space<vmem_shared>>)
    %dma_wait3A_69 = arith.constant 0 : i32
    %dma_wait3A_70 = tpu.memref_slice %arg16[%dma_wait3A_69] : memref<100096xf32, #tpu.memory_space<vmem_shared>> -> memref<100096xf32, #tpu.memory_space<vmem_shared>>
    tpu.wait_indirect_dma semaphore(%arg21 : memref<!tpu.dma_semaphore, #tpu.memory_space<semaphore_mem>>) src(%arg14 : memref<2000xf32, #tpu.memory_space<vmem>>) dst(%dma_wait3A_70 : memref<100096xf32, #tpu.memory_space<vmem_shared>>)
    %add3A_71 = arith.constant 4000 : i32
    %add3A_72 = arith.addi %mul3A_2, %add3A_71 : i32
    %dma_start3A_73 = tpu.memref_slice %arg2[%add3A_72] : memref<3200000xi32, #tpu.memory_space<hbm>> -> memref<2000xi32, #tpu.memory_space<hbm>>
    %dma_start3A_74 = tpu.memref_slice %arg2[%add3A_72] : memref<3200000xi32, #tpu.memory_space<hbm>> -> memref<2000xi32, #tpu.memory_space<hbm>>
    tpu.enqueue_dma source(%dma_start3A_74 : memref<2000xi32, #tpu.memory_space<hbm>>) target(%arg9 : memref<2000xi32, #tpu.memory_space<vmem>>) target_semaphore(%arg19 : memref<!tpu.dma_semaphore, #tpu.memory_space<semaphore_mem>>)
    %add3A_75 = arith.constant 1600000 : i32
    %add3A_76 = arith.addi %add3A_75, %add3A_72 : i32
    %dma_start3A_77 = tpu.memref_slice %arg2[%add3A_76] : memref<3200000xi32, #tpu.memory_space<hbm>> -> memref<2000xi32, #tpu.memory_space<hbm>>
    %dma_start3A_78 = tpu.memref_slice %arg2[%add3A_76] : memref<3200000xi32, #tpu.memory_space<hbm>> -> memref<2000xi32, #tpu.memory_space<hbm>>
    tpu.enqueue_dma source(%dma_start3A_78 : memref<2000xi32, #tpu.memory_space<hbm>>) target(%arg11 : memref<2000xi32, #tpu.memory_space<vmem>>) target_semaphore(%arg19 : memref<!tpu.dma_semaphore, #tpu.memory_space<semaphore_mem>>)
    %dma_wait3A_79 = tpu.memref_slice %arg2[%add3A_46] : memref<3200000xi32, #tpu.memory_space<hbm>> -> memref<2000xi32, #tpu.memory_space<hbm>>
    %dma_wait3A_80 = tpu.memref_slice %arg2[%add3A_46] : memref<3200000xi32, #tpu.memory_space<hbm>> -> memref<2000xi32, #tpu.memory_space<hbm>>
    tpu.wait_dma2 semaphore(%arg20 : memref<!tpu.dma_semaphore, #tpu.memory_space<semaphore_mem>>) src(%dma_wait3A_80 : memref<2000xi32, #tpu.memory_space<hbm>>) dst(%arg10 : memref<2000xi32, #tpu.memory_space<vmem>>)
    %dma_wait3A_81 = tpu.memref_slice %arg2[%add3A_50] : memref<3200000xi32, #tpu.memory_space<hbm>> -> memref<2000xi32, #tpu.memory_space<hbm>>
    %dma_wait3A_82 = tpu.memref_slice %arg2[%add3A_50] : memref<3200000xi32, #tpu.memory_space<hbm>> -> memref<2000xi32, #tpu.memory_space<hbm>>
    tpu.wait_dma2 semaphore(%arg20 : memref<!tpu.dma_semaphore, #tpu.memory_space<semaphore_mem>>) src(%dma_wait3A_82 : memref<2000xi32, #tpu.memory_space<hbm>>) dst(%arg12 : memref<2000xi32, #tpu.memory_space<vmem>>)
    %scan3A_83 = arith.constant 0 : i32
    %scan3A_84 = arith.constant 0 : i32
    %scan3A_85 = arith.constant 125 : i32
    %scan3A_86 = arith.addi %scan3A_84, %scan3A_85 : i32
    %scan3A_87 = arith.constant 1 : i32
    %scan3A_88 = scf.for %scan3A_756 = %scan3A_84 to %scan3A_86 step %scan3A_87 iter_args(%scan3A_757 = %scan3A_83) -> (i32)  : i32 {
      %mul3A_758 = arith.constant 16 : i32
      %mul3A_759 = arith.muli %scan3A_756, %mul3A_758 : i32
      %get3A_760 = arith.index_cast %mul3A_759 : i32 to index
      %get3A_761 = tpu.vector_load %arg10[%get3A_760] {strides = array<i32>} : memref<2000xi32, #tpu.memory_space<vmem>>, vector<16xi32>,
      %mul3A_762 = arith.constant 16 : i32
      %mul3A_763 = arith.muli %scan3A_756, %mul3A_762 : i32
      %get3A_764 = arith.index_cast %mul3A_763 : i32 to index
      %get3A_765 = tpu.vector_load %arg12[%get3A_764] {strides = array<i32>} : memref<2000xi32, #tpu.memory_space<vmem>>, vector<16xi32>,
      %gather3A = tpu.vector_load_idx %arg7[%get3A_761] : memref<100096xf32, #tpu.memory_space<vmem>>[vector<16xi32>], vector<16xf32>,
      %gather3A_766 = tpu.vector_load_idx %arg7[%get3A_765] : memref<100096xf32, #tpu.memory_space<vmem>>[vector<16xi32>], vector<16xf32>,
      %mul3A_767 = arith.mulf %get3A_29, %gather3A : vector<16xf32>
      %mul3A_768 = arith.mulf %get3A_33, %gather3A_766 : vector<16xf32>
      %add3A_769 = arith.addf %mul3A_767, %mul3A_768 : vector<16xf32>
      %ge3A = arith.constant 0.000000e+00 : f32
      %ge3A_770 = vector.broadcast %ge3A : f32 to vector<16xf32>
      %ge3A_771 = arith.cmpf oge, %add3A_769, %ge3A_770 : vector<16xf32>
      %mul3A_772 = arith.constant 2.000000e-01 : f32
      %mul3A_773 = vector.broadcast %mul3A_772 : f32 to vector<16xf32>
      %mul3A_774 = arith.mulf %mul3A_773, %add3A_769 : vector<16xf32>
      %select_n3A = arith.select %ge3A_771, %add3A_769, %mul3A_774 : vector<16xi1>, vector<16xf32>
      %sub3A = arith.subf %select_n3A, %get3A_37 : vector<16xf32>
      %exp3A = math.exp %sub3A : vector<16xf32>
      %mul3A_775 = arith.constant 16 : i32
      %mul3A_776 = arith.muli %scan3A_756, %mul3A_775 : i32
      %swap3A_777 = arith.index_cast %mul3A_776 : i32 to index
      %swap3A_778 = tpu.vector_load %arg13[%swap3A_777] {strides = array<i32>} : memref<2000xf32, #tpu.memory_space<vmem>>, vector<16xf32>,
      tpu.vector_store %arg13[%swap3A_777], %exp3A {strides = array<i32>} : memref<2000xf32, #tpu.memory_space<vmem>>, vector<16xf32>,
      %mul3A_779 = arith.mulf %exp3A, %gather3A : vector<16xf32>
      %mul3A_780 = arith.constant 16 : i32
      %mul3A_781 = arith.muli %scan3A_756, %mul3A_780 : i32
      %swap3A_782 = arith.index_cast %mul3A_781 : i32 to index
      %swap3A_783 = tpu.vector_load %arg14[%swap3A_782] {strides = array<i32>} : memref<2000xf32, #tpu.memory_space<vmem>>, vector<16xf32>,
      tpu.vector_store %arg14[%swap3A_782], %mul3A_779 {strides = array<i32>} : memref<2000xf32, #tpu.memory_space<vmem>>, vector<16xf32>,
      %scan3A_784 = arith.constant 0 : i32
      scf.yield %scan3A_784 : i32
    }
    %scan3A_89 = arith.constant 125 : i32
    %dma_start3A_90 = arith.constant 0 : i32
    %dma_start3A_91 = tpu.memref_slice %arg17[%dma_start3A_90] : memref<100096xf32, #tpu.memory_space<vmem_shared>> -> memref<100096xf32, #tpu.memory_space<vmem_shared>>
    tpu.enqueue_indirect_dma source(%arg13 : memref<2000xf32, #tpu.memory_space<vmem>>) target(%dma_start3A_91 : memref<100096xf32, #tpu.memory_space<vmem_shared>>) offsets(%arg12 : memref<2000xi32, #tpu.memory_space<vmem>>) semaphore(%arg21 : memref<!tpu.dma_semaphore, #tpu.memory_space<semaphore_mem>>) {add = true}
    %dma_start3A_92 = arith.constant 0 : i32
    %dma_start3A_93 = tpu.memref_slice %arg16[%dma_start3A_92] : memref<100096xf32, #tpu.memory_space<vmem_shared>> -> memref<100096xf32, #tpu.memory_space<vmem_shared>>
    tpu.enqueue_indirect_dma source(%arg14 : memref<2000xf32, #tpu.memory_space<vmem>>) target(%dma_start3A_93 : memref<100096xf32, #tpu.memory_space<vmem_shared>>) offsets(%arg12 : memref<2000xi32, #tpu.memory_space<vmem>>) semaphore(%arg21 : memref<!tpu.dma_semaphore, #tpu.memory_space<semaphore_mem>>) {add = true}
    %dma_wait3A_94 = arith.constant 0 : i32
    %dma_wait3A_95 = tpu.memref_slice %arg17[%dma_wait3A_94] : memref<100096xf32, #tpu.memory_space<vmem_shared>> -> memref<100096xf32, #tpu.memory_space<vmem_shared>>
    tpu.wait_indirect_dma semaphore(%arg21 : memref<!tpu.dma_semaphore, #tpu.memory_space<semaphore_mem>>) src(%arg13 : memref<2000xf32, #tpu.memory_space<vmem>>) dst(%dma_wait3A_95 : memref<100096xf32, #tpu.memory_space<vmem_shared>>)
    %dma_wait3A_96 = arith.constant 0 : i32
    %dma_wait3A_97 = tpu.memref_slice %arg16[%dma_wait3A_96] : memref<100096xf32, #tpu.memory_space<vmem_shared>> -> memref<100096xf32, #tpu.memory_space<vmem_shared>>
    tpu.wait_indirect_dma semaphore(%arg21 : memref<!tpu.dma_semaphore, #tpu.memory_space<semaphore_mem>>) src(%arg14 : memref<2000xf32, #tpu.memory_space<vmem>>) dst(%dma_wait3A_97 : memref<100096xf32, #tpu.memory_space<vmem_shared>>)
    %add3A_98 = arith.constant 6000 : i32
    %add3A_99 = arith.addi %mul3A_2, %add3A_98 : i32
    %dma_start3A_100 = tpu.memref_slice %arg2[%add3A_99] : memref<3200000xi32, #tpu.memory_space<hbm>> -> memref<2000xi32, #tpu.memory_space<hbm>>
    %dma_start3A_101 = tpu.memref_slice %arg2[%add3A_99] : memref<3200000xi32, #tpu.memory_space<hbm>> -> memref<2000xi32, #tpu.memory_space<hbm>>
    tpu.enqueue_dma source(%dma_start3A_101 : memref<2000xi32, #tpu.memory_space<hbm>>) target(%arg10 : memref<2000xi32, #tpu.memory_space<vmem>>) target_semaphore(%arg20 : memref<!tpu.dma_semaphore, #tpu.memory_space<semaphore_mem>>)
    %add3A_102 = arith.constant 1600000 : i32
    %add3A_103 = arith.addi %add3A_102, %add3A_99 : i32
    %dma_start3A_104 = tpu.memref_slice %arg2[%add3A_103] : memref<3200000xi32, #tpu.memory_space<hbm>> -> memref<2000xi32, #tpu.memory_space<hbm>>
    %dma_start3A_105 = tpu.memref_slice %arg2[%add3A_103] : memref<3200000xi32, #tpu.memory_space<hbm>> -> memref<2000xi32, #tpu.memory_space<hbm>>
    tpu.enqueue_dma source(%dma_start3A_105 : memref<2000xi32, #tpu.memory_space<hbm>>) target(%arg12 : memref<2000xi32, #tpu.memory_space<vmem>>) target_semaphore(%arg20 : memref<!tpu.dma_semaphore, #tpu.memory_space<semaphore_mem>>)
    %dma_wait3A_106 = tpu.memref_slice %arg2[%add3A_72] : memref<3200000xi32, #tpu.memory_space<hbm>> -> memref<2000xi32, #tpu.memory_space<hbm>>
    %dma_wait3A_107 = tpu.memref_slice %arg2[%add3A_72] : memref<3200000xi32, #tpu.memory_space<hbm>> -> memref<2000xi32, #tpu.memory_space<hbm>>
    tpu.wait_dma2 semaphore(%arg19 : memref<!tpu.dma_semaphore, #tpu.memory_space<semaphore_mem>>) src(%dma_wait3A_107 : memref<2000xi32, #tpu.memory_space<hbm>>) dst(%arg9 : memref<2000xi32, #tpu.memory_space<vmem>>)
    %dma_wait3A_108 = tpu.memref_slice %arg2[%add3A_76] : memref<3200000xi32, #tpu.memory_space<hbm>> -> memref<2000xi32, #tpu.memory_space<hbm>>
    %dma_wait3A_109 = tpu.memref_slice %arg2[%add3A_76] : memref<3200000xi32, #tpu.memory_space<hbm>> -> memref<2000xi32, #tpu.memory_space<hbm>>
    tpu.wait_dma2 semaphore(%arg19 : memref<!tpu.dma_semaphore, #tpu.memory_space<semaphore_mem>>) src(%dma_wait3A_109 : memref<2000xi32, #tpu.memory_space<hbm>>) dst(%arg11 : memref<2000xi32, #tpu.memory_space<vmem>>)
    %scan3A_110 = arith.constant 0 : i32
    %scan3A_111 = arith.constant 0 : i32
    %scan3A_112 = arith.constant 125 : i32
    %scan3A_113 = arith.addi %scan3A_111, %scan3A_112 : i32
    %scan3A_114 = arith.constant 1 : i32
    %scan3A_115 = scf.for %scan3A_756 = %scan3A_111 to %scan3A_113 step %scan3A_114 iter_args(%scan3A_757 = %scan3A_110) -> (i32)  : i32 {
      %mul3A_758 = arith.constant 16 : i32
      %mul3A_759 = arith.muli %scan3A_756, %mul3A_758 : i32
      %get3A_760 = arith.index_cast %mul3A_759 : i32 to index
      %get3A_761 = tpu.vector_load %arg9[%get3A_760] {strides = array<i32>} : memref<2000xi32, #tpu.memory_space<vmem>>, vector<16xi32>,
      %mul3A_762 = arith.constant 16 : i32
      %mul3A_763 = arith.muli %scan3A_756, %mul3A_762 : i32
      %get3A_764 = arith.index_cast %mul3A_763 : i32 to index
      %get3A_765 = tpu.vector_load %arg11[%get3A_764] {strides = array<i32>} : memref<2000xi32, #tpu.memory_space<vmem>>, vector<16xi32>,
      %gather3A = tpu.vector_load_idx %arg7[%get3A_761] : memref<100096xf32, #tpu.memory_space<vmem>>[vector<16xi32>], vector<16xf32>,
      %gather3A_766 = tpu.vector_load_idx %arg7[%get3A_765] : memref<100096xf32, #tpu.memory_space<vmem>>[vector<16xi32>], vector<16xf32>,
      %mul3A_767 = arith.mulf %get3A_29, %gather3A : vector<16xf32>
      %mul3A_768 = arith.mulf %get3A_33, %gather3A_766 : vector<16xf32>
      %add3A_769 = arith.addf %mul3A_767, %mul3A_768 : vector<16xf32>
      %ge3A = arith.constant 0.000000e+00 : f32
      %ge3A_770 = vector.broadcast %ge3A : f32 to vector<16xf32>
      %ge3A_771 = arith.cmpf oge, %add3A_769, %ge3A_770 : vector<16xf32>
      %mul3A_772 = arith.constant 2.000000e-01 : f32
      %mul3A_773 = vector.broadcast %mul3A_772 : f32 to vector<16xf32>
      %mul3A_774 = arith.mulf %mul3A_773, %add3A_769 : vector<16xf32>
      %select_n3A = arith.select %ge3A_771, %add3A_769, %mul3A_774 : vector<16xi1>, vector<16xf32>
      %sub3A = arith.subf %select_n3A, %get3A_37 : vector<16xf32>
      %exp3A = math.exp %sub3A : vector<16xf32>
      %mul3A_775 = arith.constant 16 : i32
      %mul3A_776 = arith.muli %scan3A_756, %mul3A_775 : i32
      %swap3A_777 = arith.index_cast %mul3A_776 : i32 to index
      %swap3A_778 = tpu.vector_load %arg13[%swap3A_777] {strides = array<i32>} : memref<2000xf32, #tpu.memory_space<vmem>>, vector<16xf32>,
      tpu.vector_store %arg13[%swap3A_777], %exp3A {strides = array<i32>} : memref<2000xf32, #tpu.memory_space<vmem>>, vector<16xf32>,
      %mul3A_779 = arith.mulf %exp3A, %gather3A : vector<16xf32>
      %mul3A_780 = arith.constant 16 : i32
      %mul3A_781 = arith.muli %scan3A_756, %mul3A_780 : i32
      %swap3A_782 = arith.index_cast %mul3A_781 : i32 to index
      %swap3A_783 = tpu.vector_load %arg14[%swap3A_782] {strides = array<i32>} : memref<2000xf32, #tpu.memory_space<vmem>>, vector<16xf32>,
      tpu.vector_store %arg14[%swap3A_782], %mul3A_779 {strides = array<i32>} : memref<2000xf32, #tpu.memory_space<vmem>>, vector<16xf32>,
      %scan3A_784 = arith.constant 0 : i32
      scf.yield %scan3A_784 : i32
    }
    %scan3A_116 = arith.constant 125 : i32
    %dma_start3A_117 = arith.constant 0 : i32
    %dma_start3A_118 = tpu.memref_slice %arg17[%dma_start3A_117] : memref<100096xf32, #tpu.memory_space<vmem_shared>> -> memref<100096xf32, #tpu.memory_space<vmem_shared>>
    tpu.enqueue_indirect_dma source(%arg13 : memref<2000xf32, #tpu.memory_space<vmem>>) target(%dma_start3A_118 : memref<100096xf32, #tpu.memory_space<vmem_shared>>) offsets(%arg11 : memref<2000xi32, #tpu.memory_space<vmem>>) semaphore(%arg21 : memref<!tpu.dma_semaphore, #tpu.memory_space<semaphore_mem>>) {add = true}
    %dma_start3A_119 = arith.constant 0 : i32
    %dma_start3A_120 = tpu.memref_slice %arg16[%dma_start3A_119] : memref<100096xf32, #tpu.memory_space<vmem_shared>> -> memref<100096xf32, #tpu.memory_space<vmem_shared>>
    tpu.enqueue_indirect_dma source(%arg14 : memref<2000xf32, #tpu.memory_space<vmem>>) target(%dma_start3A_120 : memref<100096xf32, #tpu.memory_space<vmem_shared>>) offsets(%arg11 : memref<2000xi32, #tpu.memory_space<vmem>>) semaphore(%arg21 : memref<!tpu.dma_semaphore, #tpu.memory_space<semaphore_mem>>) {add = true}
    %dma_wait3A_121 = arith.constant 0 : i32
    %dma_wait3A_122 = tpu.memref_slice %arg17[%dma_wait3A_121] : memref<100096xf32, #tpu.memory_space<vmem_shared>> -> memref<100096xf32, #tpu.memory_space<vmem_shared>>
    tpu.wait_indirect_dma semaphore(%arg21 : memref<!tpu.dma_semaphore, #tpu.memory_space<semaphore_mem>>) src(%arg13 : memref<2000xf32, #tpu.memory_space<vmem>>) dst(%dma_wait3A_122 : memref<100096xf32, #tpu.memory_space<vmem_shared>>)
    %dma_wait3A_123 = arith.constant 0 : i32
    %dma_wait3A_124 = tpu.memref_slice %arg16[%dma_wait3A_123] : memref<100096xf32, #tpu.memory_space<vmem_shared>> -> memref<100096xf32, #tpu.memory_space<vmem_shared>>
    tpu.wait_indirect_dma semaphore(%arg21 : memref<!tpu.dma_semaphore, #tpu.memory_space<semaphore_mem>>) src(%arg14 : memref<2000xf32, #tpu.memory_space<vmem>>) dst(%dma_wait3A_124 : memref<100096xf32, #tpu.memory_space<vmem_shared>>)
    %add3A_125 = arith.constant 8000 : i32
    %add3A_126 = arith.addi %mul3A_2, %add3A_125 : i32
    %dma_start3A_127 = tpu.memref_slice %arg2[%add3A_126] : memref<3200000xi32, #tpu.memory_space<hbm>> -> memref<2000xi32, #tpu.memory_space<hbm>>
    %dma_start3A_128 = tpu.memref_slice %arg2[%add3A_126] : memref<3200000xi32, #tpu.memory_space<hbm>> -> memref<2000xi32, #tpu.memory_space<hbm>>
    tpu.enqueue_dma source(%dma_start3A_128 : memref<2000xi32, #tpu.memory_space<hbm>>) target(%arg9 : memref<2000xi32, #tpu.memory_space<vmem>>) target_semaphore(%arg19 : memref<!tpu.dma_semaphore, #tpu.memory_space<semaphore_mem>>)
    %add3A_129 = arith.constant 1600000 : i32
    %add3A_130 = arith.addi %add3A_129, %add3A_126 : i32
    %dma_start3A_131 = tpu.memref_slice %arg2[%add3A_130] : memref<3200000xi32, #tpu.memory_space<hbm>> -> memref<2000xi32, #tpu.memory_space<hbm>>
    %dma_start3A_132 = tpu.memref_slice %arg2[%add3A_130] : memref<3200000xi32, #tpu.memory_space<hbm>> -> memref<2000xi32, #tpu.memory_space<hbm>>
    tpu.enqueue_dma source(%dma_start3A_132 : memref<2000xi32, #tpu.memory_space<hbm>>) target(%arg11 : memref<2000xi32, #tpu.memory_space<vmem>>) target_semaphore(%arg19 : memref<!tpu.dma_semaphore, #tpu.memory_space<semaphore_mem>>)
    %dma_wait3A_133 = tpu.memref_slice %arg2[%add3A_99] : memref<3200000xi32, #tpu.memory_space<hbm>> -> memref<2000xi32, #tpu.memory_space<hbm>>
    %dma_wait3A_134 = tpu.memref_slice %arg2[%add3A_99] : memref<3200000xi32, #tpu.memory_space<hbm>> -> memref<2000xi32, #tpu.memory_space<hbm>>
    tpu.wait_dma2 semaphore(%arg20 : memref<!tpu.dma_semaphore, #tpu.memory_space<semaphore_mem>>) src(%dma_wait3A_134 : memref<2000xi32, #tpu.memory_space<hbm>>) dst(%arg10 : memref<2000xi32, #tpu.memory_space<vmem>>)
    %dma_wait3A_135 = tpu.memref_slice %arg2[%add3A_103] : memref<3200000xi32, #tpu.memory_space<hbm>> -> memref<2000xi32, #tpu.memory_space<hbm>>
    %dma_wait3A_136 = tpu.memref_slice %arg2[%add3A_103] : memref<3200000xi32, #tpu.memory_space<hbm>> -> memref<2000xi32, #tpu.memory_space<hbm>>
    tpu.wait_dma2 semaphore(%arg20 : memref<!tpu.dma_semaphore, #tpu.memory_space<semaphore_mem>>) src(%dma_wait3A_136 : memref<2000xi32, #tpu.memory_space<hbm>>) dst(%arg12 : memref<2000xi32, #tpu.memory_space<vmem>>)
    %scan3A_137 = arith.constant 0 : i32
    %scan3A_138 = arith.constant 0 : i32
    %scan3A_139 = arith.constant 125 : i32
    %scan3A_140 = arith.addi %scan3A_138, %scan3A_139 : i32
    %scan3A_141 = arith.constant 1 : i32
    %scan3A_142 = scf.for %scan3A_756 = %scan3A_138 to %scan3A_140 step %scan3A_141 iter_args(%scan3A_757 = %scan3A_137) -> (i32)  : i32 {
      %mul3A_758 = arith.constant 16 : i32
      %mul3A_759 = arith.muli %scan3A_756, %mul3A_758 : i32
      %get3A_760 = arith.index_cast %mul3A_759 : i32 to index
      %get3A_761 = tpu.vector_load %arg10[%get3A_760] {strides = array<i32>} : memref<2000xi32, #tpu.memory_space<vmem>>, vector<16xi32>,
      %mul3A_762 = arith.constant 16 : i32
      %mul3A_763 = arith.muli %scan3A_756, %mul3A_762 : i32
      %get3A_764 = arith.index_cast %mul3A_763 : i32 to index
      %get3A_765 = tpu.vector_load %arg12[%get3A_764] {strides = array<i32>} : memref<2000xi32, #tpu.memory_space<vmem>>, vector<16xi32>,
      %gather3A = tpu.vector_load_idx %arg7[%get3A_761] : memref<100096xf32, #tpu.memory_space<vmem>>[vector<16xi32>], vector<16xf32>,
      %gather3A_766 = tpu.vector_load_idx %arg7[%get3A_765] : memref<100096xf32, #tpu.memory_space<vmem>>[vector<16xi32>], vector<16xf32>,
      %mul3A_767 = arith.mulf %get3A_29, %gather3A : vector<16xf32>
      %mul3A_768 = arith.mulf %get3A_33, %gather3A_766 : vector<16xf32>
      %add3A_769 = arith.addf %mul3A_767, %mul3A_768 : vector<16xf32>
      %ge3A = arith.constant 0.000000e+00 : f32
      %ge3A_770 = vector.broadcast %ge3A : f32 to vector<16xf32>
      %ge3A_771 = arith.cmpf oge, %add3A_769, %ge3A_770 : vector<16xf32>
      %mul3A_772 = arith.constant 2.000000e-01 : f32
      %mul3A_773 = vector.broadcast %mul3A_772 : f32 to vector<16xf32>
      %mul3A_774 = arith.mulf %mul3A_773, %add3A_769 : vector<16xf32>
      %select_n3A = arith.select %ge3A_771, %add3A_769, %mul3A_774 : vector<16xi1>, vector<16xf32>
      %sub3A = arith.subf %select_n3A, %get3A_37 : vector<16xf32>
      %exp3A = math.exp %sub3A : vector<16xf32>
      %mul3A_775 = arith.constant 16 : i32
      %mul3A_776 = arith.muli %scan3A_756, %mul3A_775 : i32
      %swap3A_777 = arith.index_cast %mul3A_776 : i32 to index
      %swap3A_778 = tpu.vector_load %arg13[%swap3A_777] {strides = array<i32>} : memref<2000xf32, #tpu.memory_space<vmem>>, vector<16xf32>,
      tpu.vector_store %arg13[%swap3A_777], %exp3A {strides = array<i32>} : memref<2000xf32, #tpu.memory_space<vmem>>, vector<16xf32>,
      %mul3A_779 = arith.mulf %exp3A, %gather3A : vector<16xf32>
      %mul3A_780 = arith.constant 16 : i32
      %mul3A_781 = arith.muli %scan3A_756, %mul3A_780 : i32
      %swap3A_782 = arith.index_cast %mul3A_781 : i32 to index
      %swap3A_783 = tpu.vector_load %arg14[%swap3A_782] {strides = array<i32>} : memref<2000xf32, #tpu.memory_space<vmem>>, vector<16xf32>,
      tpu.vector_store %arg14[%swap3A_782], %mul3A_779 {strides = array<i32>} : memref<2000xf32, #tpu.memory_space<vmem>>, vector<16xf32>,
      %scan3A_784 = arith.constant 0 : i32
      scf.yield %scan3A_784 : i32
    }
    %scan3A_143 = arith.constant 125 : i32
    %dma_start3A_144 = arith.constant 0 : i32
    %dma_start3A_145 = tpu.memref_slice %arg17[%dma_start3A_144] : memref<100096xf32, #tpu.memory_space<vmem_shared>> -> memref<100096xf32, #tpu.memory_space<vmem_shared>>
    tpu.enqueue_indirect_dma source(%arg13 : memref<2000xf32, #tpu.memory_space<vmem>>) target(%dma_start3A_145 : memref<100096xf32, #tpu.memory_space<vmem_shared>>) offsets(%arg12 : memref<2000xi32, #tpu.memory_space<vmem>>) semaphore(%arg21 : memref<!tpu.dma_semaphore, #tpu.memory_space<semaphore_mem>>) {add = true}
    %dma_start3A_146 = arith.constant 0 : i32
    %dma_start3A_147 = tpu.memref_slice %arg16[%dma_start3A_146] : memref<100096xf32, #tpu.memory_space<vmem_shared>> -> memref<100096xf32, #tpu.memory_space<vmem_shared>>
    tpu.enqueue_indirect_dma source(%arg14 : memref<2000xf32, #tpu.memory_space<vmem>>) target(%dma_start3A_147 : memref<100096xf32, #tpu.memory_space<vmem_shared>>) offsets(%arg12 : memref<2000xi32, #tpu.memory_space<vmem>>) semaphore(%arg21 : memref<!tpu.dma_semaphore, #tpu.memory_space<semaphore_mem>>) {add = true}
    %dma_wait3A_148 = arith.constant 0 : i32
    %dma_wait3A_149 = tpu.memref_slice %arg17[%dma_wait3A_148] : memref<100096xf32, #tpu.memory_space<vmem_shared>> -> memref<100096xf32, #tpu.memory_space<vmem_shared>>
    tpu.wait_indirect_dma semaphore(%arg21 : memref<!tpu.dma_semaphore, #tpu.memory_space<semaphore_mem>>) src(%arg13 : memref<2000xf32, #tpu.memory_space<vmem>>) dst(%dma_wait3A_149 : memref<100096xf32, #tpu.memory_space<vmem_shared>>)
    %dma_wait3A_150 = arith.constant 0 : i32
    %dma_wait3A_151 = tpu.memref_slice %arg16[%dma_wait3A_150] : memref<100096xf32, #tpu.memory_space<vmem_shared>> -> memref<100096xf32, #tpu.memory_space<vmem_shared>>
    tpu.wait_indirect_dma semaphore(%arg21 : memref<!tpu.dma_semaphore, #tpu.memory_space<semaphore_mem>>) src(%arg14 : memref<2000xf32, #tpu.memory_space<vmem>>) dst(%dma_wait3A_151 : memref<100096xf32, #tpu.memory_space<vmem_shared>>)
    %add3A_152 = arith.constant 10000 : i32
    %add3A_153 = arith.addi %mul3A_2, %add3A_152 : i32
    %dma_start3A_154 = tpu.memref_slice %arg2[%add3A_153] : memref<3200000xi32, #tpu.memory_space<hbm>> -> memref<2000xi32, #tpu.memory_space<hbm>>
    %dma_start3A_155 = tpu.memref_slice %arg2[%add3A_153] : memref<3200000xi32, #tpu.memory_space<hbm>> -> memref<2000xi32, #tpu.memory_space<hbm>>
    tpu.enqueue_dma source(%dma_start3A_155 : memref<2000xi32, #tpu.memory_space<hbm>>) target(%arg10 : memref<2000xi32, #tpu.memory_space<vmem>>) target_semaphore(%arg20 : memref<!tpu.dma_semaphore, #tpu.memory_space<semaphore_mem>>)
    %add3A_156 = arith.constant 1600000 : i32
    %add3A_157 = arith.addi %add3A_156, %add3A_153 : i32
    %dma_start3A_158 = tpu.memref_slice %arg2[%add3A_157] : memref<3200000xi32, #tpu.memory_space<hbm>> -> memref<2000xi32, #tpu.memory_space<hbm>>
    %dma_start3A_159 = tpu.memref_slice %arg2[%add3A_157] : memref<3200000xi32, #tpu.memory_space<hbm>> -> memref<2000xi32, #tpu.memory_space<hbm>>
    tpu.enqueue_dma source(%dma_start3A_159 : memref<2000xi32, #tpu.memory_space<hbm>>) target(%arg12 : memref<2000xi32, #tpu.memory_space<vmem>>) target_semaphore(%arg20 : memref<!tpu.dma_semaphore, #tpu.memory_space<semaphore_mem>>)
    %dma_wait3A_160 = tpu.memref_slice %arg2[%add3A_126] : memref<3200000xi32, #tpu.memory_space<hbm>> -> memref<2000xi32, #tpu.memory_space<hbm>>
    %dma_wait3A_161 = tpu.memref_slice %arg2[%add3A_126] : memref<3200000xi32, #tpu.memory_space<hbm>> -> memref<2000xi32, #tpu.memory_space<hbm>>
    tpu.wait_dma2 semaphore(%arg19 : memref<!tpu.dma_semaphore, #tpu.memory_space<semaphore_mem>>) src(%dma_wait3A_161 : memref<2000xi32, #tpu.memory_space<hbm>>) dst(%arg9 : memref<2000xi32, #tpu.memory_space<vmem>>)
    %dma_wait3A_162 = tpu.memref_slice %arg2[%add3A_130] : memref<3200000xi32, #tpu.memory_space<hbm>> -> memref<2000xi32, #tpu.memory_space<hbm>>
    %dma_wait3A_163 = tpu.memref_slice %arg2[%add3A_130] : memref<3200000xi32, #tpu.memory_space<hbm>> -> memref<2000xi32, #tpu.memory_space<hbm>>
    tpu.wait_dma2 semaphore(%arg19 : memref<!tpu.dma_semaphore, #tpu.memory_space<semaphore_mem>>) src(%dma_wait3A_163 : memref<2000xi32, #tpu.memory_space<hbm>>) dst(%arg11 : memref<2000xi32, #tpu.memory_space<vmem>>)
    %scan3A_164 = arith.constant 0 : i32
    %scan3A_165 = arith.constant 0 : i32
    %scan3A_166 = arith.constant 125 : i32
    %scan3A_167 = arith.addi %scan3A_165, %scan3A_166 : i32
    %scan3A_168 = arith.constant 1 : i32
    %scan3A_169 = scf.for %scan3A_756 = %scan3A_165 to %scan3A_167 step %scan3A_168 iter_args(%scan3A_757 = %scan3A_164) -> (i32)  : i32 {
      %mul3A_758 = arith.constant 16 : i32
      %mul3A_759 = arith.muli %scan3A_756, %mul3A_758 : i32
      %get3A_760 = arith.index_cast %mul3A_759 : i32 to index
      %get3A_761 = tpu.vector_load %arg9[%get3A_760] {strides = array<i32>} : memref<2000xi32, #tpu.memory_space<vmem>>, vector<16xi32>,
      %mul3A_762 = arith.constant 16 : i32
      %mul3A_763 = arith.muli %scan3A_756, %mul3A_762 : i32
      %get3A_764 = arith.index_cast %mul3A_763 : i32 to index
      %get3A_765 = tpu.vector_load %arg11[%get3A_764] {strides = array<i32>} : memref<2000xi32, #tpu.memory_space<vmem>>, vector<16xi32>,
      %gather3A = tpu.vector_load_idx %arg7[%get3A_761] : memref<100096xf32, #tpu.memory_space<vmem>>[vector<16xi32>], vector<16xf32>,
      %gather3A_766 = tpu.vector_load_idx %arg7[%get3A_765] : memref<100096xf32, #tpu.memory_space<vmem>>[vector<16xi32>], vector<16xf32>,
      %mul3A_767 = arith.mulf %get3A_29, %gather3A : vector<16xf32>
      %mul3A_768 = arith.mulf %get3A_33, %gather3A_766 : vector<16xf32>
      %add3A_769 = arith.addf %mul3A_767, %mul3A_768 : vector<16xf32>
      %ge3A = arith.constant 0.000000e+00 : f32
      %ge3A_770 = vector.broadcast %ge3A : f32 to vector<16xf32>
      %ge3A_771 = arith.cmpf oge, %add3A_769, %ge3A_770 : vector<16xf32>
      %mul3A_772 = arith.constant 2.000000e-01 : f32
      %mul3A_773 = vector.broadcast %mul3A_772 : f32 to vector<16xf32>
      %mul3A_774 = arith.mulf %mul3A_773, %add3A_769 : vector<16xf32>
      %select_n3A = arith.select %ge3A_771, %add3A_769, %mul3A_774 : vector<16xi1>, vector<16xf32>
      %sub3A = arith.subf %select_n3A, %get3A_37 : vector<16xf32>
      %exp3A = math.exp %sub3A : vector<16xf32>
      %mul3A_775 = arith.constant 16 : i32
      %mul3A_776 = arith.muli %scan3A_756, %mul3A_775 : i32
      %swap3A_777 = arith.index_cast %mul3A_776 : i32 to index
      %swap3A_778 = tpu.vector_load %arg13[%swap3A_777] {strides = array<i32>} : memref<2000xf32, #tpu.memory_space<vmem>>, vector<16xf32>,
      tpu.vector_store %arg13[%swap3A_777], %exp3A {strides = array<i32>} : memref<2000xf32, #tpu.memory_space<vmem>>, vector<16xf32>,
      %mul3A_779 = arith.mulf %exp3A, %gather3A : vector<16xf32>
      %mul3A_780 = arith.constant 16 : i32
      %mul3A_781 = arith.muli %scan3A_756, %mul3A_780 : i32
      %swap3A_782 = arith.index_cast %mul3A_781 : i32 to index
      %swap3A_783 = tpu.vector_load %arg14[%swap3A_782] {strides = array<i32>} : memref<2000xf32, #tpu.memory_space<vmem>>, vector<16xf32>,
      tpu.vector_store %arg14[%swap3A_782], %mul3A_779 {strides = array<i32>} : memref<2000xf32, #tpu.memory_space<vmem>>, vector<16xf32>,
      %scan3A_784 = arith.constant 0 : i32
      scf.yield %scan3A_784 : i32
    }
    %scan3A_170 = arith.constant 125 : i32
    %dma_start3A_171 = arith.constant 0 : i32
    %dma_start3A_172 = tpu.memref_slice %arg17[%dma_start3A_171] : memref<100096xf32, #tpu.memory_space<vmem_shared>> -> memref<100096xf32, #tpu.memory_space<vmem_shared>>
    tpu.enqueue_indirect_dma source(%arg13 : memref<2000xf32, #tpu.memory_space<vmem>>) target(%dma_start3A_172 : memref<100096xf32, #tpu.memory_space<vmem_shared>>) offsets(%arg11 : memref<2000xi32, #tpu.memory_space<vmem>>) semaphore(%arg21 : memref<!tpu.dma_semaphore, #tpu.memory_space<semaphore_mem>>) {add = true}
    %dma_start3A_173 = arith.constant 0 : i32
    %dma_start3A_174 = tpu.memref_slice %arg16[%dma_start3A_173] : memref<100096xf32, #tpu.memory_space<vmem_shared>> -> memref<100096xf32, #tpu.memory_space<vmem_shared>>
    tpu.enqueue_indirect_dma source(%arg14 : memref<2000xf32, #tpu.memory_space<vmem>>) target(%dma_start3A_174 : memref<100096xf32, #tpu.memory_space<vmem_shared>>) offsets(%arg11 : memref<2000xi32, #tpu.memory_space<vmem>>) semaphore(%arg21 : memref<!tpu.dma_semaphore, #tpu.memory_space<semaphore_mem>>) {add = true}
    %dma_wait3A_175 = arith.constant 0 : i32
    %dma_wait3A_176 = tpu.memref_slice %arg17[%dma_wait3A_175] : memref<100096xf32, #tpu.memory_space<vmem_shared>> -> memref<100096xf32, #tpu.memory_space<vmem_shared>>
    tpu.wait_indirect_dma semaphore(%arg21 : memref<!tpu.dma_semaphore, #tpu.memory_space<semaphore_mem>>) src(%arg13 : memref<2000xf32, #tpu.memory_space<vmem>>) dst(%dma_wait3A_176 : memref<100096xf32, #tpu.memory_space<vmem_shared>>)
    %dma_wait3A_177 = arith.constant 0 : i32
    %dma_wait3A_178 = tpu.memref_slice %arg16[%dma_wait3A_177] : memref<100096xf32, #tpu.memory_space<vmem_shared>> -> memref<100096xf32, #tpu.memory_space<vmem_shared>>
    tpu.wait_indirect_dma semaphore(%arg21 : memref<!tpu.dma_semaphore, #tpu.memory_space<semaphore_mem>>) src(%arg14 : memref<2000xf32, #tpu.memory_space<vmem>>) dst(%dma_wait3A_178 : memref<100096xf32, #tpu.memory_space<vmem_shared>>)
    %add3A_179 = arith.constant 12000 : i32
    %add3A_180 = arith.addi %mul3A_2, %add3A_179 : i32
    %dma_start3A_181 = tpu.memref_slice %arg2[%add3A_180] : memref<3200000xi32, #tpu.memory_space<hbm>> -> memref<2000xi32, #tpu.memory_space<hbm>>
    %dma_start3A_182 = tpu.memref_slice %arg2[%add3A_180] : memref<3200000xi32, #tpu.memory_space<hbm>> -> memref<2000xi32, #tpu.memory_space<hbm>>
    tpu.enqueue_dma source(%dma_start3A_182 : memref<2000xi32, #tpu.memory_space<hbm>>) target(%arg9 : memref<2000xi32, #tpu.memory_space<vmem>>) target_semaphore(%arg19 : memref<!tpu.dma_semaphore, #tpu.memory_space<semaphore_mem>>)
    %add3A_183 = arith.constant 1600000 : i32
    %add3A_184 = arith.addi %add3A_183, %add3A_180 : i32
    %dma_start3A_185 = tpu.memref_slice %arg2[%add3A_184] : memref<3200000xi32, #tpu.memory_space<hbm>> -> memref<2000xi32, #tpu.memory_space<hbm>>
    %dma_start3A_186 = tpu.memref_slice %arg2[%add3A_184] : memref<3200000xi32, #tpu.memory_space<hbm>> -> memref<2000xi32, #tpu.memory_space<hbm>>
    tpu.enqueue_dma source(%dma_start3A_186 : memref<2000xi32, #tpu.memory_space<hbm>>) target(%arg11 : memref<2000xi32, #tpu.memory_space<vmem>>) target_semaphore(%arg19 : memref<!tpu.dma_semaphore, #tpu.memory_space<semaphore_mem>>)
    %dma_wait3A_187 = tpu.memref_slice %arg2[%add3A_153] : memref<3200000xi32, #tpu.memory_space<hbm>> -> memref<2000xi32, #tpu.memory_space<hbm>>
    %dma_wait3A_188 = tpu.memref_slice %arg2[%add3A_153] : memref<3200000xi32, #tpu.memory_space<hbm>> -> memref<2000xi32, #tpu.memory_space<hbm>>
    tpu.wait_dma2 semaphore(%arg20 : memref<!tpu.dma_semaphore, #tpu.memory_space<semaphore_mem>>) src(%dma_wait3A_188 : memref<2000xi32, #tpu.memory_space<hbm>>) dst(%arg10 : memref<2000xi32, #tpu.memory_space<vmem>>)
    %dma_wait3A_189 = tpu.memref_slice %arg2[%add3A_157] : memref<3200000xi32, #tpu.memory_space<hbm>> -> memref<2000xi32, #tpu.memory_space<hbm>>
    %dma_wait3A_190 = tpu.memref_slice %arg2[%add3A_157] : memref<3200000xi32, #tpu.memory_space<hbm>> -> memref<2000xi32, #tpu.memory_space<hbm>>
    tpu.wait_dma2 semaphore(%arg20 : memref<!tpu.dma_semaphore, #tpu.memory_space<semaphore_mem>>) src(%dma_wait3A_190 : memref<2000xi32, #tpu.memory_space<hbm>>) dst(%arg12 : memref<2000xi32, #tpu.memory_space<vmem>>)
    %scan3A_191 = arith.constant 0 : i32
    %scan3A_192 = arith.constant 0 : i32
    %scan3A_193 = arith.constant 125 : i32
    %scan3A_194 = arith.addi %scan3A_192, %scan3A_193 : i32
    %scan3A_195 = arith.constant 1 : i32
    %scan3A_196 = scf.for %scan3A_756 = %scan3A_192 to %scan3A_194 step %scan3A_195 iter_args(%scan3A_757 = %scan3A_191) -> (i32)  : i32 {
      %mul3A_758 = arith.constant 16 : i32
      %mul3A_759 = arith.muli %scan3A_756, %mul3A_758 : i32
      %get3A_760 = arith.index_cast %mul3A_759 : i32 to index
      %get3A_761 = tpu.vector_load %arg10[%get3A_760] {strides = array<i32>} : memref<2000xi32, #tpu.memory_space<vmem>>, vector<16xi32>,
      %mul3A_762 = arith.constant 16 : i32
      %mul3A_763 = arith.muli %scan3A_756, %mul3A_762 : i32
      %get3A_764 = arith.index_cast %mul3A_763 : i32 to index
      %get3A_765 = tpu.vector_load %arg12[%get3A_764] {strides = array<i32>} : memref<2000xi32, #tpu.memory_space<vmem>>, vector<16xi32>,
      %gather3A = tpu.vector_load_idx %arg7[%get3A_761] : memref<100096xf32, #tpu.memory_space<vmem>>[vector<16xi32>], vector<16xf32>,
      %gather3A_766 = tpu.vector_load_idx %arg7[%get3A_765] : memref<100096xf32, #tpu.memory_space<vmem>>[vector<16xi32>], vector<16xf32>,
      %mul3A_767 = arith.mulf %get3A_29, %gather3A : vector<16xf32>
      %mul3A_768 = arith.mulf %get3A_33, %gather3A_766 : vector<16xf32>
      %add3A_769 = arith.addf %mul3A_767, %mul3A_768 : vector<16xf32>
      %ge3A = arith.constant 0.000000e+00 : f32
      %ge3A_770 = vector.broadcast %ge3A : f32 to vector<16xf32>
      %ge3A_771 = arith.cmpf oge, %add3A_769, %ge3A_770 : vector<16xf32>
      %mul3A_772 = arith.constant 2.000000e-01 : f32
      %mul3A_773 = vector.broadcast %mul3A_772 : f32 to vector<16xf32>
      %mul3A_774 = arith.mulf %mul3A_773, %add3A_769 : vector<16xf32>
      %select_n3A = arith.select %ge3A_771, %add3A_769, %mul3A_774 : vector<16xi1>, vector<16xf32>
      %sub3A = arith.subf %select_n3A, %get3A_37 : vector<16xf32>
      %exp3A = math.exp %sub3A : vector<16xf32>
      %mul3A_775 = arith.constant 16 : i32
      %mul3A_776 = arith.muli %scan3A_756, %mul3A_775 : i32
      %swap3A_777 = arith.index_cast %mul3A_776 : i32 to index
      %swap3A_778 = tpu.vector_load %arg13[%swap3A_777] {strides = array<i32>} : memref<2000xf32, #tpu.memory_space<vmem>>, vector<16xf32>,
      tpu.vector_store %arg13[%swap3A_777], %exp3A {strides = array<i32>} : memref<2000xf32, #tpu.memory_space<vmem>>, vector<16xf32>,
      %mul3A_779 = arith.mulf %exp3A, %gather3A : vector<16xf32>
      %mul3A_780 = arith.constant 16 : i32
      %mul3A_781 = arith.muli %scan3A_756, %mul3A_780 : i32
      %swap3A_782 = arith.index_cast %mul3A_781 : i32 to index
      %swap3A_783 = tpu.vector_load %arg14[%swap3A_782] {strides = array<i32>} : memref<2000xf32, #tpu.memory_space<vmem>>, vector<16xf32>,
      tpu.vector_store %arg14[%swap3A_782], %mul3A_779 {strides = array<i32>} : memref<2000xf32, #tpu.memory_space<vmem>>, vector<16xf32>,
      %scan3A_784 = arith.constant 0 : i32
      scf.yield %scan3A_784 : i32
    }
    %scan3A_197 = arith.constant 125 : i32
    %dma_start3A_198 = arith.constant 0 : i32
    %dma_start3A_199 = tpu.memref_slice %arg17[%dma_start3A_198] : memref<100096xf32, #tpu.memory_space<vmem_shared>> -> memref<100096xf32, #tpu.memory_space<vmem_shared>>
    tpu.enqueue_indirect_dma source(%arg13 : memref<2000xf32, #tpu.memory_space<vmem>>) target(%dma_start3A_199 : memref<100096xf32, #tpu.memory_space<vmem_shared>>) offsets(%arg12 : memref<2000xi32, #tpu.memory_space<vmem>>) semaphore(%arg21 : memref<!tpu.dma_semaphore, #tpu.memory_space<semaphore_mem>>) {add = true}
    %dma_start3A_200 = arith.constant 0 : i32
    %dma_start3A_201 = tpu.memref_slice %arg16[%dma_start3A_200] : memref<100096xf32, #tpu.memory_space<vmem_shared>> -> memref<100096xf32, #tpu.memory_space<vmem_shared>>
    tpu.enqueue_indirect_dma source(%arg14 : memref<2000xf32, #tpu.memory_space<vmem>>) target(%dma_start3A_201 : memref<100096xf32, #tpu.memory_space<vmem_shared>>) offsets(%arg12 : memref<2000xi32, #tpu.memory_space<vmem>>) semaphore(%arg21 : memref<!tpu.dma_semaphore, #tpu.memory_space<semaphore_mem>>) {add = true}
    %dma_wait3A_202 = arith.constant 0 : i32
    %dma_wait3A_203 = tpu.memref_slice %arg17[%dma_wait3A_202] : memref<100096xf32, #tpu.memory_space<vmem_shared>> -> memref<100096xf32, #tpu.memory_space<vmem_shared>>
    tpu.wait_indirect_dma semaphore(%arg21 : memref<!tpu.dma_semaphore, #tpu.memory_space<semaphore_mem>>) src(%arg13 : memref<2000xf32, #tpu.memory_space<vmem>>) dst(%dma_wait3A_203 : memref<100096xf32, #tpu.memory_space<vmem_shared>>)
    %dma_wait3A_204 = arith.constant 0 : i32
    %dma_wait3A_205 = tpu.memref_slice %arg16[%dma_wait3A_204] : memref<100096xf32, #tpu.memory_space<vmem_shared>> -> memref<100096xf32, #tpu.memory_space<vmem_shared>>
    tpu.wait_indirect_dma semaphore(%arg21 : memref<!tpu.dma_semaphore, #tpu.memory_space<semaphore_mem>>) src(%arg14 : memref<2000xf32, #tpu.memory_space<vmem>>) dst(%dma_wait3A_205 : memref<100096xf32, #tpu.memory_space<vmem_shared>>)
    %add3A_206 = arith.constant 14000 : i32
    %add3A_207 = arith.addi %mul3A_2, %add3A_206 : i32
    %dma_start3A_208 = tpu.memref_slice %arg2[%add3A_207] : memref<3200000xi32, #tpu.memory_space<hbm>> -> memref<2000xi32, #tpu.memory_space<hbm>>
    %dma_start3A_209 = tpu.memref_slice %arg2[%add3A_207] : memref<3200000xi32, #tpu.memory_space<hbm>> -> memref<2000xi32, #tpu.memory_space<hbm>>
    tpu.enqueue_dma source(%dma_start3A_209 : memref<2000xi32, #tpu.memory_space<hbm>>) target(%arg10 : memref<2000xi32, #tpu.memory_space<vmem>>) target_semaphore(%arg20 : memref<!tpu.dma_semaphore, #tpu.memory_space<semaphore_mem>>)
    %add3A_210 = arith.constant 1600000 : i32
    %add3A_211 = arith.addi %add3A_210, %add3A_207 : i32
    %dma_start3A_212 = tpu.memref_slice %arg2[%add3A_211] : memref<3200000xi32, #tpu.memory_space<hbm>> -> memref<2000xi32, #tpu.memory_space<hbm>>
    %dma_start3A_213 = tpu.memref_slice %arg2[%add3A_211] : memref<3200000xi32, #tpu.memory_space<hbm>> -> memref<2000xi32, #tpu.memory_space<hbm>>
    tpu.enqueue_dma source(%dma_start3A_213 : memref<2000xi32, #tpu.memory_space<hbm>>) target(%arg12 : memref<2000xi32, #tpu.memory_space<vmem>>) target_semaphore(%arg20 : memref<!tpu.dma_semaphore, #tpu.memory_space<semaphore_mem>>)
    %dma_wait3A_214 = tpu.memref_slice %arg2[%add3A_180] : memref<3200000xi32, #tpu.memory_space<hbm>> -> memref<2000xi32, #tpu.memory_space<hbm>>
    %dma_wait3A_215 = tpu.memref_slice %arg2[%add3A_180] : memref<3200000xi32, #tpu.memory_space<hbm>> -> memref<2000xi32, #tpu.memory_space<hbm>>
    tpu.wait_dma2 semaphore(%arg19 : memref<!tpu.dma_semaphore, #tpu.memory_space<semaphore_mem>>) src(%dma_wait3A_215 : memref<2000xi32, #tpu.memory_space<hbm>>) dst(%arg9 : memref<2000xi32, #tpu.memory_space<vmem>>)
    %dma_wait3A_216 = tpu.memref_slice %arg2[%add3A_184] : memref<3200000xi32, #tpu.memory_space<hbm>> -> memref<2000xi32, #tpu.memory_space<hbm>>
    %dma_wait3A_217 = tpu.memref_slice %arg2[%add3A_184] : memref<3200000xi32, #tpu.memory_space<hbm>> -> memref<2000xi32, #tpu.memory_space<hbm>>
    tpu.wait_dma2 semaphore(%arg19 : memref<!tpu.dma_semaphore, #tpu.memory_space<semaphore_mem>>) src(%dma_wait3A_217 : memref<2000xi32, #tpu.memory_space<hbm>>) dst(%arg11 : memref<2000xi32, #tpu.memory_space<vmem>>)
    %scan3A_218 = arith.constant 0 : i32
    %scan3A_219 = arith.constant 0 : i32
    %scan3A_220 = arith.constant 125 : i32
    %scan3A_221 = arith.addi %scan3A_219, %scan3A_220 : i32
    %scan3A_222 = arith.constant 1 : i32
    %scan3A_223 = scf.for %scan3A_756 = %scan3A_219 to %scan3A_221 step %scan3A_222 iter_args(%scan3A_757 = %scan3A_218) -> (i32)  : i32 {
      %mul3A_758 = arith.constant 16 : i32
      %mul3A_759 = arith.muli %scan3A_756, %mul3A_758 : i32
      %get3A_760 = arith.index_cast %mul3A_759 : i32 to index
      %get3A_761 = tpu.vector_load %arg9[%get3A_760] {strides = array<i32>} : memref<2000xi32, #tpu.memory_space<vmem>>, vector<16xi32>,
      %mul3A_762 = arith.constant 16 : i32
      %mul3A_763 = arith.muli %scan3A_756, %mul3A_762 : i32
      %get3A_764 = arith.index_cast %mul3A_763 : i32 to index
      %get3A_765 = tpu.vector_load %arg11[%get3A_764] {strides = array<i32>} : memref<2000xi32, #tpu.memory_space<vmem>>, vector<16xi32>,
      %gather3A = tpu.vector_load_idx %arg7[%get3A_761] : memref<100096xf32, #tpu.memory_space<vmem>>[vector<16xi32>], vector<16xf32>,
      %gather3A_766 = tpu.vector_load_idx %arg7[%get3A_765] : memref<100096xf32, #tpu.memory_space<vmem>>[vector<16xi32>], vector<16xf32>,
      %mul3A_767 = arith.mulf %get3A_29, %gather3A : vector<16xf32>
      %mul3A_768 = arith.mulf %get3A_33, %gather3A_766 : vector<16xf32>
      %add3A_769 = arith.addf %mul3A_767, %mul3A_768 : vector<16xf32>
      %ge3A = arith.constant 0.000000e+00 : f32
      %ge3A_770 = vector.broadcast %ge3A : f32 to vector<16xf32>
      %ge3A_771 = arith.cmpf oge, %add3A_769, %ge3A_770 : vector<16xf32>
      %mul3A_772 = arith.constant 2.000000e-01 : f32
      %mul3A_773 = vector.broadcast %mul3A_772 : f32 to vector<16xf32>
      %mul3A_774 = arith.mulf %mul3A_773, %add3A_769 : vector<16xf32>
      %select_n3A = arith.select %ge3A_771, %add3A_769, %mul3A_774 : vector<16xi1>, vector<16xf32>
      %sub3A = arith.subf %select_n3A, %get3A_37 : vector<16xf32>
      %exp3A = math.exp %sub3A : vector<16xf32>
      %mul3A_775 = arith.constant 16 : i32
      %mul3A_776 = arith.muli %scan3A_756, %mul3A_775 : i32
      %swap3A_777 = arith.index_cast %mul3A_776 : i32 to index
      %swap3A_778 = tpu.vector_load %arg13[%swap3A_777] {strides = array<i32>} : memref<2000xf32, #tpu.memory_space<vmem>>, vector<16xf32>,
      tpu.vector_store %arg13[%swap3A_777], %exp3A {strides = array<i32>} : memref<2000xf32, #tpu.memory_space<vmem>>, vector<16xf32>,
      %mul3A_779 = arith.mulf %exp3A, %gather3A : vector<16xf32>
      %mul3A_780 = arith.constant 16 : i32
      %mul3A_781 = arith.muli %scan3A_756, %mul3A_780 : i32
      %swap3A_782 = arith.index_cast %mul3A_781 : i32 to index
      %swap3A_783 = tpu.vector_load %arg14[%swap3A_782] {strides = array<i32>} : memref<2000xf32, #tpu.memory_space<vmem>>, vector<16xf32>,
      tpu.vector_store %arg14[%swap3A_782], %mul3A_779 {strides = array<i32>} : memref<2000xf32, #tpu.memory_space<vmem>>, vector<16xf32>,
      %scan3A_784 = arith.constant 0 : i32
      scf.yield %scan3A_784 : i32
    }
    %scan3A_224 = arith.constant 125 : i32
    %dma_start3A_225 = arith.constant 0 : i32
    %dma_start3A_226 = tpu.memref_slice %arg17[%dma_start3A_225] : memref<100096xf32, #tpu.memory_space<vmem_shared>> -> memref<100096xf32, #tpu.memory_space<vmem_shared>>
    tpu.enqueue_indirect_dma source(%arg13 : memref<2000xf32, #tpu.memory_space<vmem>>) target(%dma_start3A_226 : memref<100096xf32, #tpu.memory_space<vmem_shared>>) offsets(%arg11 : memref<2000xi32, #tpu.memory_space<vmem>>) semaphore(%arg21 : memref<!tpu.dma_semaphore, #tpu.memory_space<semaphore_mem>>) {add = true}
    %dma_start3A_227 = arith.constant 0 : i32
    %dma_start3A_228 = tpu.memref_slice %arg16[%dma_start3A_227] : memref<100096xf32, #tpu.memory_space<vmem_shared>> -> memref<100096xf32, #tpu.memory_space<vmem_shared>>
    tpu.enqueue_indirect_dma source(%arg14 : memref<2000xf32, #tpu.memory_space<vmem>>) target(%dma_start3A_228 : memref<100096xf32, #tpu.memory_space<vmem_shared>>) offsets(%arg11 : memref<2000xi32, #tpu.memory_space<vmem>>) semaphore(%arg21 : memref<!tpu.dma_semaphore, #tpu.memory_space<semaphore_mem>>) {add = true}
    %dma_wait3A_229 = arith.constant 0 : i32
    %dma_wait3A_230 = tpu.memref_slice %arg17[%dma_wait3A_229] : memref<100096xf32, #tpu.memory_space<vmem_shared>> -> memref<100096xf32, #tpu.memory_space<vmem_shared>>
    tpu.wait_indirect_dma semaphore(%arg21 : memref<!tpu.dma_semaphore, #tpu.memory_space<semaphore_mem>>) src(%arg13 : memref<2000xf32, #tpu.memory_space<vmem>>) dst(%dma_wait3A_230 : memref<100096xf32, #tpu.memory_space<vmem_shared>>)
    %dma_wait3A_231 = arith.constant 0 : i32
    %dma_wait3A_232 = tpu.memref_slice %arg16[%dma_wait3A_231] : memref<100096xf32, #tpu.memory_space<vmem_shared>> -> memref<100096xf32, #tpu.memory_space<vmem_shared>>
    tpu.wait_indirect_dma semaphore(%arg21 : memref<!tpu.dma_semaphore, #tpu.memory_space<semaphore_mem>>) src(%arg14 : memref<2000xf32, #tpu.memory_space<vmem>>) dst(%dma_wait3A_232 : memref<100096xf32, #tpu.memory_space<vmem_shared>>)
    %add3A_233 = arith.constant 16000 : i32
    %add3A_234 = arith.addi %mul3A_2, %add3A_233 : i32
    %dma_start3A_235 = tpu.memref_slice %arg2[%add3A_234] : memref<3200000xi32, #tpu.memory_space<hbm>> -> memref<2000xi32, #tpu.memory_space<hbm>>
    %dma_start3A_236 = tpu.memref_slice %arg2[%add3A_234] : memref<3200000xi32, #tpu.memory_space<hbm>> -> memref<2000xi32, #tpu.memory_space<hbm>>
    tpu.enqueue_dma source(%dma_start3A_236 : memref<2000xi32, #tpu.memory_space<hbm>>) target(%arg9 : memref<2000xi32, #tpu.memory_space<vmem>>) target_semaphore(%arg19 : memref<!tpu.dma_semaphore, #tpu.memory_space<semaphore_mem>>)
    %add3A_237 = arith.constant 1600000 : i32
    %add3A_238 = arith.addi %add3A_237, %add3A_234 : i32
    %dma_start3A_239 = tpu.memref_slice %arg2[%add3A_238] : memref<3200000xi32, #tpu.memory_space<hbm>> -> memref<2000xi32, #tpu.memory_space<hbm>>
    %dma_start3A_240 = tpu.memref_slice %arg2[%add3A_238] : memref<3200000xi32, #tpu.memory_space<hbm>> -> memref<2000xi32, #tpu.memory_space<hbm>>
    tpu.enqueue_dma source(%dma_start3A_240 : memref<2000xi32, #tpu.memory_space<hbm>>) target(%arg11 : memref<2000xi32, #tpu.memory_space<vmem>>) target_semaphore(%arg19 : memref<!tpu.dma_semaphore, #tpu.memory_space<semaphore_mem>>)
    %dma_wait3A_241 = tpu.memref_slice %arg2[%add3A_207] : memref<3200000xi32, #tpu.memory_space<hbm>> -> memref<2000xi32, #tpu.memory_space<hbm>>
    %dma_wait3A_242 = tpu.memref_slice %arg2[%add3A_207] : memref<3200000xi32, #tpu.memory_space<hbm>> -> memref<2000xi32, #tpu.memory_space<hbm>>
    tpu.wait_dma2 semaphore(%arg20 : memref<!tpu.dma_semaphore, #tpu.memory_space<semaphore_mem>>) src(%dma_wait3A_242 : memref<2000xi32, #tpu.memory_space<hbm>>) dst(%arg10 : memref<2000xi32, #tpu.memory_space<vmem>>)
    %dma_wait3A_243 = tpu.memref_slice %arg2[%add3A_211] : memref<3200000xi32, #tpu.memory_space<hbm>> -> memref<2000xi32, #tpu.memory_space<hbm>>
    %dma_wait3A_244 = tpu.memref_slice %arg2[%add3A_211] : memref<3200000xi32, #tpu.memory_space<hbm>> -> memref<2000xi32, #tpu.memory_space<hbm>>
    tpu.wait_dma2 semaphore(%arg20 : memref<!tpu.dma_semaphore, #tpu.memory_space<semaphore_mem>>) src(%dma_wait3A_244 : memref<2000xi32, #tpu.memory_space<hbm>>) dst(%arg12 : memref<2000xi32, #tpu.memory_space<vmem>>)
    %scan3A_245 = arith.constant 0 : i32
    %scan3A_246 = arith.constant 0 : i32
    %scan3A_247 = arith.constant 125 : i32
    %scan3A_248 = arith.addi %scan3A_246, %scan3A_247 : i32
    %scan3A_249 = arith.constant 1 : i32
    %scan3A_250 = scf.for %scan3A_756 = %scan3A_246 to %scan3A_248 step %scan3A_249 iter_args(%scan3A_757 = %scan3A_245) -> (i32)  : i32 {
      %mul3A_758 = arith.constant 16 : i32
      %mul3A_759 = arith.muli %scan3A_756, %mul3A_758 : i32
      %get3A_760 = arith.index_cast %mul3A_759 : i32 to index
      %get3A_761 = tpu.vector_load %arg10[%get3A_760] {strides = array<i32>} : memref<2000xi32, #tpu.memory_space<vmem>>, vector<16xi32>,
      %mul3A_762 = arith.constant 16 : i32
      %mul3A_763 = arith.muli %scan3A_756, %mul3A_762 : i32
      %get3A_764 = arith.index_cast %mul3A_763 : i32 to index
      %get3A_765 = tpu.vector_load %arg12[%get3A_764] {strides = array<i32>} : memref<2000xi32, #tpu.memory_space<vmem>>, vector<16xi32>,
      %gather3A = tpu.vector_load_idx %arg7[%get3A_761] : memref<100096xf32, #tpu.memory_space<vmem>>[vector<16xi32>], vector<16xf32>,
      %gather3A_766 = tpu.vector_load_idx %arg7[%get3A_765] : memref<100096xf32, #tpu.memory_space<vmem>>[vector<16xi32>], vector<16xf32>,
      %mul3A_767 = arith.mulf %get3A_29, %gather3A : vector<16xf32>
      %mul3A_768 = arith.mulf %get3A_33, %gather3A_766 : vector<16xf32>
      %add3A_769 = arith.addf %mul3A_767, %mul3A_768 : vector<16xf32>
      %ge3A = arith.constant 0.000000e+00 : f32
      %ge3A_770 = vector.broadcast %ge3A : f32 to vector<16xf32>
      %ge3A_771 = arith.cmpf oge, %add3A_769, %ge3A_770 : vector<16xf32>
      %mul3A_772 = arith.constant 2.000000e-01 : f32
      %mul3A_773 = vector.broadcast %mul3A_772 : f32 to vector<16xf32>
      %mul3A_774 = arith.mulf %mul3A_773, %add3A_769 : vector<16xf32>
      %select_n3A = arith.select %ge3A_771, %add3A_769, %mul3A_774 : vector<16xi1>, vector<16xf32>
      %sub3A = arith.subf %select_n3A, %get3A_37 : vector<16xf32>
      %exp3A = math.exp %sub3A : vector<16xf32>
      %mul3A_775 = arith.constant 16 : i32
      %mul3A_776 = arith.muli %scan3A_756, %mul3A_775 : i32
      %swap3A_777 = arith.index_cast %mul3A_776 : i32 to index
      %swap3A_778 = tpu.vector_load %arg13[%swap3A_777] {strides = array<i32>} : memref<2000xf32, #tpu.memory_space<vmem>>, vector<16xf32>,
      tpu.vector_store %arg13[%swap3A_777], %exp3A {strides = array<i32>} : memref<2000xf32, #tpu.memory_space<vmem>>, vector<16xf32>,
      %mul3A_779 = arith.mulf %exp3A, %gather3A : vector<16xf32>
      %mul3A_780 = arith.constant 16 : i32
      %mul3A_781 = arith.muli %scan3A_756, %mul3A_780 : i32
      %swap3A_782 = arith.index_cast %mul3A_781 : i32 to index
      %swap3A_783 = tpu.vector_load %arg14[%swap3A_782] {strides = array<i32>} : memref<2000xf32, #tpu.memory_space<vmem>>, vector<16xf32>,
      tpu.vector_store %arg14[%swap3A_782], %mul3A_779 {strides = array<i32>} : memref<2000xf32, #tpu.memory_space<vmem>>, vector<16xf32>,
      %scan3A_784 = arith.constant 0 : i32
      scf.yield %scan3A_784 : i32
    }
    %scan3A_251 = arith.constant 125 : i32
    %dma_start3A_252 = arith.constant 0 : i32
    %dma_start3A_253 = tpu.memref_slice %arg17[%dma_start3A_252] : memref<100096xf32, #tpu.memory_space<vmem_shared>> -> memref<100096xf32, #tpu.memory_space<vmem_shared>>
    tpu.enqueue_indirect_dma source(%arg13 : memref<2000xf32, #tpu.memory_space<vmem>>) target(%dma_start3A_253 : memref<100096xf32, #tpu.memory_space<vmem_shared>>) offsets(%arg12 : memref<2000xi32, #tpu.memory_space<vmem>>) semaphore(%arg21 : memref<!tpu.dma_semaphore, #tpu.memory_space<semaphore_mem>>) {add = true}
    %dma_start3A_254 = arith.constant 0 : i32
    %dma_start3A_255 = tpu.memref_slice %arg16[%dma_start3A_254] : memref<100096xf32, #tpu.memory_space<vmem_shared>> -> memref<100096xf32, #tpu.memory_space<vmem_shared>>
    tpu.enqueue_indirect_dma source(%arg14 : memref<2000xf32, #tpu.memory_space<vmem>>) target(%dma_start3A_255 : memref<100096xf32, #tpu.memory_space<vmem_shared>>) offsets(%arg12 : memref<2000xi32, #tpu.memory_space<vmem>>) semaphore(%arg21 : memref<!tpu.dma_semaphore, #tpu.memory_space<semaphore_mem>>) {add = true}
    %dma_wait3A_256 = arith.constant 0 : i32
    %dma_wait3A_257 = tpu.memref_slice %arg17[%dma_wait3A_256] : memref<100096xf32, #tpu.memory_space<vmem_shared>> -> memref<100096xf32, #tpu.memory_space<vmem_shared>>
    tpu.wait_indirect_dma semaphore(%arg21 : memref<!tpu.dma_semaphore, #tpu.memory_space<semaphore_mem>>) src(%arg13 : memref<2000xf32, #tpu.memory_space<vmem>>) dst(%dma_wait3A_257 : memref<100096xf32, #tpu.memory_space<vmem_shared>>)
    %dma_wait3A_258 = arith.constant 0 : i32
    %dma_wait3A_259 = tpu.memref_slice %arg16[%dma_wait3A_258] : memref<100096xf32, #tpu.memory_space<vmem_shared>> -> memref<100096xf32, #tpu.memory_space<vmem_shared>>
    tpu.wait_indirect_dma semaphore(%arg21 : memref<!tpu.dma_semaphore, #tpu.memory_space<semaphore_mem>>) src(%arg14 : memref<2000xf32, #tpu.memory_space<vmem>>) dst(%dma_wait3A_259 : memref<100096xf32, #tpu.memory_space<vmem_shared>>)
    %add3A_260 = arith.constant 18000 : i32
    %add3A_261 = arith.addi %mul3A_2, %add3A_260 : i32
    %dma_start3A_262 = tpu.memref_slice %arg2[%add3A_261] : memref<3200000xi32, #tpu.memory_space<hbm>> -> memref<2000xi32, #tpu.memory_space<hbm>>
    %dma_start3A_263 = tpu.memref_slice %arg2[%add3A_261] : memref<3200000xi32, #tpu.memory_space<hbm>> -> memref<2000xi32, #tpu.memory_space<hbm>>
    tpu.enqueue_dma source(%dma_start3A_263 : memref<2000xi32, #tpu.memory_space<hbm>>) target(%arg10 : memref<2000xi32, #tpu.memory_space<vmem>>) target_semaphore(%arg20 : memref<!tpu.dma_semaphore, #tpu.memory_space<semaphore_mem>>)
    %add3A_264 = arith.constant 1600000 : i32
    %add3A_265 = arith.addi %add3A_264, %add3A_261 : i32
    %dma_start3A_266 = tpu.memref_slice %arg2[%add3A_265] : memref<3200000xi32, #tpu.memory_space<hbm>> -> memref<2000xi32, #tpu.memory_space<hbm>>
    %dma_start3A_267 = tpu.memref_slice %arg2[%add3A_265] : memref<3200000xi32, #tpu.memory_space<hbm>> -> memref<2000xi32, #tpu.memory_space<hbm>>
    tpu.enqueue_dma source(%dma_start3A_267 : memref<2000xi32, #tpu.memory_space<hbm>>) target(%arg12 : memref<2000xi32, #tpu.memory_space<vmem>>) target_semaphore(%arg20 : memref<!tpu.dma_semaphore, #tpu.memory_space<semaphore_mem>>)
    %dma_wait3A_268 = tpu.memref_slice %arg2[%add3A_234] : memref<3200000xi32, #tpu.memory_space<hbm>> -> memref<2000xi32, #tpu.memory_space<hbm>>
    %dma_wait3A_269 = tpu.memref_slice %arg2[%add3A_234] : memref<3200000xi32, #tpu.memory_space<hbm>> -> memref<2000xi32, #tpu.memory_space<hbm>>
    tpu.wait_dma2 semaphore(%arg19 : memref<!tpu.dma_semaphore, #tpu.memory_space<semaphore_mem>>) src(%dma_wait3A_269 : memref<2000xi32, #tpu.memory_space<hbm>>) dst(%arg9 : memref<2000xi32, #tpu.memory_space<vmem>>)
    %dma_wait3A_270 = tpu.memref_slice %arg2[%add3A_238] : memref<3200000xi32, #tpu.memory_space<hbm>> -> memref<2000xi32, #tpu.memory_space<hbm>>
    %dma_wait3A_271 = tpu.memref_slice %arg2[%add3A_238] : memref<3200000xi32, #tpu.memory_space<hbm>> -> memref<2000xi32, #tpu.memory_space<hbm>>
    tpu.wait_dma2 semaphore(%arg19 : memref<!tpu.dma_semaphore, #tpu.memory_space<semaphore_mem>>) src(%dma_wait3A_271 : memref<2000xi32, #tpu.memory_space<hbm>>) dst(%arg11 : memref<2000xi32, #tpu.memory_space<vmem>>)
    %scan3A_272 = arith.constant 0 : i32
    %scan3A_273 = arith.constant 0 : i32
    %scan3A_274 = arith.constant 125 : i32
    %scan3A_275 = arith.addi %scan3A_273, %scan3A_274 : i32
    %scan3A_276 = arith.constant 1 : i32
    %scan3A_277 = scf.for %scan3A_756 = %scan3A_273 to %scan3A_275 step %scan3A_276 iter_args(%scan3A_757 = %scan3A_272) -> (i32)  : i32 {
      %mul3A_758 = arith.constant 16 : i32
      %mul3A_759 = arith.muli %scan3A_756, %mul3A_758 : i32
      %get3A_760 = arith.index_cast %mul3A_759 : i32 to index
      %get3A_761 = tpu.vector_load %arg9[%get3A_760] {strides = array<i32>} : memref<2000xi32, #tpu.memory_space<vmem>>, vector<16xi32>,
      %mul3A_762 = arith.constant 16 : i32
      %mul3A_763 = arith.muli %scan3A_756, %mul3A_762 : i32
      %get3A_764 = arith.index_cast %mul3A_763 : i32 to index
      %get3A_765 = tpu.vector_load %arg11[%get3A_764] {strides = array<i32>} : memref<2000xi32, #tpu.memory_space<vmem>>, vector<16xi32>,
      %gather3A = tpu.vector_load_idx %arg7[%get3A_761] : memref<100096xf32, #tpu.memory_space<vmem>>[vector<16xi32>], vector<16xf32>,
      %gather3A_766 = tpu.vector_load_idx %arg7[%get3A_765] : memref<100096xf32, #tpu.memory_space<vmem>>[vector<16xi32>], vector<16xf32>,
      %mul3A_767 = arith.mulf %get3A_29, %gather3A : vector<16xf32>
      %mul3A_768 = arith.mulf %get3A_33, %gather3A_766 : vector<16xf32>
      %add3A_769 = arith.addf %mul3A_767, %mul3A_768 : vector<16xf32>
      %ge3A = arith.constant 0.000000e+00 : f32
      %ge3A_770 = vector.broadcast %ge3A : f32 to vector<16xf32>
      %ge3A_771 = arith.cmpf oge, %add3A_769, %ge3A_770 : vector<16xf32>
      %mul3A_772 = arith.constant 2.000000e-01 : f32
      %mul3A_773 = vector.broadcast %mul3A_772 : f32 to vector<16xf32>
      %mul3A_774 = arith.mulf %mul3A_773, %add3A_769 : vector<16xf32>
      %select_n3A = arith.select %ge3A_771, %add3A_769, %mul3A_774 : vector<16xi1>, vector<16xf32>
      %sub3A = arith.subf %select_n3A, %get3A_37 : vector<16xf32>
      %exp3A = math.exp %sub3A : vector<16xf32>
      %mul3A_775 = arith.constant 16 : i32
      %mul3A_776 = arith.muli %scan3A_756, %mul3A_775 : i32
      %swap3A_777 = arith.index_cast %mul3A_776 : i32 to index
      %swap3A_778 = tpu.vector_load %arg13[%swap3A_777] {strides = array<i32>} : memref<2000xf32, #tpu.memory_space<vmem>>, vector<16xf32>,
      tpu.vector_store %arg13[%swap3A_777], %exp3A {strides = array<i32>} : memref<2000xf32, #tpu.memory_space<vmem>>, vector<16xf32>,
      %mul3A_779 = arith.mulf %exp3A, %gather3A : vector<16xf32>
      %mul3A_780 = arith.constant 16 : i32
      %mul3A_781 = arith.muli %scan3A_756, %mul3A_780 : i32
      %swap3A_782 = arith.index_cast %mul3A_781 : i32 to index
      %swap3A_783 = tpu.vector_load %arg14[%swap3A_782] {strides = array<i32>} : memref<2000xf32, #tpu.memory_space<vmem>>, vector<16xf32>,
      tpu.vector_store %arg14[%swap3A_782], %mul3A_779 {strides = array<i32>} : memref<2000xf32, #tpu.memory_space<vmem>>, vector<16xf32>,
      %scan3A_784 = arith.constant 0 : i32
      scf.yield %scan3A_784 : i32
    }
    %scan3A_278 = arith.constant 125 : i32
    %dma_start3A_279 = arith.constant 0 : i32
    %dma_start3A_280 = tpu.memref_slice %arg17[%dma_start3A_279] : memref<100096xf32, #tpu.memory_space<vmem_shared>> -> memref<100096xf32, #tpu.memory_space<vmem_shared>>
    tpu.enqueue_indirect_dma source(%arg13 : memref<2000xf32, #tpu.memory_space<vmem>>) target(%dma_start3A_280 : memref<100096xf32, #tpu.memory_space<vmem_shared>>) offsets(%arg11 : memref<2000xi32, #tpu.memory_space<vmem>>) semaphore(%arg21 : memref<!tpu.dma_semaphore, #tpu.memory_space<semaphore_mem>>) {add = true}
    %dma_start3A_281 = arith.constant 0 : i32
    %dma_start3A_282 = tpu.memref_slice %arg16[%dma_start3A_281] : memref<100096xf32, #tpu.memory_space<vmem_shared>> -> memref<100096xf32, #tpu.memory_space<vmem_shared>>
    tpu.enqueue_indirect_dma source(%arg14 : memref<2000xf32, #tpu.memory_space<vmem>>) target(%dma_start3A_282 : memref<100096xf32, #tpu.memory_space<vmem_shared>>) offsets(%arg11 : memref<2000xi32, #tpu.memory_space<vmem>>) semaphore(%arg21 : memref<!tpu.dma_semaphore, #tpu.memory_space<semaphore_mem>>) {add = true}
    %dma_wait3A_283 = arith.constant 0 : i32
    %dma_wait3A_284 = tpu.memref_slice %arg17[%dma_wait3A_283] : memref<100096xf32, #tpu.memory_space<vmem_shared>> -> memref<100096xf32, #tpu.memory_space<vmem_shared>>
    tpu.wait_indirect_dma semaphore(%arg21 : memref<!tpu.dma_semaphore, #tpu.memory_space<semaphore_mem>>) src(%arg13 : memref<2000xf32, #tpu.memory_space<vmem>>) dst(%dma_wait3A_284 : memref<100096xf32, #tpu.memory_space<vmem_shared>>)
    %dma_wait3A_285 = arith.constant 0 : i32
    %dma_wait3A_286 = tpu.memref_slice %arg16[%dma_wait3A_285] : memref<100096xf32, #tpu.memory_space<vmem_shared>> -> memref<100096xf32, #tpu.memory_space<vmem_shared>>
    tpu.wait_indirect_dma semaphore(%arg21 : memref<!tpu.dma_semaphore, #tpu.memory_space<semaphore_mem>>) src(%arg14 : memref<2000xf32, #tpu.memory_space<vmem>>) dst(%dma_wait3A_286 : memref<100096xf32, #tpu.memory_space<vmem_shared>>)
    %add3A_287 = arith.constant 20000 : i32
    %add3A_288 = arith.addi %mul3A_2, %add3A_287 : i32
    %dma_start3A_289 = tpu.memref_slice %arg2[%add3A_288] : memref<3200000xi32, #tpu.memory_space<hbm>> -> memref<2000xi32, #tpu.memory_space<hbm>>
    %dma_start3A_290 = tpu.memref_slice %arg2[%add3A_288] : memref<3200000xi32, #tpu.memory_space<hbm>> -> memref<2000xi32, #tpu.memory_space<hbm>>
    tpu.enqueue_dma source(%dma_start3A_290 : memref<2000xi32, #tpu.memory_space<hbm>>) target(%arg9 : memref<2000xi32, #tpu.memory_space<vmem>>) target_semaphore(%arg19 : memref<!tpu.dma_semaphore, #tpu.memory_space<semaphore_mem>>)
    %add3A_291 = arith.constant 1600000 : i32
    %add3A_292 = arith.addi %add3A_291, %add3A_288 : i32
    %dma_start3A_293 = tpu.memref_slice %arg2[%add3A_292] : memref<3200000xi32, #tpu.memory_space<hbm>> -> memref<2000xi32, #tpu.memory_space<hbm>>
    %dma_start3A_294 = tpu.memref_slice %arg2[%add3A_292] : memref<3200000xi32, #tpu.memory_space<hbm>> -> memref<2000xi32, #tpu.memory_space<hbm>>
    tpu.enqueue_dma source(%dma_start3A_294 : memref<2000xi32, #tpu.memory_space<hbm>>) target(%arg11 : memref<2000xi32, #tpu.memory_space<vmem>>) target_semaphore(%arg19 : memref<!tpu.dma_semaphore, #tpu.memory_space<semaphore_mem>>)
    %dma_wait3A_295 = tpu.memref_slice %arg2[%add3A_261] : memref<3200000xi32, #tpu.memory_space<hbm>> -> memref<2000xi32, #tpu.memory_space<hbm>>
    %dma_wait3A_296 = tpu.memref_slice %arg2[%add3A_261] : memref<3200000xi32, #tpu.memory_space<hbm>> -> memref<2000xi32, #tpu.memory_space<hbm>>
    tpu.wait_dma2 semaphore(%arg20 : memref<!tpu.dma_semaphore, #tpu.memory_space<semaphore_mem>>) src(%dma_wait3A_296 : memref<2000xi32, #tpu.memory_space<hbm>>) dst(%arg10 : memref<2000xi32, #tpu.memory_space<vmem>>)
    %dma_wait3A_297 = tpu.memref_slice %arg2[%add3A_265] : memref<3200000xi32, #tpu.memory_space<hbm>> -> memref<2000xi32, #tpu.memory_space<hbm>>
    %dma_wait3A_298 = tpu.memref_slice %arg2[%add3A_265] : memref<3200000xi32, #tpu.memory_space<hbm>> -> memref<2000xi32, #tpu.memory_space<hbm>>
    tpu.wait_dma2 semaphore(%arg20 : memref<!tpu.dma_semaphore, #tpu.memory_space<semaphore_mem>>) src(%dma_wait3A_298 : memref<2000xi32, #tpu.memory_space<hbm>>) dst(%arg12 : memref<2000xi32, #tpu.memory_space<vmem>>)
    %scan3A_299 = arith.constant 0 : i32
    %scan3A_300 = arith.constant 0 : i32
    %scan3A_301 = arith.constant 125 : i32
    %scan3A_302 = arith.addi %scan3A_300, %scan3A_301 : i32
    %scan3A_303 = arith.constant 1 : i32
    %scan3A_304 = scf.for %scan3A_756 = %scan3A_300 to %scan3A_302 step %scan3A_303 iter_args(%scan3A_757 = %scan3A_299) -> (i32)  : i32 {
      %mul3A_758 = arith.constant 16 : i32
      %mul3A_759 = arith.muli %scan3A_756, %mul3A_758 : i32
      %get3A_760 = arith.index_cast %mul3A_759 : i32 to index
      %get3A_761 = tpu.vector_load %arg10[%get3A_760] {strides = array<i32>} : memref<2000xi32, #tpu.memory_space<vmem>>, vector<16xi32>,
      %mul3A_762 = arith.constant 16 : i32
      %mul3A_763 = arith.muli %scan3A_756, %mul3A_762 : i32
      %get3A_764 = arith.index_cast %mul3A_763 : i32 to index
      %get3A_765 = tpu.vector_load %arg12[%get3A_764] {strides = array<i32>} : memref<2000xi32, #tpu.memory_space<vmem>>, vector<16xi32>,
      %gather3A = tpu.vector_load_idx %arg7[%get3A_761] : memref<100096xf32, #tpu.memory_space<vmem>>[vector<16xi32>], vector<16xf32>,
      %gather3A_766 = tpu.vector_load_idx %arg7[%get3A_765] : memref<100096xf32, #tpu.memory_space<vmem>>[vector<16xi32>], vector<16xf32>,
      %mul3A_767 = arith.mulf %get3A_29, %gather3A : vector<16xf32>
      %mul3A_768 = arith.mulf %get3A_33, %gather3A_766 : vector<16xf32>
      %add3A_769 = arith.addf %mul3A_767, %mul3A_768 : vector<16xf32>
      %ge3A = arith.constant 0.000000e+00 : f32
      %ge3A_770 = vector.broadcast %ge3A : f32 to vector<16xf32>
      %ge3A_771 = arith.cmpf oge, %add3A_769, %ge3A_770 : vector<16xf32>
      %mul3A_772 = arith.constant 2.000000e-01 : f32
      %mul3A_773 = vector.broadcast %mul3A_772 : f32 to vector<16xf32>
      %mul3A_774 = arith.mulf %mul3A_773, %add3A_769 : vector<16xf32>
      %select_n3A = arith.select %ge3A_771, %add3A_769, %mul3A_774 : vector<16xi1>, vector<16xf32>
      %sub3A = arith.subf %select_n3A, %get3A_37 : vector<16xf32>
      %exp3A = math.exp %sub3A : vector<16xf32>
      %mul3A_775 = arith.constant 16 : i32
      %mul3A_776 = arith.muli %scan3A_756, %mul3A_775 : i32
      %swap3A_777 = arith.index_cast %mul3A_776 : i32 to index
      %swap3A_778 = tpu.vector_load %arg13[%swap3A_777] {strides = array<i32>} : memref<2000xf32, #tpu.memory_space<vmem>>, vector<16xf32>,
      tpu.vector_store %arg13[%swap3A_777], %exp3A {strides = array<i32>} : memref<2000xf32, #tpu.memory_space<vmem>>, vector<16xf32>,
      %mul3A_779 = arith.mulf %exp3A, %gather3A : vector<16xf32>
      %mul3A_780 = arith.constant 16 : i32
      %mul3A_781 = arith.muli %scan3A_756, %mul3A_780 : i32
      %swap3A_782 = arith.index_cast %mul3A_781 : i32 to index
      %swap3A_783 = tpu.vector_load %arg14[%swap3A_782] {strides = array<i32>} : memref<2000xf32, #tpu.memory_space<vmem>>, vector<16xf32>,
      tpu.vector_store %arg14[%swap3A_782], %mul3A_779 {strides = array<i32>} : memref<2000xf32, #tpu.memory_space<vmem>>, vector<16xf32>,
      %scan3A_784 = arith.constant 0 : i32
      scf.yield %scan3A_784 : i32
    }
    %scan3A_305 = arith.constant 125 : i32
    %dma_start3A_306 = arith.constant 0 : i32
    %dma_start3A_307 = tpu.memref_slice %arg17[%dma_start3A_306] : memref<100096xf32, #tpu.memory_space<vmem_shared>> -> memref<100096xf32, #tpu.memory_space<vmem_shared>>
    tpu.enqueue_indirect_dma source(%arg13 : memref<2000xf32, #tpu.memory_space<vmem>>) target(%dma_start3A_307 : memref<100096xf32, #tpu.memory_space<vmem_shared>>) offsets(%arg12 : memref<2000xi32, #tpu.memory_space<vmem>>) semaphore(%arg21 : memref<!tpu.dma_semaphore, #tpu.memory_space<semaphore_mem>>) {add = true}
    %dma_start3A_308 = arith.constant 0 : i32
    %dma_start3A_309 = tpu.memref_slice %arg16[%dma_start3A_308] : memref<100096xf32, #tpu.memory_space<vmem_shared>> -> memref<100096xf32, #tpu.memory_space<vmem_shared>>
    tpu.enqueue_indirect_dma source(%arg14 : memref<2000xf32, #tpu.memory_space<vmem>>) target(%dma_start3A_309 : memref<100096xf32, #tpu.memory_space<vmem_shared>>) offsets(%arg12 : memref<2000xi32, #tpu.memory_space<vmem>>) semaphore(%arg21 : memref<!tpu.dma_semaphore, #tpu.memory_space<semaphore_mem>>) {add = true}
    %dma_wait3A_310 = arith.constant 0 : i32
    %dma_wait3A_311 = tpu.memref_slice %arg17[%dma_wait3A_310] : memref<100096xf32, #tpu.memory_space<vmem_shared>> -> memref<100096xf32, #tpu.memory_space<vmem_shared>>
    tpu.wait_indirect_dma semaphore(%arg21 : memref<!tpu.dma_semaphore, #tpu.memory_space<semaphore_mem>>) src(%arg13 : memref<2000xf32, #tpu.memory_space<vmem>>) dst(%dma_wait3A_311 : memref<100096xf32, #tpu.memory_space<vmem_shared>>)
    %dma_wait3A_312 = arith.constant 0 : i32
    %dma_wait3A_313 = tpu.memref_slice %arg16[%dma_wait3A_312] : memref<100096xf32, #tpu.memory_space<vmem_shared>> -> memref<100096xf32, #tpu.memory_space<vmem_shared>>
    tpu.wait_indirect_dma semaphore(%arg21 : memref<!tpu.dma_semaphore, #tpu.memory_space<semaphore_mem>>) src(%arg14 : memref<2000xf32, #tpu.memory_space<vmem>>) dst(%dma_wait3A_313 : memref<100096xf32, #tpu.memory_space<vmem_shared>>)
    %add3A_314 = arith.constant 22000 : i32
    %add3A_315 = arith.addi %mul3A_2, %add3A_314 : i32
    %dma_start3A_316 = tpu.memref_slice %arg2[%add3A_315] : memref<3200000xi32, #tpu.memory_space<hbm>> -> memref<2000xi32, #tpu.memory_space<hbm>>
    %dma_start3A_317 = tpu.memref_slice %arg2[%add3A_315] : memref<3200000xi32, #tpu.memory_space<hbm>> -> memref<2000xi32, #tpu.memory_space<hbm>>
    tpu.enqueue_dma source(%dma_start3A_317 : memref<2000xi32, #tpu.memory_space<hbm>>) target(%arg10 : memref<2000xi32, #tpu.memory_space<vmem>>) target_semaphore(%arg20 : memref<!tpu.dma_semaphore, #tpu.memory_space<semaphore_mem>>)
    %add3A_318 = arith.constant 1600000 : i32
    %add3A_319 = arith.addi %add3A_318, %add3A_315 : i32
    %dma_start3A_320 = tpu.memref_slice %arg2[%add3A_319] : memref<3200000xi32, #tpu.memory_space<hbm>> -> memref<2000xi32, #tpu.memory_space<hbm>>
    %dma_start3A_321 = tpu.memref_slice %arg2[%add3A_319] : memref<3200000xi32, #tpu.memory_space<hbm>> -> memref<2000xi32, #tpu.memory_space<hbm>>
    tpu.enqueue_dma source(%dma_start3A_321 : memref<2000xi32, #tpu.memory_space<hbm>>) target(%arg12 : memref<2000xi32, #tpu.memory_space<vmem>>) target_semaphore(%arg20 : memref<!tpu.dma_semaphore, #tpu.memory_space<semaphore_mem>>)
    %dma_wait3A_322 = tpu.memref_slice %arg2[%add3A_288] : memref<3200000xi32, #tpu.memory_space<hbm>> -> memref<2000xi32, #tpu.memory_space<hbm>>
    %dma_wait3A_323 = tpu.memref_slice %arg2[%add3A_288] : memref<3200000xi32, #tpu.memory_space<hbm>> -> memref<2000xi32, #tpu.memory_space<hbm>>
    tpu.wait_dma2 semaphore(%arg19 : memref<!tpu.dma_semaphore, #tpu.memory_space<semaphore_mem>>) src(%dma_wait3A_323 : memref<2000xi32, #tpu.memory_space<hbm>>) dst(%arg9 : memref<2000xi32, #tpu.memory_space<vmem>>)
    %dma_wait3A_324 = tpu.memref_slice %arg2[%add3A_292] : memref<3200000xi32, #tpu.memory_space<hbm>> -> memref<2000xi32, #tpu.memory_space<hbm>>
    %dma_wait3A_325 = tpu.memref_slice %arg2[%add3A_292] : memref<3200000xi32, #tpu.memory_space<hbm>> -> memref<2000xi32, #tpu.memory_space<hbm>>
    tpu.wait_dma2 semaphore(%arg19 : memref<!tpu.dma_semaphore, #tpu.memory_space<semaphore_mem>>) src(%dma_wait3A_325 : memref<2000xi32, #tpu.memory_space<hbm>>) dst(%arg11 : memref<2000xi32, #tpu.memory_space<vmem>>)
    %scan3A_326 = arith.constant 0 : i32
    %scan3A_327 = arith.constant 0 : i32
    %scan3A_328 = arith.constant 125 : i32
    %scan3A_329 = arith.addi %scan3A_327, %scan3A_328 : i32
    %scan3A_330 = arith.constant 1 : i32
    %scan3A_331 = scf.for %scan3A_756 = %scan3A_327 to %scan3A_329 step %scan3A_330 iter_args(%scan3A_757 = %scan3A_326) -> (i32)  : i32 {
      %mul3A_758 = arith.constant 16 : i32
      %mul3A_759 = arith.muli %scan3A_756, %mul3A_758 : i32
      %get3A_760 = arith.index_cast %mul3A_759 : i32 to index
      %get3A_761 = tpu.vector_load %arg9[%get3A_760] {strides = array<i32>} : memref<2000xi32, #tpu.memory_space<vmem>>, vector<16xi32>,
      %mul3A_762 = arith.constant 16 : i32
      %mul3A_763 = arith.muli %scan3A_756, %mul3A_762 : i32
      %get3A_764 = arith.index_cast %mul3A_763 : i32 to index
      %get3A_765 = tpu.vector_load %arg11[%get3A_764] {strides = array<i32>} : memref<2000xi32, #tpu.memory_space<vmem>>, vector<16xi32>,
      %gather3A = tpu.vector_load_idx %arg7[%get3A_761] : memref<100096xf32, #tpu.memory_space<vmem>>[vector<16xi32>], vector<16xf32>,
      %gather3A_766 = tpu.vector_load_idx %arg7[%get3A_765] : memref<100096xf32, #tpu.memory_space<vmem>>[vector<16xi32>], vector<16xf32>,
      %mul3A_767 = arith.mulf %get3A_29, %gather3A : vector<16xf32>
      %mul3A_768 = arith.mulf %get3A_33, %gather3A_766 : vector<16xf32>
      %add3A_769 = arith.addf %mul3A_767, %mul3A_768 : vector<16xf32>
      %ge3A = arith.constant 0.000000e+00 : f32
      %ge3A_770 = vector.broadcast %ge3A : f32 to vector<16xf32>
      %ge3A_771 = arith.cmpf oge, %add3A_769, %ge3A_770 : vector<16xf32>
      %mul3A_772 = arith.constant 2.000000e-01 : f32
      %mul3A_773 = vector.broadcast %mul3A_772 : f32 to vector<16xf32>
      %mul3A_774 = arith.mulf %mul3A_773, %add3A_769 : vector<16xf32>
      %select_n3A = arith.select %ge3A_771, %add3A_769, %mul3A_774 : vector<16xi1>, vector<16xf32>
      %sub3A = arith.subf %select_n3A, %get3A_37 : vector<16xf32>
      %exp3A = math.exp %sub3A : vector<16xf32>
      %mul3A_775 = arith.constant 16 : i32
      %mul3A_776 = arith.muli %scan3A_756, %mul3A_775 : i32
      %swap3A_777 = arith.index_cast %mul3A_776 : i32 to index
      %swap3A_778 = tpu.vector_load %arg13[%swap3A_777] {strides = array<i32>} : memref<2000xf32, #tpu.memory_space<vmem>>, vector<16xf32>,
      tpu.vector_store %arg13[%swap3A_777], %exp3A {strides = array<i32>} : memref<2000xf32, #tpu.memory_space<vmem>>, vector<16xf32>,
      %mul3A_779 = arith.mulf %exp3A, %gather3A : vector<16xf32>
      %mul3A_780 = arith.constant 16 : i32
      %mul3A_781 = arith.muli %scan3A_756, %mul3A_780 : i32
      %swap3A_782 = arith.index_cast %mul3A_781 : i32 to index
      %swap3A_783 = tpu.vector_load %arg14[%swap3A_782] {strides = array<i32>} : memref<2000xf32, #tpu.memory_space<vmem>>, vector<16xf32>,
      tpu.vector_store %arg14[%swap3A_782], %mul3A_779 {strides = array<i32>} : memref<2000xf32, #tpu.memory_space<vmem>>, vector<16xf32>,
      %scan3A_784 = arith.constant 0 : i32
      scf.yield %scan3A_784 : i32
    }
    %scan3A_332 = arith.constant 125 : i32
    %dma_start3A_333 = arith.constant 0 : i32
    %dma_start3A_334 = tpu.memref_slice %arg17[%dma_start3A_333] : memref<100096xf32, #tpu.memory_space<vmem_shared>> -> memref<100096xf32, #tpu.memory_space<vmem_shared>>
    tpu.enqueue_indirect_dma source(%arg13 : memref<2000xf32, #tpu.memory_space<vmem>>) target(%dma_start3A_334 : memref<100096xf32, #tpu.memory_space<vmem_shared>>) offsets(%arg11 : memref<2000xi32, #tpu.memory_space<vmem>>) semaphore(%arg21 : memref<!tpu.dma_semaphore, #tpu.memory_space<semaphore_mem>>) {add = true}
    %dma_start3A_335 = arith.constant 0 : i32
    %dma_start3A_336 = tpu.memref_slice %arg16[%dma_start3A_335] : memref<100096xf32, #tpu.memory_space<vmem_shared>> -> memref<100096xf32, #tpu.memory_space<vmem_shared>>
    tpu.enqueue_indirect_dma source(%arg14 : memref<2000xf32, #tpu.memory_space<vmem>>) target(%dma_start3A_336 : memref<100096xf32, #tpu.memory_space<vmem_shared>>) offsets(%arg11 : memref<2000xi32, #tpu.memory_space<vmem>>) semaphore(%arg21 : memref<!tpu.dma_semaphore, #tpu.memory_space<semaphore_mem>>) {add = true}
    %dma_wait3A_337 = arith.constant 0 : i32
    %dma_wait3A_338 = tpu.memref_slice %arg17[%dma_wait3A_337] : memref<100096xf32, #tpu.memory_space<vmem_shared>> -> memref<100096xf32, #tpu.memory_space<vmem_shared>>
    tpu.wait_indirect_dma semaphore(%arg21 : memref<!tpu.dma_semaphore, #tpu.memory_space<semaphore_mem>>) src(%arg13 : memref<2000xf32, #tpu.memory_space<vmem>>) dst(%dma_wait3A_338 : memref<100096xf32, #tpu.memory_space<vmem_shared>>)
    %dma_wait3A_339 = arith.constant 0 : i32
    %dma_wait3A_340 = tpu.memref_slice %arg16[%dma_wait3A_339] : memref<100096xf32, #tpu.memory_space<vmem_shared>> -> memref<100096xf32, #tpu.memory_space<vmem_shared>>
    tpu.wait_indirect_dma semaphore(%arg21 : memref<!tpu.dma_semaphore, #tpu.memory_space<semaphore_mem>>) src(%arg14 : memref<2000xf32, #tpu.memory_space<vmem>>) dst(%dma_wait3A_340 : memref<100096xf32, #tpu.memory_space<vmem_shared>>)
    %add3A_341 = arith.constant 24000 : i32
    %add3A_342 = arith.addi %mul3A_2, %add3A_341 : i32
    %dma_start3A_343 = tpu.memref_slice %arg2[%add3A_342] : memref<3200000xi32, #tpu.memory_space<hbm>> -> memref<2000xi32, #tpu.memory_space<hbm>>
    %dma_start3A_344 = tpu.memref_slice %arg2[%add3A_342] : memref<3200000xi32, #tpu.memory_space<hbm>> -> memref<2000xi32, #tpu.memory_space<hbm>>
    tpu.enqueue_dma source(%dma_start3A_344 : memref<2000xi32, #tpu.memory_space<hbm>>) target(%arg9 : memref<2000xi32, #tpu.memory_space<vmem>>) target_semaphore(%arg19 : memref<!tpu.dma_semaphore, #tpu.memory_space<semaphore_mem>>)
    %add3A_345 = arith.constant 1600000 : i32
    %add3A_346 = arith.addi %add3A_345, %add3A_342 : i32
    %dma_start3A_347 = tpu.memref_slice %arg2[%add3A_346] : memref<3200000xi32, #tpu.memory_space<hbm>> -> memref<2000xi32, #tpu.memory_space<hbm>>
    %dma_start3A_348 = tpu.memref_slice %arg2[%add3A_346] : memref<3200000xi32, #tpu.memory_space<hbm>> -> memref<2000xi32, #tpu.memory_space<hbm>>
    tpu.enqueue_dma source(%dma_start3A_348 : memref<2000xi32, #tpu.memory_space<hbm>>) target(%arg11 : memref<2000xi32, #tpu.memory_space<vmem>>) target_semaphore(%arg19 : memref<!tpu.dma_semaphore, #tpu.memory_space<semaphore_mem>>)
    %dma_wait3A_349 = tpu.memref_slice %arg2[%add3A_315] : memref<3200000xi32, #tpu.memory_space<hbm>> -> memref<2000xi32, #tpu.memory_space<hbm>>
    %dma_wait3A_350 = tpu.memref_slice %arg2[%add3A_315] : memref<3200000xi32, #tpu.memory_space<hbm>> -> memref<2000xi32, #tpu.memory_space<hbm>>
    tpu.wait_dma2 semaphore(%arg20 : memref<!tpu.dma_semaphore, #tpu.memory_space<semaphore_mem>>) src(%dma_wait3A_350 : memref<2000xi32, #tpu.memory_space<hbm>>) dst(%arg10 : memref<2000xi32, #tpu.memory_space<vmem>>)
    %dma_wait3A_351 = tpu.memref_slice %arg2[%add3A_319] : memref<3200000xi32, #tpu.memory_space<hbm>> -> memref<2000xi32, #tpu.memory_space<hbm>>
    %dma_wait3A_352 = tpu.memref_slice %arg2[%add3A_319] : memref<3200000xi32, #tpu.memory_space<hbm>> -> memref<2000xi32, #tpu.memory_space<hbm>>
    tpu.wait_dma2 semaphore(%arg20 : memref<!tpu.dma_semaphore, #tpu.memory_space<semaphore_mem>>) src(%dma_wait3A_352 : memref<2000xi32, #tpu.memory_space<hbm>>) dst(%arg12 : memref<2000xi32, #tpu.memory_space<vmem>>)
    %scan3A_353 = arith.constant 0 : i32
    %scan3A_354 = arith.constant 0 : i32
    %scan3A_355 = arith.constant 125 : i32
    %scan3A_356 = arith.addi %scan3A_354, %scan3A_355 : i32
    %scan3A_357 = arith.constant 1 : i32
    %scan3A_358 = scf.for %scan3A_756 = %scan3A_354 to %scan3A_356 step %scan3A_357 iter_args(%scan3A_757 = %scan3A_353) -> (i32)  : i32 {
      %mul3A_758 = arith.constant 16 : i32
      %mul3A_759 = arith.muli %scan3A_756, %mul3A_758 : i32
      %get3A_760 = arith.index_cast %mul3A_759 : i32 to index
      %get3A_761 = tpu.vector_load %arg10[%get3A_760] {strides = array<i32>} : memref<2000xi32, #tpu.memory_space<vmem>>, vector<16xi32>,
      %mul3A_762 = arith.constant 16 : i32
      %mul3A_763 = arith.muli %scan3A_756, %mul3A_762 : i32
      %get3A_764 = arith.index_cast %mul3A_763 : i32 to index
      %get3A_765 = tpu.vector_load %arg12[%get3A_764] {strides = array<i32>} : memref<2000xi32, #tpu.memory_space<vmem>>, vector<16xi32>,
      %gather3A = tpu.vector_load_idx %arg7[%get3A_761] : memref<100096xf32, #tpu.memory_space<vmem>>[vector<16xi32>], vector<16xf32>,
      %gather3A_766 = tpu.vector_load_idx %arg7[%get3A_765] : memref<100096xf32, #tpu.memory_space<vmem>>[vector<16xi32>], vector<16xf32>,
      %mul3A_767 = arith.mulf %get3A_29, %gather3A : vector<16xf32>
      %mul3A_768 = arith.mulf %get3A_33, %gather3A_766 : vector<16xf32>
      %add3A_769 = arith.addf %mul3A_767, %mul3A_768 : vector<16xf32>
      %ge3A = arith.constant 0.000000e+00 : f32
      %ge3A_770 = vector.broadcast %ge3A : f32 to vector<16xf32>
      %ge3A_771 = arith.cmpf oge, %add3A_769, %ge3A_770 : vector<16xf32>
      %mul3A_772 = arith.constant 2.000000e-01 : f32
      %mul3A_773 = vector.broadcast %mul3A_772 : f32 to vector<16xf32>
      %mul3A_774 = arith.mulf %mul3A_773, %add3A_769 : vector<16xf32>
      %select_n3A = arith.select %ge3A_771, %add3A_769, %mul3A_774 : vector<16xi1>, vector<16xf32>
      %sub3A = arith.subf %select_n3A, %get3A_37 : vector<16xf32>
      %exp3A = math.exp %sub3A : vector<16xf32>
      %mul3A_775 = arith.constant 16 : i32
      %mul3A_776 = arith.muli %scan3A_756, %mul3A_775 : i32
      %swap3A_777 = arith.index_cast %mul3A_776 : i32 to index
      %swap3A_778 = tpu.vector_load %arg13[%swap3A_777] {strides = array<i32>} : memref<2000xf32, #tpu.memory_space<vmem>>, vector<16xf32>,
      tpu.vector_store %arg13[%swap3A_777], %exp3A {strides = array<i32>} : memref<2000xf32, #tpu.memory_space<vmem>>, vector<16xf32>,
      %mul3A_779 = arith.mulf %exp3A, %gather3A : vector<16xf32>
      %mul3A_780 = arith.constant 16 : i32
      %mul3A_781 = arith.muli %scan3A_756, %mul3A_780 : i32
      %swap3A_782 = arith.index_cast %mul3A_781 : i32 to index
      %swap3A_783 = tpu.vector_load %arg14[%swap3A_782] {strides = array<i32>} : memref<2000xf32, #tpu.memory_space<vmem>>, vector<16xf32>,
      tpu.vector_store %arg14[%swap3A_782], %mul3A_779 {strides = array<i32>} : memref<2000xf32, #tpu.memory_space<vmem>>, vector<16xf32>,
      %scan3A_784 = arith.constant 0 : i32
      scf.yield %scan3A_784 : i32
    }
    %scan3A_359 = arith.constant 125 : i32
    %dma_start3A_360 = arith.constant 0 : i32
    %dma_start3A_361 = tpu.memref_slice %arg17[%dma_start3A_360] : memref<100096xf32, #tpu.memory_space<vmem_shared>> -> memref<100096xf32, #tpu.memory_space<vmem_shared>>
    tpu.enqueue_indirect_dma source(%arg13 : memref<2000xf32, #tpu.memory_space<vmem>>) target(%dma_start3A_361 : memref<100096xf32, #tpu.memory_space<vmem_shared>>) offsets(%arg12 : memref<2000xi32, #tpu.memory_space<vmem>>) semaphore(%arg21 : memref<!tpu.dma_semaphore, #tpu.memory_space<semaphore_mem>>) {add = true}
    %dma_start3A_362 = arith.constant 0 : i32
    %dma_start3A_363 = tpu.memref_slice %arg16[%dma_start3A_362] : memref<100096xf32, #tpu.memory_space<vmem_shared>> -> memref<100096xf32, #tpu.memory_space<vmem_shared>>
    tpu.enqueue_indirect_dma source(%arg14 : memref<2000xf32, #tpu.memory_space<vmem>>) target(%dma_start3A_363 : memref<100096xf32, #tpu.memory_space<vmem_shared>>) offsets(%arg12 : memref<2000xi32, #tpu.memory_space<vmem>>) semaphore(%arg21 : memref<!tpu.dma_semaphore, #tpu.memory_space<semaphore_mem>>) {add = true}
    %dma_wait3A_364 = arith.constant 0 : i32
    %dma_wait3A_365 = tpu.memref_slice %arg17[%dma_wait3A_364] : memref<100096xf32, #tpu.memory_space<vmem_shared>> -> memref<100096xf32, #tpu.memory_space<vmem_shared>>
    tpu.wait_indirect_dma semaphore(%arg21 : memref<!tpu.dma_semaphore, #tpu.memory_space<semaphore_mem>>) src(%arg13 : memref<2000xf32, #tpu.memory_space<vmem>>) dst(%dma_wait3A_365 : memref<100096xf32, #tpu.memory_space<vmem_shared>>)
    %dma_wait3A_366 = arith.constant 0 : i32
    %dma_wait3A_367 = tpu.memref_slice %arg16[%dma_wait3A_366] : memref<100096xf32, #tpu.memory_space<vmem_shared>> -> memref<100096xf32, #tpu.memory_space<vmem_shared>>
    tpu.wait_indirect_dma semaphore(%arg21 : memref<!tpu.dma_semaphore, #tpu.memory_space<semaphore_mem>>) src(%arg14 : memref<2000xf32, #tpu.memory_space<vmem>>) dst(%dma_wait3A_367 : memref<100096xf32, #tpu.memory_space<vmem_shared>>)
    %add3A_368 = arith.constant 26000 : i32
    %add3A_369 = arith.addi %mul3A_2, %add3A_368 : i32
    %dma_start3A_370 = tpu.memref_slice %arg2[%add3A_369] : memref<3200000xi32, #tpu.memory_space<hbm>> -> memref<2000xi32, #tpu.memory_space<hbm>>
    %dma_start3A_371 = tpu.memref_slice %arg2[%add3A_369] : memref<3200000xi32, #tpu.memory_space<hbm>> -> memref<2000xi32, #tpu.memory_space<hbm>>
    tpu.enqueue_dma source(%dma_start3A_371 : memref<2000xi32, #tpu.memory_space<hbm>>) target(%arg10 : memref<2000xi32, #tpu.memory_space<vmem>>) target_semaphore(%arg20 : memref<!tpu.dma_semaphore, #tpu.memory_space<semaphore_mem>>)
    %add3A_372 = arith.constant 1600000 : i32
    %add3A_373 = arith.addi %add3A_372, %add3A_369 : i32
    %dma_start3A_374 = tpu.memref_slice %arg2[%add3A_373] : memref<3200000xi32, #tpu.memory_space<hbm>> -> memref<2000xi32, #tpu.memory_space<hbm>>
    %dma_start3A_375 = tpu.memref_slice %arg2[%add3A_373] : memref<3200000xi32, #tpu.memory_space<hbm>> -> memref<2000xi32, #tpu.memory_space<hbm>>
    tpu.enqueue_dma source(%dma_start3A_375 : memref<2000xi32, #tpu.memory_space<hbm>>) target(%arg12 : memref<2000xi32, #tpu.memory_space<vmem>>) target_semaphore(%arg20 : memref<!tpu.dma_semaphore, #tpu.memory_space<semaphore_mem>>)
    %dma_wait3A_376 = tpu.memref_slice %arg2[%add3A_342] : memref<3200000xi32, #tpu.memory_space<hbm>> -> memref<2000xi32, #tpu.memory_space<hbm>>
    %dma_wait3A_377 = tpu.memref_slice %arg2[%add3A_342] : memref<3200000xi32, #tpu.memory_space<hbm>> -> memref<2000xi32, #tpu.memory_space<hbm>>
    tpu.wait_dma2 semaphore(%arg19 : memref<!tpu.dma_semaphore, #tpu.memory_space<semaphore_mem>>) src(%dma_wait3A_377 : memref<2000xi32, #tpu.memory_space<hbm>>) dst(%arg9 : memref<2000xi32, #tpu.memory_space<vmem>>)
    %dma_wait3A_378 = tpu.memref_slice %arg2[%add3A_346] : memref<3200000xi32, #tpu.memory_space<hbm>> -> memref<2000xi32, #tpu.memory_space<hbm>>
    %dma_wait3A_379 = tpu.memref_slice %arg2[%add3A_346] : memref<3200000xi32, #tpu.memory_space<hbm>> -> memref<2000xi32, #tpu.memory_space<hbm>>
    tpu.wait_dma2 semaphore(%arg19 : memref<!tpu.dma_semaphore, #tpu.memory_space<semaphore_mem>>) src(%dma_wait3A_379 : memref<2000xi32, #tpu.memory_space<hbm>>) dst(%arg11 : memref<2000xi32, #tpu.memory_space<vmem>>)
    %scan3A_380 = arith.constant 0 : i32
    %scan3A_381 = arith.constant 0 : i32
    %scan3A_382 = arith.constant 125 : i32
    %scan3A_383 = arith.addi %scan3A_381, %scan3A_382 : i32
    %scan3A_384 = arith.constant 1 : i32
    %scan3A_385 = scf.for %scan3A_756 = %scan3A_381 to %scan3A_383 step %scan3A_384 iter_args(%scan3A_757 = %scan3A_380) -> (i32)  : i32 {
      %mul3A_758 = arith.constant 16 : i32
      %mul3A_759 = arith.muli %scan3A_756, %mul3A_758 : i32
      %get3A_760 = arith.index_cast %mul3A_759 : i32 to index
      %get3A_761 = tpu.vector_load %arg9[%get3A_760] {strides = array<i32>} : memref<2000xi32, #tpu.memory_space<vmem>>, vector<16xi32>,
      %mul3A_762 = arith.constant 16 : i32
      %mul3A_763 = arith.muli %scan3A_756, %mul3A_762 : i32
      %get3A_764 = arith.index_cast %mul3A_763 : i32 to index
      %get3A_765 = tpu.vector_load %arg11[%get3A_764] {strides = array<i32>} : memref<2000xi32, #tpu.memory_space<vmem>>, vector<16xi32>,
      %gather3A = tpu.vector_load_idx %arg7[%get3A_761] : memref<100096xf32, #tpu.memory_space<vmem>>[vector<16xi32>], vector<16xf32>,
      %gather3A_766 = tpu.vector_load_idx %arg7[%get3A_765] : memref<100096xf32, #tpu.memory_space<vmem>>[vector<16xi32>], vector<16xf32>,
      %mul3A_767 = arith.mulf %get3A_29, %gather3A : vector<16xf32>
      %mul3A_768 = arith.mulf %get3A_33, %gather3A_766 : vector<16xf32>
      %add3A_769 = arith.addf %mul3A_767, %mul3A_768 : vector<16xf32>
      %ge3A = arith.constant 0.000000e+00 : f32
      %ge3A_770 = vector.broadcast %ge3A : f32 to vector<16xf32>
      %ge3A_771 = arith.cmpf oge, %add3A_769, %ge3A_770 : vector<16xf32>
      %mul3A_772 = arith.constant 2.000000e-01 : f32
      %mul3A_773 = vector.broadcast %mul3A_772 : f32 to vector<16xf32>
      %mul3A_774 = arith.mulf %mul3A_773, %add3A_769 : vector<16xf32>
      %select_n3A = arith.select %ge3A_771, %add3A_769, %mul3A_774 : vector<16xi1>, vector<16xf32>
      %sub3A = arith.subf %select_n3A, %get3A_37 : vector<16xf32>
      %exp3A = math.exp %sub3A : vector<16xf32>
      %mul3A_775 = arith.constant 16 : i32
      %mul3A_776 = arith.muli %scan3A_756, %mul3A_775 : i32
      %swap3A_777 = arith.index_cast %mul3A_776 : i32 to index
      %swap3A_778 = tpu.vector_load %arg13[%swap3A_777] {strides = array<i32>} : memref<2000xf32, #tpu.memory_space<vmem>>, vector<16xf32>,
      tpu.vector_store %arg13[%swap3A_777], %exp3A {strides = array<i32>} : memref<2000xf32, #tpu.memory_space<vmem>>, vector<16xf32>,
      %mul3A_779 = arith.mulf %exp3A, %gather3A : vector<16xf32>
      %mul3A_780 = arith.constant 16 : i32
      %mul3A_781 = arith.muli %scan3A_756, %mul3A_780 : i32
      %swap3A_782 = arith.index_cast %mul3A_781 : i32 to index
      %swap3A_783 = tpu.vector_load %arg14[%swap3A_782] {strides = array<i32>} : memref<2000xf32, #tpu.memory_space<vmem>>, vector<16xf32>,
      tpu.vector_store %arg14[%swap3A_782], %mul3A_779 {strides = array<i32>} : memref<2000xf32, #tpu.memory_space<vmem>>, vector<16xf32>,
      %scan3A_784 = arith.constant 0 : i32
      scf.yield %scan3A_784 : i32
    }
    %scan3A_386 = arith.constant 125 : i32
    %dma_start3A_387 = arith.constant 0 : i32
    %dma_start3A_388 = tpu.memref_slice %arg17[%dma_start3A_387] : memref<100096xf32, #tpu.memory_space<vmem_shared>> -> memref<100096xf32, #tpu.memory_space<vmem_shared>>
    tpu.enqueue_indirect_dma source(%arg13 : memref<2000xf32, #tpu.memory_space<vmem>>) target(%dma_start3A_388 : memref<100096xf32, #tpu.memory_space<vmem_shared>>) offsets(%arg11 : memref<2000xi32, #tpu.memory_space<vmem>>) semaphore(%arg21 : memref<!tpu.dma_semaphore, #tpu.memory_space<semaphore_mem>>) {add = true}
    %dma_start3A_389 = arith.constant 0 : i32
    %dma_start3A_390 = tpu.memref_slice %arg16[%dma_start3A_389] : memref<100096xf32, #tpu.memory_space<vmem_shared>> -> memref<100096xf32, #tpu.memory_space<vmem_shared>>
    tpu.enqueue_indirect_dma source(%arg14 : memref<2000xf32, #tpu.memory_space<vmem>>) target(%dma_start3A_390 : memref<100096xf32, #tpu.memory_space<vmem_shared>>) offsets(%arg11 : memref<2000xi32, #tpu.memory_space<vmem>>) semaphore(%arg21 : memref<!tpu.dma_semaphore, #tpu.memory_space<semaphore_mem>>) {add = true}
    %dma_wait3A_391 = arith.constant 0 : i32
    %dma_wait3A_392 = tpu.memref_slice %arg17[%dma_wait3A_391] : memref<100096xf32, #tpu.memory_space<vmem_shared>> -> memref<100096xf32, #tpu.memory_space<vmem_shared>>
    tpu.wait_indirect_dma semaphore(%arg21 : memref<!tpu.dma_semaphore, #tpu.memory_space<semaphore_mem>>) src(%arg13 : memref<2000xf32, #tpu.memory_space<vmem>>) dst(%dma_wait3A_392 : memref<100096xf32, #tpu.memory_space<vmem_shared>>)
    %dma_wait3A_393 = arith.constant 0 : i32
    %dma_wait3A_394 = tpu.memref_slice %arg16[%dma_wait3A_393] : memref<100096xf32, #tpu.memory_space<vmem_shared>> -> memref<100096xf32, #tpu.memory_space<vmem_shared>>
    tpu.wait_indirect_dma semaphore(%arg21 : memref<!tpu.dma_semaphore, #tpu.memory_space<semaphore_mem>>) src(%arg14 : memref<2000xf32, #tpu.memory_space<vmem>>) dst(%dma_wait3A_394 : memref<100096xf32, #tpu.memory_space<vmem_shared>>)
    %add3A_395 = arith.constant 28000 : i32
    %add3A_396 = arith.addi %mul3A_2, %add3A_395 : i32
    %dma_start3A_397 = tpu.memref_slice %arg2[%add3A_396] : memref<3200000xi32, #tpu.memory_space<hbm>> -> memref<2000xi32, #tpu.memory_space<hbm>>
    %dma_start3A_398 = tpu.memref_slice %arg2[%add3A_396] : memref<3200000xi32, #tpu.memory_space<hbm>> -> memref<2000xi32, #tpu.memory_space<hbm>>
    tpu.enqueue_dma source(%dma_start3A_398 : memref<2000xi32, #tpu.memory_space<hbm>>) target(%arg9 : memref<2000xi32, #tpu.memory_space<vmem>>) target_semaphore(%arg19 : memref<!tpu.dma_semaphore, #tpu.memory_space<semaphore_mem>>)
    %add3A_399 = arith.constant 1600000 : i32
    %add3A_400 = arith.addi %add3A_399, %add3A_396 : i32
    %dma_start3A_401 = tpu.memref_slice %arg2[%add3A_400] : memref<3200000xi32, #tpu.memory_space<hbm>> -> memref<2000xi32, #tpu.memory_space<hbm>>
    %dma_start3A_402 = tpu.memref_slice %arg2[%add3A_400] : memref<3200000xi32, #tpu.memory_space<hbm>> -> memref<2000xi32, #tpu.memory_space<hbm>>
    tpu.enqueue_dma source(%dma_start3A_402 : memref<2000xi32, #tpu.memory_space<hbm>>) target(%arg11 : memref<2000xi32, #tpu.memory_space<vmem>>) target_semaphore(%arg19 : memref<!tpu.dma_semaphore, #tpu.memory_space<semaphore_mem>>)
    %dma_wait3A_403 = tpu.memref_slice %arg2[%add3A_369] : memref<3200000xi32, #tpu.memory_space<hbm>> -> memref<2000xi32, #tpu.memory_space<hbm>>
    %dma_wait3A_404 = tpu.memref_slice %arg2[%add3A_369] : memref<3200000xi32, #tpu.memory_space<hbm>> -> memref<2000xi32, #tpu.memory_space<hbm>>
    tpu.wait_dma2 semaphore(%arg20 : memref<!tpu.dma_semaphore, #tpu.memory_space<semaphore_mem>>) src(%dma_wait3A_404 : memref<2000xi32, #tpu.memory_space<hbm>>) dst(%arg10 : memref<2000xi32, #tpu.memory_space<vmem>>)
    %dma_wait3A_405 = tpu.memref_slice %arg2[%add3A_373] : memref<3200000xi32, #tpu.memory_space<hbm>> -> memref<2000xi32, #tpu.memory_space<hbm>>
    %dma_wait3A_406 = tpu.memref_slice %arg2[%add3A_373] : memref<3200000xi32, #tpu.memory_space<hbm>> -> memref<2000xi32, #tpu.memory_space<hbm>>
    tpu.wait_dma2 semaphore(%arg20 : memref<!tpu.dma_semaphore, #tpu.memory_space<semaphore_mem>>) src(%dma_wait3A_406 : memref<2000xi32, #tpu.memory_space<hbm>>) dst(%arg12 : memref<2000xi32, #tpu.memory_space<vmem>>)
    %scan3A_407 = arith.constant 0 : i32
    %scan3A_408 = arith.constant 0 : i32
    %scan3A_409 = arith.constant 125 : i32
    %scan3A_410 = arith.addi %scan3A_408, %scan3A_409 : i32
    %scan3A_411 = arith.constant 1 : i32
    %scan3A_412 = scf.for %scan3A_756 = %scan3A_408 to %scan3A_410 step %scan3A_411 iter_args(%scan3A_757 = %scan3A_407) -> (i32)  : i32 {
      %mul3A_758 = arith.constant 16 : i32
      %mul3A_759 = arith.muli %scan3A_756, %mul3A_758 : i32
      %get3A_760 = arith.index_cast %mul3A_759 : i32 to index
      %get3A_761 = tpu.vector_load %arg10[%get3A_760] {strides = array<i32>} : memref<2000xi32, #tpu.memory_space<vmem>>, vector<16xi32>,
      %mul3A_762 = arith.constant 16 : i32
      %mul3A_763 = arith.muli %scan3A_756, %mul3A_762 : i32
      %get3A_764 = arith.index_cast %mul3A_763 : i32 to index
      %get3A_765 = tpu.vector_load %arg12[%get3A_764] {strides = array<i32>} : memref<2000xi32, #tpu.memory_space<vmem>>, vector<16xi32>,
      %gather3A = tpu.vector_load_idx %arg7[%get3A_761] : memref<100096xf32, #tpu.memory_space<vmem>>[vector<16xi32>], vector<16xf32>,
      %gather3A_766 = tpu.vector_load_idx %arg7[%get3A_765] : memref<100096xf32, #tpu.memory_space<vmem>>[vector<16xi32>], vector<16xf32>,
      %mul3A_767 = arith.mulf %get3A_29, %gather3A : vector<16xf32>
      %mul3A_768 = arith.mulf %get3A_33, %gather3A_766 : vector<16xf32>
      %add3A_769 = arith.addf %mul3A_767, %mul3A_768 : vector<16xf32>
      %ge3A = arith.constant 0.000000e+00 : f32
      %ge3A_770 = vector.broadcast %ge3A : f32 to vector<16xf32>
      %ge3A_771 = arith.cmpf oge, %add3A_769, %ge3A_770 : vector<16xf32>
      %mul3A_772 = arith.constant 2.000000e-01 : f32
      %mul3A_773 = vector.broadcast %mul3A_772 : f32 to vector<16xf32>
      %mul3A_774 = arith.mulf %mul3A_773, %add3A_769 : vector<16xf32>
      %select_n3A = arith.select %ge3A_771, %add3A_769, %mul3A_774 : vector<16xi1>, vector<16xf32>
      %sub3A = arith.subf %select_n3A, %get3A_37 : vector<16xf32>
      %exp3A = math.exp %sub3A : vector<16xf32>
      %mul3A_775 = arith.constant 16 : i32
      %mul3A_776 = arith.muli %scan3A_756, %mul3A_775 : i32
      %swap3A_777 = arith.index_cast %mul3A_776 : i32 to index
      %swap3A_778 = tpu.vector_load %arg13[%swap3A_777] {strides = array<i32>} : memref<2000xf32, #tpu.memory_space<vmem>>, vector<16xf32>,
      tpu.vector_store %arg13[%swap3A_777], %exp3A {strides = array<i32>} : memref<2000xf32, #tpu.memory_space<vmem>>, vector<16xf32>,
      %mul3A_779 = arith.mulf %exp3A, %gather3A : vector<16xf32>
      %mul3A_780 = arith.constant 16 : i32
      %mul3A_781 = arith.muli %scan3A_756, %mul3A_780 : i32
      %swap3A_782 = arith.index_cast %mul3A_781 : i32 to index
      %swap3A_783 = tpu.vector_load %arg14[%swap3A_782] {strides = array<i32>} : memref<2000xf32, #tpu.memory_space<vmem>>, vector<16xf32>,
      tpu.vector_store %arg14[%swap3A_782], %mul3A_779 {strides = array<i32>} : memref<2000xf32, #tpu.memory_space<vmem>>, vector<16xf32>,
      %scan3A_784 = arith.constant 0 : i32
      scf.yield %scan3A_784 : i32
    }
    %scan3A_413 = arith.constant 125 : i32
    %dma_start3A_414 = arith.constant 0 : i32
    %dma_start3A_415 = tpu.memref_slice %arg17[%dma_start3A_414] : memref<100096xf32, #tpu.memory_space<vmem_shared>> -> memref<100096xf32, #tpu.memory_space<vmem_shared>>
    tpu.enqueue_indirect_dma source(%arg13 : memref<2000xf32, #tpu.memory_space<vmem>>) target(%dma_start3A_415 : memref<100096xf32, #tpu.memory_space<vmem_shared>>) offsets(%arg12 : memref<2000xi32, #tpu.memory_space<vmem>>) semaphore(%arg21 : memref<!tpu.dma_semaphore, #tpu.memory_space<semaphore_mem>>) {add = true}
    %dma_start3A_416 = arith.constant 0 : i32
    %dma_start3A_417 = tpu.memref_slice %arg16[%dma_start3A_416] : memref<100096xf32, #tpu.memory_space<vmem_shared>> -> memref<100096xf32, #tpu.memory_space<vmem_shared>>
    tpu.enqueue_indirect_dma source(%arg14 : memref<2000xf32, #tpu.memory_space<vmem>>) target(%dma_start3A_417 : memref<100096xf32, #tpu.memory_space<vmem_shared>>) offsets(%arg12 : memref<2000xi32, #tpu.memory_space<vmem>>) semaphore(%arg21 : memref<!tpu.dma_semaphore, #tpu.memory_space<semaphore_mem>>) {add = true}
    %dma_wait3A_418 = arith.constant 0 : i32
    %dma_wait3A_419 = tpu.memref_slice %arg17[%dma_wait3A_418] : memref<100096xf32, #tpu.memory_space<vmem_shared>> -> memref<100096xf32, #tpu.memory_space<vmem_shared>>
    tpu.wait_indirect_dma semaphore(%arg21 : memref<!tpu.dma_semaphore, #tpu.memory_space<semaphore_mem>>) src(%arg13 : memref<2000xf32, #tpu.memory_space<vmem>>) dst(%dma_wait3A_419 : memref<100096xf32, #tpu.memory_space<vmem_shared>>)
    %dma_wait3A_420 = arith.constant 0 : i32
    %dma_wait3A_421 = tpu.memref_slice %arg16[%dma_wait3A_420] : memref<100096xf32, #tpu.memory_space<vmem_shared>> -> memref<100096xf32, #tpu.memory_space<vmem_shared>>
    tpu.wait_indirect_dma semaphore(%arg21 : memref<!tpu.dma_semaphore, #tpu.memory_space<semaphore_mem>>) src(%arg14 : memref<2000xf32, #tpu.memory_space<vmem>>) dst(%dma_wait3A_421 : memref<100096xf32, #tpu.memory_space<vmem_shared>>)
    %add3A_422 = arith.constant 30000 : i32
    %add3A_423 = arith.addi %mul3A_2, %add3A_422 : i32
    %dma_start3A_424 = tpu.memref_slice %arg2[%add3A_423] : memref<3200000xi32, #tpu.memory_space<hbm>> -> memref<2000xi32, #tpu.memory_space<hbm>>
    %dma_start3A_425 = tpu.memref_slice %arg2[%add3A_423] : memref<3200000xi32, #tpu.memory_space<hbm>> -> memref<2000xi32, #tpu.memory_space<hbm>>
    tpu.enqueue_dma source(%dma_start3A_425 : memref<2000xi32, #tpu.memory_space<hbm>>) target(%arg10 : memref<2000xi32, #tpu.memory_space<vmem>>) target_semaphore(%arg20 : memref<!tpu.dma_semaphore, #tpu.memory_space<semaphore_mem>>)
    %add3A_426 = arith.constant 1600000 : i32
    %add3A_427 = arith.addi %add3A_426, %add3A_423 : i32
    %dma_start3A_428 = tpu.memref_slice %arg2[%add3A_427] : memref<3200000xi32, #tpu.memory_space<hbm>> -> memref<2000xi32, #tpu.memory_space<hbm>>
    %dma_start3A_429 = tpu.memref_slice %arg2[%add3A_427] : memref<3200000xi32, #tpu.memory_space<hbm>> -> memref<2000xi32, #tpu.memory_space<hbm>>
    tpu.enqueue_dma source(%dma_start3A_429 : memref<2000xi32, #tpu.memory_space<hbm>>) target(%arg12 : memref<2000xi32, #tpu.memory_space<vmem>>) target_semaphore(%arg20 : memref<!tpu.dma_semaphore, #tpu.memory_space<semaphore_mem>>)
    %dma_wait3A_430 = tpu.memref_slice %arg2[%add3A_396] : memref<3200000xi32, #tpu.memory_space<hbm>> -> memref<2000xi32, #tpu.memory_space<hbm>>
    %dma_wait3A_431 = tpu.memref_slice %arg2[%add3A_396] : memref<3200000xi32, #tpu.memory_space<hbm>> -> memref<2000xi32, #tpu.memory_space<hbm>>
    tpu.wait_dma2 semaphore(%arg19 : memref<!tpu.dma_semaphore, #tpu.memory_space<semaphore_mem>>) src(%dma_wait3A_431 : memref<2000xi32, #tpu.memory_space<hbm>>) dst(%arg9 : memref<2000xi32, #tpu.memory_space<vmem>>)
    %dma_wait3A_432 = tpu.memref_slice %arg2[%add3A_400] : memref<3200000xi32, #tpu.memory_space<hbm>> -> memref<2000xi32, #tpu.memory_space<hbm>>
    %dma_wait3A_433 = tpu.memref_slice %arg2[%add3A_400] : memref<3200000xi32, #tpu.memory_space<hbm>> -> memref<2000xi32, #tpu.memory_space<hbm>>
    tpu.wait_dma2 semaphore(%arg19 : memref<!tpu.dma_semaphore, #tpu.memory_space<semaphore_mem>>) src(%dma_wait3A_433 : memref<2000xi32, #tpu.memory_space<hbm>>) dst(%arg11 : memref<2000xi32, #tpu.memory_space<vmem>>)
    %scan3A_434 = arith.constant 0 : i32
    %scan3A_435 = arith.constant 0 : i32
    %scan3A_436 = arith.constant 125 : i32
    %scan3A_437 = arith.addi %scan3A_435, %scan3A_436 : i32
    %scan3A_438 = arith.constant 1 : i32
    %scan3A_439 = scf.for %scan3A_756 = %scan3A_435 to %scan3A_437 step %scan3A_438 iter_args(%scan3A_757 = %scan3A_434) -> (i32)  : i32 {
      %mul3A_758 = arith.constant 16 : i32
      %mul3A_759 = arith.muli %scan3A_756, %mul3A_758 : i32
      %get3A_760 = arith.index_cast %mul3A_759 : i32 to index
      %get3A_761 = tpu.vector_load %arg9[%get3A_760] {strides = array<i32>} : memref<2000xi32, #tpu.memory_space<vmem>>, vector<16xi32>,
      %mul3A_762 = arith.constant 16 : i32
      %mul3A_763 = arith.muli %scan3A_756, %mul3A_762 : i32
      %get3A_764 = arith.index_cast %mul3A_763 : i32 to index
      %get3A_765 = tpu.vector_load %arg11[%get3A_764] {strides = array<i32>} : memref<2000xi32, #tpu.memory_space<vmem>>, vector<16xi32>,
      %gather3A = tpu.vector_load_idx %arg7[%get3A_761] : memref<100096xf32, #tpu.memory_space<vmem>>[vector<16xi32>], vector<16xf32>,
      %gather3A_766 = tpu.vector_load_idx %arg7[%get3A_765] : memref<100096xf32, #tpu.memory_space<vmem>>[vector<16xi32>], vector<16xf32>,
      %mul3A_767 = arith.mulf %get3A_29, %gather3A : vector<16xf32>
      %mul3A_768 = arith.mulf %get3A_33, %gather3A_766 : vector<16xf32>
      %add3A_769 = arith.addf %mul3A_767, %mul3A_768 : vector<16xf32>
      %ge3A = arith.constant 0.000000e+00 : f32
      %ge3A_770 = vector.broadcast %ge3A : f32 to vector<16xf32>
      %ge3A_771 = arith.cmpf oge, %add3A_769, %ge3A_770 : vector<16xf32>
      %mul3A_772 = arith.constant 2.000000e-01 : f32
      %mul3A_773 = vector.broadcast %mul3A_772 : f32 to vector<16xf32>
      %mul3A_774 = arith.mulf %mul3A_773, %add3A_769 : vector<16xf32>
      %select_n3A = arith.select %ge3A_771, %add3A_769, %mul3A_774 : vector<16xi1>, vector<16xf32>
      %sub3A = arith.subf %select_n3A, %get3A_37 : vector<16xf32>
      %exp3A = math.exp %sub3A : vector<16xf32>
      %mul3A_775 = arith.constant 16 : i32
      %mul3A_776 = arith.muli %scan3A_756, %mul3A_775 : i32
      %swap3A_777 = arith.index_cast %mul3A_776 : i32 to index
      %swap3A_778 = tpu.vector_load %arg13[%swap3A_777] {strides = array<i32>} : memref<2000xf32, #tpu.memory_space<vmem>>, vector<16xf32>,
      tpu.vector_store %arg13[%swap3A_777], %exp3A {strides = array<i32>} : memref<2000xf32, #tpu.memory_space<vmem>>, vector<16xf32>,
      %mul3A_779 = arith.mulf %exp3A, %gather3A : vector<16xf32>
      %mul3A_780 = arith.constant 16 : i32
      %mul3A_781 = arith.muli %scan3A_756, %mul3A_780 : i32
      %swap3A_782 = arith.index_cast %mul3A_781 : i32 to index
      %swap3A_783 = tpu.vector_load %arg14[%swap3A_782] {strides = array<i32>} : memref<2000xf32, #tpu.memory_space<vmem>>, vector<16xf32>,
      tpu.vector_store %arg14[%swap3A_782], %mul3A_779 {strides = array<i32>} : memref<2000xf32, #tpu.memory_space<vmem>>, vector<16xf32>,
      %scan3A_784 = arith.constant 0 : i32
      scf.yield %scan3A_784 : i32
    }
    %scan3A_440 = arith.constant 125 : i32
    %dma_start3A_441 = arith.constant 0 : i32
    %dma_start3A_442 = tpu.memref_slice %arg17[%dma_start3A_441] : memref<100096xf32, #tpu.memory_space<vmem_shared>> -> memref<100096xf32, #tpu.memory_space<vmem_shared>>
    tpu.enqueue_indirect_dma source(%arg13 : memref<2000xf32, #tpu.memory_space<vmem>>) target(%dma_start3A_442 : memref<100096xf32, #tpu.memory_space<vmem_shared>>) offsets(%arg11 : memref<2000xi32, #tpu.memory_space<vmem>>) semaphore(%arg21 : memref<!tpu.dma_semaphore, #tpu.memory_space<semaphore_mem>>) {add = true}
    %dma_start3A_443 = arith.constant 0 : i32
    %dma_start3A_444 = tpu.memref_slice %arg16[%dma_start3A_443] : memref<100096xf32, #tpu.memory_space<vmem_shared>> -> memref<100096xf32, #tpu.memory_space<vmem_shared>>
    tpu.enqueue_indirect_dma source(%arg14 : memref<2000xf32, #tpu.memory_space<vmem>>) target(%dma_start3A_444 : memref<100096xf32, #tpu.memory_space<vmem_shared>>) offsets(%arg11 : memref<2000xi32, #tpu.memory_space<vmem>>) semaphore(%arg21 : memref<!tpu.dma_semaphore, #tpu.memory_space<semaphore_mem>>) {add = true}
    %dma_wait3A_445 = arith.constant 0 : i32
    %dma_wait3A_446 = tpu.memref_slice %arg17[%dma_wait3A_445] : memref<100096xf32, #tpu.memory_space<vmem_shared>> -> memref<100096xf32, #tpu.memory_space<vmem_shared>>
    tpu.wait_indirect_dma semaphore(%arg21 : memref<!tpu.dma_semaphore, #tpu.memory_space<semaphore_mem>>) src(%arg13 : memref<2000xf32, #tpu.memory_space<vmem>>) dst(%dma_wait3A_446 : memref<100096xf32, #tpu.memory_space<vmem_shared>>)
    %dma_wait3A_447 = arith.constant 0 : i32
    %dma_wait3A_448 = tpu.memref_slice %arg16[%dma_wait3A_447] : memref<100096xf32, #tpu.memory_space<vmem_shared>> -> memref<100096xf32, #tpu.memory_space<vmem_shared>>
    tpu.wait_indirect_dma semaphore(%arg21 : memref<!tpu.dma_semaphore, #tpu.memory_space<semaphore_mem>>) src(%arg14 : memref<2000xf32, #tpu.memory_space<vmem>>) dst(%dma_wait3A_448 : memref<100096xf32, #tpu.memory_space<vmem_shared>>)
    %add3A_449 = arith.constant 32000 : i32
    %add3A_450 = arith.addi %mul3A_2, %add3A_449 : i32
    %dma_start3A_451 = tpu.memref_slice %arg2[%add3A_450] : memref<3200000xi32, #tpu.memory_space<hbm>> -> memref<2000xi32, #tpu.memory_space<hbm>>
    %dma_start3A_452 = tpu.memref_slice %arg2[%add3A_450] : memref<3200000xi32, #tpu.memory_space<hbm>> -> memref<2000xi32, #tpu.memory_space<hbm>>
    tpu.enqueue_dma source(%dma_start3A_452 : memref<2000xi32, #tpu.memory_space<hbm>>) target(%arg9 : memref<2000xi32, #tpu.memory_space<vmem>>) target_semaphore(%arg19 : memref<!tpu.dma_semaphore, #tpu.memory_space<semaphore_mem>>)
    %add3A_453 = arith.constant 1600000 : i32
    %add3A_454 = arith.addi %add3A_453, %add3A_450 : i32
    %dma_start3A_455 = tpu.memref_slice %arg2[%add3A_454] : memref<3200000xi32, #tpu.memory_space<hbm>> -> memref<2000xi32, #tpu.memory_space<hbm>>
    %dma_start3A_456 = tpu.memref_slice %arg2[%add3A_454] : memref<3200000xi32, #tpu.memory_space<hbm>> -> memref<2000xi32, #tpu.memory_space<hbm>>
    tpu.enqueue_dma source(%dma_start3A_456 : memref<2000xi32, #tpu.memory_space<hbm>>) target(%arg11 : memref<2000xi32, #tpu.memory_space<vmem>>) target_semaphore(%arg19 : memref<!tpu.dma_semaphore, #tpu.memory_space<semaphore_mem>>)
    %dma_wait3A_457 = tpu.memref_slice %arg2[%add3A_423] : memref<3200000xi32, #tpu.memory_space<hbm>> -> memref<2000xi32, #tpu.memory_space<hbm>>
    %dma_wait3A_458 = tpu.memref_slice %arg2[%add3A_423] : memref<3200000xi32, #tpu.memory_space<hbm>> -> memref<2000xi32, #tpu.memory_space<hbm>>
    tpu.wait_dma2 semaphore(%arg20 : memref<!tpu.dma_semaphore, #tpu.memory_space<semaphore_mem>>) src(%dma_wait3A_458 : memref<2000xi32, #tpu.memory_space<hbm>>) dst(%arg10 : memref<2000xi32, #tpu.memory_space<vmem>>)
    %dma_wait3A_459 = tpu.memref_slice %arg2[%add3A_427] : memref<3200000xi32, #tpu.memory_space<hbm>> -> memref<2000xi32, #tpu.memory_space<hbm>>
    %dma_wait3A_460 = tpu.memref_slice %arg2[%add3A_427] : memref<3200000xi32, #tpu.memory_space<hbm>> -> memref<2000xi32, #tpu.memory_space<hbm>>
    tpu.wait_dma2 semaphore(%arg20 : memref<!tpu.dma_semaphore, #tpu.memory_space<semaphore_mem>>) src(%dma_wait3A_460 : memref<2000xi32, #tpu.memory_space<hbm>>) dst(%arg12 : memref<2000xi32, #tpu.memory_space<vmem>>)
    %scan3A_461 = arith.constant 0 : i32
    %scan3A_462 = arith.constant 0 : i32
    %scan3A_463 = arith.constant 125 : i32
    %scan3A_464 = arith.addi %scan3A_462, %scan3A_463 : i32
    %scan3A_465 = arith.constant 1 : i32
    %scan3A_466 = scf.for %scan3A_756 = %scan3A_462 to %scan3A_464 step %scan3A_465 iter_args(%scan3A_757 = %scan3A_461) -> (i32)  : i32 {
      %mul3A_758 = arith.constant 16 : i32
      %mul3A_759 = arith.muli %scan3A_756, %mul3A_758 : i32
      %get3A_760 = arith.index_cast %mul3A_759 : i32 to index
      %get3A_761 = tpu.vector_load %arg10[%get3A_760] {strides = array<i32>} : memref<2000xi32, #tpu.memory_space<vmem>>, vector<16xi32>,
      %mul3A_762 = arith.constant 16 : i32
      %mul3A_763 = arith.muli %scan3A_756, %mul3A_762 : i32
      %get3A_764 = arith.index_cast %mul3A_763 : i32 to index
      %get3A_765 = tpu.vector_load %arg12[%get3A_764] {strides = array<i32>} : memref<2000xi32, #tpu.memory_space<vmem>>, vector<16xi32>,
      %gather3A = tpu.vector_load_idx %arg7[%get3A_761] : memref<100096xf32, #tpu.memory_space<vmem>>[vector<16xi32>], vector<16xf32>,
      %gather3A_766 = tpu.vector_load_idx %arg7[%get3A_765] : memref<100096xf32, #tpu.memory_space<vmem>>[vector<16xi32>], vector<16xf32>,
      %mul3A_767 = arith.mulf %get3A_29, %gather3A : vector<16xf32>
      %mul3A_768 = arith.mulf %get3A_33, %gather3A_766 : vector<16xf32>
      %add3A_769 = arith.addf %mul3A_767, %mul3A_768 : vector<16xf32>
      %ge3A = arith.constant 0.000000e+00 : f32
      %ge3A_770 = vector.broadcast %ge3A : f32 to vector<16xf32>
      %ge3A_771 = arith.cmpf oge, %add3A_769, %ge3A_770 : vector<16xf32>
      %mul3A_772 = arith.constant 2.000000e-01 : f32
      %mul3A_773 = vector.broadcast %mul3A_772 : f32 to vector<16xf32>
      %mul3A_774 = arith.mulf %mul3A_773, %add3A_769 : vector<16xf32>
      %select_n3A = arith.select %ge3A_771, %add3A_769, %mul3A_774 : vector<16xi1>, vector<16xf32>
      %sub3A = arith.subf %select_n3A, %get3A_37 : vector<16xf32>
      %exp3A = math.exp %sub3A : vector<16xf32>
      %mul3A_775 = arith.constant 16 : i32
      %mul3A_776 = arith.muli %scan3A_756, %mul3A_775 : i32
      %swap3A_777 = arith.index_cast %mul3A_776 : i32 to index
      %swap3A_778 = tpu.vector_load %arg13[%swap3A_777] {strides = array<i32>} : memref<2000xf32, #tpu.memory_space<vmem>>, vector<16xf32>,
      tpu.vector_store %arg13[%swap3A_777], %exp3A {strides = array<i32>} : memref<2000xf32, #tpu.memory_space<vmem>>, vector<16xf32>,
      %mul3A_779 = arith.mulf %exp3A, %gather3A : vector<16xf32>
      %mul3A_780 = arith.constant 16 : i32
      %mul3A_781 = arith.muli %scan3A_756, %mul3A_780 : i32
      %swap3A_782 = arith.index_cast %mul3A_781 : i32 to index
      %swap3A_783 = tpu.vector_load %arg14[%swap3A_782] {strides = array<i32>} : memref<2000xf32, #tpu.memory_space<vmem>>, vector<16xf32>,
      tpu.vector_store %arg14[%swap3A_782], %mul3A_779 {strides = array<i32>} : memref<2000xf32, #tpu.memory_space<vmem>>, vector<16xf32>,
      %scan3A_784 = arith.constant 0 : i32
      scf.yield %scan3A_784 : i32
    }
    %scan3A_467 = arith.constant 125 : i32
    %dma_start3A_468 = arith.constant 0 : i32
    %dma_start3A_469 = tpu.memref_slice %arg17[%dma_start3A_468] : memref<100096xf32, #tpu.memory_space<vmem_shared>> -> memref<100096xf32, #tpu.memory_space<vmem_shared>>
    tpu.enqueue_indirect_dma source(%arg13 : memref<2000xf32, #tpu.memory_space<vmem>>) target(%dma_start3A_469 : memref<100096xf32, #tpu.memory_space<vmem_shared>>) offsets(%arg12 : memref<2000xi32, #tpu.memory_space<vmem>>) semaphore(%arg21 : memref<!tpu.dma_semaphore, #tpu.memory_space<semaphore_mem>>) {add = true}
    %dma_start3A_470 = arith.constant 0 : i32
    %dma_start3A_471 = tpu.memref_slice %arg16[%dma_start3A_470] : memref<100096xf32, #tpu.memory_space<vmem_shared>> -> memref<100096xf32, #tpu.memory_space<vmem_shared>>
    tpu.enqueue_indirect_dma source(%arg14 : memref<2000xf32, #tpu.memory_space<vmem>>) target(%dma_start3A_471 : memref<100096xf32, #tpu.memory_space<vmem_shared>>) offsets(%arg12 : memref<2000xi32, #tpu.memory_space<vmem>>) semaphore(%arg21 : memref<!tpu.dma_semaphore, #tpu.memory_space<semaphore_mem>>) {add = true}
    %dma_wait3A_472 = arith.constant 0 : i32
    %dma_wait3A_473 = tpu.memref_slice %arg17[%dma_wait3A_472] : memref<100096xf32, #tpu.memory_space<vmem_shared>> -> memref<100096xf32, #tpu.memory_space<vmem_shared>>
    tpu.wait_indirect_dma semaphore(%arg21 : memref<!tpu.dma_semaphore, #tpu.memory_space<semaphore_mem>>) src(%arg13 : memref<2000xf32, #tpu.memory_space<vmem>>) dst(%dma_wait3A_473 : memref<100096xf32, #tpu.memory_space<vmem_shared>>)
    %dma_wait3A_474 = arith.constant 0 : i32
    %dma_wait3A_475 = tpu.memref_slice %arg16[%dma_wait3A_474] : memref<100096xf32, #tpu.memory_space<vmem_shared>> -> memref<100096xf32, #tpu.memory_space<vmem_shared>>
    tpu.wait_indirect_dma semaphore(%arg21 : memref<!tpu.dma_semaphore, #tpu.memory_space<semaphore_mem>>) src(%arg14 : memref<2000xf32, #tpu.memory_space<vmem>>) dst(%dma_wait3A_475 : memref<100096xf32, #tpu.memory_space<vmem_shared>>)
    %add3A_476 = arith.constant 34000 : i32
    %add3A_477 = arith.addi %mul3A_2, %add3A_476 : i32
    %dma_start3A_478 = tpu.memref_slice %arg2[%add3A_477] : memref<3200000xi32, #tpu.memory_space<hbm>> -> memref<2000xi32, #tpu.memory_space<hbm>>
    %dma_start3A_479 = tpu.memref_slice %arg2[%add3A_477] : memref<3200000xi32, #tpu.memory_space<hbm>> -> memref<2000xi32, #tpu.memory_space<hbm>>
    tpu.enqueue_dma source(%dma_start3A_479 : memref<2000xi32, #tpu.memory_space<hbm>>) target(%arg10 : memref<2000xi32, #tpu.memory_space<vmem>>) target_semaphore(%arg20 : memref<!tpu.dma_semaphore, #tpu.memory_space<semaphore_mem>>)
    %add3A_480 = arith.constant 1600000 : i32
    %add3A_481 = arith.addi %add3A_480, %add3A_477 : i32
    %dma_start3A_482 = tpu.memref_slice %arg2[%add3A_481] : memref<3200000xi32, #tpu.memory_space<hbm>> -> memref<2000xi32, #tpu.memory_space<hbm>>
    %dma_start3A_483 = tpu.memref_slice %arg2[%add3A_481] : memref<3200000xi32, #tpu.memory_space<hbm>> -> memref<2000xi32, #tpu.memory_space<hbm>>
    tpu.enqueue_dma source(%dma_start3A_483 : memref<2000xi32, #tpu.memory_space<hbm>>) target(%arg12 : memref<2000xi32, #tpu.memory_space<vmem>>) target_semaphore(%arg20 : memref<!tpu.dma_semaphore, #tpu.memory_space<semaphore_mem>>)
    %dma_wait3A_484 = tpu.memref_slice %arg2[%add3A_450] : memref<3200000xi32, #tpu.memory_space<hbm>> -> memref<2000xi32, #tpu.memory_space<hbm>>
    %dma_wait3A_485 = tpu.memref_slice %arg2[%add3A_450] : memref<3200000xi32, #tpu.memory_space<hbm>> -> memref<2000xi32, #tpu.memory_space<hbm>>
    tpu.wait_dma2 semaphore(%arg19 : memref<!tpu.dma_semaphore, #tpu.memory_space<semaphore_mem>>) src(%dma_wait3A_485 : memref<2000xi32, #tpu.memory_space<hbm>>) dst(%arg9 : memref<2000xi32, #tpu.memory_space<vmem>>)
    %dma_wait3A_486 = tpu.memref_slice %arg2[%add3A_454] : memref<3200000xi32, #tpu.memory_space<hbm>> -> memref<2000xi32, #tpu.memory_space<hbm>>
    %dma_wait3A_487 = tpu.memref_slice %arg2[%add3A_454] : memref<3200000xi32, #tpu.memory_space<hbm>> -> memref<2000xi32, #tpu.memory_space<hbm>>
    tpu.wait_dma2 semaphore(%arg19 : memref<!tpu.dma_semaphore, #tpu.memory_space<semaphore_mem>>) src(%dma_wait3A_487 : memref<2000xi32, #tpu.memory_space<hbm>>) dst(%arg11 : memref<2000xi32, #tpu.memory_space<vmem>>)
    %scan3A_488 = arith.constant 0 : i32
    %scan3A_489 = arith.constant 0 : i32
    %scan3A_490 = arith.constant 125 : i32
    %scan3A_491 = arith.addi %scan3A_489, %scan3A_490 : i32
    %scan3A_492 = arith.constant 1 : i32
    %scan3A_493 = scf.for %scan3A_756 = %scan3A_489 to %scan3A_491 step %scan3A_492 iter_args(%scan3A_757 = %scan3A_488) -> (i32)  : i32 {
      %mul3A_758 = arith.constant 16 : i32
      %mul3A_759 = arith.muli %scan3A_756, %mul3A_758 : i32
      %get3A_760 = arith.index_cast %mul3A_759 : i32 to index
      %get3A_761 = tpu.vector_load %arg9[%get3A_760] {strides = array<i32>} : memref<2000xi32, #tpu.memory_space<vmem>>, vector<16xi32>,
      %mul3A_762 = arith.constant 16 : i32
      %mul3A_763 = arith.muli %scan3A_756, %mul3A_762 : i32
      %get3A_764 = arith.index_cast %mul3A_763 : i32 to index
      %get3A_765 = tpu.vector_load %arg11[%get3A_764] {strides = array<i32>} : memref<2000xi32, #tpu.memory_space<vmem>>, vector<16xi32>,
      %gather3A = tpu.vector_load_idx %arg7[%get3A_761] : memref<100096xf32, #tpu.memory_space<vmem>>[vector<16xi32>], vector<16xf32>,
      %gather3A_766 = tpu.vector_load_idx %arg7[%get3A_765] : memref<100096xf32, #tpu.memory_space<vmem>>[vector<16xi32>], vector<16xf32>,
      %mul3A_767 = arith.mulf %get3A_29, %gather3A : vector<16xf32>
      %mul3A_768 = arith.mulf %get3A_33, %gather3A_766 : vector<16xf32>
      %add3A_769 = arith.addf %mul3A_767, %mul3A_768 : vector<16xf32>
      %ge3A = arith.constant 0.000000e+00 : f32
      %ge3A_770 = vector.broadcast %ge3A : f32 to vector<16xf32>
      %ge3A_771 = arith.cmpf oge, %add3A_769, %ge3A_770 : vector<16xf32>
      %mul3A_772 = arith.constant 2.000000e-01 : f32
      %mul3A_773 = vector.broadcast %mul3A_772 : f32 to vector<16xf32>
      %mul3A_774 = arith.mulf %mul3A_773, %add3A_769 : vector<16xf32>
      %select_n3A = arith.select %ge3A_771, %add3A_769, %mul3A_774 : vector<16xi1>, vector<16xf32>
      %sub3A = arith.subf %select_n3A, %get3A_37 : vector<16xf32>
      %exp3A = math.exp %sub3A : vector<16xf32>
      %mul3A_775 = arith.constant 16 : i32
      %mul3A_776 = arith.muli %scan3A_756, %mul3A_775 : i32
      %swap3A_777 = arith.index_cast %mul3A_776 : i32 to index
      %swap3A_778 = tpu.vector_load %arg13[%swap3A_777] {strides = array<i32>} : memref<2000xf32, #tpu.memory_space<vmem>>, vector<16xf32>,
      tpu.vector_store %arg13[%swap3A_777], %exp3A {strides = array<i32>} : memref<2000xf32, #tpu.memory_space<vmem>>, vector<16xf32>,
      %mul3A_779 = arith.mulf %exp3A, %gather3A : vector<16xf32>
      %mul3A_780 = arith.constant 16 : i32
      %mul3A_781 = arith.muli %scan3A_756, %mul3A_780 : i32
      %swap3A_782 = arith.index_cast %mul3A_781 : i32 to index
      %swap3A_783 = tpu.vector_load %arg14[%swap3A_782] {strides = array<i32>} : memref<2000xf32, #tpu.memory_space<vmem>>, vector<16xf32>,
      tpu.vector_store %arg14[%swap3A_782], %mul3A_779 {strides = array<i32>} : memref<2000xf32, #tpu.memory_space<vmem>>, vector<16xf32>,
      %scan3A_784 = arith.constant 0 : i32
      scf.yield %scan3A_784 : i32
    }
    %scan3A_494 = arith.constant 125 : i32
    %dma_start3A_495 = arith.constant 0 : i32
    %dma_start3A_496 = tpu.memref_slice %arg17[%dma_start3A_495] : memref<100096xf32, #tpu.memory_space<vmem_shared>> -> memref<100096xf32, #tpu.memory_space<vmem_shared>>
    tpu.enqueue_indirect_dma source(%arg13 : memref<2000xf32, #tpu.memory_space<vmem>>) target(%dma_start3A_496 : memref<100096xf32, #tpu.memory_space<vmem_shared>>) offsets(%arg11 : memref<2000xi32, #tpu.memory_space<vmem>>) semaphore(%arg21 : memref<!tpu.dma_semaphore, #tpu.memory_space<semaphore_mem>>) {add = true}
    %dma_start3A_497 = arith.constant 0 : i32
    %dma_start3A_498 = tpu.memref_slice %arg16[%dma_start3A_497] : memref<100096xf32, #tpu.memory_space<vmem_shared>> -> memref<100096xf32, #tpu.memory_space<vmem_shared>>
    tpu.enqueue_indirect_dma source(%arg14 : memref<2000xf32, #tpu.memory_space<vmem>>) target(%dma_start3A_498 : memref<100096xf32, #tpu.memory_space<vmem_shared>>) offsets(%arg11 : memref<2000xi32, #tpu.memory_space<vmem>>) semaphore(%arg21 : memref<!tpu.dma_semaphore, #tpu.memory_space<semaphore_mem>>) {add = true}
    %dma_wait3A_499 = arith.constant 0 : i32
    %dma_wait3A_500 = tpu.memref_slice %arg17[%dma_wait3A_499] : memref<100096xf32, #tpu.memory_space<vmem_shared>> -> memref<100096xf32, #tpu.memory_space<vmem_shared>>
    tpu.wait_indirect_dma semaphore(%arg21 : memref<!tpu.dma_semaphore, #tpu.memory_space<semaphore_mem>>) src(%arg13 : memref<2000xf32, #tpu.memory_space<vmem>>) dst(%dma_wait3A_500 : memref<100096xf32, #tpu.memory_space<vmem_shared>>)
    %dma_wait3A_501 = arith.constant 0 : i32
    %dma_wait3A_502 = tpu.memref_slice %arg16[%dma_wait3A_501] : memref<100096xf32, #tpu.memory_space<vmem_shared>> -> memref<100096xf32, #tpu.memory_space<vmem_shared>>
    tpu.wait_indirect_dma semaphore(%arg21 : memref<!tpu.dma_semaphore, #tpu.memory_space<semaphore_mem>>) src(%arg14 : memref<2000xf32, #tpu.memory_space<vmem>>) dst(%dma_wait3A_502 : memref<100096xf32, #tpu.memory_space<vmem_shared>>)
    %add3A_503 = arith.constant 36000 : i32
    %add3A_504 = arith.addi %mul3A_2, %add3A_503 : i32
    %dma_start3A_505 = tpu.memref_slice %arg2[%add3A_504] : memref<3200000xi32, #tpu.memory_space<hbm>> -> memref<2000xi32, #tpu.memory_space<hbm>>
    %dma_start3A_506 = tpu.memref_slice %arg2[%add3A_504] : memref<3200000xi32, #tpu.memory_space<hbm>> -> memref<2000xi32, #tpu.memory_space<hbm>>
    tpu.enqueue_dma source(%dma_start3A_506 : memref<2000xi32, #tpu.memory_space<hbm>>) target(%arg9 : memref<2000xi32, #tpu.memory_space<vmem>>) target_semaphore(%arg19 : memref<!tpu.dma_semaphore, #tpu.memory_space<semaphore_mem>>)
    %add3A_507 = arith.constant 1600000 : i32
    %add3A_508 = arith.addi %add3A_507, %add3A_504 : i32
    %dma_start3A_509 = tpu.memref_slice %arg2[%add3A_508] : memref<3200000xi32, #tpu.memory_space<hbm>> -> memref<2000xi32, #tpu.memory_space<hbm>>
    %dma_start3A_510 = tpu.memref_slice %arg2[%add3A_508] : memref<3200000xi32, #tpu.memory_space<hbm>> -> memref<2000xi32, #tpu.memory_space<hbm>>
    tpu.enqueue_dma source(%dma_start3A_510 : memref<2000xi32, #tpu.memory_space<hbm>>) target(%arg11 : memref<2000xi32, #tpu.memory_space<vmem>>) target_semaphore(%arg19 : memref<!tpu.dma_semaphore, #tpu.memory_space<semaphore_mem>>)
    %dma_wait3A_511 = tpu.memref_slice %arg2[%add3A_477] : memref<3200000xi32, #tpu.memory_space<hbm>> -> memref<2000xi32, #tpu.memory_space<hbm>>
    %dma_wait3A_512 = tpu.memref_slice %arg2[%add3A_477] : memref<3200000xi32, #tpu.memory_space<hbm>> -> memref<2000xi32, #tpu.memory_space<hbm>>
    tpu.wait_dma2 semaphore(%arg20 : memref<!tpu.dma_semaphore, #tpu.memory_space<semaphore_mem>>) src(%dma_wait3A_512 : memref<2000xi32, #tpu.memory_space<hbm>>) dst(%arg10 : memref<2000xi32, #tpu.memory_space<vmem>>)
    %dma_wait3A_513 = tpu.memref_slice %arg2[%add3A_481] : memref<3200000xi32, #tpu.memory_space<hbm>> -> memref<2000xi32, #tpu.memory_space<hbm>>
    %dma_wait3A_514 = tpu.memref_slice %arg2[%add3A_481] : memref<3200000xi32, #tpu.memory_space<hbm>> -> memref<2000xi32, #tpu.memory_space<hbm>>
    tpu.wait_dma2 semaphore(%arg20 : memref<!tpu.dma_semaphore, #tpu.memory_space<semaphore_mem>>) src(%dma_wait3A_514 : memref<2000xi32, #tpu.memory_space<hbm>>) dst(%arg12 : memref<2000xi32, #tpu.memory_space<vmem>>)
    %scan3A_515 = arith.constant 0 : i32
    %scan3A_516 = arith.constant 0 : i32
    %scan3A_517 = arith.constant 125 : i32
    %scan3A_518 = arith.addi %scan3A_516, %scan3A_517 : i32
    %scan3A_519 = arith.constant 1 : i32
    %scan3A_520 = scf.for %scan3A_756 = %scan3A_516 to %scan3A_518 step %scan3A_519 iter_args(%scan3A_757 = %scan3A_515) -> (i32)  : i32 {
      %mul3A_758 = arith.constant 16 : i32
      %mul3A_759 = arith.muli %scan3A_756, %mul3A_758 : i32
      %get3A_760 = arith.index_cast %mul3A_759 : i32 to index
      %get3A_761 = tpu.vector_load %arg10[%get3A_760] {strides = array<i32>} : memref<2000xi32, #tpu.memory_space<vmem>>, vector<16xi32>,
      %mul3A_762 = arith.constant 16 : i32
      %mul3A_763 = arith.muli %scan3A_756, %mul3A_762 : i32
      %get3A_764 = arith.index_cast %mul3A_763 : i32 to index
      %get3A_765 = tpu.vector_load %arg12[%get3A_764] {strides = array<i32>} : memref<2000xi32, #tpu.memory_space<vmem>>, vector<16xi32>,
      %gather3A = tpu.vector_load_idx %arg7[%get3A_761] : memref<100096xf32, #tpu.memory_space<vmem>>[vector<16xi32>], vector<16xf32>,
      %gather3A_766 = tpu.vector_load_idx %arg7[%get3A_765] : memref<100096xf32, #tpu.memory_space<vmem>>[vector<16xi32>], vector<16xf32>,
      %mul3A_767 = arith.mulf %get3A_29, %gather3A : vector<16xf32>
      %mul3A_768 = arith.mulf %get3A_33, %gather3A_766 : vector<16xf32>
      %add3A_769 = arith.addf %mul3A_767, %mul3A_768 : vector<16xf32>
      %ge3A = arith.constant 0.000000e+00 : f32
      %ge3A_770 = vector.broadcast %ge3A : f32 to vector<16xf32>
      %ge3A_771 = arith.cmpf oge, %add3A_769, %ge3A_770 : vector<16xf32>
      %mul3A_772 = arith.constant 2.000000e-01 : f32
      %mul3A_773 = vector.broadcast %mul3A_772 : f32 to vector<16xf32>
      %mul3A_774 = arith.mulf %mul3A_773, %add3A_769 : vector<16xf32>
      %select_n3A = arith.select %ge3A_771, %add3A_769, %mul3A_774 : vector<16xi1>, vector<16xf32>
      %sub3A = arith.subf %select_n3A, %get3A_37 : vector<16xf32>
      %exp3A = math.exp %sub3A : vector<16xf32>
      %mul3A_775 = arith.constant 16 : i32
      %mul3A_776 = arith.muli %scan3A_756, %mul3A_775 : i32
      %swap3A_777 = arith.index_cast %mul3A_776 : i32 to index
      %swap3A_778 = tpu.vector_load %arg13[%swap3A_777] {strides = array<i32>} : memref<2000xf32, #tpu.memory_space<vmem>>, vector<16xf32>,
      tpu.vector_store %arg13[%swap3A_777], %exp3A {strides = array<i32>} : memref<2000xf32, #tpu.memory_space<vmem>>, vector<16xf32>,
      %mul3A_779 = arith.mulf %exp3A, %gather3A : vector<16xf32>
      %mul3A_780 = arith.constant 16 : i32
      %mul3A_781 = arith.muli %scan3A_756, %mul3A_780 : i32
      %swap3A_782 = arith.index_cast %mul3A_781 : i32 to index
      %swap3A_783 = tpu.vector_load %arg14[%swap3A_782] {strides = array<i32>} : memref<2000xf32, #tpu.memory_space<vmem>>, vector<16xf32>,
      tpu.vector_store %arg14[%swap3A_782], %mul3A_779 {strides = array<i32>} : memref<2000xf32, #tpu.memory_space<vmem>>, vector<16xf32>,
      %scan3A_784 = arith.constant 0 : i32
      scf.yield %scan3A_784 : i32
    }
    %scan3A_521 = arith.constant 125 : i32
    %dma_start3A_522 = arith.constant 0 : i32
    %dma_start3A_523 = tpu.memref_slice %arg17[%dma_start3A_522] : memref<100096xf32, #tpu.memory_space<vmem_shared>> -> memref<100096xf32, #tpu.memory_space<vmem_shared>>
    tpu.enqueue_indirect_dma source(%arg13 : memref<2000xf32, #tpu.memory_space<vmem>>) target(%dma_start3A_523 : memref<100096xf32, #tpu.memory_space<vmem_shared>>) offsets(%arg12 : memref<2000xi32, #tpu.memory_space<vmem>>) semaphore(%arg21 : memref<!tpu.dma_semaphore, #tpu.memory_space<semaphore_mem>>) {add = true}
    %dma_start3A_524 = arith.constant 0 : i32
    %dma_start3A_525 = tpu.memref_slice %arg16[%dma_start3A_524] : memref<100096xf32, #tpu.memory_space<vmem_shared>> -> memref<100096xf32, #tpu.memory_space<vmem_shared>>
    tpu.enqueue_indirect_dma source(%arg14 : memref<2000xf32, #tpu.memory_space<vmem>>) target(%dma_start3A_525 : memref<100096xf32, #tpu.memory_space<vmem_shared>>) offsets(%arg12 : memref<2000xi32, #tpu.memory_space<vmem>>) semaphore(%arg21 : memref<!tpu.dma_semaphore, #tpu.memory_space<semaphore_mem>>) {add = true}
    %dma_wait3A_526 = arith.constant 0 : i32
    %dma_wait3A_527 = tpu.memref_slice %arg17[%dma_wait3A_526] : memref<100096xf32, #tpu.memory_space<vmem_shared>> -> memref<100096xf32, #tpu.memory_space<vmem_shared>>
    tpu.wait_indirect_dma semaphore(%arg21 : memref<!tpu.dma_semaphore, #tpu.memory_space<semaphore_mem>>) src(%arg13 : memref<2000xf32, #tpu.memory_space<vmem>>) dst(%dma_wait3A_527 : memref<100096xf32, #tpu.memory_space<vmem_shared>>)
    %dma_wait3A_528 = arith.constant 0 : i32
    %dma_wait3A_529 = tpu.memref_slice %arg16[%dma_wait3A_528] : memref<100096xf32, #tpu.memory_space<vmem_shared>> -> memref<100096xf32, #tpu.memory_space<vmem_shared>>
    tpu.wait_indirect_dma semaphore(%arg21 : memref<!tpu.dma_semaphore, #tpu.memory_space<semaphore_mem>>) src(%arg14 : memref<2000xf32, #tpu.memory_space<vmem>>) dst(%dma_wait3A_529 : memref<100096xf32, #tpu.memory_space<vmem_shared>>)
    %add3A_530 = arith.constant 38000 : i32
    %add3A_531 = arith.addi %mul3A_2, %add3A_530 : i32
    %dma_start3A_532 = tpu.memref_slice %arg2[%add3A_531] : memref<3200000xi32, #tpu.memory_space<hbm>> -> memref<2000xi32, #tpu.memory_space<hbm>>
    %dma_start3A_533 = tpu.memref_slice %arg2[%add3A_531] : memref<3200000xi32, #tpu.memory_space<hbm>> -> memref<2000xi32, #tpu.memory_space<hbm>>
    tpu.enqueue_dma source(%dma_start3A_533 : memref<2000xi32, #tpu.memory_space<hbm>>) target(%arg10 : memref<2000xi32, #tpu.memory_space<vmem>>) target_semaphore(%arg20 : memref<!tpu.dma_semaphore, #tpu.memory_space<semaphore_mem>>)
    %add3A_534 = arith.constant 1600000 : i32
    %add3A_535 = arith.addi %add3A_534, %add3A_531 : i32
    %dma_start3A_536 = tpu.memref_slice %arg2[%add3A_535] : memref<3200000xi32, #tpu.memory_space<hbm>> -> memref<2000xi32, #tpu.memory_space<hbm>>
    %dma_start3A_537 = tpu.memref_slice %arg2[%add3A_535] : memref<3200000xi32, #tpu.memory_space<hbm>> -> memref<2000xi32, #tpu.memory_space<hbm>>
    tpu.enqueue_dma source(%dma_start3A_537 : memref<2000xi32, #tpu.memory_space<hbm>>) target(%arg12 : memref<2000xi32, #tpu.memory_space<vmem>>) target_semaphore(%arg20 : memref<!tpu.dma_semaphore, #tpu.memory_space<semaphore_mem>>)
    %dma_wait3A_538 = tpu.memref_slice %arg2[%add3A_504] : memref<3200000xi32, #tpu.memory_space<hbm>> -> memref<2000xi32, #tpu.memory_space<hbm>>
    %dma_wait3A_539 = tpu.memref_slice %arg2[%add3A_504] : memref<3200000xi32, #tpu.memory_space<hbm>> -> memref<2000xi32, #tpu.memory_space<hbm>>
    tpu.wait_dma2 semaphore(%arg19 : memref<!tpu.dma_semaphore, #tpu.memory_space<semaphore_mem>>) src(%dma_wait3A_539 : memref<2000xi32, #tpu.memory_space<hbm>>) dst(%arg9 : memref<2000xi32, #tpu.memory_space<vmem>>)
    %dma_wait3A_540 = tpu.memref_slice %arg2[%add3A_508] : memref<3200000xi32, #tpu.memory_space<hbm>> -> memref<2000xi32, #tpu.memory_space<hbm>>
    %dma_wait3A_541 = tpu.memref_slice %arg2[%add3A_508] : memref<3200000xi32, #tpu.memory_space<hbm>> -> memref<2000xi32, #tpu.memory_space<hbm>>
    tpu.wait_dma2 semaphore(%arg19 : memref<!tpu.dma_semaphore, #tpu.memory_space<semaphore_mem>>) src(%dma_wait3A_541 : memref<2000xi32, #tpu.memory_space<hbm>>) dst(%arg11 : memref<2000xi32, #tpu.memory_space<vmem>>)
    %scan3A_542 = arith.constant 0 : i32
    %scan3A_543 = arith.constant 0 : i32
    %scan3A_544 = arith.constant 125 : i32
    %scan3A_545 = arith.addi %scan3A_543, %scan3A_544 : i32
    %scan3A_546 = arith.constant 1 : i32
    %scan3A_547 = scf.for %scan3A_756 = %scan3A_543 to %scan3A_545 step %scan3A_546 iter_args(%scan3A_757 = %scan3A_542) -> (i32)  : i32 {
      %mul3A_758 = arith.constant 16 : i32
      %mul3A_759 = arith.muli %scan3A_756, %mul3A_758 : i32
      %get3A_760 = arith.index_cast %mul3A_759 : i32 to index
      %get3A_761 = tpu.vector_load %arg9[%get3A_760] {strides = array<i32>} : memref<2000xi32, #tpu.memory_space<vmem>>, vector<16xi32>,
      %mul3A_762 = arith.constant 16 : i32
      %mul3A_763 = arith.muli %scan3A_756, %mul3A_762 : i32
      %get3A_764 = arith.index_cast %mul3A_763 : i32 to index
      %get3A_765 = tpu.vector_load %arg11[%get3A_764] {strides = array<i32>} : memref<2000xi32, #tpu.memory_space<vmem>>, vector<16xi32>,
      %gather3A = tpu.vector_load_idx %arg7[%get3A_761] : memref<100096xf32, #tpu.memory_space<vmem>>[vector<16xi32>], vector<16xf32>,
      %gather3A_766 = tpu.vector_load_idx %arg7[%get3A_765] : memref<100096xf32, #tpu.memory_space<vmem>>[vector<16xi32>], vector<16xf32>,
      %mul3A_767 = arith.mulf %get3A_29, %gather3A : vector<16xf32>
      %mul3A_768 = arith.mulf %get3A_33, %gather3A_766 : vector<16xf32>
      %add3A_769 = arith.addf %mul3A_767, %mul3A_768 : vector<16xf32>
      %ge3A = arith.constant 0.000000e+00 : f32
      %ge3A_770 = vector.broadcast %ge3A : f32 to vector<16xf32>
      %ge3A_771 = arith.cmpf oge, %add3A_769, %ge3A_770 : vector<16xf32>
      %mul3A_772 = arith.constant 2.000000e-01 : f32
      %mul3A_773 = vector.broadcast %mul3A_772 : f32 to vector<16xf32>
      %mul3A_774 = arith.mulf %mul3A_773, %add3A_769 : vector<16xf32>
      %select_n3A = arith.select %ge3A_771, %add3A_769, %mul3A_774 : vector<16xi1>, vector<16xf32>
      %sub3A = arith.subf %select_n3A, %get3A_37 : vector<16xf32>
      %exp3A = math.exp %sub3A : vector<16xf32>
      %mul3A_775 = arith.constant 16 : i32
      %mul3A_776 = arith.muli %scan3A_756, %mul3A_775 : i32
      %swap3A_777 = arith.index_cast %mul3A_776 : i32 to index
      %swap3A_778 = tpu.vector_load %arg13[%swap3A_777] {strides = array<i32>} : memref<2000xf32, #tpu.memory_space<vmem>>, vector<16xf32>,
      tpu.vector_store %arg13[%swap3A_777], %exp3A {strides = array<i32>} : memref<2000xf32, #tpu.memory_space<vmem>>, vector<16xf32>,
      %mul3A_779 = arith.mulf %exp3A, %gather3A : vector<16xf32>
      %mul3A_780 = arith.constant 16 : i32
      %mul3A_781 = arith.muli %scan3A_756, %mul3A_780 : i32
      %swap3A_782 = arith.index_cast %mul3A_781 : i32 to index
      %swap3A_783 = tpu.vector_load %arg14[%swap3A_782] {strides = array<i32>} : memref<2000xf32, #tpu.memory_space<vmem>>, vector<16xf32>,
      tpu.vector_store %arg14[%swap3A_782], %mul3A_779 {strides = array<i32>} : memref<2000xf32, #tpu.memory_space<vmem>>, vector<16xf32>,
      %scan3A_784 = arith.constant 0 : i32
      scf.yield %scan3A_784 : i32
    }
    %scan3A_548 = arith.constant 125 : i32
    %dma_start3A_549 = arith.constant 0 : i32
    %dma_start3A_550 = tpu.memref_slice %arg17[%dma_start3A_549] : memref<100096xf32, #tpu.memory_space<vmem_shared>> -> memref<100096xf32, #tpu.memory_space<vmem_shared>>
    tpu.enqueue_indirect_dma source(%arg13 : memref<2000xf32, #tpu.memory_space<vmem>>) target(%dma_start3A_550 : memref<100096xf32, #tpu.memory_space<vmem_shared>>) offsets(%arg11 : memref<2000xi32, #tpu.memory_space<vmem>>) semaphore(%arg21 : memref<!tpu.dma_semaphore, #tpu.memory_space<semaphore_mem>>) {add = true}
    %dma_start3A_551 = arith.constant 0 : i32
    %dma_start3A_552 = tpu.memref_slice %arg16[%dma_start3A_551] : memref<100096xf32, #tpu.memory_space<vmem_shared>> -> memref<100096xf32, #tpu.memory_space<vmem_shared>>
    tpu.enqueue_indirect_dma source(%arg14 : memref<2000xf32, #tpu.memory_space<vmem>>) target(%dma_start3A_552 : memref<100096xf32, #tpu.memory_space<vmem_shared>>) offsets(%arg11 : memref<2000xi32, #tpu.memory_space<vmem>>) semaphore(%arg21 : memref<!tpu.dma_semaphore, #tpu.memory_space<semaphore_mem>>) {add = true}
    %dma_wait3A_553 = arith.constant 0 : i32
    %dma_wait3A_554 = tpu.memref_slice %arg17[%dma_wait3A_553] : memref<100096xf32, #tpu.memory_space<vmem_shared>> -> memref<100096xf32, #tpu.memory_space<vmem_shared>>
    tpu.wait_indirect_dma semaphore(%arg21 : memref<!tpu.dma_semaphore, #tpu.memory_space<semaphore_mem>>) src(%arg13 : memref<2000xf32, #tpu.memory_space<vmem>>) dst(%dma_wait3A_554 : memref<100096xf32, #tpu.memory_space<vmem_shared>>)
    %dma_wait3A_555 = arith.constant 0 : i32
    %dma_wait3A_556 = tpu.memref_slice %arg16[%dma_wait3A_555] : memref<100096xf32, #tpu.memory_space<vmem_shared>> -> memref<100096xf32, #tpu.memory_space<vmem_shared>>
    tpu.wait_indirect_dma semaphore(%arg21 : memref<!tpu.dma_semaphore, #tpu.memory_space<semaphore_mem>>) src(%arg14 : memref<2000xf32, #tpu.memory_space<vmem>>) dst(%dma_wait3A_556 : memref<100096xf32, #tpu.memory_space<vmem_shared>>)
    %add3A_557 = arith.constant 40000 : i32
    %add3A_558 = arith.addi %mul3A_2, %add3A_557 : i32
    %dma_start3A_559 = tpu.memref_slice %arg2[%add3A_558] : memref<3200000xi32, #tpu.memory_space<hbm>> -> memref<2000xi32, #tpu.memory_space<hbm>>
    %dma_start3A_560 = tpu.memref_slice %arg2[%add3A_558] : memref<3200000xi32, #tpu.memory_space<hbm>> -> memref<2000xi32, #tpu.memory_space<hbm>>
    tpu.enqueue_dma source(%dma_start3A_560 : memref<2000xi32, #tpu.memory_space<hbm>>) target(%arg9 : memref<2000xi32, #tpu.memory_space<vmem>>) target_semaphore(%arg19 : memref<!tpu.dma_semaphore, #tpu.memory_space<semaphore_mem>>)
    %add3A_561 = arith.constant 1600000 : i32
    %add3A_562 = arith.addi %add3A_561, %add3A_558 : i32
    %dma_start3A_563 = tpu.memref_slice %arg2[%add3A_562] : memref<3200000xi32, #tpu.memory_space<hbm>> -> memref<2000xi32, #tpu.memory_space<hbm>>
    %dma_start3A_564 = tpu.memref_slice %arg2[%add3A_562] : memref<3200000xi32, #tpu.memory_space<hbm>> -> memref<2000xi32, #tpu.memory_space<hbm>>
    tpu.enqueue_dma source(%dma_start3A_564 : memref<2000xi32, #tpu.memory_space<hbm>>) target(%arg11 : memref<2000xi32, #tpu.memory_space<vmem>>) target_semaphore(%arg19 : memref<!tpu.dma_semaphore, #tpu.memory_space<semaphore_mem>>)
    %dma_wait3A_565 = tpu.memref_slice %arg2[%add3A_531] : memref<3200000xi32, #tpu.memory_space<hbm>> -> memref<2000xi32, #tpu.memory_space<hbm>>
    %dma_wait3A_566 = tpu.memref_slice %arg2[%add3A_531] : memref<3200000xi32, #tpu.memory_space<hbm>> -> memref<2000xi32, #tpu.memory_space<hbm>>
    tpu.wait_dma2 semaphore(%arg20 : memref<!tpu.dma_semaphore, #tpu.memory_space<semaphore_mem>>) src(%dma_wait3A_566 : memref<2000xi32, #tpu.memory_space<hbm>>) dst(%arg10 : memref<2000xi32, #tpu.memory_space<vmem>>)
    %dma_wait3A_567 = tpu.memref_slice %arg2[%add3A_535] : memref<3200000xi32, #tpu.memory_space<hbm>> -> memref<2000xi32, #tpu.memory_space<hbm>>
    %dma_wait3A_568 = tpu.memref_slice %arg2[%add3A_535] : memref<3200000xi32, #tpu.memory_space<hbm>> -> memref<2000xi32, #tpu.memory_space<hbm>>
    tpu.wait_dma2 semaphore(%arg20 : memref<!tpu.dma_semaphore, #tpu.memory_space<semaphore_mem>>) src(%dma_wait3A_568 : memref<2000xi32, #tpu.memory_space<hbm>>) dst(%arg12 : memref<2000xi32, #tpu.memory_space<vmem>>)
    %scan3A_569 = arith.constant 0 : i32
    %scan3A_570 = arith.constant 0 : i32
    %scan3A_571 = arith.constant 125 : i32
    %scan3A_572 = arith.addi %scan3A_570, %scan3A_571 : i32
    %scan3A_573 = arith.constant 1 : i32
    %scan3A_574 = scf.for %scan3A_756 = %scan3A_570 to %scan3A_572 step %scan3A_573 iter_args(%scan3A_757 = %scan3A_569) -> (i32)  : i32 {
      %mul3A_758 = arith.constant 16 : i32
      %mul3A_759 = arith.muli %scan3A_756, %mul3A_758 : i32
      %get3A_760 = arith.index_cast %mul3A_759 : i32 to index
      %get3A_761 = tpu.vector_load %arg10[%get3A_760] {strides = array<i32>} : memref<2000xi32, #tpu.memory_space<vmem>>, vector<16xi32>,
      %mul3A_762 = arith.constant 16 : i32
      %mul3A_763 = arith.muli %scan3A_756, %mul3A_762 : i32
      %get3A_764 = arith.index_cast %mul3A_763 : i32 to index
      %get3A_765 = tpu.vector_load %arg12[%get3A_764] {strides = array<i32>} : memref<2000xi32, #tpu.memory_space<vmem>>, vector<16xi32>,
      %gather3A = tpu.vector_load_idx %arg7[%get3A_761] : memref<100096xf32, #tpu.memory_space<vmem>>[vector<16xi32>], vector<16xf32>,
      %gather3A_766 = tpu.vector_load_idx %arg7[%get3A_765] : memref<100096xf32, #tpu.memory_space<vmem>>[vector<16xi32>], vector<16xf32>,
      %mul3A_767 = arith.mulf %get3A_29, %gather3A : vector<16xf32>
      %mul3A_768 = arith.mulf %get3A_33, %gather3A_766 : vector<16xf32>
      %add3A_769 = arith.addf %mul3A_767, %mul3A_768 : vector<16xf32>
      %ge3A = arith.constant 0.000000e+00 : f32
      %ge3A_770 = vector.broadcast %ge3A : f32 to vector<16xf32>
      %ge3A_771 = arith.cmpf oge, %add3A_769, %ge3A_770 : vector<16xf32>
      %mul3A_772 = arith.constant 2.000000e-01 : f32
      %mul3A_773 = vector.broadcast %mul3A_772 : f32 to vector<16xf32>
      %mul3A_774 = arith.mulf %mul3A_773, %add3A_769 : vector<16xf32>
      %select_n3A = arith.select %ge3A_771, %add3A_769, %mul3A_774 : vector<16xi1>, vector<16xf32>
      %sub3A = arith.subf %select_n3A, %get3A_37 : vector<16xf32>
      %exp3A = math.exp %sub3A : vector<16xf32>
      %mul3A_775 = arith.constant 16 : i32
      %mul3A_776 = arith.muli %scan3A_756, %mul3A_775 : i32
      %swap3A_777 = arith.index_cast %mul3A_776 : i32 to index
      %swap3A_778 = tpu.vector_load %arg13[%swap3A_777] {strides = array<i32>} : memref<2000xf32, #tpu.memory_space<vmem>>, vector<16xf32>,
      tpu.vector_store %arg13[%swap3A_777], %exp3A {strides = array<i32>} : memref<2000xf32, #tpu.memory_space<vmem>>, vector<16xf32>,
      %mul3A_779 = arith.mulf %exp3A, %gather3A : vector<16xf32>
      %mul3A_780 = arith.constant 16 : i32
      %mul3A_781 = arith.muli %scan3A_756, %mul3A_780 : i32
      %swap3A_782 = arith.index_cast %mul3A_781 : i32 to index
      %swap3A_783 = tpu.vector_load %arg14[%swap3A_782] {strides = array<i32>} : memref<2000xf32, #tpu.memory_space<vmem>>, vector<16xf32>,
      tpu.vector_store %arg14[%swap3A_782], %mul3A_779 {strides = array<i32>} : memref<2000xf32, #tpu.memory_space<vmem>>, vector<16xf32>,
      %scan3A_784 = arith.constant 0 : i32
      scf.yield %scan3A_784 : i32
    }
    %scan3A_575 = arith.constant 125 : i32
    %dma_start3A_576 = arith.constant 0 : i32
    %dma_start3A_577 = tpu.memref_slice %arg17[%dma_start3A_576] : memref<100096xf32, #tpu.memory_space<vmem_shared>> -> memref<100096xf32, #tpu.memory_space<vmem_shared>>
    tpu.enqueue_indirect_dma source(%arg13 : memref<2000xf32, #tpu.memory_space<vmem>>) target(%dma_start3A_577 : memref<100096xf32, #tpu.memory_space<vmem_shared>>) offsets(%arg12 : memref<2000xi32, #tpu.memory_space<vmem>>) semaphore(%arg21 : memref<!tpu.dma_semaphore, #tpu.memory_space<semaphore_mem>>) {add = true}
    %dma_start3A_578 = arith.constant 0 : i32
    %dma_start3A_579 = tpu.memref_slice %arg16[%dma_start3A_578] : memref<100096xf32, #tpu.memory_space<vmem_shared>> -> memref<100096xf32, #tpu.memory_space<vmem_shared>>
    tpu.enqueue_indirect_dma source(%arg14 : memref<2000xf32, #tpu.memory_space<vmem>>) target(%dma_start3A_579 : memref<100096xf32, #tpu.memory_space<vmem_shared>>) offsets(%arg12 : memref<2000xi32, #tpu.memory_space<vmem>>) semaphore(%arg21 : memref<!tpu.dma_semaphore, #tpu.memory_space<semaphore_mem>>) {add = true}
    %dma_wait3A_580 = arith.constant 0 : i32
    %dma_wait3A_581 = tpu.memref_slice %arg17[%dma_wait3A_580] : memref<100096xf32, #tpu.memory_space<vmem_shared>> -> memref<100096xf32, #tpu.memory_space<vmem_shared>>
    tpu.wait_indirect_dma semaphore(%arg21 : memref<!tpu.dma_semaphore, #tpu.memory_space<semaphore_mem>>) src(%arg13 : memref<2000xf32, #tpu.memory_space<vmem>>) dst(%dma_wait3A_581 : memref<100096xf32, #tpu.memory_space<vmem_shared>>)
    %dma_wait3A_582 = arith.constant 0 : i32
    %dma_wait3A_583 = tpu.memref_slice %arg16[%dma_wait3A_582] : memref<100096xf32, #tpu.memory_space<vmem_shared>> -> memref<100096xf32, #tpu.memory_space<vmem_shared>>
    tpu.wait_indirect_dma semaphore(%arg21 : memref<!tpu.dma_semaphore, #tpu.memory_space<semaphore_mem>>) src(%arg14 : memref<2000xf32, #tpu.memory_space<vmem>>) dst(%dma_wait3A_583 : memref<100096xf32, #tpu.memory_space<vmem_shared>>)
    %add3A_584 = arith.constant 42000 : i32
    %add3A_585 = arith.addi %mul3A_2, %add3A_584 : i32
    %dma_start3A_586 = tpu.memref_slice %arg2[%add3A_585] : memref<3200000xi32, #tpu.memory_space<hbm>> -> memref<2000xi32, #tpu.memory_space<hbm>>
    %dma_start3A_587 = tpu.memref_slice %arg2[%add3A_585] : memref<3200000xi32, #tpu.memory_space<hbm>> -> memref<2000xi32, #tpu.memory_space<hbm>>
    tpu.enqueue_dma source(%dma_start3A_587 : memref<2000xi32, #tpu.memory_space<hbm>>) target(%arg10 : memref<2000xi32, #tpu.memory_space<vmem>>) target_semaphore(%arg20 : memref<!tpu.dma_semaphore, #tpu.memory_space<semaphore_mem>>)
    %add3A_588 = arith.constant 1600000 : i32
    %add3A_589 = arith.addi %add3A_588, %add3A_585 : i32
    %dma_start3A_590 = tpu.memref_slice %arg2[%add3A_589] : memref<3200000xi32, #tpu.memory_space<hbm>> -> memref<2000xi32, #tpu.memory_space<hbm>>
    %dma_start3A_591 = tpu.memref_slice %arg2[%add3A_589] : memref<3200000xi32, #tpu.memory_space<hbm>> -> memref<2000xi32, #tpu.memory_space<hbm>>
    tpu.enqueue_dma source(%dma_start3A_591 : memref<2000xi32, #tpu.memory_space<hbm>>) target(%arg12 : memref<2000xi32, #tpu.memory_space<vmem>>) target_semaphore(%arg20 : memref<!tpu.dma_semaphore, #tpu.memory_space<semaphore_mem>>)
    %dma_wait3A_592 = tpu.memref_slice %arg2[%add3A_558] : memref<3200000xi32, #tpu.memory_space<hbm>> -> memref<2000xi32, #tpu.memory_space<hbm>>
    %dma_wait3A_593 = tpu.memref_slice %arg2[%add3A_558] : memref<3200000xi32, #tpu.memory_space<hbm>> -> memref<2000xi32, #tpu.memory_space<hbm>>
    tpu.wait_dma2 semaphore(%arg19 : memref<!tpu.dma_semaphore, #tpu.memory_space<semaphore_mem>>) src(%dma_wait3A_593 : memref<2000xi32, #tpu.memory_space<hbm>>) dst(%arg9 : memref<2000xi32, #tpu.memory_space<vmem>>)
    %dma_wait3A_594 = tpu.memref_slice %arg2[%add3A_562] : memref<3200000xi32, #tpu.memory_space<hbm>> -> memref<2000xi32, #tpu.memory_space<hbm>>
    %dma_wait3A_595 = tpu.memref_slice %arg2[%add3A_562] : memref<3200000xi32, #tpu.memory_space<hbm>> -> memref<2000xi32, #tpu.memory_space<hbm>>
    tpu.wait_dma2 semaphore(%arg19 : memref<!tpu.dma_semaphore, #tpu.memory_space<semaphore_mem>>) src(%dma_wait3A_595 : memref<2000xi32, #tpu.memory_space<hbm>>) dst(%arg11 : memref<2000xi32, #tpu.memory_space<vmem>>)
    %scan3A_596 = arith.constant 0 : i32
    %scan3A_597 = arith.constant 0 : i32
    %scan3A_598 = arith.constant 125 : i32
    %scan3A_599 = arith.addi %scan3A_597, %scan3A_598 : i32
    %scan3A_600 = arith.constant 1 : i32
    %scan3A_601 = scf.for %scan3A_756 = %scan3A_597 to %scan3A_599 step %scan3A_600 iter_args(%scan3A_757 = %scan3A_596) -> (i32)  : i32 {
      %mul3A_758 = arith.constant 16 : i32
      %mul3A_759 = arith.muli %scan3A_756, %mul3A_758 : i32
      %get3A_760 = arith.index_cast %mul3A_759 : i32 to index
      %get3A_761 = tpu.vector_load %arg9[%get3A_760] {strides = array<i32>} : memref<2000xi32, #tpu.memory_space<vmem>>, vector<16xi32>,
      %mul3A_762 = arith.constant 16 : i32
      %mul3A_763 = arith.muli %scan3A_756, %mul3A_762 : i32
      %get3A_764 = arith.index_cast %mul3A_763 : i32 to index
      %get3A_765 = tpu.vector_load %arg11[%get3A_764] {strides = array<i32>} : memref<2000xi32, #tpu.memory_space<vmem>>, vector<16xi32>,
      %gather3A = tpu.vector_load_idx %arg7[%get3A_761] : memref<100096xf32, #tpu.memory_space<vmem>>[vector<16xi32>], vector<16xf32>,
      %gather3A_766 = tpu.vector_load_idx %arg7[%get3A_765] : memref<100096xf32, #tpu.memory_space<vmem>>[vector<16xi32>], vector<16xf32>,
      %mul3A_767 = arith.mulf %get3A_29, %gather3A : vector<16xf32>
      %mul3A_768 = arith.mulf %get3A_33, %gather3A_766 : vector<16xf32>
      %add3A_769 = arith.addf %mul3A_767, %mul3A_768 : vector<16xf32>
      %ge3A = arith.constant 0.000000e+00 : f32
      %ge3A_770 = vector.broadcast %ge3A : f32 to vector<16xf32>
      %ge3A_771 = arith.cmpf oge, %add3A_769, %ge3A_770 : vector<16xf32>
      %mul3A_772 = arith.constant 2.000000e-01 : f32
      %mul3A_773 = vector.broadcast %mul3A_772 : f32 to vector<16xf32>
      %mul3A_774 = arith.mulf %mul3A_773, %add3A_769 : vector<16xf32>
      %select_n3A = arith.select %ge3A_771, %add3A_769, %mul3A_774 : vector<16xi1>, vector<16xf32>
      %sub3A = arith.subf %select_n3A, %get3A_37 : vector<16xf32>
      %exp3A = math.exp %sub3A : vector<16xf32>
      %mul3A_775 = arith.constant 16 : i32
      %mul3A_776 = arith.muli %scan3A_756, %mul3A_775 : i32
      %swap3A_777 = arith.index_cast %mul3A_776 : i32 to index
      %swap3A_778 = tpu.vector_load %arg13[%swap3A_777] {strides = array<i32>} : memref<2000xf32, #tpu.memory_space<vmem>>, vector<16xf32>,
      tpu.vector_store %arg13[%swap3A_777], %exp3A {strides = array<i32>} : memref<2000xf32, #tpu.memory_space<vmem>>, vector<16xf32>,
      %mul3A_779 = arith.mulf %exp3A, %gather3A : vector<16xf32>
      %mul3A_780 = arith.constant 16 : i32
      %mul3A_781 = arith.muli %scan3A_756, %mul3A_780 : i32
      %swap3A_782 = arith.index_cast %mul3A_781 : i32 to index
      %swap3A_783 = tpu.vector_load %arg14[%swap3A_782] {strides = array<i32>} : memref<2000xf32, #tpu.memory_space<vmem>>, vector<16xf32>,
      tpu.vector_store %arg14[%swap3A_782], %mul3A_779 {strides = array<i32>} : memref<2000xf32, #tpu.memory_space<vmem>>, vector<16xf32>,
      %scan3A_784 = arith.constant 0 : i32
      scf.yield %scan3A_784 : i32
    }
    %scan3A_602 = arith.constant 125 : i32
    %dma_start3A_603 = arith.constant 0 : i32
    %dma_start3A_604 = tpu.memref_slice %arg17[%dma_start3A_603] : memref<100096xf32, #tpu.memory_space<vmem_shared>> -> memref<100096xf32, #tpu.memory_space<vmem_shared>>
    tpu.enqueue_indirect_dma source(%arg13 : memref<2000xf32, #tpu.memory_space<vmem>>) target(%dma_start3A_604 : memref<100096xf32, #tpu.memory_space<vmem_shared>>) offsets(%arg11 : memref<2000xi32, #tpu.memory_space<vmem>>) semaphore(%arg21 : memref<!tpu.dma_semaphore, #tpu.memory_space<semaphore_mem>>) {add = true}
    %dma_start3A_605 = arith.constant 0 : i32
    %dma_start3A_606 = tpu.memref_slice %arg16[%dma_start3A_605] : memref<100096xf32, #tpu.memory_space<vmem_shared>> -> memref<100096xf32, #tpu.memory_space<vmem_shared>>
    tpu.enqueue_indirect_dma source(%arg14 : memref<2000xf32, #tpu.memory_space<vmem>>) target(%dma_start3A_606 : memref<100096xf32, #tpu.memory_space<vmem_shared>>) offsets(%arg11 : memref<2000xi32, #tpu.memory_space<vmem>>) semaphore(%arg21 : memref<!tpu.dma_semaphore, #tpu.memory_space<semaphore_mem>>) {add = true}
    %dma_wait3A_607 = arith.constant 0 : i32
    %dma_wait3A_608 = tpu.memref_slice %arg17[%dma_wait3A_607] : memref<100096xf32, #tpu.memory_space<vmem_shared>> -> memref<100096xf32, #tpu.memory_space<vmem_shared>>
    tpu.wait_indirect_dma semaphore(%arg21 : memref<!tpu.dma_semaphore, #tpu.memory_space<semaphore_mem>>) src(%arg13 : memref<2000xf32, #tpu.memory_space<vmem>>) dst(%dma_wait3A_608 : memref<100096xf32, #tpu.memory_space<vmem_shared>>)
    %dma_wait3A_609 = arith.constant 0 : i32
    %dma_wait3A_610 = tpu.memref_slice %arg16[%dma_wait3A_609] : memref<100096xf32, #tpu.memory_space<vmem_shared>> -> memref<100096xf32, #tpu.memory_space<vmem_shared>>
    tpu.wait_indirect_dma semaphore(%arg21 : memref<!tpu.dma_semaphore, #tpu.memory_space<semaphore_mem>>) src(%arg14 : memref<2000xf32, #tpu.memory_space<vmem>>) dst(%dma_wait3A_610 : memref<100096xf32, #tpu.memory_space<vmem_shared>>)
    %add3A_611 = arith.constant 44000 : i32
    %add3A_612 = arith.addi %mul3A_2, %add3A_611 : i32
    %dma_start3A_613 = tpu.memref_slice %arg2[%add3A_612] : memref<3200000xi32, #tpu.memory_space<hbm>> -> memref<2000xi32, #tpu.memory_space<hbm>>
    %dma_start3A_614 = tpu.memref_slice %arg2[%add3A_612] : memref<3200000xi32, #tpu.memory_space<hbm>> -> memref<2000xi32, #tpu.memory_space<hbm>>
    tpu.enqueue_dma source(%dma_start3A_614 : memref<2000xi32, #tpu.memory_space<hbm>>) target(%arg9 : memref<2000xi32, #tpu.memory_space<vmem>>) target_semaphore(%arg19 : memref<!tpu.dma_semaphore, #tpu.memory_space<semaphore_mem>>)
    %add3A_615 = arith.constant 1600000 : i32
    %add3A_616 = arith.addi %add3A_615, %add3A_612 : i32
    %dma_start3A_617 = tpu.memref_slice %arg2[%add3A_616] : memref<3200000xi32, #tpu.memory_space<hbm>> -> memref<2000xi32, #tpu.memory_space<hbm>>
    %dma_start3A_618 = tpu.memref_slice %arg2[%add3A_616] : memref<3200000xi32, #tpu.memory_space<hbm>> -> memref<2000xi32, #tpu.memory_space<hbm>>
    tpu.enqueue_dma source(%dma_start3A_618 : memref<2000xi32, #tpu.memory_space<hbm>>) target(%arg11 : memref<2000xi32, #tpu.memory_space<vmem>>) target_semaphore(%arg19 : memref<!tpu.dma_semaphore, #tpu.memory_space<semaphore_mem>>)
    %dma_wait3A_619 = tpu.memref_slice %arg2[%add3A_585] : memref<3200000xi32, #tpu.memory_space<hbm>> -> memref<2000xi32, #tpu.memory_space<hbm>>
    %dma_wait3A_620 = tpu.memref_slice %arg2[%add3A_585] : memref<3200000xi32, #tpu.memory_space<hbm>> -> memref<2000xi32, #tpu.memory_space<hbm>>
    tpu.wait_dma2 semaphore(%arg20 : memref<!tpu.dma_semaphore, #tpu.memory_space<semaphore_mem>>) src(%dma_wait3A_620 : memref<2000xi32, #tpu.memory_space<hbm>>) dst(%arg10 : memref<2000xi32, #tpu.memory_space<vmem>>)
    %dma_wait3A_621 = tpu.memref_slice %arg2[%add3A_589] : memref<3200000xi32, #tpu.memory_space<hbm>> -> memref<2000xi32, #tpu.memory_space<hbm>>
    %dma_wait3A_622 = tpu.memref_slice %arg2[%add3A_589] : memref<3200000xi32, #tpu.memory_space<hbm>> -> memref<2000xi32, #tpu.memory_space<hbm>>
    tpu.wait_dma2 semaphore(%arg20 : memref<!tpu.dma_semaphore, #tpu.memory_space<semaphore_mem>>) src(%dma_wait3A_622 : memref<2000xi32, #tpu.memory_space<hbm>>) dst(%arg12 : memref<2000xi32, #tpu.memory_space<vmem>>)
    %scan3A_623 = arith.constant 0 : i32
    %scan3A_624 = arith.constant 0 : i32
    %scan3A_625 = arith.constant 125 : i32
    %scan3A_626 = arith.addi %scan3A_624, %scan3A_625 : i32
    %scan3A_627 = arith.constant 1 : i32
    %scan3A_628 = scf.for %scan3A_756 = %scan3A_624 to %scan3A_626 step %scan3A_627 iter_args(%scan3A_757 = %scan3A_623) -> (i32)  : i32 {
      %mul3A_758 = arith.constant 16 : i32
      %mul3A_759 = arith.muli %scan3A_756, %mul3A_758 : i32
      %get3A_760 = arith.index_cast %mul3A_759 : i32 to index
      %get3A_761 = tpu.vector_load %arg10[%get3A_760] {strides = array<i32>} : memref<2000xi32, #tpu.memory_space<vmem>>, vector<16xi32>,
      %mul3A_762 = arith.constant 16 : i32
      %mul3A_763 = arith.muli %scan3A_756, %mul3A_762 : i32
      %get3A_764 = arith.index_cast %mul3A_763 : i32 to index
      %get3A_765 = tpu.vector_load %arg12[%get3A_764] {strides = array<i32>} : memref<2000xi32, #tpu.memory_space<vmem>>, vector<16xi32>,
      %gather3A = tpu.vector_load_idx %arg7[%get3A_761] : memref<100096xf32, #tpu.memory_space<vmem>>[vector<16xi32>], vector<16xf32>,
      %gather3A_766 = tpu.vector_load_idx %arg7[%get3A_765] : memref<100096xf32, #tpu.memory_space<vmem>>[vector<16xi32>], vector<16xf32>,
      %mul3A_767 = arith.mulf %get3A_29, %gather3A : vector<16xf32>
      %mul3A_768 = arith.mulf %get3A_33, %gather3A_766 : vector<16xf32>
      %add3A_769 = arith.addf %mul3A_767, %mul3A_768 : vector<16xf32>
      %ge3A = arith.constant 0.000000e+00 : f32
      %ge3A_770 = vector.broadcast %ge3A : f32 to vector<16xf32>
      %ge3A_771 = arith.cmpf oge, %add3A_769, %ge3A_770 : vector<16xf32>
      %mul3A_772 = arith.constant 2.000000e-01 : f32
      %mul3A_773 = vector.broadcast %mul3A_772 : f32 to vector<16xf32>
      %mul3A_774 = arith.mulf %mul3A_773, %add3A_769 : vector<16xf32>
      %select_n3A = arith.select %ge3A_771, %add3A_769, %mul3A_774 : vector<16xi1>, vector<16xf32>
      %sub3A = arith.subf %select_n3A, %get3A_37 : vector<16xf32>
      %exp3A = math.exp %sub3A : vector<16xf32>
      %mul3A_775 = arith.constant 16 : i32
      %mul3A_776 = arith.muli %scan3A_756, %mul3A_775 : i32
      %swap3A_777 = arith.index_cast %mul3A_776 : i32 to index
      %swap3A_778 = tpu.vector_load %arg13[%swap3A_777] {strides = array<i32>} : memref<2000xf32, #tpu.memory_space<vmem>>, vector<16xf32>,
      tpu.vector_store %arg13[%swap3A_777], %exp3A {strides = array<i32>} : memref<2000xf32, #tpu.memory_space<vmem>>, vector<16xf32>,
      %mul3A_779 = arith.mulf %exp3A, %gather3A : vector<16xf32>
      %mul3A_780 = arith.constant 16 : i32
      %mul3A_781 = arith.muli %scan3A_756, %mul3A_780 : i32
      %swap3A_782 = arith.index_cast %mul3A_781 : i32 to index
      %swap3A_783 = tpu.vector_load %arg14[%swap3A_782] {strides = array<i32>} : memref<2000xf32, #tpu.memory_space<vmem>>, vector<16xf32>,
      tpu.vector_store %arg14[%swap3A_782], %mul3A_779 {strides = array<i32>} : memref<2000xf32, #tpu.memory_space<vmem>>, vector<16xf32>,
      %scan3A_784 = arith.constant 0 : i32
      scf.yield %scan3A_784 : i32
    }
    %scan3A_629 = arith.constant 125 : i32
    %dma_start3A_630 = arith.constant 0 : i32
    %dma_start3A_631 = tpu.memref_slice %arg17[%dma_start3A_630] : memref<100096xf32, #tpu.memory_space<vmem_shared>> -> memref<100096xf32, #tpu.memory_space<vmem_shared>>
    tpu.enqueue_indirect_dma source(%arg13 : memref<2000xf32, #tpu.memory_space<vmem>>) target(%dma_start3A_631 : memref<100096xf32, #tpu.memory_space<vmem_shared>>) offsets(%arg12 : memref<2000xi32, #tpu.memory_space<vmem>>) semaphore(%arg21 : memref<!tpu.dma_semaphore, #tpu.memory_space<semaphore_mem>>) {add = true}
    %dma_start3A_632 = arith.constant 0 : i32
    %dma_start3A_633 = tpu.memref_slice %arg16[%dma_start3A_632] : memref<100096xf32, #tpu.memory_space<vmem_shared>> -> memref<100096xf32, #tpu.memory_space<vmem_shared>>
    tpu.enqueue_indirect_dma source(%arg14 : memref<2000xf32, #tpu.memory_space<vmem>>) target(%dma_start3A_633 : memref<100096xf32, #tpu.memory_space<vmem_shared>>) offsets(%arg12 : memref<2000xi32, #tpu.memory_space<vmem>>) semaphore(%arg21 : memref<!tpu.dma_semaphore, #tpu.memory_space<semaphore_mem>>) {add = true}
    %dma_wait3A_634 = arith.constant 0 : i32
    %dma_wait3A_635 = tpu.memref_slice %arg17[%dma_wait3A_634] : memref<100096xf32, #tpu.memory_space<vmem_shared>> -> memref<100096xf32, #tpu.memory_space<vmem_shared>>
    tpu.wait_indirect_dma semaphore(%arg21 : memref<!tpu.dma_semaphore, #tpu.memory_space<semaphore_mem>>) src(%arg13 : memref<2000xf32, #tpu.memory_space<vmem>>) dst(%dma_wait3A_635 : memref<100096xf32, #tpu.memory_space<vmem_shared>>)
    %dma_wait3A_636 = arith.constant 0 : i32
    %dma_wait3A_637 = tpu.memref_slice %arg16[%dma_wait3A_636] : memref<100096xf32, #tpu.memory_space<vmem_shared>> -> memref<100096xf32, #tpu.memory_space<vmem_shared>>
    tpu.wait_indirect_dma semaphore(%arg21 : memref<!tpu.dma_semaphore, #tpu.memory_space<semaphore_mem>>) src(%arg14 : memref<2000xf32, #tpu.memory_space<vmem>>) dst(%dma_wait3A_637 : memref<100096xf32, #tpu.memory_space<vmem_shared>>)
    %add3A_638 = arith.constant 46000 : i32
    %add3A_639 = arith.addi %mul3A_2, %add3A_638 : i32
    %dma_start3A_640 = tpu.memref_slice %arg2[%add3A_639] : memref<3200000xi32, #tpu.memory_space<hbm>> -> memref<2000xi32, #tpu.memory_space<hbm>>
    %dma_start3A_641 = tpu.memref_slice %arg2[%add3A_639] : memref<3200000xi32, #tpu.memory_space<hbm>> -> memref<2000xi32, #tpu.memory_space<hbm>>
    tpu.enqueue_dma source(%dma_start3A_641 : memref<2000xi32, #tpu.memory_space<hbm>>) target(%arg10 : memref<2000xi32, #tpu.memory_space<vmem>>) target_semaphore(%arg20 : memref<!tpu.dma_semaphore, #tpu.memory_space<semaphore_mem>>)
    %add3A_642 = arith.constant 1600000 : i32
    %add3A_643 = arith.addi %add3A_642, %add3A_639 : i32
    %dma_start3A_644 = tpu.memref_slice %arg2[%add3A_643] : memref<3200000xi32, #tpu.memory_space<hbm>> -> memref<2000xi32, #tpu.memory_space<hbm>>
    %dma_start3A_645 = tpu.memref_slice %arg2[%add3A_643] : memref<3200000xi32, #tpu.memory_space<hbm>> -> memref<2000xi32, #tpu.memory_space<hbm>>
    tpu.enqueue_dma source(%dma_start3A_645 : memref<2000xi32, #tpu.memory_space<hbm>>) target(%arg12 : memref<2000xi32, #tpu.memory_space<vmem>>) target_semaphore(%arg20 : memref<!tpu.dma_semaphore, #tpu.memory_space<semaphore_mem>>)
    %dma_wait3A_646 = tpu.memref_slice %arg2[%add3A_612] : memref<3200000xi32, #tpu.memory_space<hbm>> -> memref<2000xi32, #tpu.memory_space<hbm>>
    %dma_wait3A_647 = tpu.memref_slice %arg2[%add3A_612] : memref<3200000xi32, #tpu.memory_space<hbm>> -> memref<2000xi32, #tpu.memory_space<hbm>>
    tpu.wait_dma2 semaphore(%arg19 : memref<!tpu.dma_semaphore, #tpu.memory_space<semaphore_mem>>) src(%dma_wait3A_647 : memref<2000xi32, #tpu.memory_space<hbm>>) dst(%arg9 : memref<2000xi32, #tpu.memory_space<vmem>>)
    %dma_wait3A_648 = tpu.memref_slice %arg2[%add3A_616] : memref<3200000xi32, #tpu.memory_space<hbm>> -> memref<2000xi32, #tpu.memory_space<hbm>>
    %dma_wait3A_649 = tpu.memref_slice %arg2[%add3A_616] : memref<3200000xi32, #tpu.memory_space<hbm>> -> memref<2000xi32, #tpu.memory_space<hbm>>
    tpu.wait_dma2 semaphore(%arg19 : memref<!tpu.dma_semaphore, #tpu.memory_space<semaphore_mem>>) src(%dma_wait3A_649 : memref<2000xi32, #tpu.memory_space<hbm>>) dst(%arg11 : memref<2000xi32, #tpu.memory_space<vmem>>)
    %scan3A_650 = arith.constant 0 : i32
    %scan3A_651 = arith.constant 0 : i32
    %scan3A_652 = arith.constant 125 : i32
    %scan3A_653 = arith.addi %scan3A_651, %scan3A_652 : i32
    %scan3A_654 = arith.constant 1 : i32
    %scan3A_655 = scf.for %scan3A_756 = %scan3A_651 to %scan3A_653 step %scan3A_654 iter_args(%scan3A_757 = %scan3A_650) -> (i32)  : i32 {
      %mul3A_758 = arith.constant 16 : i32
      %mul3A_759 = arith.muli %scan3A_756, %mul3A_758 : i32
      %get3A_760 = arith.index_cast %mul3A_759 : i32 to index
      %get3A_761 = tpu.vector_load %arg9[%get3A_760] {strides = array<i32>} : memref<2000xi32, #tpu.memory_space<vmem>>, vector<16xi32>,
      %mul3A_762 = arith.constant 16 : i32
      %mul3A_763 = arith.muli %scan3A_756, %mul3A_762 : i32
      %get3A_764 = arith.index_cast %mul3A_763 : i32 to index
      %get3A_765 = tpu.vector_load %arg11[%get3A_764] {strides = array<i32>} : memref<2000xi32, #tpu.memory_space<vmem>>, vector<16xi32>,
      %gather3A = tpu.vector_load_idx %arg7[%get3A_761] : memref<100096xf32, #tpu.memory_space<vmem>>[vector<16xi32>], vector<16xf32>,
      %gather3A_766 = tpu.vector_load_idx %arg7[%get3A_765] : memref<100096xf32, #tpu.memory_space<vmem>>[vector<16xi32>], vector<16xf32>,
      %mul3A_767 = arith.mulf %get3A_29, %gather3A : vector<16xf32>
      %mul3A_768 = arith.mulf %get3A_33, %gather3A_766 : vector<16xf32>
      %add3A_769 = arith.addf %mul3A_767, %mul3A_768 : vector<16xf32>
      %ge3A = arith.constant 0.000000e+00 : f32
      %ge3A_770 = vector.broadcast %ge3A : f32 to vector<16xf32>
      %ge3A_771 = arith.cmpf oge, %add3A_769, %ge3A_770 : vector<16xf32>
      %mul3A_772 = arith.constant 2.000000e-01 : f32
      %mul3A_773 = vector.broadcast %mul3A_772 : f32 to vector<16xf32>
      %mul3A_774 = arith.mulf %mul3A_773, %add3A_769 : vector<16xf32>
      %select_n3A = arith.select %ge3A_771, %add3A_769, %mul3A_774 : vector<16xi1>, vector<16xf32>
      %sub3A = arith.subf %select_n3A, %get3A_37 : vector<16xf32>
      %exp3A = math.exp %sub3A : vector<16xf32>
      %mul3A_775 = arith.constant 16 : i32
      %mul3A_776 = arith.muli %scan3A_756, %mul3A_775 : i32
      %swap3A_777 = arith.index_cast %mul3A_776 : i32 to index
      %swap3A_778 = tpu.vector_load %arg13[%swap3A_777] {strides = array<i32>} : memref<2000xf32, #tpu.memory_space<vmem>>, vector<16xf32>,
      tpu.vector_store %arg13[%swap3A_777], %exp3A {strides = array<i32>} : memref<2000xf32, #tpu.memory_space<vmem>>, vector<16xf32>,
      %mul3A_779 = arith.mulf %exp3A, %gather3A : vector<16xf32>
      %mul3A_780 = arith.constant 16 : i32
      %mul3A_781 = arith.muli %scan3A_756, %mul3A_780 : i32
      %swap3A_782 = arith.index_cast %mul3A_781 : i32 to index
      %swap3A_783 = tpu.vector_load %arg14[%swap3A_782] {strides = array<i32>} : memref<2000xf32, #tpu.memory_space<vmem>>, vector<16xf32>,
      tpu.vector_store %arg14[%swap3A_782], %mul3A_779 {strides = array<i32>} : memref<2000xf32, #tpu.memory_space<vmem>>, vector<16xf32>,
      %scan3A_784 = arith.constant 0 : i32
      scf.yield %scan3A_784 : i32
    }
    %scan3A_656 = arith.constant 125 : i32
    %dma_start3A_657 = arith.constant 0 : i32
    %dma_start3A_658 = tpu.memref_slice %arg17[%dma_start3A_657] : memref<100096xf32, #tpu.memory_space<vmem_shared>> -> memref<100096xf32, #tpu.memory_space<vmem_shared>>
    tpu.enqueue_indirect_dma source(%arg13 : memref<2000xf32, #tpu.memory_space<vmem>>) target(%dma_start3A_658 : memref<100096xf32, #tpu.memory_space<vmem_shared>>) offsets(%arg11 : memref<2000xi32, #tpu.memory_space<vmem>>) semaphore(%arg21 : memref<!tpu.dma_semaphore, #tpu.memory_space<semaphore_mem>>) {add = true}
    %dma_start3A_659 = arith.constant 0 : i32
    %dma_start3A_660 = tpu.memref_slice %arg16[%dma_start3A_659] : memref<100096xf32, #tpu.memory_space<vmem_shared>> -> memref<100096xf32, #tpu.memory_space<vmem_shared>>
    tpu.enqueue_indirect_dma source(%arg14 : memref<2000xf32, #tpu.memory_space<vmem>>) target(%dma_start3A_660 : memref<100096xf32, #tpu.memory_space<vmem_shared>>) offsets(%arg11 : memref<2000xi32, #tpu.memory_space<vmem>>) semaphore(%arg21 : memref<!tpu.dma_semaphore, #tpu.memory_space<semaphore_mem>>) {add = true}
    %dma_wait3A_661 = arith.constant 0 : i32
    %dma_wait3A_662 = tpu.memref_slice %arg17[%dma_wait3A_661] : memref<100096xf32, #tpu.memory_space<vmem_shared>> -> memref<100096xf32, #tpu.memory_space<vmem_shared>>
    tpu.wait_indirect_dma semaphore(%arg21 : memref<!tpu.dma_semaphore, #tpu.memory_space<semaphore_mem>>) src(%arg13 : memref<2000xf32, #tpu.memory_space<vmem>>) dst(%dma_wait3A_662 : memref<100096xf32, #tpu.memory_space<vmem_shared>>)
    %dma_wait3A_663 = arith.constant 0 : i32
    %dma_wait3A_664 = tpu.memref_slice %arg16[%dma_wait3A_663] : memref<100096xf32, #tpu.memory_space<vmem_shared>> -> memref<100096xf32, #tpu.memory_space<vmem_shared>>
    tpu.wait_indirect_dma semaphore(%arg21 : memref<!tpu.dma_semaphore, #tpu.memory_space<semaphore_mem>>) src(%arg14 : memref<2000xf32, #tpu.memory_space<vmem>>) dst(%dma_wait3A_664 : memref<100096xf32, #tpu.memory_space<vmem_shared>>)
    %add3A_665 = arith.constant 48000 : i32
    %add3A_666 = arith.addi %mul3A_2, %add3A_665 : i32
    %dma_start3A_667 = tpu.memref_slice %arg2[%add3A_666] : memref<3200000xi32, #tpu.memory_space<hbm>> -> memref<2000xi32, #tpu.memory_space<hbm>>
    %dma_start3A_668 = tpu.memref_slice %arg2[%add3A_666] : memref<3200000xi32, #tpu.memory_space<hbm>> -> memref<2000xi32, #tpu.memory_space<hbm>>
    tpu.enqueue_dma source(%dma_start3A_668 : memref<2000xi32, #tpu.memory_space<hbm>>) target(%arg9 : memref<2000xi32, #tpu.memory_space<vmem>>) target_semaphore(%arg19 : memref<!tpu.dma_semaphore, #tpu.memory_space<semaphore_mem>>)
    %add3A_669 = arith.constant 1600000 : i32
    %add3A_670 = arith.addi %add3A_669, %add3A_666 : i32
    %dma_start3A_671 = tpu.memref_slice %arg2[%add3A_670] : memref<3200000xi32, #tpu.memory_space<hbm>> -> memref<2000xi32, #tpu.memory_space<hbm>>
    %dma_start3A_672 = tpu.memref_slice %arg2[%add3A_670] : memref<3200000xi32, #tpu.memory_space<hbm>> -> memref<2000xi32, #tpu.memory_space<hbm>>
    tpu.enqueue_dma source(%dma_start3A_672 : memref<2000xi32, #tpu.memory_space<hbm>>) target(%arg11 : memref<2000xi32, #tpu.memory_space<vmem>>) target_semaphore(%arg19 : memref<!tpu.dma_semaphore, #tpu.memory_space<semaphore_mem>>)
    %dma_wait3A_673 = tpu.memref_slice %arg2[%add3A_639] : memref<3200000xi32, #tpu.memory_space<hbm>> -> memref<2000xi32, #tpu.memory_space<hbm>>
    %dma_wait3A_674 = tpu.memref_slice %arg2[%add3A_639] : memref<3200000xi32, #tpu.memory_space<hbm>> -> memref<2000xi32, #tpu.memory_space<hbm>>
    tpu.wait_dma2 semaphore(%arg20 : memref<!tpu.dma_semaphore, #tpu.memory_space<semaphore_mem>>) src(%dma_wait3A_674 : memref<2000xi32, #tpu.memory_space<hbm>>) dst(%arg10 : memref<2000xi32, #tpu.memory_space<vmem>>)
    %dma_wait3A_675 = tpu.memref_slice %arg2[%add3A_643] : memref<3200000xi32, #tpu.memory_space<hbm>> -> memref<2000xi32, #tpu.memory_space<hbm>>
    %dma_wait3A_676 = tpu.memref_slice %arg2[%add3A_643] : memref<3200000xi32, #tpu.memory_space<hbm>> -> memref<2000xi32, #tpu.memory_space<hbm>>
    tpu.wait_dma2 semaphore(%arg20 : memref<!tpu.dma_semaphore, #tpu.memory_space<semaphore_mem>>) src(%dma_wait3A_676 : memref<2000xi32, #tpu.memory_space<hbm>>) dst(%arg12 : memref<2000xi32, #tpu.memory_space<vmem>>)
    %scan3A_677 = arith.constant 0 : i32
    %scan3A_678 = arith.constant 0 : i32
    %scan3A_679 = arith.constant 125 : i32
    %scan3A_680 = arith.addi %scan3A_678, %scan3A_679 : i32
    %scan3A_681 = arith.constant 1 : i32
    %scan3A_682 = scf.for %scan3A_756 = %scan3A_678 to %scan3A_680 step %scan3A_681 iter_args(%scan3A_757 = %scan3A_677) -> (i32)  : i32 {
      %mul3A_758 = arith.constant 16 : i32
      %mul3A_759 = arith.muli %scan3A_756, %mul3A_758 : i32
      %get3A_760 = arith.index_cast %mul3A_759 : i32 to index
      %get3A_761 = tpu.vector_load %arg10[%get3A_760] {strides = array<i32>} : memref<2000xi32, #tpu.memory_space<vmem>>, vector<16xi32>,
      %mul3A_762 = arith.constant 16 : i32
      %mul3A_763 = arith.muli %scan3A_756, %mul3A_762 : i32
      %get3A_764 = arith.index_cast %mul3A_763 : i32 to index
      %get3A_765 = tpu.vector_load %arg12[%get3A_764] {strides = array<i32>} : memref<2000xi32, #tpu.memory_space<vmem>>, vector<16xi32>,
      %gather3A = tpu.vector_load_idx %arg7[%get3A_761] : memref<100096xf32, #tpu.memory_space<vmem>>[vector<16xi32>], vector<16xf32>,
      %gather3A_766 = tpu.vector_load_idx %arg7[%get3A_765] : memref<100096xf32, #tpu.memory_space<vmem>>[vector<16xi32>], vector<16xf32>,
      %mul3A_767 = arith.mulf %get3A_29, %gather3A : vector<16xf32>
      %mul3A_768 = arith.mulf %get3A_33, %gather3A_766 : vector<16xf32>
      %add3A_769 = arith.addf %mul3A_767, %mul3A_768 : vector<16xf32>
      %ge3A = arith.constant 0.000000e+00 : f32
      %ge3A_770 = vector.broadcast %ge3A : f32 to vector<16xf32>
      %ge3A_771 = arith.cmpf oge, %add3A_769, %ge3A_770 : vector<16xf32>
      %mul3A_772 = arith.constant 2.000000e-01 : f32
      %mul3A_773 = vector.broadcast %mul3A_772 : f32 to vector<16xf32>
      %mul3A_774 = arith.mulf %mul3A_773, %add3A_769 : vector<16xf32>
      %select_n3A = arith.select %ge3A_771, %add3A_769, %mul3A_774 : vector<16xi1>, vector<16xf32>
      %sub3A = arith.subf %select_n3A, %get3A_37 : vector<16xf32>
      %exp3A = math.exp %sub3A : vector<16xf32>
      %mul3A_775 = arith.constant 16 : i32
      %mul3A_776 = arith.muli %scan3A_756, %mul3A_775 : i32
      %swap3A_777 = arith.index_cast %mul3A_776 : i32 to index
      %swap3A_778 = tpu.vector_load %arg13[%swap3A_777] {strides = array<i32>} : memref<2000xf32, #tpu.memory_space<vmem>>, vector<16xf32>,
      tpu.vector_store %arg13[%swap3A_777], %exp3A {strides = array<i32>} : memref<2000xf32, #tpu.memory_space<vmem>>, vector<16xf32>,
      %mul3A_779 = arith.mulf %exp3A, %gather3A : vector<16xf32>
      %mul3A_780 = arith.constant 16 : i32
      %mul3A_781 = arith.muli %scan3A_756, %mul3A_780 : i32
      %swap3A_782 = arith.index_cast %mul3A_781 : i32 to index
      %swap3A_783 = tpu.vector_load %arg14[%swap3A_782] {strides = array<i32>} : memref<2000xf32, #tpu.memory_space<vmem>>, vector<16xf32>,
      tpu.vector_store %arg14[%swap3A_782], %mul3A_779 {strides = array<i32>} : memref<2000xf32, #tpu.memory_space<vmem>>, vector<16xf32>,
      %scan3A_784 = arith.constant 0 : i32
      scf.yield %scan3A_784 : i32
    }
    %scan3A_683 = arith.constant 125 : i32
    %dma_start3A_684 = arith.constant 0 : i32
    %dma_start3A_685 = tpu.memref_slice %arg17[%dma_start3A_684] : memref<100096xf32, #tpu.memory_space<vmem_shared>> -> memref<100096xf32, #tpu.memory_space<vmem_shared>>
    tpu.enqueue_indirect_dma source(%arg13 : memref<2000xf32, #tpu.memory_space<vmem>>) target(%dma_start3A_685 : memref<100096xf32, #tpu.memory_space<vmem_shared>>) offsets(%arg12 : memref<2000xi32, #tpu.memory_space<vmem>>) semaphore(%arg21 : memref<!tpu.dma_semaphore, #tpu.memory_space<semaphore_mem>>) {add = true}
    %dma_start3A_686 = arith.constant 0 : i32
    %dma_start3A_687 = tpu.memref_slice %arg16[%dma_start3A_686] : memref<100096xf32, #tpu.memory_space<vmem_shared>> -> memref<100096xf32, #tpu.memory_space<vmem_shared>>
    tpu.enqueue_indirect_dma source(%arg14 : memref<2000xf32, #tpu.memory_space<vmem>>) target(%dma_start3A_687 : memref<100096xf32, #tpu.memory_space<vmem_shared>>) offsets(%arg12 : memref<2000xi32, #tpu.memory_space<vmem>>) semaphore(%arg21 : memref<!tpu.dma_semaphore, #tpu.memory_space<semaphore_mem>>) {add = true}
    %dma_wait3A_688 = tpu.memref_slice %arg2[%add3A_666] : memref<3200000xi32, #tpu.memory_space<hbm>> -> memref<2000xi32, #tpu.memory_space<hbm>>
    %dma_wait3A_689 = tpu.memref_slice %arg2[%add3A_666] : memref<3200000xi32, #tpu.memory_space<hbm>> -> memref<2000xi32, #tpu.memory_space<hbm>>
    tpu.wait_dma2 semaphore(%arg19 : memref<!tpu.dma_semaphore, #tpu.memory_space<semaphore_mem>>) src(%dma_wait3A_689 : memref<2000xi32, #tpu.memory_space<hbm>>) dst(%arg9 : memref<2000xi32, #tpu.memory_space<vmem>>)
    %dma_wait3A_690 = tpu.memref_slice %arg2[%add3A_670] : memref<3200000xi32, #tpu.memory_space<hbm>> -> memref<2000xi32, #tpu.memory_space<hbm>>
    %dma_wait3A_691 = tpu.memref_slice %arg2[%add3A_670] : memref<3200000xi32, #tpu.memory_space<hbm>> -> memref<2000xi32, #tpu.memory_space<hbm>>
    tpu.wait_dma2 semaphore(%arg19 : memref<!tpu.dma_semaphore, #tpu.memory_space<semaphore_mem>>) src(%dma_wait3A_691 : memref<2000xi32, #tpu.memory_space<hbm>>) dst(%arg11 : memref<2000xi32, #tpu.memory_space<vmem>>)
    %dma_wait3A_692 = arith.constant 0 : i32
    %dma_wait3A_693 = tpu.memref_slice %arg17[%dma_wait3A_692] : memref<100096xf32, #tpu.memory_space<vmem_shared>> -> memref<100096xf32, #tpu.memory_space<vmem_shared>>
    tpu.wait_indirect_dma semaphore(%arg21 : memref<!tpu.dma_semaphore, #tpu.memory_space<semaphore_mem>>) src(%arg13 : memref<2000xf32, #tpu.memory_space<vmem>>) dst(%dma_wait3A_693 : memref<100096xf32, #tpu.memory_space<vmem_shared>>)
    %dma_wait3A_694 = arith.constant 0 : i32
    %dma_wait3A_695 = tpu.memref_slice %arg16[%dma_wait3A_694] : memref<100096xf32, #tpu.memory_space<vmem_shared>> -> memref<100096xf32, #tpu.memory_space<vmem_shared>>
    tpu.wait_indirect_dma semaphore(%arg21 : memref<!tpu.dma_semaphore, #tpu.memory_space<semaphore_mem>>) src(%arg14 : memref<2000xf32, #tpu.memory_space<vmem>>) dst(%dma_wait3A_695 : memref<100096xf32, #tpu.memory_space<vmem_shared>>)
    %scan3A_696 = arith.constant 0 : i32
    %scan3A_697 = arith.constant 0 : i32
    %scan3A_698 = arith.constant 125 : i32
    %scan3A_699 = arith.addi %scan3A_697, %scan3A_698 : i32
    %scan3A_700 = arith.constant 1 : i32
    %scan3A_701 = scf.for %scan3A_756 = %scan3A_697 to %scan3A_699 step %scan3A_700 iter_args(%scan3A_757 = %scan3A_696) -> (i32)  : i32 {
      %mul3A_758 = arith.constant 16 : i32
      %mul3A_759 = arith.muli %scan3A_756, %mul3A_758 : i32
      %get3A_760 = arith.index_cast %mul3A_759 : i32 to index
      %get3A_761 = tpu.vector_load %arg9[%get3A_760] {strides = array<i32>} : memref<2000xi32, #tpu.memory_space<vmem>>, vector<16xi32>,
      %mul3A_762 = arith.constant 16 : i32
      %mul3A_763 = arith.muli %scan3A_756, %mul3A_762 : i32
      %get3A_764 = arith.index_cast %mul3A_763 : i32 to index
      %get3A_765 = tpu.vector_load %arg11[%get3A_764] {strides = array<i32>} : memref<2000xi32, #tpu.memory_space<vmem>>, vector<16xi32>,
      %gather3A = tpu.vector_load_idx %arg7[%get3A_761] : memref<100096xf32, #tpu.memory_space<vmem>>[vector<16xi32>], vector<16xf32>,
      %gather3A_766 = tpu.vector_load_idx %arg7[%get3A_765] : memref<100096xf32, #tpu.memory_space<vmem>>[vector<16xi32>], vector<16xf32>,
      %mul3A_767 = arith.mulf %get3A_29, %gather3A : vector<16xf32>
      %mul3A_768 = arith.mulf %get3A_33, %gather3A_766 : vector<16xf32>
      %add3A_769 = arith.addf %mul3A_767, %mul3A_768 : vector<16xf32>
      %ge3A = arith.constant 0.000000e+00 : f32
      %ge3A_770 = vector.broadcast %ge3A : f32 to vector<16xf32>
      %ge3A_771 = arith.cmpf oge, %add3A_769, %ge3A_770 : vector<16xf32>
      %mul3A_772 = arith.constant 2.000000e-01 : f32
      %mul3A_773 = vector.broadcast %mul3A_772 : f32 to vector<16xf32>
      %mul3A_774 = arith.mulf %mul3A_773, %add3A_769 : vector<16xf32>
      %select_n3A = arith.select %ge3A_771, %add3A_769, %mul3A_774 : vector<16xi1>, vector<16xf32>
      %sub3A = arith.subf %select_n3A, %get3A_37 : vector<16xf32>
      %exp3A = math.exp %sub3A : vector<16xf32>
      %mul3A_775 = arith.constant 16 : i32
      %mul3A_776 = arith.muli %scan3A_756, %mul3A_775 : i32
      %swap3A_777 = arith.index_cast %mul3A_776 : i32 to index
      %swap3A_778 = tpu.vector_load %arg13[%swap3A_777] {strides = array<i32>} : memref<2000xf32, #tpu.memory_space<vmem>>, vector<16xf32>,
      tpu.vector_store %arg13[%swap3A_777], %exp3A {strides = array<i32>} : memref<2000xf32, #tpu.memory_space<vmem>>, vector<16xf32>,
      %mul3A_779 = arith.mulf %exp3A, %gather3A : vector<16xf32>
      %mul3A_780 = arith.constant 16 : i32
      %mul3A_781 = arith.muli %scan3A_756, %mul3A_780 : i32
      %swap3A_782 = arith.index_cast %mul3A_781 : i32 to index
      %swap3A_783 = tpu.vector_load %arg14[%swap3A_782] {strides = array<i32>} : memref<2000xf32, #tpu.memory_space<vmem>>, vector<16xf32>,
      tpu.vector_store %arg14[%swap3A_782], %mul3A_779 {strides = array<i32>} : memref<2000xf32, #tpu.memory_space<vmem>>, vector<16xf32>,
      %scan3A_784 = arith.constant 0 : i32
      scf.yield %scan3A_784 : i32
    }
    %scan3A_702 = arith.constant 125 : i32
    %dma_start3A_703 = arith.constant 0 : i32
    %dma_start3A_704 = tpu.memref_slice %arg17[%dma_start3A_703] : memref<100096xf32, #tpu.memory_space<vmem_shared>> -> memref<100096xf32, #tpu.memory_space<vmem_shared>>
    tpu.enqueue_indirect_dma source(%arg13 : memref<2000xf32, #tpu.memory_space<vmem>>) target(%dma_start3A_704 : memref<100096xf32, #tpu.memory_space<vmem_shared>>) offsets(%arg11 : memref<2000xi32, #tpu.memory_space<vmem>>) semaphore(%arg21 : memref<!tpu.dma_semaphore, #tpu.memory_space<semaphore_mem>>) {add = true}
    %dma_start3A_705 = arith.constant 0 : i32
    %dma_start3A_706 = tpu.memref_slice %arg16[%dma_start3A_705] : memref<100096xf32, #tpu.memory_space<vmem_shared>> -> memref<100096xf32, #tpu.memory_space<vmem_shared>>
    tpu.enqueue_indirect_dma source(%arg14 : memref<2000xf32, #tpu.memory_space<vmem>>) target(%dma_start3A_706 : memref<100096xf32, #tpu.memory_space<vmem_shared>>) offsets(%arg11 : memref<2000xi32, #tpu.memory_space<vmem>>) semaphore(%arg21 : memref<!tpu.dma_semaphore, #tpu.memory_space<semaphore_mem>>) {add = true}
    %dma_wait3A_707 = arith.constant 0 : i32
    %dma_wait3A_708 = tpu.memref_slice %arg17[%dma_wait3A_707] : memref<100096xf32, #tpu.memory_space<vmem_shared>> -> memref<100096xf32, #tpu.memory_space<vmem_shared>>
    tpu.wait_indirect_dma semaphore(%arg21 : memref<!tpu.dma_semaphore, #tpu.memory_space<semaphore_mem>>) src(%arg13 : memref<2000xf32, #tpu.memory_space<vmem>>) dst(%dma_wait3A_708 : memref<100096xf32, #tpu.memory_space<vmem_shared>>)
    %dma_wait3A_709 = arith.constant 0 : i32
    %dma_wait3A_710 = tpu.memref_slice %arg16[%dma_wait3A_709] : memref<100096xf32, #tpu.memory_space<vmem_shared>> -> memref<100096xf32, #tpu.memory_space<vmem_shared>>
    tpu.wait_indirect_dma semaphore(%arg21 : memref<!tpu.dma_semaphore, #tpu.memory_space<semaphore_mem>>) src(%arg14 : memref<2000xf32, #tpu.memory_space<vmem>>) dst(%dma_wait3A_710 : memref<100096xf32, #tpu.memory_space<vmem_shared>>)
    %barrier3A_711 = arith.constant 0 : index
    tpu.barrier barrier_id(%barrier3A_711)
    %mul3A_712 = arith.constant 6256 : i32
    %mul3A_713 = arith.muli %arg1, %mul3A_712 : i32
    %add3A_714 = arith.constant 0 : i32
    %add3A_715 = arith.addi %mul3A_713, %add3A_714 : i32
    "tpu.region"() ({
      %run_scoped3A = tpu.sem_alloc : memref<!tpu.dma_semaphore, #tpu.memory_space<semaphore_mem>>
      %dma_start3A_756 = tpu.memref_slice %arg16[%add3A_715] : memref<100096xf32, #tpu.memory_space<vmem_shared>> -> memref<3128xf32, #tpu.memory_space<vmem_shared>>
      %dma_start3A_757 = tpu.memref_slice %arg16[%add3A_715] : memref<100096xf32, #tpu.memory_space<vmem_shared>> -> memref<3128xf32, #tpu.memory_space<vmem_shared>>
      tpu.enqueue_dma source(%dma_start3A_757 : memref<3128xf32, #tpu.memory_space<vmem_shared>>) target(%arg15 : memref<3128xf32, #tpu.memory_space<vmem>>) target_semaphore(%run_scoped3A : memref<!tpu.dma_semaphore, #tpu.memory_space<semaphore_mem>>)
      %dma_wait3A_758 = tpu.memref_slice %arg16[%add3A_715] : memref<100096xf32, #tpu.memory_space<vmem_shared>> -> memref<3128xf32, #tpu.memory_space<vmem_shared>>
      %dma_wait3A_759 = tpu.memref_slice %arg16[%add3A_715] : memref<100096xf32, #tpu.memory_space<vmem_shared>> -> memref<3128xf32, #tpu.memory_space<vmem_shared>>
      tpu.wait_dma2 semaphore(%run_scoped3A : memref<!tpu.dma_semaphore, #tpu.memory_space<semaphore_mem>>) src(%dma_wait3A_759 : memref<3128xf32, #tpu.memory_space<vmem_shared>>) dst(%arg15 : memref<3128xf32, #tpu.memory_space<vmem>>)
      tpu.yield
    }) : () -> ()
    %mul3A_716 = arith.constant 100096 : i32
    %mul3A_717 = arith.muli %arg0, %mul3A_716 : i32
    %mul3A_718 = arith.constant 6256 : i32
    %mul3A_719 = arith.muli %arg1, %mul3A_718 : i32
    %add3A_720 = arith.addi %mul3A_717, %mul3A_719 : i32
    %add3A_721 = arith.constant 0 : i32
    %add3A_722 = arith.addi %add3A_720, %add3A_721 : i32
    "tpu.region"() ({
      %run_scoped3A = tpu.sem_alloc : memref<!tpu.dma_semaphore, #tpu.memory_space<semaphore_mem>>
      %dma_start3A_756 = tpu.memref_slice %arg5[%add3A_722] : memref<200192xf32, #tpu.memory_space<hbm>> -> memref<3128xf32, #tpu.memory_space<hbm>>
      %dma_start3A_757 = tpu.memref_slice %arg5[%add3A_722] : memref<200192xf32, #tpu.memory_space<hbm>> -> memref<3128xf32, #tpu.memory_space<hbm>>
      tpu.enqueue_dma source(%arg15 : memref<3128xf32, #tpu.memory_space<vmem>>) target(%dma_start3A_757 : memref<3128xf32, #tpu.memory_space<hbm>>) target_semaphore(%run_scoped3A : memref<!tpu.dma_semaphore, #tpu.memory_space<semaphore_mem>>)
      %dma_wait3A_758 = tpu.memref_slice %arg5[%add3A_722] : memref<200192xf32, #tpu.memory_space<hbm>> -> memref<3128xf32, #tpu.memory_space<hbm>>
      %dma_wait3A_759 = tpu.memref_slice %arg5[%add3A_722] : memref<200192xf32, #tpu.memory_space<hbm>> -> memref<3128xf32, #tpu.memory_space<hbm>>
      tpu.wait_dma2 semaphore(%run_scoped3A : memref<!tpu.dma_semaphore, #tpu.memory_space<semaphore_mem>>) src(%arg15 : memref<3128xf32, #tpu.memory_space<vmem>>) dst(%dma_wait3A_759 : memref<3128xf32, #tpu.memory_space<hbm>>)
      tpu.yield
    }) : () -> ()
    %mul3A_723 = arith.constant 6256 : i32
    %mul3A_724 = arith.muli %arg1, %mul3A_723 : i32
    %add3A_725 = arith.constant 0 : i32
    %add3A_726 = arith.addi %mul3A_724, %add3A_725 : i32
    "tpu.region"() ({
      %run_scoped3A = tpu.sem_alloc : memref<!tpu.dma_semaphore, #tpu.memory_space<semaphore_mem>>
      %dma_start3A_756 = tpu.memref_slice %arg17[%add3A_726] : memref<100096xf32, #tpu.memory_space<vmem_shared>> -> memref<3128xf32, #tpu.memory_space<vmem_shared>>
      %dma_start3A_757 = tpu.memref_slice %arg17[%add3A_726] : memref<100096xf32, #tpu.memory_space<vmem_shared>> -> memref<3128xf32, #tpu.memory_space<vmem_shared>>
      tpu.enqueue_dma source(%dma_start3A_757 : memref<3128xf32, #tpu.memory_space<vmem_shared>>) target(%arg15 : memref<3128xf32, #tpu.memory_space<vmem>>) target_semaphore(%run_scoped3A : memref<!tpu.dma_semaphore, #tpu.memory_space<semaphore_mem>>)
      %dma_wait3A_758 = tpu.memref_slice %arg17[%add3A_726] : memref<100096xf32, #tpu.memory_space<vmem_shared>> -> memref<3128xf32, #tpu.memory_space<vmem_shared>>
      %dma_wait3A_759 = tpu.memref_slice %arg17[%add3A_726] : memref<100096xf32, #tpu.memory_space<vmem_shared>> -> memref<3128xf32, #tpu.memory_space<vmem_shared>>
      tpu.wait_dma2 semaphore(%run_scoped3A : memref<!tpu.dma_semaphore, #tpu.memory_space<semaphore_mem>>) src(%dma_wait3A_759 : memref<3128xf32, #tpu.memory_space<vmem_shared>>) dst(%arg15 : memref<3128xf32, #tpu.memory_space<vmem>>)
      tpu.yield
    }) : () -> ()
    %mul3A_727 = arith.constant 100096 : i32
    %mul3A_728 = arith.muli %arg0, %mul3A_727 : i32
    %mul3A_729 = arith.constant 6256 : i32
    %mul3A_730 = arith.muli %arg1, %mul3A_729 : i32
    %add3A_731 = arith.addi %mul3A_728, %mul3A_730 : i32
    %add3A_732 = arith.constant 0 : i32
    %add3A_733 = arith.addi %add3A_731, %add3A_732 : i32
    "tpu.region"() ({
      %run_scoped3A = tpu.sem_alloc : memref<!tpu.dma_semaphore, #tpu.memory_space<semaphore_mem>>
      %dma_start3A_756 = tpu.memref_slice %arg6[%add3A_733] : memref<200192xf32, #tpu.memory_space<hbm>> -> memref<3128xf32, #tpu.memory_space<hbm>>
      %dma_start3A_757 = tpu.memref_slice %arg6[%add3A_733] : memref<200192xf32, #tpu.memory_space<hbm>> -> memref<3128xf32, #tpu.memory_space<hbm>>
      tpu.enqueue_dma source(%arg15 : memref<3128xf32, #tpu.memory_space<vmem>>) target(%dma_start3A_757 : memref<3128xf32, #tpu.memory_space<hbm>>) target_semaphore(%run_scoped3A : memref<!tpu.dma_semaphore, #tpu.memory_space<semaphore_mem>>)
      %dma_wait3A_758 = tpu.memref_slice %arg6[%add3A_733] : memref<200192xf32, #tpu.memory_space<hbm>> -> memref<3128xf32, #tpu.memory_space<hbm>>
      %dma_wait3A_759 = tpu.memref_slice %arg6[%add3A_733] : memref<200192xf32, #tpu.memory_space<hbm>> -> memref<3128xf32, #tpu.memory_space<hbm>>
      tpu.wait_dma2 semaphore(%run_scoped3A : memref<!tpu.dma_semaphore, #tpu.memory_space<semaphore_mem>>) src(%arg15 : memref<3128xf32, #tpu.memory_space<vmem>>) dst(%dma_wait3A_759 : memref<3128xf32, #tpu.memory_space<hbm>>)
      tpu.yield
    }) : () -> ()
    %mul3A_734 = arith.constant 6256 : i32
    %mul3A_735 = arith.muli %arg1, %mul3A_734 : i32
    %add3A_736 = arith.constant 3128 : i32
    %add3A_737 = arith.addi %mul3A_735, %add3A_736 : i32
    "tpu.region"() ({
      %run_scoped3A = tpu.sem_alloc : memref<!tpu.dma_semaphore, #tpu.memory_space<semaphore_mem>>
      %dma_start3A_756 = tpu.memref_slice %arg16[%add3A_737] : memref<100096xf32, #tpu.memory_space<vmem_shared>> -> memref<3128xf32, #tpu.memory_space<vmem_shared>>
      %dma_start3A_757 = tpu.memref_slice %arg16[%add3A_737] : memref<100096xf32, #tpu.memory_space<vmem_shared>> -> memref<3128xf32, #tpu.memory_space<vmem_shared>>
      tpu.enqueue_dma source(%dma_start3A_757 : memref<3128xf32, #tpu.memory_space<vmem_shared>>) target(%arg15 : memref<3128xf32, #tpu.memory_space<vmem>>) target_semaphore(%run_scoped3A : memref<!tpu.dma_semaphore, #tpu.memory_space<semaphore_mem>>)
      %dma_wait3A_758 = tpu.memref_slice %arg16[%add3A_737] : memref<100096xf32, #tpu.memory_space<vmem_shared>> -> memref<3128xf32, #tpu.memory_space<vmem_shared>>
      %dma_wait3A_759 = tpu.memref_slice %arg16[%add3A_737] : memref<100096xf32, #tpu.memory_space<vmem_shared>> -> memref<3128xf32, #tpu.memory_space<vmem_shared>>
      tpu.wait_dma2 semaphore(%run_scoped3A : memref<!tpu.dma_semaphore, #tpu.memory_space<semaphore_mem>>) src(%dma_wait3A_759 : memref<3128xf32, #tpu.memory_space<vmem_shared>>) dst(%arg15 : memref<3128xf32, #tpu.memory_space<vmem>>)
      tpu.yield
    }) : () -> ()
    %mul3A_738 = arith.constant 100096 : i32
    %mul3A_739 = arith.muli %arg0, %mul3A_738 : i32
    %mul3A_740 = arith.constant 6256 : i32
    %mul3A_741 = arith.muli %arg1, %mul3A_740 : i32
    %add3A_742 = arith.addi %mul3A_739, %mul3A_741 : i32
    %add3A_743 = arith.constant 3128 : i32
    %add3A_744 = arith.addi %add3A_742, %add3A_743 : i32
    "tpu.region"() ({
      %run_scoped3A = tpu.sem_alloc : memref<!tpu.dma_semaphore, #tpu.memory_space<semaphore_mem>>
      %dma_start3A_756 = tpu.memref_slice %arg5[%add3A_744] : memref<200192xf32, #tpu.memory_space<hbm>> -> memref<3128xf32, #tpu.memory_space<hbm>>
      %dma_start3A_757 = tpu.memref_slice %arg5[%add3A_744] : memref<200192xf32, #tpu.memory_space<hbm>> -> memref<3128xf32, #tpu.memory_space<hbm>>
      tpu.enqueue_dma source(%arg15 : memref<3128xf32, #tpu.memory_space<vmem>>) target(%dma_start3A_757 : memref<3128xf32, #tpu.memory_space<hbm>>) target_semaphore(%run_scoped3A : memref<!tpu.dma_semaphore, #tpu.memory_space<semaphore_mem>>)
      %dma_wait3A_758 = tpu.memref_slice %arg5[%add3A_744] : memref<200192xf32, #tpu.memory_space<hbm>> -> memref<3128xf32, #tpu.memory_space<hbm>>
      %dma_wait3A_759 = tpu.memref_slice %arg5[%add3A_744] : memref<200192xf32, #tpu.memory_space<hbm>> -> memref<3128xf32, #tpu.memory_space<hbm>>
      tpu.wait_dma2 semaphore(%run_scoped3A : memref<!tpu.dma_semaphore, #tpu.memory_space<semaphore_mem>>) src(%arg15 : memref<3128xf32, #tpu.memory_space<vmem>>) dst(%dma_wait3A_759 : memref<3128xf32, #tpu.memory_space<hbm>>)
      tpu.yield
    }) : () -> ()
    %mul3A_745 = arith.constant 6256 : i32
    %mul3A_746 = arith.muli %arg1, %mul3A_745 : i32
    %add3A_747 = arith.constant 3128 : i32
    %add3A_748 = arith.addi %mul3A_746, %add3A_747 : i32
    "tpu.region"() ({
      %run_scoped3A = tpu.sem_alloc : memref<!tpu.dma_semaphore, #tpu.memory_space<semaphore_mem>>
      %dma_start3A_756 = tpu.memref_slice %arg17[%add3A_748] : memref<100096xf32, #tpu.memory_space<vmem_shared>> -> memref<3128xf32, #tpu.memory_space<vmem_shared>>
      %dma_start3A_757 = tpu.memref_slice %arg17[%add3A_748] : memref<100096xf32, #tpu.memory_space<vmem_shared>> -> memref<3128xf32, #tpu.memory_space<vmem_shared>>
      tpu.enqueue_dma source(%dma_start3A_757 : memref<3128xf32, #tpu.memory_space<vmem_shared>>) target(%arg15 : memref<3128xf32, #tpu.memory_space<vmem>>) target_semaphore(%run_scoped3A : memref<!tpu.dma_semaphore, #tpu.memory_space<semaphore_mem>>)
      %dma_wait3A_758 = tpu.memref_slice %arg17[%add3A_748] : memref<100096xf32, #tpu.memory_space<vmem_shared>> -> memref<3128xf32, #tpu.memory_space<vmem_shared>>
      %dma_wait3A_759 = tpu.memref_slice %arg17[%add3A_748] : memref<100096xf32, #tpu.memory_space<vmem_shared>> -> memref<3128xf32, #tpu.memory_space<vmem_shared>>
      tpu.wait_dma2 semaphore(%run_scoped3A : memref<!tpu.dma_semaphore, #tpu.memory_space<semaphore_mem>>) src(%dma_wait3A_759 : memref<3128xf32, #tpu.memory_space<vmem_shared>>) dst(%arg15 : memref<3128xf32, #tpu.memory_space<vmem>>)
      tpu.yield
    }) : () -> ()
    %mul3A_749 = arith.constant 100096 : i32
    %mul3A_750 = arith.muli %arg0, %mul3A_749 : i32
    %mul3A_751 = arith.constant 6256 : i32
    %mul3A_752 = arith.muli %arg1, %mul3A_751 : i32
    %add3A_753 = arith.addi %mul3A_750, %mul3A_752 : i32
    %add3A_754 = arith.constant 3128 : i32
    %add3A_755 = arith.addi %add3A_753, %add3A_754 : i32
    "tpu.region"() ({
      %run_scoped3A = tpu.sem_alloc : memref<!tpu.dma_semaphore, #tpu.memory_space<semaphore_mem>>
      %dma_start3A_756 = tpu.memref_slice %arg6[%add3A_755] : memref<200192xf32, #tpu.memory_space<hbm>> -> memref<3128xf32, #tpu.memory_space<hbm>>
      %dma_start3A_757 = tpu.memref_slice %arg6[%add3A_755] : memref<200192xf32, #tpu.memory_space<hbm>> -> memref<3128xf32, #tpu.memory_space<hbm>>
      tpu.enqueue_dma source(%arg15 : memref<3128xf32, #tpu.memory_space<vmem>>) target(%dma_start3A_757 : memref<3128xf32, #tpu.memory_space<hbm>>) target_semaphore(%run_scoped3A : memref<!tpu.dma_semaphore, #tpu.memory_space<semaphore_mem>>)
      %dma_wait3A_758 = tpu.memref_slice %arg6[%add3A_755] : memref<200192xf32, #tpu.memory_space<hbm>> -> memref<3128xf32, #tpu.memory_space<hbm>>
      %dma_wait3A_759 = tpu.memref_slice %arg6[%add3A_755] : memref<200192xf32, #tpu.memory_space<hbm>> -> memref<3128xf32, #tpu.memory_space<hbm>>
      tpu.wait_dma2 semaphore(%run_scoped3A : memref<!tpu.dma_semaphore, #tpu.memory_space<semaphore_mem>>) src(%arg15 : memref<3128xf32, #tpu.memory_space<vmem>>) dst(%dma_wait3A_759 : memref<3128xf32, #tpu.memory_space<hbm>>)
      tpu.yield
    }) : () -> ()
    return
  }
}

module attributes {stable_mosaic.version = 14 : i64} {
  func.func @body(%arg0: i32, %arg1: memref<1x128xf32, #tpu.memory_space<vmem>>, %arg2: memref<2048x128xf32, #tpu.memory_space<vmem>>, %arg3: memref<16x1x128xf32, #tpu.memory_space<vmem>>, %arg4: memref<1xf32, #tpu.memory_space<smem>>, %arg5: memref<1xf32, #tpu.memory_space<smem>>) attributes {dimension_semantics = [#tpu.dimension_semantics<arbitrary>], iteration_bounds = array<i64: 49>, scalar_prefetch = 0 : i64, scratch_operands = 0 : i64, tpu.core_type = #tpu.core_type<tc>, window_params = [{pipeline_mode = #tpu.pipeline_mode<synchronous>, transform_indices = @transform_0, window_bounds = array<i64: 1, 128>}, {transform_indices = @transform_1, window_bounds = array<i64: 2048, 128>}, {transform_indices = @transform_2, window_bounds = array<i64: 16, 1, 128>}, {transform_indices = @transform_3, window_bounds = array<i64: 1>}, {transform_indices = @transform_4, window_bounds = array<i64: 1>}]} {
    %get3A = arith.constant 0 : index
    %get3A_0 = arith.constant 0 : index
    %get3A_1 = vector.load %arg2[%get3A, %get3A_0] : memref<2048x128xf32, #tpu.memory_space<vmem>>, vector<2048x128xf32>
    %get3A_2 = arith.constant 0 : index
    %get3A_3 = arith.constant 0 : index
    %get3A_4 = vector.load %arg1[%get3A_2, %get3A_3] : memref<1x128xf32, #tpu.memory_space<vmem>>, vector<1x128xf32>
    %iota3A = tpu.iota {dimensions = array<i32: 1>} : vector<1x128xi32>
    %slice3A = vector.extract_strided_slice %get3A_1 {offsets = [0, 0], sizes = [128, 128], strides = [1, 1]} : vector<2048x128xf32> to vector<128x128xf32>
    %dot_general3A = arith.constant dense<0.000000e+00> : vector<1x128xf32>
    %dot_general3A_5 = tpu.matmul %get3A_4, %slice3A, %dot_general3A {dimension_numbers = #tpu.dot_dimension_numbers<[1], [1], [0], [0], [0, 0, 1, 0], [], []>, transpose_lhs_hint = false} : vector<1x128xf32>, vector<128x128xf32>, vector<1x128xf32> -> vector<1x128xf32>
    %mul3A = arith.constant 16 : i32
    %mul3A_6 = arith.muli %arg0, %mul3A : i32
    %add3A = arith.constant 0 : i32
    %add3A_7 = arith.addi %mul3A_6, %add3A : i32
    %mul3A_8 = arith.constant 128 : i32
    %mul3A_9 = arith.muli %add3A_7, %mul3A_8 : i32
    %add3A_10 = vector.broadcast %mul3A_9 : i32 to vector<1x128xi32>
    %add3A_11 = arith.addi %add3A_10, %iota3A : vector<1x128xi32>
    %lt3A = arith.constant 100000 : i32
    %lt3A_12 = vector.broadcast %lt3A : i32 to vector<1x128xi32>
    %lt3A_13 = arith.cmpi slt, %add3A_11, %lt3A_12 : vector<1x128xi32>
    %jit3A = arith.constant 0.000000e+00 : f32
    %broadcast_in_dim3A = vector.broadcast %jit3A : f32 to vector<1x128xf32>
    %select_n3A = arith.select %lt3A_13, %dot_general3A_5, %broadcast_in_dim3A : vector<1x128xi1>, vector<1x128xf32>
    %swap3A = arith.constant 0 : index
    %swap3A_14 = arith.constant 0 : index
    %swap3A_15 = arith.constant 0 : index
    %swap3A_16 = vector.load %arg3[%swap3A, %swap3A_14, %swap3A_15] : memref<16x1x128xf32, #tpu.memory_space<vmem>>, vector<1x1x128xf32>
    %swap3A_17 = vector.shape_cast %swap3A_16 : vector<1x1x128xf32> to vector<1x128xf32>
    %swap3A_18 = vector.shape_cast %select_n3A : vector<1x128xf32> to vector<1x1x128xf32>
    tpu.vector_store %arg3[%swap3A, %swap3A_14, %swap3A_15], %swap3A_18 {strides = array<i32>} : memref<16x1x128xf32, #tpu.memory_space<vmem>>, vector<1x1x128xf32>,
    %reduce_max3A = vector.shape_cast %select_n3A : vector<1x128xf32> to vector<1x1x128xf32>
    %reduce_max3A_19 = arith.constant dense<0xFF800000> : vector<1xf32>
    %reduce_max3A_20 = vector.multi_reduction <maximumf>, %reduce_max3A, %reduce_max3A_19 [1, 2] : vector<1x1x128xf32> to vector<1xf32>
    %reduce_max3A_21 = vector.shape_cast %reduce_max3A_20 : vector<1xf32> to vector<1x1x1xf32>
    %reduce_max3A_22 = vector.extract %reduce_max3A_21[0, 0, 0] : f32 from vector<1x1x1xf32>
    %reduce_min3A = vector.shape_cast %select_n3A : vector<1x128xf32> to vector<1x1x128xf32>
    %reduce_min3A_23 = arith.constant dense<0x7F800000> : vector<1xf32>
    %reduce_min3A_24 = vector.multi_reduction <minimumf>, %reduce_min3A, %reduce_min3A_23 [1, 2] : vector<1x1x128xf32> to vector<1xf32>
    %reduce_min3A_25 = vector.shape_cast %reduce_min3A_24 : vector<1xf32> to vector<1x1x1xf32>
    %reduce_min3A_26 = vector.extract %reduce_min3A_25[0, 0, 0] : f32 from vector<1x1x1xf32>
    %slice3A_27 = vector.extract_strided_slice %get3A_1 {offsets = [128, 0], sizes = [128, 128], strides = [1, 1]} : vector<2048x128xf32> to vector<128x128xf32>
    %dot_general3A_28 = arith.constant dense<0.000000e+00> : vector<1x128xf32>
    %dot_general3A_29 = tpu.matmul %get3A_4, %slice3A_27, %dot_general3A_28 {dimension_numbers = #tpu.dot_dimension_numbers<[1], [1], [0], [0], [0, 0, 1, 0], [], []>, transpose_lhs_hint = false} : vector<1x128xf32>, vector<128x128xf32>, vector<1x128xf32> -> vector<1x128xf32>
    %mul3A_30 = arith.constant 16 : i32
    %mul3A_31 = arith.muli %arg0, %mul3A_30 : i32
    %add3A_32 = arith.constant 1 : i32
    %add3A_33 = arith.addi %mul3A_31, %add3A_32 : i32
    %mul3A_34 = arith.constant 128 : i32
    %mul3A_35 = arith.muli %add3A_33, %mul3A_34 : i32
    %add3A_36 = vector.broadcast %mul3A_35 : i32 to vector<1x128xi32>
    %add3A_37 = arith.addi %add3A_36, %iota3A : vector<1x128xi32>
    %lt3A_38 = arith.constant 100000 : i32
    %lt3A_39 = vector.broadcast %lt3A_38 : i32 to vector<1x128xi32>
    %lt3A_40 = arith.cmpi slt, %add3A_37, %lt3A_39 : vector<1x128xi32>
    %jit3A_41 = arith.constant 0.000000e+00 : f32
    %broadcast_in_dim3A_42 = vector.broadcast %jit3A_41 : f32 to vector<1x128xf32>
    %select_n3A_43 = arith.select %lt3A_40, %dot_general3A_29, %broadcast_in_dim3A_42 : vector<1x128xi1>, vector<1x128xf32>
    %swap3A_44 = arith.constant 1 : index
    %swap3A_45 = arith.constant 0 : index
    %swap3A_46 = arith.constant 0 : index
    %swap3A_47 = vector.load %arg3[%swap3A_44, %swap3A_45, %swap3A_46] : memref<16x1x128xf32, #tpu.memory_space<vmem>>, vector<1x1x128xf32>
    %swap3A_48 = vector.shape_cast %swap3A_47 : vector<1x1x128xf32> to vector<1x128xf32>
    %swap3A_49 = vector.shape_cast %select_n3A_43 : vector<1x128xf32> to vector<1x1x128xf32>
    tpu.vector_store %arg3[%swap3A_44, %swap3A_45, %swap3A_46], %swap3A_49 {strides = array<i32>} : memref<16x1x128xf32, #tpu.memory_space<vmem>>, vector<1x1x128xf32>,
    %reduce_max3A_50 = vector.shape_cast %select_n3A_43 : vector<1x128xf32> to vector<1x1x128xf32>
    %reduce_max3A_51 = arith.constant dense<0xFF800000> : vector<1xf32>
    %reduce_max3A_52 = vector.multi_reduction <maximumf>, %reduce_max3A_50, %reduce_max3A_51 [1, 2] : vector<1x1x128xf32> to vector<1xf32>
    %reduce_max3A_53 = vector.shape_cast %reduce_max3A_52 : vector<1xf32> to vector<1x1x1xf32>
    %reduce_max3A_54 = vector.extract %reduce_max3A_53[0, 0, 0] : f32 from vector<1x1x1xf32>
    %reduce_min3A_55 = vector.shape_cast %select_n3A_43 : vector<1x128xf32> to vector<1x1x128xf32>
    %reduce_min3A_56 = arith.constant dense<0x7F800000> : vector<1xf32>
    %reduce_min3A_57 = vector.multi_reduction <minimumf>, %reduce_min3A_55, %reduce_min3A_56 [1, 2] : vector<1x1x128xf32> to vector<1xf32>
    %reduce_min3A_58 = vector.shape_cast %reduce_min3A_57 : vector<1xf32> to vector<1x1x1xf32>
    %reduce_min3A_59 = vector.extract %reduce_min3A_58[0, 0, 0] : f32 from vector<1x1x1xf32>
    %max3A = arith.maximumf %reduce_max3A_22, %reduce_max3A_54 : f32
    %min3A = arith.minimumf %reduce_min3A_26, %reduce_min3A_59 : f32
    %slice3A_60 = vector.extract_strided_slice %get3A_1 {offsets = [256, 0], sizes = [128, 128], strides = [1, 1]} : vector<2048x128xf32> to vector<128x128xf32>
    %dot_general3A_61 = arith.constant dense<0.000000e+00> : vector<1x128xf32>
    %dot_general3A_62 = tpu.matmul %get3A_4, %slice3A_60, %dot_general3A_61 {dimension_numbers = #tpu.dot_dimension_numbers<[1], [1], [0], [0], [0, 0, 1, 0], [], []>, transpose_lhs_hint = false} : vector<1x128xf32>, vector<128x128xf32>, vector<1x128xf32> -> vector<1x128xf32>
    %mul3A_63 = arith.constant 16 : i32
    %mul3A_64 = arith.muli %arg0, %mul3A_63 : i32
    %add3A_65 = arith.constant 2 : i32
    %add3A_66 = arith.addi %mul3A_64, %add3A_65 : i32
    %mul3A_67 = arith.constant 128 : i32
    %mul3A_68 = arith.muli %add3A_66, %mul3A_67 : i32
    %add3A_69 = vector.broadcast %mul3A_68 : i32 to vector<1x128xi32>
    %add3A_70 = arith.addi %add3A_69, %iota3A : vector<1x128xi32>
    %lt3A_71 = arith.constant 100000 : i32
    %lt3A_72 = vector.broadcast %lt3A_71 : i32 to vector<1x128xi32>
    %lt3A_73 = arith.cmpi slt, %add3A_70, %lt3A_72 : vector<1x128xi32>
    %jit3A_74 = arith.constant 0.000000e+00 : f32
    %broadcast_in_dim3A_75 = vector.broadcast %jit3A_74 : f32 to vector<1x128xf32>
    %select_n3A_76 = arith.select %lt3A_73, %dot_general3A_62, %broadcast_in_dim3A_75 : vector<1x128xi1>, vector<1x128xf32>
    %swap3A_77 = arith.constant 2 : index
    %swap3A_78 = arith.constant 0 : index
    %swap3A_79 = arith.constant 0 : index
    %swap3A_80 = vector.load %arg3[%swap3A_77, %swap3A_78, %swap3A_79] : memref<16x1x128xf32, #tpu.memory_space<vmem>>, vector<1x1x128xf32>
    %swap3A_81 = vector.shape_cast %swap3A_80 : vector<1x1x128xf32> to vector<1x128xf32>
    %swap3A_82 = vector.shape_cast %select_n3A_76 : vector<1x128xf32> to vector<1x1x128xf32>
    tpu.vector_store %arg3[%swap3A_77, %swap3A_78, %swap3A_79], %swap3A_82 {strides = array<i32>} : memref<16x1x128xf32, #tpu.memory_space<vmem>>, vector<1x1x128xf32>,
    %reduce_max3A_83 = vector.shape_cast %select_n3A_76 : vector<1x128xf32> to vector<1x1x128xf32>
    %reduce_max3A_84 = arith.constant dense<0xFF800000> : vector<1xf32>
    %reduce_max3A_85 = vector.multi_reduction <maximumf>, %reduce_max3A_83, %reduce_max3A_84 [1, 2] : vector<1x1x128xf32> to vector<1xf32>
    %reduce_max3A_86 = vector.shape_cast %reduce_max3A_85 : vector<1xf32> to vector<1x1x1xf32>
    %reduce_max3A_87 = vector.extract %reduce_max3A_86[0, 0, 0] : f32 from vector<1x1x1xf32>
    %reduce_min3A_88 = vector.shape_cast %select_n3A_76 : vector<1x128xf32> to vector<1x1x128xf32>
    %reduce_min3A_89 = arith.constant dense<0x7F800000> : vector<1xf32>
    %reduce_min3A_90 = vector.multi_reduction <minimumf>, %reduce_min3A_88, %reduce_min3A_89 [1, 2] : vector<1x1x128xf32> to vector<1xf32>
    %reduce_min3A_91 = vector.shape_cast %reduce_min3A_90 : vector<1xf32> to vector<1x1x1xf32>
    %reduce_min3A_92 = vector.extract %reduce_min3A_91[0, 0, 0] : f32 from vector<1x1x1xf32>
    %max3A_93 = arith.maximumf %max3A, %reduce_max3A_87 : f32
    %min3A_94 = arith.minimumf %min3A, %reduce_min3A_92 : f32
    %slice3A_95 = vector.extract_strided_slice %get3A_1 {offsets = [384, 0], sizes = [128, 128], strides = [1, 1]} : vector<2048x128xf32> to vector<128x128xf32>
    %dot_general3A_96 = arith.constant dense<0.000000e+00> : vector<1x128xf32>
    %dot_general3A_97 = tpu.matmul %get3A_4, %slice3A_95, %dot_general3A_96 {dimension_numbers = #tpu.dot_dimension_numbers<[1], [1], [0], [0], [0, 0, 1, 0], [], []>, transpose_lhs_hint = false} : vector<1x128xf32>, vector<128x128xf32>, vector<1x128xf32> -> vector<1x128xf32>
    %mul3A_98 = arith.constant 16 : i32
    %mul3A_99 = arith.muli %arg0, %mul3A_98 : i32
    %add3A_100 = arith.constant 3 : i32
    %add3A_101 = arith.addi %mul3A_99, %add3A_100 : i32
    %mul3A_102 = arith.constant 128 : i32
    %mul3A_103 = arith.muli %add3A_101, %mul3A_102 : i32
    %add3A_104 = vector.broadcast %mul3A_103 : i32 to vector<1x128xi32>
    %add3A_105 = arith.addi %add3A_104, %iota3A : vector<1x128xi32>
    %lt3A_106 = arith.constant 100000 : i32
    %lt3A_107 = vector.broadcast %lt3A_106 : i32 to vector<1x128xi32>
    %lt3A_108 = arith.cmpi slt, %add3A_105, %lt3A_107 : vector<1x128xi32>
    %jit3A_109 = arith.constant 0.000000e+00 : f32
    %broadcast_in_dim3A_110 = vector.broadcast %jit3A_109 : f32 to vector<1x128xf32>
    %select_n3A_111 = arith.select %lt3A_108, %dot_general3A_97, %broadcast_in_dim3A_110 : vector<1x128xi1>, vector<1x128xf32>
    %swap3A_112 = arith.constant 3 : index
    %swap3A_113 = arith.constant 0 : index
    %swap3A_114 = arith.constant 0 : index
    %swap3A_115 = vector.load %arg3[%swap3A_112, %swap3A_113, %swap3A_114] : memref<16x1x128xf32, #tpu.memory_space<vmem>>, vector<1x1x128xf32>
    %swap3A_116 = vector.shape_cast %swap3A_115 : vector<1x1x128xf32> to vector<1x128xf32>
    %swap3A_117 = vector.shape_cast %select_n3A_111 : vector<1x128xf32> to vector<1x1x128xf32>
    tpu.vector_store %arg3[%swap3A_112, %swap3A_113, %swap3A_114], %swap3A_117 {strides = array<i32>} : memref<16x1x128xf32, #tpu.memory_space<vmem>>, vector<1x1x128xf32>,
    %reduce_max3A_118 = vector.shape_cast %select_n3A_111 : vector<1x128xf32> to vector<1x1x128xf32>
    %reduce_max3A_119 = arith.constant dense<0xFF800000> : vector<1xf32>
    %reduce_max3A_120 = vector.multi_reduction <maximumf>, %reduce_max3A_118, %reduce_max3A_119 [1, 2] : vector<1x1x128xf32> to vector<1xf32>
    %reduce_max3A_121 = vector.shape_cast %reduce_max3A_120 : vector<1xf32> to vector<1x1x1xf32>
    %reduce_max3A_122 = vector.extract %reduce_max3A_121[0, 0, 0] : f32 from vector<1x1x1xf32>
    %reduce_min3A_123 = vector.shape_cast %select_n3A_111 : vector<1x128xf32> to vector<1x1x128xf32>
    %reduce_min3A_124 = arith.constant dense<0x7F800000> : vector<1xf32>
    %reduce_min3A_125 = vector.multi_reduction <minimumf>, %reduce_min3A_123, %reduce_min3A_124 [1, 2] : vector<1x1x128xf32> to vector<1xf32>
    %reduce_min3A_126 = vector.shape_cast %reduce_min3A_125 : vector<1xf32> to vector<1x1x1xf32>
    %reduce_min3A_127 = vector.extract %reduce_min3A_126[0, 0, 0] : f32 from vector<1x1x1xf32>
    %max3A_128 = arith.maximumf %max3A_93, %reduce_max3A_122 : f32
    %min3A_129 = arith.minimumf %min3A_94, %reduce_min3A_127 : f32
    %slice3A_130 = vector.extract_strided_slice %get3A_1 {offsets = [512, 0], sizes = [128, 128], strides = [1, 1]} : vector<2048x128xf32> to vector<128x128xf32>
    %dot_general3A_131 = arith.constant dense<0.000000e+00> : vector<1x128xf32>
    %dot_general3A_132 = tpu.matmul %get3A_4, %slice3A_130, %dot_general3A_131 {dimension_numbers = #tpu.dot_dimension_numbers<[1], [1], [0], [0], [0, 0, 1, 0], [], []>, transpose_lhs_hint = false} : vector<1x128xf32>, vector<128x128xf32>, vector<1x128xf32> -> vector<1x128xf32>
    %mul3A_133 = arith.constant 16 : i32
    %mul3A_134 = arith.muli %arg0, %mul3A_133 : i32
    %add3A_135 = arith.constant 4 : i32
    %add3A_136 = arith.addi %mul3A_134, %add3A_135 : i32
    %mul3A_137 = arith.constant 128 : i32
    %mul3A_138 = arith.muli %add3A_136, %mul3A_137 : i32
    %add3A_139 = vector.broadcast %mul3A_138 : i32 to vector<1x128xi32>
    %add3A_140 = arith.addi %add3A_139, %iota3A : vector<1x128xi32>
    %lt3A_141 = arith.constant 100000 : i32
    %lt3A_142 = vector.broadcast %lt3A_141 : i32 to vector<1x128xi32>
    %lt3A_143 = arith.cmpi slt, %add3A_140, %lt3A_142 : vector<1x128xi32>
    %jit3A_144 = arith.constant 0.000000e+00 : f32
    %broadcast_in_dim3A_145 = vector.broadcast %jit3A_144 : f32 to vector<1x128xf32>
    %select_n3A_146 = arith.select %lt3A_143, %dot_general3A_132, %broadcast_in_dim3A_145 : vector<1x128xi1>, vector<1x128xf32>
    %swap3A_147 = arith.constant 4 : index
    %swap3A_148 = arith.constant 0 : index
    %swap3A_149 = arith.constant 0 : index
    %swap3A_150 = vector.load %arg3[%swap3A_147, %swap3A_148, %swap3A_149] : memref<16x1x128xf32, #tpu.memory_space<vmem>>, vector<1x1x128xf32>
    %swap3A_151 = vector.shape_cast %swap3A_150 : vector<1x1x128xf32> to vector<1x128xf32>
    %swap3A_152 = vector.shape_cast %select_n3A_146 : vector<1x128xf32> to vector<1x1x128xf32>
    tpu.vector_store %arg3[%swap3A_147, %swap3A_148, %swap3A_149], %swap3A_152 {strides = array<i32>} : memref<16x1x128xf32, #tpu.memory_space<vmem>>, vector<1x1x128xf32>,
    %reduce_max3A_153 = vector.shape_cast %select_n3A_146 : vector<1x128xf32> to vector<1x1x128xf32>
    %reduce_max3A_154 = arith.constant dense<0xFF800000> : vector<1xf32>
    %reduce_max3A_155 = vector.multi_reduction <maximumf>, %reduce_max3A_153, %reduce_max3A_154 [1, 2] : vector<1x1x128xf32> to vector<1xf32>
    %reduce_max3A_156 = vector.shape_cast %reduce_max3A_155 : vector<1xf32> to vector<1x1x1xf32>
    %reduce_max3A_157 = vector.extract %reduce_max3A_156[0, 0, 0] : f32 from vector<1x1x1xf32>
    %reduce_min3A_158 = vector.shape_cast %select_n3A_146 : vector<1x128xf32> to vector<1x1x128xf32>
    %reduce_min3A_159 = arith.constant dense<0x7F800000> : vector<1xf32>
    %reduce_min3A_160 = vector.multi_reduction <minimumf>, %reduce_min3A_158, %reduce_min3A_159 [1, 2] : vector<1x1x128xf32> to vector<1xf32>
    %reduce_min3A_161 = vector.shape_cast %reduce_min3A_160 : vector<1xf32> to vector<1x1x1xf32>
    %reduce_min3A_162 = vector.extract %reduce_min3A_161[0, 0, 0] : f32 from vector<1x1x1xf32>
    %max3A_163 = arith.maximumf %max3A_128, %reduce_max3A_157 : f32
    %min3A_164 = arith.minimumf %min3A_129, %reduce_min3A_162 : f32
    %slice3A_165 = vector.extract_strided_slice %get3A_1 {offsets = [640, 0], sizes = [128, 128], strides = [1, 1]} : vector<2048x128xf32> to vector<128x128xf32>
    %dot_general3A_166 = arith.constant dense<0.000000e+00> : vector<1x128xf32>
    %dot_general3A_167 = tpu.matmul %get3A_4, %slice3A_165, %dot_general3A_166 {dimension_numbers = #tpu.dot_dimension_numbers<[1], [1], [0], [0], [0, 0, 1, 0], [], []>, transpose_lhs_hint = false} : vector<1x128xf32>, vector<128x128xf32>, vector<1x128xf32> -> vector<1x128xf32>
    %mul3A_168 = arith.constant 16 : i32
    %mul3A_169 = arith.muli %arg0, %mul3A_168 : i32
    %add3A_170 = arith.constant 5 : i32
    %add3A_171 = arith.addi %mul3A_169, %add3A_170 : i32
    %mul3A_172 = arith.constant 128 : i32
    %mul3A_173 = arith.muli %add3A_171, %mul3A_172 : i32
    %add3A_174 = vector.broadcast %mul3A_173 : i32 to vector<1x128xi32>
    %add3A_175 = arith.addi %add3A_174, %iota3A : vector<1x128xi32>
    %lt3A_176 = arith.constant 100000 : i32
    %lt3A_177 = vector.broadcast %lt3A_176 : i32 to vector<1x128xi32>
    %lt3A_178 = arith.cmpi slt, %add3A_175, %lt3A_177 : vector<1x128xi32>
    %jit3A_179 = arith.constant 0.000000e+00 : f32
    %broadcast_in_dim3A_180 = vector.broadcast %jit3A_179 : f32 to vector<1x128xf32>
    %select_n3A_181 = arith.select %lt3A_178, %dot_general3A_167, %broadcast_in_dim3A_180 : vector<1x128xi1>, vector<1x128xf32>
    %swap3A_182 = arith.constant 5 : index
    %swap3A_183 = arith.constant 0 : index
    %swap3A_184 = arith.constant 0 : index
    %swap3A_185 = vector.load %arg3[%swap3A_182, %swap3A_183, %swap3A_184] : memref<16x1x128xf32, #tpu.memory_space<vmem>>, vector<1x1x128xf32>
    %swap3A_186 = vector.shape_cast %swap3A_185 : vector<1x1x128xf32> to vector<1x128xf32>
    %swap3A_187 = vector.shape_cast %select_n3A_181 : vector<1x128xf32> to vector<1x1x128xf32>
    tpu.vector_store %arg3[%swap3A_182, %swap3A_183, %swap3A_184], %swap3A_187 {strides = array<i32>} : memref<16x1x128xf32, #tpu.memory_space<vmem>>, vector<1x1x128xf32>,
    %reduce_max3A_188 = vector.shape_cast %select_n3A_181 : vector<1x128xf32> to vector<1x1x128xf32>
    %reduce_max3A_189 = arith.constant dense<0xFF800000> : vector<1xf32>
    %reduce_max3A_190 = vector.multi_reduction <maximumf>, %reduce_max3A_188, %reduce_max3A_189 [1, 2] : vector<1x1x128xf32> to vector<1xf32>
    %reduce_max3A_191 = vector.shape_cast %reduce_max3A_190 : vector<1xf32> to vector<1x1x1xf32>
    %reduce_max3A_192 = vector.extract %reduce_max3A_191[0, 0, 0] : f32 from vector<1x1x1xf32>
    %reduce_min3A_193 = vector.shape_cast %select_n3A_181 : vector<1x128xf32> to vector<1x1x128xf32>
    %reduce_min3A_194 = arith.constant dense<0x7F800000> : vector<1xf32>
    %reduce_min3A_195 = vector.multi_reduction <minimumf>, %reduce_min3A_193, %reduce_min3A_194 [1, 2] : vector<1x1x128xf32> to vector<1xf32>
    %reduce_min3A_196 = vector.shape_cast %reduce_min3A_195 : vector<1xf32> to vector<1x1x1xf32>
    %reduce_min3A_197 = vector.extract %reduce_min3A_196[0, 0, 0] : f32 from vector<1x1x1xf32>
    %max3A_198 = arith.maximumf %max3A_163, %reduce_max3A_192 : f32
    %min3A_199 = arith.minimumf %min3A_164, %reduce_min3A_197 : f32
    %slice3A_200 = vector.extract_strided_slice %get3A_1 {offsets = [768, 0], sizes = [128, 128], strides = [1, 1]} : vector<2048x128xf32> to vector<128x128xf32>
    %dot_general3A_201 = arith.constant dense<0.000000e+00> : vector<1x128xf32>
    %dot_general3A_202 = tpu.matmul %get3A_4, %slice3A_200, %dot_general3A_201 {dimension_numbers = #tpu.dot_dimension_numbers<[1], [1], [0], [0], [0, 0, 1, 0], [], []>, transpose_lhs_hint = false} : vector<1x128xf32>, vector<128x128xf32>, vector<1x128xf32> -> vector<1x128xf32>
    %mul3A_203 = arith.constant 16 : i32
    %mul3A_204 = arith.muli %arg0, %mul3A_203 : i32
    %add3A_205 = arith.constant 6 : i32
    %add3A_206 = arith.addi %mul3A_204, %add3A_205 : i32
    %mul3A_207 = arith.constant 128 : i32
    %mul3A_208 = arith.muli %add3A_206, %mul3A_207 : i32
    %add3A_209 = vector.broadcast %mul3A_208 : i32 to vector<1x128xi32>
    %add3A_210 = arith.addi %add3A_209, %iota3A : vector<1x128xi32>
    %lt3A_211 = arith.constant 100000 : i32
    %lt3A_212 = vector.broadcast %lt3A_211 : i32 to vector<1x128xi32>
    %lt3A_213 = arith.cmpi slt, %add3A_210, %lt3A_212 : vector<1x128xi32>
    %jit3A_214 = arith.constant 0.000000e+00 : f32
    %broadcast_in_dim3A_215 = vector.broadcast %jit3A_214 : f32 to vector<1x128xf32>
    %select_n3A_216 = arith.select %lt3A_213, %dot_general3A_202, %broadcast_in_dim3A_215 : vector<1x128xi1>, vector<1x128xf32>
    %swap3A_217 = arith.constant 6 : index
    %swap3A_218 = arith.constant 0 : index
    %swap3A_219 = arith.constant 0 : index
    %swap3A_220 = vector.load %arg3[%swap3A_217, %swap3A_218, %swap3A_219] : memref<16x1x128xf32, #tpu.memory_space<vmem>>, vector<1x1x128xf32>
    %swap3A_221 = vector.shape_cast %swap3A_220 : vector<1x1x128xf32> to vector<1x128xf32>
    %swap3A_222 = vector.shape_cast %select_n3A_216 : vector<1x128xf32> to vector<1x1x128xf32>
    tpu.vector_store %arg3[%swap3A_217, %swap3A_218, %swap3A_219], %swap3A_222 {strides = array<i32>} : memref<16x1x128xf32, #tpu.memory_space<vmem>>, vector<1x1x128xf32>,
    %reduce_max3A_223 = vector.shape_cast %select_n3A_216 : vector<1x128xf32> to vector<1x1x128xf32>
    %reduce_max3A_224 = arith.constant dense<0xFF800000> : vector<1xf32>
    %reduce_max3A_225 = vector.multi_reduction <maximumf>, %reduce_max3A_223, %reduce_max3A_224 [1, 2] : vector<1x1x128xf32> to vector<1xf32>
    %reduce_max3A_226 = vector.shape_cast %reduce_max3A_225 : vector<1xf32> to vector<1x1x1xf32>
    %reduce_max3A_227 = vector.extract %reduce_max3A_226[0, 0, 0] : f32 from vector<1x1x1xf32>
    %reduce_min3A_228 = vector.shape_cast %select_n3A_216 : vector<1x128xf32> to vector<1x1x128xf32>
    %reduce_min3A_229 = arith.constant dense<0x7F800000> : vector<1xf32>
    %reduce_min3A_230 = vector.multi_reduction <minimumf>, %reduce_min3A_228, %reduce_min3A_229 [1, 2] : vector<1x1x128xf32> to vector<1xf32>
    %reduce_min3A_231 = vector.shape_cast %reduce_min3A_230 : vector<1xf32> to vector<1x1x1xf32>
    %reduce_min3A_232 = vector.extract %reduce_min3A_231[0, 0, 0] : f32 from vector<1x1x1xf32>
    %max3A_233 = arith.maximumf %max3A_198, %reduce_max3A_227 : f32
    %min3A_234 = arith.minimumf %min3A_199, %reduce_min3A_232 : f32
    %slice3A_235 = vector.extract_strided_slice %get3A_1 {offsets = [896, 0], sizes = [128, 128], strides = [1, 1]} : vector<2048x128xf32> to vector<128x128xf32>
    %dot_general3A_236 = arith.constant dense<0.000000e+00> : vector<1x128xf32>
    %dot_general3A_237 = tpu.matmul %get3A_4, %slice3A_235, %dot_general3A_236 {dimension_numbers = #tpu.dot_dimension_numbers<[1], [1], [0], [0], [0, 0, 1, 0], [], []>, transpose_lhs_hint = false} : vector<1x128xf32>, vector<128x128xf32>, vector<1x128xf32> -> vector<1x128xf32>
    %mul3A_238 = arith.constant 16 : i32
    %mul3A_239 = arith.muli %arg0, %mul3A_238 : i32
    %add3A_240 = arith.constant 7 : i32
    %add3A_241 = arith.addi %mul3A_239, %add3A_240 : i32
    %mul3A_242 = arith.constant 128 : i32
    %mul3A_243 = arith.muli %add3A_241, %mul3A_242 : i32
    %add3A_244 = vector.broadcast %mul3A_243 : i32 to vector<1x128xi32>
    %add3A_245 = arith.addi %add3A_244, %iota3A : vector<1x128xi32>
    %lt3A_246 = arith.constant 100000 : i32
    %lt3A_247 = vector.broadcast %lt3A_246 : i32 to vector<1x128xi32>
    %lt3A_248 = arith.cmpi slt, %add3A_245, %lt3A_247 : vector<1x128xi32>
    %jit3A_249 = arith.constant 0.000000e+00 : f32
    %broadcast_in_dim3A_250 = vector.broadcast %jit3A_249 : f32 to vector<1x128xf32>
    %select_n3A_251 = arith.select %lt3A_248, %dot_general3A_237, %broadcast_in_dim3A_250 : vector<1x128xi1>, vector<1x128xf32>
    %swap3A_252 = arith.constant 7 : index
    %swap3A_253 = arith.constant 0 : index
    %swap3A_254 = arith.constant 0 : index
    %swap3A_255 = vector.load %arg3[%swap3A_252, %swap3A_253, %swap3A_254] : memref<16x1x128xf32, #tpu.memory_space<vmem>>, vector<1x1x128xf32>
    %swap3A_256 = vector.shape_cast %swap3A_255 : vector<1x1x128xf32> to vector<1x128xf32>
    %swap3A_257 = vector.shape_cast %select_n3A_251 : vector<1x128xf32> to vector<1x1x128xf32>
    tpu.vector_store %arg3[%swap3A_252, %swap3A_253, %swap3A_254], %swap3A_257 {strides = array<i32>} : memref<16x1x128xf32, #tpu.memory_space<vmem>>, vector<1x1x128xf32>,
    %reduce_max3A_258 = vector.shape_cast %select_n3A_251 : vector<1x128xf32> to vector<1x1x128xf32>
    %reduce_max3A_259 = arith.constant dense<0xFF800000> : vector<1xf32>
    %reduce_max3A_260 = vector.multi_reduction <maximumf>, %reduce_max3A_258, %reduce_max3A_259 [1, 2] : vector<1x1x128xf32> to vector<1xf32>
    %reduce_max3A_261 = vector.shape_cast %reduce_max3A_260 : vector<1xf32> to vector<1x1x1xf32>
    %reduce_max3A_262 = vector.extract %reduce_max3A_261[0, 0, 0] : f32 from vector<1x1x1xf32>
    %reduce_min3A_263 = vector.shape_cast %select_n3A_251 : vector<1x128xf32> to vector<1x1x128xf32>
    %reduce_min3A_264 = arith.constant dense<0x7F800000> : vector<1xf32>
    %reduce_min3A_265 = vector.multi_reduction <minimumf>, %reduce_min3A_263, %reduce_min3A_264 [1, 2] : vector<1x1x128xf32> to vector<1xf32>
    %reduce_min3A_266 = vector.shape_cast %reduce_min3A_265 : vector<1xf32> to vector<1x1x1xf32>
    %reduce_min3A_267 = vector.extract %reduce_min3A_266[0, 0, 0] : f32 from vector<1x1x1xf32>
    %max3A_268 = arith.maximumf %max3A_233, %reduce_max3A_262 : f32
    %min3A_269 = arith.minimumf %min3A_234, %reduce_min3A_267 : f32
    %slice3A_270 = vector.extract_strided_slice %get3A_1 {offsets = [1024, 0], sizes = [128, 128], strides = [1, 1]} : vector<2048x128xf32> to vector<128x128xf32>
    %dot_general3A_271 = arith.constant dense<0.000000e+00> : vector<1x128xf32>
    %dot_general3A_272 = tpu.matmul %get3A_4, %slice3A_270, %dot_general3A_271 {dimension_numbers = #tpu.dot_dimension_numbers<[1], [1], [0], [0], [0, 0, 1, 0], [], []>, transpose_lhs_hint = false} : vector<1x128xf32>, vector<128x128xf32>, vector<1x128xf32> -> vector<1x128xf32>
    %mul3A_273 = arith.constant 16 : i32
    %mul3A_274 = arith.muli %arg0, %mul3A_273 : i32
    %add3A_275 = arith.constant 8 : i32
    %add3A_276 = arith.addi %mul3A_274, %add3A_275 : i32
    %mul3A_277 = arith.constant 128 : i32
    %mul3A_278 = arith.muli %add3A_276, %mul3A_277 : i32
    %add3A_279 = vector.broadcast %mul3A_278 : i32 to vector<1x128xi32>
    %add3A_280 = arith.addi %add3A_279, %iota3A : vector<1x128xi32>
    %lt3A_281 = arith.constant 100000 : i32
    %lt3A_282 = vector.broadcast %lt3A_281 : i32 to vector<1x128xi32>
    %lt3A_283 = arith.cmpi slt, %add3A_280, %lt3A_282 : vector<1x128xi32>
    %jit3A_284 = arith.constant 0.000000e+00 : f32
    %broadcast_in_dim3A_285 = vector.broadcast %jit3A_284 : f32 to vector<1x128xf32>
    %select_n3A_286 = arith.select %lt3A_283, %dot_general3A_272, %broadcast_in_dim3A_285 : vector<1x128xi1>, vector<1x128xf32>
    %swap3A_287 = arith.constant 8 : index
    %swap3A_288 = arith.constant 0 : index
    %swap3A_289 = arith.constant 0 : index
    %swap3A_290 = vector.load %arg3[%swap3A_287, %swap3A_288, %swap3A_289] : memref<16x1x128xf32, #tpu.memory_space<vmem>>, vector<1x1x128xf32>
    %swap3A_291 = vector.shape_cast %swap3A_290 : vector<1x1x128xf32> to vector<1x128xf32>
    %swap3A_292 = vector.shape_cast %select_n3A_286 : vector<1x128xf32> to vector<1x1x128xf32>
    tpu.vector_store %arg3[%swap3A_287, %swap3A_288, %swap3A_289], %swap3A_292 {strides = array<i32>} : memref<16x1x128xf32, #tpu.memory_space<vmem>>, vector<1x1x128xf32>,
    %reduce_max3A_293 = vector.shape_cast %select_n3A_286 : vector<1x128xf32> to vector<1x1x128xf32>
    %reduce_max3A_294 = arith.constant dense<0xFF800000> : vector<1xf32>
    %reduce_max3A_295 = vector.multi_reduction <maximumf>, %reduce_max3A_293, %reduce_max3A_294 [1, 2] : vector<1x1x128xf32> to vector<1xf32>
    %reduce_max3A_296 = vector.shape_cast %reduce_max3A_295 : vector<1xf32> to vector<1x1x1xf32>
    %reduce_max3A_297 = vector.extract %reduce_max3A_296[0, 0, 0] : f32 from vector<1x1x1xf32>
    %reduce_min3A_298 = vector.shape_cast %select_n3A_286 : vector<1x128xf32> to vector<1x1x128xf32>
    %reduce_min3A_299 = arith.constant dense<0x7F800000> : vector<1xf32>
    %reduce_min3A_300 = vector.multi_reduction <minimumf>, %reduce_min3A_298, %reduce_min3A_299 [1, 2] : vector<1x1x128xf32> to vector<1xf32>
    %reduce_min3A_301 = vector.shape_cast %reduce_min3A_300 : vector<1xf32> to vector<1x1x1xf32>
    %reduce_min3A_302 = vector.extract %reduce_min3A_301[0, 0, 0] : f32 from vector<1x1x1xf32>
    %max3A_303 = arith.maximumf %max3A_268, %reduce_max3A_297 : f32
    %min3A_304 = arith.minimumf %min3A_269, %reduce_min3A_302 : f32
    %slice3A_305 = vector.extract_strided_slice %get3A_1 {offsets = [1152, 0], sizes = [128, 128], strides = [1, 1]} : vector<2048x128xf32> to vector<128x128xf32>
    %dot_general3A_306 = arith.constant dense<0.000000e+00> : vector<1x128xf32>
    %dot_general3A_307 = tpu.matmul %get3A_4, %slice3A_305, %dot_general3A_306 {dimension_numbers = #tpu.dot_dimension_numbers<[1], [1], [0], [0], [0, 0, 1, 0], [], []>, transpose_lhs_hint = false} : vector<1x128xf32>, vector<128x128xf32>, vector<1x128xf32> -> vector<1x128xf32>
    %mul3A_308 = arith.constant 16 : i32
    %mul3A_309 = arith.muli %arg0, %mul3A_308 : i32
    %add3A_310 = arith.constant 9 : i32
    %add3A_311 = arith.addi %mul3A_309, %add3A_310 : i32
    %mul3A_312 = arith.constant 128 : i32
    %mul3A_313 = arith.muli %add3A_311, %mul3A_312 : i32
    %add3A_314 = vector.broadcast %mul3A_313 : i32 to vector<1x128xi32>
    %add3A_315 = arith.addi %add3A_314, %iota3A : vector<1x128xi32>
    %lt3A_316 = arith.constant 100000 : i32
    %lt3A_317 = vector.broadcast %lt3A_316 : i32 to vector<1x128xi32>
    %lt3A_318 = arith.cmpi slt, %add3A_315, %lt3A_317 : vector<1x128xi32>
    %jit3A_319 = arith.constant 0.000000e+00 : f32
    %broadcast_in_dim3A_320 = vector.broadcast %jit3A_319 : f32 to vector<1x128xf32>
    %select_n3A_321 = arith.select %lt3A_318, %dot_general3A_307, %broadcast_in_dim3A_320 : vector<1x128xi1>, vector<1x128xf32>
    %swap3A_322 = arith.constant 9 : index
    %swap3A_323 = arith.constant 0 : index
    %swap3A_324 = arith.constant 0 : index
    %swap3A_325 = vector.load %arg3[%swap3A_322, %swap3A_323, %swap3A_324] : memref<16x1x128xf32, #tpu.memory_space<vmem>>, vector<1x1x128xf32>
    %swap3A_326 = vector.shape_cast %swap3A_325 : vector<1x1x128xf32> to vector<1x128xf32>
    %swap3A_327 = vector.shape_cast %select_n3A_321 : vector<1x128xf32> to vector<1x1x128xf32>
    tpu.vector_store %arg3[%swap3A_322, %swap3A_323, %swap3A_324], %swap3A_327 {strides = array<i32>} : memref<16x1x128xf32, #tpu.memory_space<vmem>>, vector<1x1x128xf32>,
    %reduce_max3A_328 = vector.shape_cast %select_n3A_321 : vector<1x128xf32> to vector<1x1x128xf32>
    %reduce_max3A_329 = arith.constant dense<0xFF800000> : vector<1xf32>
    %reduce_max3A_330 = vector.multi_reduction <maximumf>, %reduce_max3A_328, %reduce_max3A_329 [1, 2] : vector<1x1x128xf32> to vector<1xf32>
    %reduce_max3A_331 = vector.shape_cast %reduce_max3A_330 : vector<1xf32> to vector<1x1x1xf32>
    %reduce_max3A_332 = vector.extract %reduce_max3A_331[0, 0, 0] : f32 from vector<1x1x1xf32>
    %reduce_min3A_333 = vector.shape_cast %select_n3A_321 : vector<1x128xf32> to vector<1x1x128xf32>
    %reduce_min3A_334 = arith.constant dense<0x7F800000> : vector<1xf32>
    %reduce_min3A_335 = vector.multi_reduction <minimumf>, %reduce_min3A_333, %reduce_min3A_334 [1, 2] : vector<1x1x128xf32> to vector<1xf32>
    %reduce_min3A_336 = vector.shape_cast %reduce_min3A_335 : vector<1xf32> to vector<1x1x1xf32>
    %reduce_min3A_337 = vector.extract %reduce_min3A_336[0, 0, 0] : f32 from vector<1x1x1xf32>
    %max3A_338 = arith.maximumf %max3A_303, %reduce_max3A_332 : f32
    %min3A_339 = arith.minimumf %min3A_304, %reduce_min3A_337 : f32
    %slice3A_340 = vector.extract_strided_slice %get3A_1 {offsets = [1280, 0], sizes = [128, 128], strides = [1, 1]} : vector<2048x128xf32> to vector<128x128xf32>
    %dot_general3A_341 = arith.constant dense<0.000000e+00> : vector<1x128xf32>
    %dot_general3A_342 = tpu.matmul %get3A_4, %slice3A_340, %dot_general3A_341 {dimension_numbers = #tpu.dot_dimension_numbers<[1], [1], [0], [0], [0, 0, 1, 0], [], []>, transpose_lhs_hint = false} : vector<1x128xf32>, vector<128x128xf32>, vector<1x128xf32> -> vector<1x128xf32>
    %mul3A_343 = arith.constant 16 : i32
    %mul3A_344 = arith.muli %arg0, %mul3A_343 : i32
    %add3A_345 = arith.constant 10 : i32
    %add3A_346 = arith.addi %mul3A_344, %add3A_345 : i32
    %mul3A_347 = arith.constant 128 : i32
    %mul3A_348 = arith.muli %add3A_346, %mul3A_347 : i32
    %add3A_349 = vector.broadcast %mul3A_348 : i32 to vector<1x128xi32>
    %add3A_350 = arith.addi %add3A_349, %iota3A : vector<1x128xi32>
    %lt3A_351 = arith.constant 100000 : i32
    %lt3A_352 = vector.broadcast %lt3A_351 : i32 to vector<1x128xi32>
    %lt3A_353 = arith.cmpi slt, %add3A_350, %lt3A_352 : vector<1x128xi32>
    %jit3A_354 = arith.constant 0.000000e+00 : f32
    %broadcast_in_dim3A_355 = vector.broadcast %jit3A_354 : f32 to vector<1x128xf32>
    %select_n3A_356 = arith.select %lt3A_353, %dot_general3A_342, %broadcast_in_dim3A_355 : vector<1x128xi1>, vector<1x128xf32>
    %swap3A_357 = arith.constant 10 : index
    %swap3A_358 = arith.constant 0 : index
    %swap3A_359 = arith.constant 0 : index
    %swap3A_360 = vector.load %arg3[%swap3A_357, %swap3A_358, %swap3A_359] : memref<16x1x128xf32, #tpu.memory_space<vmem>>, vector<1x1x128xf32>
    %swap3A_361 = vector.shape_cast %swap3A_360 : vector<1x1x128xf32> to vector<1x128xf32>
    %swap3A_362 = vector.shape_cast %select_n3A_356 : vector<1x128xf32> to vector<1x1x128xf32>
    tpu.vector_store %arg3[%swap3A_357, %swap3A_358, %swap3A_359], %swap3A_362 {strides = array<i32>} : memref<16x1x128xf32, #tpu.memory_space<vmem>>, vector<1x1x128xf32>,
    %reduce_max3A_363 = vector.shape_cast %select_n3A_356 : vector<1x128xf32> to vector<1x1x128xf32>
    %reduce_max3A_364 = arith.constant dense<0xFF800000> : vector<1xf32>
    %reduce_max3A_365 = vector.multi_reduction <maximumf>, %reduce_max3A_363, %reduce_max3A_364 [1, 2] : vector<1x1x128xf32> to vector<1xf32>
    %reduce_max3A_366 = vector.shape_cast %reduce_max3A_365 : vector<1xf32> to vector<1x1x1xf32>
    %reduce_max3A_367 = vector.extract %reduce_max3A_366[0, 0, 0] : f32 from vector<1x1x1xf32>
    %reduce_min3A_368 = vector.shape_cast %select_n3A_356 : vector<1x128xf32> to vector<1x1x128xf32>
    %reduce_min3A_369 = arith.constant dense<0x7F800000> : vector<1xf32>
    %reduce_min3A_370 = vector.multi_reduction <minimumf>, %reduce_min3A_368, %reduce_min3A_369 [1, 2] : vector<1x1x128xf32> to vector<1xf32>
    %reduce_min3A_371 = vector.shape_cast %reduce_min3A_370 : vector<1xf32> to vector<1x1x1xf32>
    %reduce_min3A_372 = vector.extract %reduce_min3A_371[0, 0, 0] : f32 from vector<1x1x1xf32>
    %max3A_373 = arith.maximumf %max3A_338, %reduce_max3A_367 : f32
    %min3A_374 = arith.minimumf %min3A_339, %reduce_min3A_372 : f32
    %slice3A_375 = vector.extract_strided_slice %get3A_1 {offsets = [1408, 0], sizes = [128, 128], strides = [1, 1]} : vector<2048x128xf32> to vector<128x128xf32>
    %dot_general3A_376 = arith.constant dense<0.000000e+00> : vector<1x128xf32>
    %dot_general3A_377 = tpu.matmul %get3A_4, %slice3A_375, %dot_general3A_376 {dimension_numbers = #tpu.dot_dimension_numbers<[1], [1], [0], [0], [0, 0, 1, 0], [], []>, transpose_lhs_hint = false} : vector<1x128xf32>, vector<128x128xf32>, vector<1x128xf32> -> vector<1x128xf32>
    %mul3A_378 = arith.constant 16 : i32
    %mul3A_379 = arith.muli %arg0, %mul3A_378 : i32
    %add3A_380 = arith.constant 11 : i32
    %add3A_381 = arith.addi %mul3A_379, %add3A_380 : i32
    %mul3A_382 = arith.constant 128 : i32
    %mul3A_383 = arith.muli %add3A_381, %mul3A_382 : i32
    %add3A_384 = vector.broadcast %mul3A_383 : i32 to vector<1x128xi32>
    %add3A_385 = arith.addi %add3A_384, %iota3A : vector<1x128xi32>
    %lt3A_386 = arith.constant 100000 : i32
    %lt3A_387 = vector.broadcast %lt3A_386 : i32 to vector<1x128xi32>
    %lt3A_388 = arith.cmpi slt, %add3A_385, %lt3A_387 : vector<1x128xi32>
    %jit3A_389 = arith.constant 0.000000e+00 : f32
    %broadcast_in_dim3A_390 = vector.broadcast %jit3A_389 : f32 to vector<1x128xf32>
    %select_n3A_391 = arith.select %lt3A_388, %dot_general3A_377, %broadcast_in_dim3A_390 : vector<1x128xi1>, vector<1x128xf32>
    %swap3A_392 = arith.constant 11 : index
    %swap3A_393 = arith.constant 0 : index
    %swap3A_394 = arith.constant 0 : index
    %swap3A_395 = vector.load %arg3[%swap3A_392, %swap3A_393, %swap3A_394] : memref<16x1x128xf32, #tpu.memory_space<vmem>>, vector<1x1x128xf32>
    %swap3A_396 = vector.shape_cast %swap3A_395 : vector<1x1x128xf32> to vector<1x128xf32>
    %swap3A_397 = vector.shape_cast %select_n3A_391 : vector<1x128xf32> to vector<1x1x128xf32>
    tpu.vector_store %arg3[%swap3A_392, %swap3A_393, %swap3A_394], %swap3A_397 {strides = array<i32>} : memref<16x1x128xf32, #tpu.memory_space<vmem>>, vector<1x1x128xf32>,
    %reduce_max3A_398 = vector.shape_cast %select_n3A_391 : vector<1x128xf32> to vector<1x1x128xf32>
    %reduce_max3A_399 = arith.constant dense<0xFF800000> : vector<1xf32>
    %reduce_max3A_400 = vector.multi_reduction <maximumf>, %reduce_max3A_398, %reduce_max3A_399 [1, 2] : vector<1x1x128xf32> to vector<1xf32>
    %reduce_max3A_401 = vector.shape_cast %reduce_max3A_400 : vector<1xf32> to vector<1x1x1xf32>
    %reduce_max3A_402 = vector.extract %reduce_max3A_401[0, 0, 0] : f32 from vector<1x1x1xf32>
    %reduce_min3A_403 = vector.shape_cast %select_n3A_391 : vector<1x128xf32> to vector<1x1x128xf32>
    %reduce_min3A_404 = arith.constant dense<0x7F800000> : vector<1xf32>
    %reduce_min3A_405 = vector.multi_reduction <minimumf>, %reduce_min3A_403, %reduce_min3A_404 [1, 2] : vector<1x1x128xf32> to vector<1xf32>
    %reduce_min3A_406 = vector.shape_cast %reduce_min3A_405 : vector<1xf32> to vector<1x1x1xf32>
    %reduce_min3A_407 = vector.extract %reduce_min3A_406[0, 0, 0] : f32 from vector<1x1x1xf32>
    %max3A_408 = arith.maximumf %max3A_373, %reduce_max3A_402 : f32
    %min3A_409 = arith.minimumf %min3A_374, %reduce_min3A_407 : f32
    %slice3A_410 = vector.extract_strided_slice %get3A_1 {offsets = [1536, 0], sizes = [128, 128], strides = [1, 1]} : vector<2048x128xf32> to vector<128x128xf32>
    %dot_general3A_411 = arith.constant dense<0.000000e+00> : vector<1x128xf32>
    %dot_general3A_412 = tpu.matmul %get3A_4, %slice3A_410, %dot_general3A_411 {dimension_numbers = #tpu.dot_dimension_numbers<[1], [1], [0], [0], [0, 0, 1, 0], [], []>, transpose_lhs_hint = false} : vector<1x128xf32>, vector<128x128xf32>, vector<1x128xf32> -> vector<1x128xf32>
    %mul3A_413 = arith.constant 16 : i32
    %mul3A_414 = arith.muli %arg0, %mul3A_413 : i32
    %add3A_415 = arith.constant 12 : i32
    %add3A_416 = arith.addi %mul3A_414, %add3A_415 : i32
    %mul3A_417 = arith.constant 128 : i32
    %mul3A_418 = arith.muli %add3A_416, %mul3A_417 : i32
    %add3A_419 = vector.broadcast %mul3A_418 : i32 to vector<1x128xi32>
    %add3A_420 = arith.addi %add3A_419, %iota3A : vector<1x128xi32>
    %lt3A_421 = arith.constant 100000 : i32
    %lt3A_422 = vector.broadcast %lt3A_421 : i32 to vector<1x128xi32>
    %lt3A_423 = arith.cmpi slt, %add3A_420, %lt3A_422 : vector<1x128xi32>
    %jit3A_424 = arith.constant 0.000000e+00 : f32
    %broadcast_in_dim3A_425 = vector.broadcast %jit3A_424 : f32 to vector<1x128xf32>
    %select_n3A_426 = arith.select %lt3A_423, %dot_general3A_412, %broadcast_in_dim3A_425 : vector<1x128xi1>, vector<1x128xf32>
    %swap3A_427 = arith.constant 12 : index
    %swap3A_428 = arith.constant 0 : index
    %swap3A_429 = arith.constant 0 : index
    %swap3A_430 = vector.load %arg3[%swap3A_427, %swap3A_428, %swap3A_429] : memref<16x1x128xf32, #tpu.memory_space<vmem>>, vector<1x1x128xf32>
    %swap3A_431 = vector.shape_cast %swap3A_430 : vector<1x1x128xf32> to vector<1x128xf32>
    %swap3A_432 = vector.shape_cast %select_n3A_426 : vector<1x128xf32> to vector<1x1x128xf32>
    tpu.vector_store %arg3[%swap3A_427, %swap3A_428, %swap3A_429], %swap3A_432 {strides = array<i32>} : memref<16x1x128xf32, #tpu.memory_space<vmem>>, vector<1x1x128xf32>,
    %reduce_max3A_433 = vector.shape_cast %select_n3A_426 : vector<1x128xf32> to vector<1x1x128xf32>
    %reduce_max3A_434 = arith.constant dense<0xFF800000> : vector<1xf32>
    %reduce_max3A_435 = vector.multi_reduction <maximumf>, %reduce_max3A_433, %reduce_max3A_434 [1, 2] : vector<1x1x128xf32> to vector<1xf32>
    %reduce_max3A_436 = vector.shape_cast %reduce_max3A_435 : vector<1xf32> to vector<1x1x1xf32>
    %reduce_max3A_437 = vector.extract %reduce_max3A_436[0, 0, 0] : f32 from vector<1x1x1xf32>
    %reduce_min3A_438 = vector.shape_cast %select_n3A_426 : vector<1x128xf32> to vector<1x1x128xf32>
    %reduce_min3A_439 = arith.constant dense<0x7F800000> : vector<1xf32>
    %reduce_min3A_440 = vector.multi_reduction <minimumf>, %reduce_min3A_438, %reduce_min3A_439 [1, 2] : vector<1x1x128xf32> to vector<1xf32>
    %reduce_min3A_441 = vector.shape_cast %reduce_min3A_440 : vector<1xf32> to vector<1x1x1xf32>
    %reduce_min3A_442 = vector.extract %reduce_min3A_441[0, 0, 0] : f32 from vector<1x1x1xf32>
    %max3A_443 = arith.maximumf %max3A_408, %reduce_max3A_437 : f32
    %min3A_444 = arith.minimumf %min3A_409, %reduce_min3A_442 : f32
    %slice3A_445 = vector.extract_strided_slice %get3A_1 {offsets = [1664, 0], sizes = [128, 128], strides = [1, 1]} : vector<2048x128xf32> to vector<128x128xf32>
    %dot_general3A_446 = arith.constant dense<0.000000e+00> : vector<1x128xf32>
    %dot_general3A_447 = tpu.matmul %get3A_4, %slice3A_445, %dot_general3A_446 {dimension_numbers = #tpu.dot_dimension_numbers<[1], [1], [0], [0], [0, 0, 1, 0], [], []>, transpose_lhs_hint = false} : vector<1x128xf32>, vector<128x128xf32>, vector<1x128xf32> -> vector<1x128xf32>
    %mul3A_448 = arith.constant 16 : i32
    %mul3A_449 = arith.muli %arg0, %mul3A_448 : i32
    %add3A_450 = arith.constant 13 : i32
    %add3A_451 = arith.addi %mul3A_449, %add3A_450 : i32
    %mul3A_452 = arith.constant 128 : i32
    %mul3A_453 = arith.muli %add3A_451, %mul3A_452 : i32
    %add3A_454 = vector.broadcast %mul3A_453 : i32 to vector<1x128xi32>
    %add3A_455 = arith.addi %add3A_454, %iota3A : vector<1x128xi32>
    %lt3A_456 = arith.constant 100000 : i32
    %lt3A_457 = vector.broadcast %lt3A_456 : i32 to vector<1x128xi32>
    %lt3A_458 = arith.cmpi slt, %add3A_455, %lt3A_457 : vector<1x128xi32>
    %jit3A_459 = arith.constant 0.000000e+00 : f32
    %broadcast_in_dim3A_460 = vector.broadcast %jit3A_459 : f32 to vector<1x128xf32>
    %select_n3A_461 = arith.select %lt3A_458, %dot_general3A_447, %broadcast_in_dim3A_460 : vector<1x128xi1>, vector<1x128xf32>
    %swap3A_462 = arith.constant 13 : index
    %swap3A_463 = arith.constant 0 : index
    %swap3A_464 = arith.constant 0 : index
    %swap3A_465 = vector.load %arg3[%swap3A_462, %swap3A_463, %swap3A_464] : memref<16x1x128xf32, #tpu.memory_space<vmem>>, vector<1x1x128xf32>
    %swap3A_466 = vector.shape_cast %swap3A_465 : vector<1x1x128xf32> to vector<1x128xf32>
    %swap3A_467 = vector.shape_cast %select_n3A_461 : vector<1x128xf32> to vector<1x1x128xf32>
    tpu.vector_store %arg3[%swap3A_462, %swap3A_463, %swap3A_464], %swap3A_467 {strides = array<i32>} : memref<16x1x128xf32, #tpu.memory_space<vmem>>, vector<1x1x128xf32>,
    %reduce_max3A_468 = vector.shape_cast %select_n3A_461 : vector<1x128xf32> to vector<1x1x128xf32>
    %reduce_max3A_469 = arith.constant dense<0xFF800000> : vector<1xf32>
    %reduce_max3A_470 = vector.multi_reduction <maximumf>, %reduce_max3A_468, %reduce_max3A_469 [1, 2] : vector<1x1x128xf32> to vector<1xf32>
    %reduce_max3A_471 = vector.shape_cast %reduce_max3A_470 : vector<1xf32> to vector<1x1x1xf32>
    %reduce_max3A_472 = vector.extract %reduce_max3A_471[0, 0, 0] : f32 from vector<1x1x1xf32>
    %reduce_min3A_473 = vector.shape_cast %select_n3A_461 : vector<1x128xf32> to vector<1x1x128xf32>
    %reduce_min3A_474 = arith.constant dense<0x7F800000> : vector<1xf32>
    %reduce_min3A_475 = vector.multi_reduction <minimumf>, %reduce_min3A_473, %reduce_min3A_474 [1, 2] : vector<1x1x128xf32> to vector<1xf32>
    %reduce_min3A_476 = vector.shape_cast %reduce_min3A_475 : vector<1xf32> to vector<1x1x1xf32>
    %reduce_min3A_477 = vector.extract %reduce_min3A_476[0, 0, 0] : f32 from vector<1x1x1xf32>
    %max3A_478 = arith.maximumf %max3A_443, %reduce_max3A_472 : f32
    %min3A_479 = arith.minimumf %min3A_444, %reduce_min3A_477 : f32
    %slice3A_480 = vector.extract_strided_slice %get3A_1 {offsets = [1792, 0], sizes = [128, 128], strides = [1, 1]} : vector<2048x128xf32> to vector<128x128xf32>
    %dot_general3A_481 = arith.constant dense<0.000000e+00> : vector<1x128xf32>
    %dot_general3A_482 = tpu.matmul %get3A_4, %slice3A_480, %dot_general3A_481 {dimension_numbers = #tpu.dot_dimension_numbers<[1], [1], [0], [0], [0, 0, 1, 0], [], []>, transpose_lhs_hint = false} : vector<1x128xf32>, vector<128x128xf32>, vector<1x128xf32> -> vector<1x128xf32>
    %mul3A_483 = arith.constant 16 : i32
    %mul3A_484 = arith.muli %arg0, %mul3A_483 : i32
    %add3A_485 = arith.constant 14 : i32
    %add3A_486 = arith.addi %mul3A_484, %add3A_485 : i32
    %mul3A_487 = arith.constant 128 : i32
    %mul3A_488 = arith.muli %add3A_486, %mul3A_487 : i32
    %add3A_489 = vector.broadcast %mul3A_488 : i32 to vector<1x128xi32>
    %add3A_490 = arith.addi %add3A_489, %iota3A : vector<1x128xi32>
    %lt3A_491 = arith.constant 100000 : i32
    %lt3A_492 = vector.broadcast %lt3A_491 : i32 to vector<1x128xi32>
    %lt3A_493 = arith.cmpi slt, %add3A_490, %lt3A_492 : vector<1x128xi32>
    %jit3A_494 = arith.constant 0.000000e+00 : f32
    %broadcast_in_dim3A_495 = vector.broadcast %jit3A_494 : f32 to vector<1x128xf32>
    %select_n3A_496 = arith.select %lt3A_493, %dot_general3A_482, %broadcast_in_dim3A_495 : vector<1x128xi1>, vector<1x128xf32>
    %swap3A_497 = arith.constant 14 : index
    %swap3A_498 = arith.constant 0 : index
    %swap3A_499 = arith.constant 0 : index
    %swap3A_500 = vector.load %arg3[%swap3A_497, %swap3A_498, %swap3A_499] : memref<16x1x128xf32, #tpu.memory_space<vmem>>, vector<1x1x128xf32>
    %swap3A_501 = vector.shape_cast %swap3A_500 : vector<1x1x128xf32> to vector<1x128xf32>
    %swap3A_502 = vector.shape_cast %select_n3A_496 : vector<1x128xf32> to vector<1x1x128xf32>
    tpu.vector_store %arg3[%swap3A_497, %swap3A_498, %swap3A_499], %swap3A_502 {strides = array<i32>} : memref<16x1x128xf32, #tpu.memory_space<vmem>>, vector<1x1x128xf32>,
    %reduce_max3A_503 = vector.shape_cast %select_n3A_496 : vector<1x128xf32> to vector<1x1x128xf32>
    %reduce_max3A_504 = arith.constant dense<0xFF800000> : vector<1xf32>
    %reduce_max3A_505 = vector.multi_reduction <maximumf>, %reduce_max3A_503, %reduce_max3A_504 [1, 2] : vector<1x1x128xf32> to vector<1xf32>
    %reduce_max3A_506 = vector.shape_cast %reduce_max3A_505 : vector<1xf32> to vector<1x1x1xf32>
    %reduce_max3A_507 = vector.extract %reduce_max3A_506[0, 0, 0] : f32 from vector<1x1x1xf32>
    %reduce_min3A_508 = vector.shape_cast %select_n3A_496 : vector<1x128xf32> to vector<1x1x128xf32>
    %reduce_min3A_509 = arith.constant dense<0x7F800000> : vector<1xf32>
    %reduce_min3A_510 = vector.multi_reduction <minimumf>, %reduce_min3A_508, %reduce_min3A_509 [1, 2] : vector<1x1x128xf32> to vector<1xf32>
    %reduce_min3A_511 = vector.shape_cast %reduce_min3A_510 : vector<1xf32> to vector<1x1x1xf32>
    %reduce_min3A_512 = vector.extract %reduce_min3A_511[0, 0, 0] : f32 from vector<1x1x1xf32>
    %max3A_513 = arith.maximumf %max3A_478, %reduce_max3A_507 : f32
    %min3A_514 = arith.minimumf %min3A_479, %reduce_min3A_512 : f32
    %slice3A_515 = vector.extract_strided_slice %get3A_1 {offsets = [1920, 0], sizes = [128, 128], strides = [1, 1]} : vector<2048x128xf32> to vector<128x128xf32>
    %dot_general3A_516 = arith.constant dense<0.000000e+00> : vector<1x128xf32>
    %dot_general3A_517 = tpu.matmul %get3A_4, %slice3A_515, %dot_general3A_516 {dimension_numbers = #tpu.dot_dimension_numbers<[1], [1], [0], [0], [0, 0, 1, 0], [], []>, transpose_lhs_hint = false} : vector<1x128xf32>, vector<128x128xf32>, vector<1x128xf32> -> vector<1x128xf32>
    %mul3A_518 = arith.constant 16 : i32
    %mul3A_519 = arith.muli %arg0, %mul3A_518 : i32
    %add3A_520 = arith.constant 15 : i32
    %add3A_521 = arith.addi %mul3A_519, %add3A_520 : i32
    %mul3A_522 = arith.constant 128 : i32
    %mul3A_523 = arith.muli %add3A_521, %mul3A_522 : i32
    %add3A_524 = vector.broadcast %mul3A_523 : i32 to vector<1x128xi32>
    %add3A_525 = arith.addi %add3A_524, %iota3A : vector<1x128xi32>
    %lt3A_526 = arith.constant 100000 : i32
    %lt3A_527 = vector.broadcast %lt3A_526 : i32 to vector<1x128xi32>
    %lt3A_528 = arith.cmpi slt, %add3A_525, %lt3A_527 : vector<1x128xi32>
    %jit3A_529 = arith.constant 0.000000e+00 : f32
    %broadcast_in_dim3A_530 = vector.broadcast %jit3A_529 : f32 to vector<1x128xf32>
    %select_n3A_531 = arith.select %lt3A_528, %dot_general3A_517, %broadcast_in_dim3A_530 : vector<1x128xi1>, vector<1x128xf32>
    %swap3A_532 = arith.constant 15 : index
    %swap3A_533 = arith.constant 0 : index
    %swap3A_534 = arith.constant 0 : index
    %swap3A_535 = vector.load %arg3[%swap3A_532, %swap3A_533, %swap3A_534] : memref<16x1x128xf32, #tpu.memory_space<vmem>>, vector<1x1x128xf32>
    %swap3A_536 = vector.shape_cast %swap3A_535 : vector<1x1x128xf32> to vector<1x128xf32>
    %swap3A_537 = vector.shape_cast %select_n3A_531 : vector<1x128xf32> to vector<1x1x128xf32>
    tpu.vector_store %arg3[%swap3A_532, %swap3A_533, %swap3A_534], %swap3A_537 {strides = array<i32>} : memref<16x1x128xf32, #tpu.memory_space<vmem>>, vector<1x1x128xf32>,
    %reduce_max3A_538 = vector.shape_cast %select_n3A_531 : vector<1x128xf32> to vector<1x1x128xf32>
    %reduce_max3A_539 = arith.constant dense<0xFF800000> : vector<1xf32>
    %reduce_max3A_540 = vector.multi_reduction <maximumf>, %reduce_max3A_538, %reduce_max3A_539 [1, 2] : vector<1x1x128xf32> to vector<1xf32>
    %reduce_max3A_541 = vector.shape_cast %reduce_max3A_540 : vector<1xf32> to vector<1x1x1xf32>
    %reduce_max3A_542 = vector.extract %reduce_max3A_541[0, 0, 0] : f32 from vector<1x1x1xf32>
    %reduce_min3A_543 = vector.shape_cast %select_n3A_531 : vector<1x128xf32> to vector<1x1x128xf32>
    %reduce_min3A_544 = arith.constant dense<0x7F800000> : vector<1xf32>
    %reduce_min3A_545 = vector.multi_reduction <minimumf>, %reduce_min3A_543, %reduce_min3A_544 [1, 2] : vector<1x1x128xf32> to vector<1xf32>
    %reduce_min3A_546 = vector.shape_cast %reduce_min3A_545 : vector<1xf32> to vector<1x1x1xf32>
    %reduce_min3A_547 = vector.extract %reduce_min3A_546[0, 0, 0] : f32 from vector<1x1x1xf32>
    %max3A_548 = arith.maximumf %max3A_513, %reduce_max3A_542 : f32
    %min3A_549 = arith.minimumf %min3A_514, %reduce_min3A_547 : f32
    %eq3A = arith.constant 0 : i32
    %eq3A_550 = arith.cmpi eq, %arg0, %eq3A : i32
    %convert_element_type3A = arith.extui %eq3A_550 : i1 to i32
    %cond3A = arith.constant 0 : i32
    %cond3A_551 = arith.cmpi ne, %convert_element_type3A, %cond3A : i32
    scf.if %cond3A_551 {
      %swap3A_556 = arith.constant 0 : index
      %swap3A_557 = memref.load %arg4[%swap3A_556] : memref<1xf32, #tpu.memory_space<smem>>
      memref.store %max3A_548, %arg4[%swap3A_556] : memref<1xf32, #tpu.memory_space<smem>>
      %swap3A_558 = arith.constant 0 : index
      %swap3A_559 = memref.load %arg5[%swap3A_558] : memref<1xf32, #tpu.memory_space<smem>>
      memref.store %min3A_549, %arg5[%swap3A_558] : memref<1xf32, #tpu.memory_space<smem>>
    } else {
    }
    %gt3A = arith.constant 0 : i32
    %gt3A_552 = arith.cmpi sgt, %arg0, %gt3A : i32
    %convert_element_type3A_553 = arith.extui %gt3A_552 : i1 to i32
    %cond3A_554 = arith.constant 0 : i32
    %cond3A_555 = arith.cmpi ne, %convert_element_type3A_553, %cond3A_554 : i32
    scf.if %cond3A_555 {
      %get3A_556 = arith.constant 0 : index
      %get3A_557 = memref.load %arg4[%get3A_556] : memref<1xf32, #tpu.memory_space<smem>>
      %max3A_558 = arith.maximumf %get3A_557, %max3A_548 : f32
      %swap3A_559 = arith.constant 0 : index
      %swap3A_560 = memref.load %arg4[%swap3A_559] : memref<1xf32, #tpu.memory_space<smem>>
      memref.store %max3A_558, %arg4[%swap3A_559] : memref<1xf32, #tpu.memory_space<smem>>
      %get3A_561 = arith.constant 0 : index
      %get3A_562 = memref.load %arg5[%get3A_561] : memref<1xf32, #tpu.memory_space<smem>>
      %min3A_563 = arith.minimumf %get3A_562, %min3A_549 : f32
      %swap3A_564 = arith.constant 0 : index
      %swap3A_565 = memref.load %arg5[%swap3A_564] : memref<1xf32, #tpu.memory_space<smem>>
      memref.store %min3A_563, %arg5[%swap3A_564] : memref<1xf32, #tpu.memory_space<smem>>
    } else {
    }
    return
  }
  func.func @transform_0(%arg0: i32) -> (i32, i32) {
    %c0_i32 = arith.constant 0 : i32
    %c0_i32_0 = arith.constant 0 : i32
    %c0_i32_1 = arith.constant 0 : i32
    return %c0_i32, %c0_i32_0 : i32, i32
  }
  func.func @transform_1(%arg0: i32) -> (i32, i32) {
    %c0_i32 = arith.constant 0 : i32
    %c0_i32_0 = arith.constant 0 : i32
    return %arg0, %c0_i32 : i32, i32
  }
  func.func @transform_2(%arg0: i32) -> (i32, i32, i32) {
    %c0_i32 = arith.constant 0 : i32
    %c0_i32_0 = arith.constant 0 : i32
    %c0_i32_1 = arith.constant 0 : i32
    return %arg0, %c0_i32, %c0_i32_0 : i32, i32, i32
  }
  func.func @transform_3(%arg0: i32) -> i32 {
    %c0_i32 = arith.constant 0 : i32
    %c0_i32_0 = arith.constant 0 : i32
    return %c0_i32 : i32
  }
  func.func @transform_4(%arg0: i32) -> i32 {
    %c0_i32 = arith.constant 0 : i32
    %c0_i32_0 = arith.constant 0 : i32
    return %c0_i32 : i32
  }
}

module attributes {stable_mosaic.version = 14 : i64} {
  func.func @body(%arg0: i32, %arg1: memref<4xf32, #tpu.memory_space<smem>>, %arg2: memref<1024x128xf32, #tpu.memory_space<vmem>>, %arg3: memref<8x1x128xf32, #tpu.memory_space<vmem>>, %arg4: memref<8x1x128xi32, #tpu.memory_space<vmem>>, %arg5: memref<1x8x1x128xf32, #tpu.memory_space<vmem>>, %arg6: memref<1x8x1x128xf32, #tpu.memory_space<vmem>>, %arg7: memref<1x8x1x128xf32, #tpu.memory_space<vmem>>, %arg8: memref<1x8x1x128xf32, #tpu.memory_space<vmem>>, %arg9: memref<512x128xf32, #tpu.memory_space<vmem>>, %arg10: memref<512x1xf32, #tpu.memory_space<vmem>>) attributes {dimension_semantics = [#tpu.dimension_semantics<arbitrary>], iteration_bounds = array<i64: 98>, scalar_prefetch = 0 : i64, scratch_operands = 1 : i64, tpu.core_type = #tpu.core_type<tc>, window_params = [{transform_indices = @transform_0, window_bounds = array<i64: 4>}, {transform_indices = @transform_1, window_bounds = array<i64: 1024, 128>}, {transform_indices = @transform_2, window_bounds = array<i64: 8, 1, 128>}, {transform_indices = @transform_3, window_bounds = array<i64: 8, 1, 128>}, {transform_indices = @transform_4, window_bounds = array<i64: 1, 8, 1, 128>}, {transform_indices = @transform_5, window_bounds = array<i64: 1, 8, 1, 128>}, {transform_indices = @transform_6, window_bounds = array<i64: 1, 8, 1, 128>}, {transform_indices = @transform_7, window_bounds = array<i64: 1, 8, 1, 128>}, {pipeline_mode = #tpu.pipeline_mode<synchronous>, transform_indices = @transform_8, window_bounds = array<i64: 512, 128>}]} {
    %get3A = arith.constant 0 : index
    %get3A_0 = memref.load %arg1[%get3A] : memref<4xf32, #tpu.memory_space<smem>>
    %get3A_1 = arith.constant 1 : index
    %get3A_2 = memref.load %arg1[%get3A_1] : memref<4xf32, #tpu.memory_space<smem>>
    %get3A_3 = arith.constant 2 : index
    %get3A_4 = memref.load %arg1[%get3A_3] : memref<4xf32, #tpu.memory_space<smem>>
    %get3A_5 = arith.constant 3 : index
    %get3A_6 = memref.load %arg1[%get3A_5] : memref<4xf32, #tpu.memory_space<smem>>
    %get3A_7 = arith.constant 0 : index
    %get3A_8 = arith.constant 0 : index
    %get3A_9 = arith.constant 0 : index
    %get3A_10 = vector.load %arg3[%get3A_7, %get3A_8, %get3A_9] : memref<8x1x128xf32, #tpu.memory_space<vmem>>, vector<8x1x128xf32>
    %get3A_11 = vector.shape_cast %get3A_10 : vector<8x1x128xf32> to vector<8x128xf32>
    %get3A_12 = arith.constant 0 : index
    %get3A_13 = arith.constant 0 : index
    %get3A_14 = arith.constant 0 : index
    %get3A_15 = arith.constant 0 : index
    %get3A_16 = vector.load %arg5[%get3A_12, %get3A_13, %get3A_14, %get3A_15] : memref<1x8x1x128xf32, #tpu.memory_space<vmem>>, vector<1x8x1x128xf32>
    %get3A_17 = vector.shape_cast %get3A_16 : vector<1x8x1x128xf32> to vector<8x128xf32>
    %get3A_18 = arith.constant 0 : index
    %get3A_19 = arith.constant 0 : index
    %get3A_20 = arith.constant 0 : index
    %get3A_21 = arith.constant 0 : index
    %get3A_22 = vector.load %arg6[%get3A_18, %get3A_19, %get3A_20, %get3A_21] : memref<1x8x1x128xf32, #tpu.memory_space<vmem>>, vector<1x8x1x128xf32>
    %get3A_23 = vector.shape_cast %get3A_22 : vector<1x8x1x128xf32> to vector<8x128xf32>
    %get3A_24 = arith.constant 0 : index
    %get3A_25 = arith.constant 0 : index
    %get3A_26 = arith.constant 0 : index
    %get3A_27 = arith.constant 0 : index
    %get3A_28 = vector.load %arg7[%get3A_24, %get3A_25, %get3A_26, %get3A_27] : memref<1x8x1x128xf32, #tpu.memory_space<vmem>>, vector<1x8x1x128xf32>
    %get3A_29 = vector.shape_cast %get3A_28 : vector<1x8x1x128xf32> to vector<8x128xf32>
    %get3A_30 = arith.constant 0 : index
    %get3A_31 = arith.constant 0 : index
    %get3A_32 = arith.constant 0 : index
    %get3A_33 = arith.constant 0 : index
    %get3A_34 = vector.load %arg8[%get3A_30, %get3A_31, %get3A_32, %get3A_33] : memref<1x8x1x128xf32, #tpu.memory_space<vmem>>, vector<1x8x1x128xf32>
    %get3A_35 = vector.shape_cast %get3A_34 : vector<1x8x1x128xf32> to vector<8x128xf32>
    %mul3A = vector.broadcast %get3A_0 : f32 to vector<8x128xf32>
    %mul3A_36 = arith.mulf %mul3A, %get3A_11 : vector<8x128xf32>
    %ge3A = arith.constant 0.000000e+00 : f32
    %ge3A_37 = vector.broadcast %ge3A : f32 to vector<8x128xf32>
    %ge3A_38 = arith.cmpf oge, %mul3A_36, %ge3A_37 : vector<8x128xf32>
    %mul3A_39 = arith.constant 2.000000e-01 : f32
    %mul3A_40 = vector.broadcast %mul3A_39 : f32 to vector<8x128xf32>
    %mul3A_41 = arith.mulf %mul3A_40, %mul3A_36 : vector<8x128xf32>
    %select_n3A = arith.select %ge3A_38, %mul3A_36, %mul3A_41 : vector<8x128xi1>, vector<8x128xf32>
    %sub3A = vector.broadcast %get3A_2 : f32 to vector<8x128xf32>
    %sub3A_42 = arith.subf %select_n3A, %sub3A : vector<8x128xf32>
    %exp3A = math.exp %sub3A_42 : vector<8x128xf32>
    %add3A = arith.addf %get3A_17, %get3A_23 : vector<8x128xf32>
    %mul3A_43 = arith.mulf %exp3A, %get3A_11 : vector<8x128xf32>
    %add3A_44 = arith.addf %add3A, %mul3A_43 : vector<8x128xf32>
    %add3A_45 = arith.addf %get3A_29, %get3A_35 : vector<8x128xf32>
    %add3A_46 = arith.addf %add3A_45, %exp3A : vector<8x128xf32>
    %div3A = arith.divf %add3A_44, %add3A_46 : vector<8x128xf32>
    %add3A_47 = vector.broadcast %get3A_4 : f32 to vector<8x128xf32>
    %add3A_48 = arith.addf %div3A, %add3A_47 : vector<8x128xf32>
    %sub3A_49 = vector.broadcast %get3A_6 : f32 to vector<8x128xf32>
    %sub3A_50 = arith.subf %add3A_48, %sub3A_49 : vector<8x128xf32>
    %exp3A_51 = math.exp %sub3A_50 : vector<8x128xf32>
    %iota3A = tpu.iota {dimensions = array<i32: 1>} : vector<8x128xi32>
    %iota3A_52 = tpu.iota {dimensions = array<i32: 0>} : vector<8x128xi32>
    %mul3A_53 = arith.constant 8 : i32
    %mul3A_54 = arith.muli %arg0, %mul3A_53 : i32
    %add3A_55 = vector.broadcast %mul3A_54 : i32 to vector<8x128xi32>
    %add3A_56 = arith.addi %add3A_55, %iota3A_52 : vector<8x128xi32>
    %mul3A_57 = arith.constant 128 : i32
    %mul3A_58 = vector.broadcast %mul3A_57 : i32 to vector<8x128xi32>
    %mul3A_59 = arith.muli %add3A_56, %mul3A_58 : vector<8x128xi32>
    %add3A_60 = arith.addi %mul3A_59, %iota3A : vector<8x128xi32>
    %lt3A = arith.constant 100000 : i32
    %lt3A_61 = vector.broadcast %lt3A : i32 to vector<8x128xi32>
    %lt3A_62 = arith.cmpi slt, %add3A_60, %lt3A_61 : vector<8x128xi32>
    %jit3A = arith.constant 0.000000e+00 : f32
    %broadcast_in_dim3A = vector.broadcast %jit3A : f32 to vector<8x128xf32>
    %select_n3A_63 = arith.select %lt3A_62, %exp3A_51, %broadcast_in_dim3A : vector<8x128xi1>, vector<8x128xf32>
    %get3A_64 = arith.constant 0 : index
    %get3A_65 = arith.constant 0 : index
    %get3A_66 = arith.constant 0 : index
    %get3A_67 = vector.load %arg4[%get3A_64, %get3A_65, %get3A_66] : memref<8x1x128xi32, #tpu.memory_space<vmem>>, vector<8x1x128xi32>
    %get3A_68 = vector.shape_cast %get3A_67 : vector<8x1x128xi32> to vector<8x128xi32>
    %iota3A_69 = tpu.iota {dimensions = array<i32: 0>} : vector<512x1xi32>
    %iota3A_70 = tpu.iota {dimensions = array<i32: 0>} : vector<1024x1xi32>
    %mul3A_71 = arith.constant 8 : i32
    %mul3A_72 = arith.muli %arg0, %mul3A_71 : i32
    %mul3A_73 = arith.constant 128 : i32
    %mul3A_74 = arith.muli %mul3A_72, %mul3A_73 : i32
    %add3A_75 = vector.broadcast %mul3A_74 : i32 to vector<1024x1xi32>
    %add3A_76 = arith.addi %add3A_75, %iota3A_70 : vector<1024x1xi32>
    %lt3A_77 = arith.constant 100000 : i32
    %lt3A_78 = vector.broadcast %lt3A_77 : i32 to vector<1024x1xi32>
    %lt3A_79 = arith.cmpi slt, %add3A_76, %lt3A_78 : vector<1024x1xi32>
    %get3A_80 = arith.constant 0 : index
    %get3A_81 = arith.constant 0 : index
    %get3A_82 = vector.load %arg2[%get3A_80, %get3A_81] : memref<1024x128xf32, #tpu.memory_space<vmem>>, vector<1024x128xf32>
    %jit3A_83 = arith.constant 0.000000e+00 : f32
    %broadcast_in_dim3A_84 = vector.shape_cast %lt3A_79 : vector<1024x1xi1> to vector<1024x1xi1>
    %broadcast_in_dim3A_85 = vector.broadcast %broadcast_in_dim3A_84 : vector<1024x1xi1> to vector<1024x128xi1>
    %broadcast_in_dim3A_86 = vector.broadcast %jit3A_83 : f32 to vector<1024x128xf32>
    %select_n3A_87 = arith.select %broadcast_in_dim3A_85, %get3A_82, %broadcast_in_dim3A_86 : vector<1024x128xi1>, vector<1024x128xf32>
    %slice3A = vector.extract_strided_slice %get3A_68 {offsets = [0, 0], sizes = [1, 128], strides = [1, 1]} : vector<8x128xi32> to vector<1x128xi32>
    %eq3A = vector.broadcast %slice3A : vector<1x128xi32> to vector<512x128xi32>
    %eq3A_88 = vector.broadcast %iota3A_69 : vector<512x1xi32> to vector<512x128xi32>
    %eq3A_89 = arith.cmpi eq, %eq3A, %eq3A_88 : vector<512x128xi32>
    %slice3A_90 = vector.extract_strided_slice %select_n3A_63 {offsets = [0, 0], sizes = [1, 128], strides = [1, 1]} : vector<8x128xf32> to vector<1x128xf32>
    %jit3A_91 = arith.constant 0.000000e+00 : f32
    %broadcast_in_dim3A_92 = vector.shape_cast %slice3A_90 : vector<1x128xf32> to vector<1x128xf32>
    %broadcast_in_dim3A_93 = vector.broadcast %broadcast_in_dim3A_92 : vector<1x128xf32> to vector<512x128xf32>
    %broadcast_in_dim3A_94 = vector.broadcast %jit3A_91 : f32 to vector<512x128xf32>
    %select_n3A_95 = arith.select %eq3A_89, %broadcast_in_dim3A_93, %broadcast_in_dim3A_94 : vector<512x128xi1>, vector<512x128xf32>
    %slice3A_96 = vector.extract_strided_slice %select_n3A_87 {offsets = [0, 0], sizes = [128, 128], strides = [1, 1]} : vector<1024x128xf32> to vector<128x128xf32>
    %dot_general3A = arith.constant dense<0.000000e+00> : vector<512x128xf32>
    %dot_general3A_97 = tpu.matmul %select_n3A_95, %slice3A_96, %dot_general3A {dimension_numbers = #tpu.dot_dimension_numbers<[1], [0], [0], [1], [0, 0, 1, 1], [], []>, transpose_lhs_hint = false} : vector<512x128xf32>, vector<128x128xf32>, vector<512x128xf32> -> vector<512x128xf32>
    %reduce_sum3A = arith.constant dense<0.000000e+00> : vector<512xf32>
    %reduce_sum3A_98 = vector.multi_reduction <add>, %select_n3A_95, %reduce_sum3A [1] : vector<512x128xf32> to vector<512xf32>
    %broadcast_in_dim3A_99 = vector.shape_cast %reduce_sum3A_98 : vector<512xf32> to vector<512x1xf32>
    %slice3A_100 = vector.extract_strided_slice %get3A_68 {offsets = [1, 0], sizes = [1, 128], strides = [1, 1]} : vector<8x128xi32> to vector<1x128xi32>
    %eq3A_101 = vector.broadcast %slice3A_100 : vector<1x128xi32> to vector<512x128xi32>
    %eq3A_102 = vector.broadcast %iota3A_69 : vector<512x1xi32> to vector<512x128xi32>
    %eq3A_103 = arith.cmpi eq, %eq3A_101, %eq3A_102 : vector<512x128xi32>
    %slice3A_104 = vector.extract_strided_slice %select_n3A_63 {offsets = [1, 0], sizes = [1, 128], strides = [1, 1]} : vector<8x128xf32> to vector<1x128xf32>
    %jit3A_105 = arith.constant 0.000000e+00 : f32
    %broadcast_in_dim3A_106 = vector.shape_cast %slice3A_104 : vector<1x128xf32> to vector<1x128xf32>
    %broadcast_in_dim3A_107 = vector.broadcast %broadcast_in_dim3A_106 : vector<1x128xf32> to vector<512x128xf32>
    %broadcast_in_dim3A_108 = vector.broadcast %jit3A_105 : f32 to vector<512x128xf32>
    %select_n3A_109 = arith.select %eq3A_103, %broadcast_in_dim3A_107, %broadcast_in_dim3A_108 : vector<512x128xi1>, vector<512x128xf32>
    %slice3A_110 = vector.extract_strided_slice %select_n3A_87 {offsets = [128, 0], sizes = [128, 128], strides = [1, 1]} : vector<1024x128xf32> to vector<128x128xf32>
    %dot_general3A_111 = arith.constant dense<0.000000e+00> : vector<512x128xf32>
    %dot_general3A_112 = tpu.matmul %select_n3A_109, %slice3A_110, %dot_general3A_111 {dimension_numbers = #tpu.dot_dimension_numbers<[1], [0], [0], [1], [0, 0, 1, 1], [], []>, transpose_lhs_hint = false} : vector<512x128xf32>, vector<128x128xf32>, vector<512x128xf32> -> vector<512x128xf32>
    %reduce_sum3A_113 = arith.constant dense<0.000000e+00> : vector<512xf32>
    %reduce_sum3A_114 = vector.multi_reduction <add>, %select_n3A_109, %reduce_sum3A_113 [1] : vector<512x128xf32> to vector<512xf32>
    %broadcast_in_dim3A_115 = vector.shape_cast %reduce_sum3A_114 : vector<512xf32> to vector<512x1xf32>
    %add3A_116 = arith.addf %dot_general3A_97, %dot_general3A_112 : vector<512x128xf32>
    %add3A_117 = arith.addf %broadcast_in_dim3A_99, %broadcast_in_dim3A_115 : vector<512x1xf32>
    %slice3A_118 = vector.extract_strided_slice %get3A_68 {offsets = [2, 0], sizes = [1, 128], strides = [1, 1]} : vector<8x128xi32> to vector<1x128xi32>
    %eq3A_119 = vector.broadcast %slice3A_118 : vector<1x128xi32> to vector<512x128xi32>
    %eq3A_120 = vector.broadcast %iota3A_69 : vector<512x1xi32> to vector<512x128xi32>
    %eq3A_121 = arith.cmpi eq, %eq3A_119, %eq3A_120 : vector<512x128xi32>
    %slice3A_122 = vector.extract_strided_slice %select_n3A_63 {offsets = [2, 0], sizes = [1, 128], strides = [1, 1]} : vector<8x128xf32> to vector<1x128xf32>
    %jit3A_123 = arith.constant 0.000000e+00 : f32
    %broadcast_in_dim3A_124 = vector.shape_cast %slice3A_122 : vector<1x128xf32> to vector<1x128xf32>
    %broadcast_in_dim3A_125 = vector.broadcast %broadcast_in_dim3A_124 : vector<1x128xf32> to vector<512x128xf32>
    %broadcast_in_dim3A_126 = vector.broadcast %jit3A_123 : f32 to vector<512x128xf32>
    %select_n3A_127 = arith.select %eq3A_121, %broadcast_in_dim3A_125, %broadcast_in_dim3A_126 : vector<512x128xi1>, vector<512x128xf32>
    %slice3A_128 = vector.extract_strided_slice %select_n3A_87 {offsets = [256, 0], sizes = [128, 128], strides = [1, 1]} : vector<1024x128xf32> to vector<128x128xf32>
    %dot_general3A_129 = arith.constant dense<0.000000e+00> : vector<512x128xf32>
    %dot_general3A_130 = tpu.matmul %select_n3A_127, %slice3A_128, %dot_general3A_129 {dimension_numbers = #tpu.dot_dimension_numbers<[1], [0], [0], [1], [0, 0, 1, 1], [], []>, transpose_lhs_hint = false} : vector<512x128xf32>, vector<128x128xf32>, vector<512x128xf32> -> vector<512x128xf32>
    %reduce_sum3A_131 = arith.constant dense<0.000000e+00> : vector<512xf32>
    %reduce_sum3A_132 = vector.multi_reduction <add>, %select_n3A_127, %reduce_sum3A_131 [1] : vector<512x128xf32> to vector<512xf32>
    %broadcast_in_dim3A_133 = vector.shape_cast %reduce_sum3A_132 : vector<512xf32> to vector<512x1xf32>
    %add3A_134 = arith.addf %add3A_116, %dot_general3A_130 : vector<512x128xf32>
    %add3A_135 = arith.addf %add3A_117, %broadcast_in_dim3A_133 : vector<512x1xf32>
    %slice3A_136 = vector.extract_strided_slice %get3A_68 {offsets = [3, 0], sizes = [1, 128], strides = [1, 1]} : vector<8x128xi32> to vector<1x128xi32>
    %eq3A_137 = vector.broadcast %slice3A_136 : vector<1x128xi32> to vector<512x128xi32>
    %eq3A_138 = vector.broadcast %iota3A_69 : vector<512x1xi32> to vector<512x128xi32>
    %eq3A_139 = arith.cmpi eq, %eq3A_137, %eq3A_138 : vector<512x128xi32>
    %slice3A_140 = vector.extract_strided_slice %select_n3A_63 {offsets = [3, 0], sizes = [1, 128], strides = [1, 1]} : vector<8x128xf32> to vector<1x128xf32>
    %jit3A_141 = arith.constant 0.000000e+00 : f32
    %broadcast_in_dim3A_142 = vector.shape_cast %slice3A_140 : vector<1x128xf32> to vector<1x128xf32>
    %broadcast_in_dim3A_143 = vector.broadcast %broadcast_in_dim3A_142 : vector<1x128xf32> to vector<512x128xf32>
    %broadcast_in_dim3A_144 = vector.broadcast %jit3A_141 : f32 to vector<512x128xf32>
    %select_n3A_145 = arith.select %eq3A_139, %broadcast_in_dim3A_143, %broadcast_in_dim3A_144 : vector<512x128xi1>, vector<512x128xf32>
    %slice3A_146 = vector.extract_strided_slice %select_n3A_87 {offsets = [384, 0], sizes = [128, 128], strides = [1, 1]} : vector<1024x128xf32> to vector<128x128xf32>
    %dot_general3A_147 = arith.constant dense<0.000000e+00> : vector<512x128xf32>
    %dot_general3A_148 = tpu.matmul %select_n3A_145, %slice3A_146, %dot_general3A_147 {dimension_numbers = #tpu.dot_dimension_numbers<[1], [0], [0], [1], [0, 0, 1, 1], [], []>, transpose_lhs_hint = false} : vector<512x128xf32>, vector<128x128xf32>, vector<512x128xf32> -> vector<512x128xf32>
    %reduce_sum3A_149 = arith.constant dense<0.000000e+00> : vector<512xf32>
    %reduce_sum3A_150 = vector.multi_reduction <add>, %select_n3A_145, %reduce_sum3A_149 [1] : vector<512x128xf32> to vector<512xf32>
    %broadcast_in_dim3A_151 = vector.shape_cast %reduce_sum3A_150 : vector<512xf32> to vector<512x1xf32>
    %add3A_152 = arith.addf %add3A_134, %dot_general3A_148 : vector<512x128xf32>
    %add3A_153 = arith.addf %add3A_135, %broadcast_in_dim3A_151 : vector<512x1xf32>
    %slice3A_154 = vector.extract_strided_slice %get3A_68 {offsets = [4, 0], sizes = [1, 128], strides = [1, 1]} : vector<8x128xi32> to vector<1x128xi32>
    %eq3A_155 = vector.broadcast %slice3A_154 : vector<1x128xi32> to vector<512x128xi32>
    %eq3A_156 = vector.broadcast %iota3A_69 : vector<512x1xi32> to vector<512x128xi32>
    %eq3A_157 = arith.cmpi eq, %eq3A_155, %eq3A_156 : vector<512x128xi32>
    %slice3A_158 = vector.extract_strided_slice %select_n3A_63 {offsets = [4, 0], sizes = [1, 128], strides = [1, 1]} : vector<8x128xf32> to vector<1x128xf32>
    %jit3A_159 = arith.constant 0.000000e+00 : f32
    %broadcast_in_dim3A_160 = vector.shape_cast %slice3A_158 : vector<1x128xf32> to vector<1x128xf32>
    %broadcast_in_dim3A_161 = vector.broadcast %broadcast_in_dim3A_160 : vector<1x128xf32> to vector<512x128xf32>
    %broadcast_in_dim3A_162 = vector.broadcast %jit3A_159 : f32 to vector<512x128xf32>
    %select_n3A_163 = arith.select %eq3A_157, %broadcast_in_dim3A_161, %broadcast_in_dim3A_162 : vector<512x128xi1>, vector<512x128xf32>
    %slice3A_164 = vector.extract_strided_slice %select_n3A_87 {offsets = [512, 0], sizes = [128, 128], strides = [1, 1]} : vector<1024x128xf32> to vector<128x128xf32>
    %dot_general3A_165 = arith.constant dense<0.000000e+00> : vector<512x128xf32>
    %dot_general3A_166 = tpu.matmul %select_n3A_163, %slice3A_164, %dot_general3A_165 {dimension_numbers = #tpu.dot_dimension_numbers<[1], [0], [0], [1], [0, 0, 1, 1], [], []>, transpose_lhs_hint = false} : vector<512x128xf32>, vector<128x128xf32>, vector<512x128xf32> -> vector<512x128xf32>
    %reduce_sum3A_167 = arith.constant dense<0.000000e+00> : vector<512xf32>
    %reduce_sum3A_168 = vector.multi_reduction <add>, %select_n3A_163, %reduce_sum3A_167 [1] : vector<512x128xf32> to vector<512xf32>
    %broadcast_in_dim3A_169 = vector.shape_cast %reduce_sum3A_168 : vector<512xf32> to vector<512x1xf32>
    %add3A_170 = arith.addf %add3A_152, %dot_general3A_166 : vector<512x128xf32>
    %add3A_171 = arith.addf %add3A_153, %broadcast_in_dim3A_169 : vector<512x1xf32>
    %slice3A_172 = vector.extract_strided_slice %get3A_68 {offsets = [5, 0], sizes = [1, 128], strides = [1, 1]} : vector<8x128xi32> to vector<1x128xi32>
    %eq3A_173 = vector.broadcast %slice3A_172 : vector<1x128xi32> to vector<512x128xi32>
    %eq3A_174 = vector.broadcast %iota3A_69 : vector<512x1xi32> to vector<512x128xi32>
    %eq3A_175 = arith.cmpi eq, %eq3A_173, %eq3A_174 : vector<512x128xi32>
    %slice3A_176 = vector.extract_strided_slice %select_n3A_63 {offsets = [5, 0], sizes = [1, 128], strides = [1, 1]} : vector<8x128xf32> to vector<1x128xf32>
    %jit3A_177 = arith.constant 0.000000e+00 : f32
    %broadcast_in_dim3A_178 = vector.shape_cast %slice3A_176 : vector<1x128xf32> to vector<1x128xf32>
    %broadcast_in_dim3A_179 = vector.broadcast %broadcast_in_dim3A_178 : vector<1x128xf32> to vector<512x128xf32>
    %broadcast_in_dim3A_180 = vector.broadcast %jit3A_177 : f32 to vector<512x128xf32>
    %select_n3A_181 = arith.select %eq3A_175, %broadcast_in_dim3A_179, %broadcast_in_dim3A_180 : vector<512x128xi1>, vector<512x128xf32>
    %slice3A_182 = vector.extract_strided_slice %select_n3A_87 {offsets = [640, 0], sizes = [128, 128], strides = [1, 1]} : vector<1024x128xf32> to vector<128x128xf32>
    %dot_general3A_183 = arith.constant dense<0.000000e+00> : vector<512x128xf32>
    %dot_general3A_184 = tpu.matmul %select_n3A_181, %slice3A_182, %dot_general3A_183 {dimension_numbers = #tpu.dot_dimension_numbers<[1], [0], [0], [1], [0, 0, 1, 1], [], []>, transpose_lhs_hint = false} : vector<512x128xf32>, vector<128x128xf32>, vector<512x128xf32> -> vector<512x128xf32>
    %reduce_sum3A_185 = arith.constant dense<0.000000e+00> : vector<512xf32>
    %reduce_sum3A_186 = vector.multi_reduction <add>, %select_n3A_181, %reduce_sum3A_185 [1] : vector<512x128xf32> to vector<512xf32>
    %broadcast_in_dim3A_187 = vector.shape_cast %reduce_sum3A_186 : vector<512xf32> to vector<512x1xf32>
    %add3A_188 = arith.addf %add3A_170, %dot_general3A_184 : vector<512x128xf32>
    %add3A_189 = arith.addf %add3A_171, %broadcast_in_dim3A_187 : vector<512x1xf32>
    %slice3A_190 = vector.extract_strided_slice %get3A_68 {offsets = [6, 0], sizes = [1, 128], strides = [1, 1]} : vector<8x128xi32> to vector<1x128xi32>
    %eq3A_191 = vector.broadcast %slice3A_190 : vector<1x128xi32> to vector<512x128xi32>
    %eq3A_192 = vector.broadcast %iota3A_69 : vector<512x1xi32> to vector<512x128xi32>
    %eq3A_193 = arith.cmpi eq, %eq3A_191, %eq3A_192 : vector<512x128xi32>
    %slice3A_194 = vector.extract_strided_slice %select_n3A_63 {offsets = [6, 0], sizes = [1, 128], strides = [1, 1]} : vector<8x128xf32> to vector<1x128xf32>
    %jit3A_195 = arith.constant 0.000000e+00 : f32
    %broadcast_in_dim3A_196 = vector.shape_cast %slice3A_194 : vector<1x128xf32> to vector<1x128xf32>
    %broadcast_in_dim3A_197 = vector.broadcast %broadcast_in_dim3A_196 : vector<1x128xf32> to vector<512x128xf32>
    %broadcast_in_dim3A_198 = vector.broadcast %jit3A_195 : f32 to vector<512x128xf32>
    %select_n3A_199 = arith.select %eq3A_193, %broadcast_in_dim3A_197, %broadcast_in_dim3A_198 : vector<512x128xi1>, vector<512x128xf32>
    %slice3A_200 = vector.extract_strided_slice %select_n3A_87 {offsets = [768, 0], sizes = [128, 128], strides = [1, 1]} : vector<1024x128xf32> to vector<128x128xf32>
    %dot_general3A_201 = arith.constant dense<0.000000e+00> : vector<512x128xf32>
    %dot_general3A_202 = tpu.matmul %select_n3A_199, %slice3A_200, %dot_general3A_201 {dimension_numbers = #tpu.dot_dimension_numbers<[1], [0], [0], [1], [0, 0, 1, 1], [], []>, transpose_lhs_hint = false} : vector<512x128xf32>, vector<128x128xf32>, vector<512x128xf32> -> vector<512x128xf32>
    %reduce_sum3A_203 = arith.constant dense<0.000000e+00> : vector<512xf32>
    %reduce_sum3A_204 = vector.multi_reduction <add>, %select_n3A_199, %reduce_sum3A_203 [1] : vector<512x128xf32> to vector<512xf32>
    %broadcast_in_dim3A_205 = vector.shape_cast %reduce_sum3A_204 : vector<512xf32> to vector<512x1xf32>
    %add3A_206 = arith.addf %add3A_188, %dot_general3A_202 : vector<512x128xf32>
    %add3A_207 = arith.addf %add3A_189, %broadcast_in_dim3A_205 : vector<512x1xf32>
    %slice3A_208 = vector.extract_strided_slice %get3A_68 {offsets = [7, 0], sizes = [1, 128], strides = [1, 1]} : vector<8x128xi32> to vector<1x128xi32>
    %eq3A_209 = vector.broadcast %slice3A_208 : vector<1x128xi32> to vector<512x128xi32>
    %eq3A_210 = vector.broadcast %iota3A_69 : vector<512x1xi32> to vector<512x128xi32>
    %eq3A_211 = arith.cmpi eq, %eq3A_209, %eq3A_210 : vector<512x128xi32>
    %slice3A_212 = vector.extract_strided_slice %select_n3A_63 {offsets = [7, 0], sizes = [1, 128], strides = [1, 1]} : vector<8x128xf32> to vector<1x128xf32>
    %jit3A_213 = arith.constant 0.000000e+00 : f32
    %broadcast_in_dim3A_214 = vector.shape_cast %slice3A_212 : vector<1x128xf32> to vector<1x128xf32>
    %broadcast_in_dim3A_215 = vector.broadcast %broadcast_in_dim3A_214 : vector<1x128xf32> to vector<512x128xf32>
    %broadcast_in_dim3A_216 = vector.broadcast %jit3A_213 : f32 to vector<512x128xf32>
    %select_n3A_217 = arith.select %eq3A_211, %broadcast_in_dim3A_215, %broadcast_in_dim3A_216 : vector<512x128xi1>, vector<512x128xf32>
    %slice3A_218 = vector.extract_strided_slice %select_n3A_87 {offsets = [896, 0], sizes = [128, 128], strides = [1, 1]} : vector<1024x128xf32> to vector<128x128xf32>
    %dot_general3A_219 = arith.constant dense<0.000000e+00> : vector<512x128xf32>
    %dot_general3A_220 = tpu.matmul %select_n3A_217, %slice3A_218, %dot_general3A_219 {dimension_numbers = #tpu.dot_dimension_numbers<[1], [0], [0], [1], [0, 0, 1, 1], [], []>, transpose_lhs_hint = false} : vector<512x128xf32>, vector<128x128xf32>, vector<512x128xf32> -> vector<512x128xf32>
    %reduce_sum3A_221 = arith.constant dense<0.000000e+00> : vector<512xf32>
    %reduce_sum3A_222 = vector.multi_reduction <add>, %select_n3A_217, %reduce_sum3A_221 [1] : vector<512x128xf32> to vector<512xf32>
    %broadcast_in_dim3A_223 = vector.shape_cast %reduce_sum3A_222 : vector<512xf32> to vector<512x1xf32>
    %add3A_224 = arith.addf %add3A_206, %dot_general3A_220 : vector<512x128xf32>
    %add3A_225 = arith.addf %add3A_207, %broadcast_in_dim3A_223 : vector<512x1xf32>
    %eq3A_226 = arith.constant 0 : i32
    %eq3A_227 = arith.cmpi eq, %arg0, %eq3A_226 : i32
    %convert_element_type3A = arith.extui %eq3A_227 : i1 to i32
    %cond3A = arith.constant 0 : i32
    %cond3A_228 = arith.cmpi ne, %convert_element_type3A, %cond3A : i32
    scf.if %cond3A_228 {
      %swap3A = arith.constant 0 : index
      %swap3A_238 = arith.constant 0 : index
      %swap3A_239 = vector.load %arg9[%swap3A, %swap3A_238] : memref<512x128xf32, #tpu.memory_space<vmem>>, vector<512x128xf32>
      tpu.vector_store %arg9[%swap3A, %swap3A_238], %add3A_224 {strides = array<i32>} : memref<512x128xf32, #tpu.memory_space<vmem>>, vector<512x128xf32>,
      %swap3A_240 = arith.constant 0 : index
      %swap3A_241 = arith.constant 0 : index
      %swap3A_242 = vector.load %arg10[%swap3A_240, %swap3A_241] : memref<512x1xf32, #tpu.memory_space<vmem>>, vector<512x1xf32>
      tpu.vector_store %arg10[%swap3A_240, %swap3A_241], %add3A_225 {strides = array<i32>} : memref<512x1xf32, #tpu.memory_space<vmem>>, vector<512x1xf32>,
    } else {
    }
    %gt3A = arith.constant 0 : i32
    %gt3A_229 = arith.cmpi sgt, %arg0, %gt3A : i32
    %convert_element_type3A_230 = arith.extui %gt3A_229 : i1 to i32
    %cond3A_231 = arith.constant 0 : i32
    %cond3A_232 = arith.cmpi ne, %convert_element_type3A_230, %cond3A_231 : i32
    scf.if %cond3A_232 {
      %get3A_238 = arith.constant 0 : index
      %get3A_239 = arith.constant 0 : index
      %get3A_240 = vector.load %arg9[%get3A_238, %get3A_239] : memref<512x128xf32, #tpu.memory_space<vmem>>, vector<512x128xf32>
      %add3A_241 = arith.addf %get3A_240, %add3A_224 : vector<512x128xf32>
      %swap3A = arith.constant 0 : index
      %swap3A_242 = arith.constant 0 : index
      %swap3A_243 = vector.load %arg9[%swap3A, %swap3A_242] : memref<512x128xf32, #tpu.memory_space<vmem>>, vector<512x128xf32>
      tpu.vector_store %arg9[%swap3A, %swap3A_242], %add3A_241 {strides = array<i32>} : memref<512x128xf32, #tpu.memory_space<vmem>>, vector<512x128xf32>,
      %get3A_244 = arith.constant 0 : index
      %get3A_245 = arith.constant 0 : index
      %get3A_246 = vector.load %arg10[%get3A_244, %get3A_245] : memref<512x1xf32, #tpu.memory_space<vmem>>, vector<512x1xf32>
      %add3A_247 = arith.addf %get3A_246, %add3A_225 : vector<512x1xf32>
      %swap3A_248 = arith.constant 0 : index
      %swap3A_249 = arith.constant 0 : index
      %swap3A_250 = vector.load %arg10[%swap3A_248, %swap3A_249] : memref<512x1xf32, #tpu.memory_space<vmem>>, vector<512x1xf32>
      tpu.vector_store %arg10[%swap3A_248, %swap3A_249], %add3A_247 {strides = array<i32>} : memref<512x1xf32, #tpu.memory_space<vmem>>, vector<512x1xf32>,
    } else {
    }
    %eq3A_233 = arith.constant 97 : i32
    %eq3A_234 = arith.cmpi eq, %arg0, %eq3A_233 : i32
    %convert_element_type3A_235 = arith.extui %eq3A_234 : i1 to i32
    %cond3A_236 = arith.constant 0 : i32
    %cond3A_237 = arith.cmpi ne, %convert_element_type3A_235, %cond3A_236 : i32
    scf.if %cond3A_237 {
      %get3A_238 = arith.constant 0 : index
      %get3A_239 = arith.constant 0 : index
      %get3A_240 = vector.load %arg9[%get3A_238, %get3A_239] : memref<512x128xf32, #tpu.memory_space<vmem>>, vector<512x128xf32>
      %get3A_241 = arith.constant 0 : index
      %get3A_242 = arith.constant 0 : index
      %get3A_243 = vector.load %arg10[%get3A_241, %get3A_242] : memref<512x1xf32, #tpu.memory_space<vmem>>, vector<512x1xf32>
      %add3A_244 = arith.constant 1.000000e-16 : f32
      %add3A_245 = vector.broadcast %add3A_244 : f32 to vector<512x1xf32>
      %add3A_246 = arith.addf %get3A_243, %add3A_245 : vector<512x1xf32>
      %div3A_247 = vector.broadcast %add3A_246 : vector<512x1xf32> to vector<512x128xf32>
      %div3A_248 = arith.divf %get3A_240, %div3A_247 : vector<512x128xf32>
      %swap3A = arith.constant 0 : index
      %swap3A_249 = arith.constant 0 : index
      %swap3A_250 = vector.load %arg9[%swap3A, %swap3A_249] : memref<512x128xf32, #tpu.memory_space<vmem>>, vector<512x128xf32>
      tpu.vector_store %arg9[%swap3A, %swap3A_249], %div3A_248 {strides = array<i32>} : memref<512x128xf32, #tpu.memory_space<vmem>>, vector<512x128xf32>,
    } else {
    }
    return
  }
  func.func @transform_0(%arg0: i32) -> i32 {
    %c0_i32 = arith.constant 0 : i32
    %c0_i32_0 = arith.constant 0 : i32
    return %c0_i32 : i32
  }
  func.func @transform_1(%arg0: i32) -> (i32, i32) {
    %c0_i32 = arith.constant 0 : i32
    %c0_i32_0 = arith.constant 0 : i32
    return %arg0, %c0_i32 : i32, i32
  }
  func.func @transform_2(%arg0: i32) -> (i32, i32, i32) {
    %c0_i32 = arith.constant 0 : i32
    %c0_i32_0 = arith.constant 0 : i32
    %c0_i32_1 = arith.constant 0 : i32
    return %arg0, %c0_i32, %c0_i32_0 : i32, i32, i32
  }
  func.func @transform_3(%arg0: i32) -> (i32, i32, i32) {
    %c0_i32 = arith.constant 0 : i32
    %c0_i32_0 = arith.constant 0 : i32
    %c0_i32_1 = arith.constant 0 : i32
    return %arg0, %c0_i32, %c0_i32_0 : i32, i32, i32
  }
  func.func @transform_4(%arg0: i32) -> (i32, i32, i32, i32) {
    %c0_i32 = arith.constant 0 : i32
    %c0_i32_0 = arith.constant 0 : i32
    %c0_i32_1 = arith.constant 0 : i32
    %c0_i32_2 = arith.constant 0 : i32
    return %c0_i32, %arg0, %c0_i32_0, %c0_i32_1 : i32, i32, i32, i32
  }
  func.func @transform_5(%arg0: i32) -> (i32, i32, i32, i32) {
    %c1_i32 = arith.constant 1 : i32
    %c0_i32 = arith.constant 0 : i32
    %c0_i32_0 = arith.constant 0 : i32
    %c0_i32_1 = arith.constant 0 : i32
    return %c1_i32, %arg0, %c0_i32, %c0_i32_0 : i32, i32, i32, i32
  }
  func.func @transform_6(%arg0: i32) -> (i32, i32, i32, i32) {
    %c0_i32 = arith.constant 0 : i32
    %c0_i32_0 = arith.constant 0 : i32
    %c0_i32_1 = arith.constant 0 : i32
    %c0_i32_2 = arith.constant 0 : i32
    return %c0_i32, %arg0, %c0_i32_0, %c0_i32_1 : i32, i32, i32, i32
  }
  func.func @transform_7(%arg0: i32) -> (i32, i32, i32, i32) {
    %c1_i32 = arith.constant 1 : i32
    %c0_i32 = arith.constant 0 : i32
    %c0_i32_0 = arith.constant 0 : i32
    %c0_i32_1 = arith.constant 0 : i32
    return %c1_i32, %arg0, %c0_i32, %c0_i32_0 : i32, i32, i32, i32
  }
  func.func @transform_8(%arg0: i32) -> (i32, i32) {
    %c0_i32 = arith.constant 0 : i32
    %c0_i32_0 = arith.constant 0 : i32
    %c0_i32_1 = arith.constant 0 : i32
    return %c0_i32, %c0_i32_0 : i32, i32
  }
}

</mosaic_0001>

<sc_bundles>
// kernel: kernel.5.cloned.1.call-start
scs
__scs_entry_jumppad:
0x0: {  	(pc) =	sbr.rel $0x88, $3  }
0x1: {  	(tag) =	ssettag $0x0;
	lr =	simm.s32 $0x1  }
0x2: {  	[smem:$0x3F9A] =	sst lr;
	_ =	strace $0xD0000000  }
0x3: {  	_ = 	snop  }
0x4: {  	_ = 	snop  }
0x5: {  	_ = 	snop  }
0x6: {  	_ = 	snop  }
0x7: {  	_ = 	snop  }
__scs_overlays_trampoline_lowered:
0x8: {  	[smem:$0x3FA9] =	sst s0  }
0x9: {  	[smem:$0x3FAA] =	sst s1  }
0xa: {  	[smem:$0x3FAB] =	sst s2  }
0xb: {  	[smem:$0x3FAC] =	sst s3  }
0xc: {  	[smem:$0x3FAD] =	sst s4  }
0xd: {  	[smem:$0x3FAE] =	sst s5  }
0xe: {  	[smem:$0x3FAF] =	sst s6  }
0xf: {  	[smem:$0x3FB0] =	sst s7  }
0x10: {  	[smem:$0x3FB1] =	sst s8  }
0x11: {  	[smem:$0x3FB2] =	sst s9;
	s0 =	simm.s32 @!p0 $0x0  }
0x12: {  	s1 =	sld [smem:$0x3F98];
	s0 =	simm.s32 @p0 $0x1  }
0x13: {  	[smem:$0x3FB3] =	sst s0;
	s0 =	simm.s32 @!p1 $0x0  }
0x14: {  	s2 =	sld [smem:$0x3F97];
	s0 =	simm.s32 @p1 $0x1  }
0x15: {  	[smem:$0x3FB4] =	sst s0;
	s0 =	simm.s32 @!p2 $0x0  }
0x16: {  	s3 =	sld [smem:$0x3FDB];
	s0 =	simm.s32 @p2 $0x1  }
0x17: {  	s4 =	simm.s32 $0x1BF5;
	[smem:$0x3FB6] =	sst s0  }
0x18: {  	s0 =	sld [smem:$0x3F99];
	_ =	swait.ge [sflag:s4], $0x0  }
0x19: {  	s7 =	sld [smem:$0x3F9A]  }
0x1a: {  	s8 =	sadd.s32 $0xFFFFE003, lr  }
0x1b: {  	s9 =	sadd.s32 $0xFFFFFEF7, lr;
	s5 =	simm.s32 $0xFFFFFFFF;
	p2 =	slt.u32 s8, $0xFFFFF086  }
0x1c: {  	p1 =	slt.u32 s9, $0xF7A;
	s5 =	simm.s32 @!p2 $0x0  }
0x1d: {  	s5 =	simm.s32 @p1 $0x1;
	p0 =	seq.s32 s7, s2  }
0x1e: {  	s7 =	smul.u32 @!p0 $0xF7A, s2;
	p2 =	seq.s32 @!p0 s5, $0x0  }
0x1f: {  	s9 =	smul.u32 $0xF7A, s1;
	s8 =	simm.s32 @!p0 $0x1BF5;
	p2 =	por !p2, p0  }
0x20: {  	[sflag:s8] =	ssyncset.s32 @!p0 $0xFFFFF086;
	s6 =	sadd.s32 @!p0 s3, s7;
	s7 =	simm.s32 @!p0 $0x108  }
0x21: {  	s3 =	sadd.s32 s3, s9;
	s6 =	sadd.s32 @!p0 $0x88, s6;
	s7 =	simm.s32 @p2 $0x1082  }
0x22: {  	[simem:s7], [sflag:s8] =	dma.local @!p0 [hbm:s6], $0xF7A  }
0x23: {  	s9 =	sor.u32 $0xD0000000, s2;
	s6 =	simm.s32 $0x108;
	_ =	swait.ge @!p0 [sflag:s8], $0x0  }
0x24: {  	s3 =	sadd.s32 $0x88, s3;
	s6 =	simm.s32 @!p1 $0x1082;
	[sflag:s4] =	ssyncset.s32 $0xFFFFF086  }
0x25: {  	[simem:s6], [sflag:s4] =	dma.local [hbm:s3], $0xF7A  }
0x26: {  	[smem:$0x3F9A] =	sst s1;
	(tag) =	ssettag s2;
	_ =	strace s9  }
0x27: {  	s1 =	sld [smem:$0x3FAA]  }
0x28: {  	s2 =	sld [smem:$0x3FAB]  }
0x29: {  	s4 =	sld [smem:$0x3FAD]  }
0x2a: {  	p0 =	seq.s32 s5, $0x0;
	s5 =	sld [smem:$0x3FAE]  }
0x2b: {  	s6 =	sld [smem:$0x3FAF]  }
0x2c: {  	s7 =	sld [smem:$0x3FB0]  }
0x2d: {  	s3 =	simm.s32 $0x108;
	s8 =	sld [smem:$0x3FB1]  }
0x2e: {  	s3 =	simm.s32 @!p0 $0x1082;
	s9 =	sld [smem:$0x3FB2]  }
0x2f: {  	lr =	sadd.s32 s0, s3;
	s0 =	sld [smem:$0x3FA9]  }
0x30: {  	s3 =	sld [smem:$0x3FAC]  }
0x31: {  	[smem:$0x3FB5] =	sst s10  }
0x32: {  	s10 =	sld [smem:$0x3FB3];
	_ =	sdelay $0x3  }
0x33: {  	p0 =	seq.s32 s10, $0x1;
	s10 =	sld [smem:$0x3FB5];
	_ =	sdelay $0x3  }
0x34: {  	[smem:$0x3FB5] =	sst s10  }
0x35: {  	s10 =	sld [smem:$0x3FB4];
	_ =	sdelay $0x3  }
0x36: {  	p1 =	seq.s32 s10, $0x1;
	s10 =	sld [smem:$0x3FB5];
	_ =	sdelay $0x3  }
0x37: {  	[smem:$0x3FB5] =	sst s10  }
0x38: {  	s10 =	sld [smem:$0x3FB6]  }
0x39: {  	_ = 	snop;
	(pc) =	sbr.ind lr, $3  }
0x3a: {  	_ = 	snop  }
0x3b: {  	_ = 	snop  }
0x3c: {  	p2 =	seq.s32 s10, $0x1;
	s10 =	sld [smem:$0x3FB5]  }
0x3d: {  	_ =	shalt  }
0x3e: {  	_ =	shalt  }
0x3f: {  	_ =	shalt  }
0x40: {  	_ =	shalt  }
0x41: {  	_ =	shalt  }
0x42: {  	_ =	shalt  }
0x43: {  	_ =	shalt  }
0x44: {  	_ =	shalt  }
0x45: {  	_ =	shalt  }
0x46: {  	_ =	shalt  }
0x47: {  	_ =	shalt  }
0x48: {  	_ =	shalt  }
0x49: {  	_ =	shalt  }
0x4a: {  	_ =	shalt  }
0x4b: {  	_ =	shalt  }
0x4c: {  	_ =	shalt  }
0x4d: {  	_ =	shalt  }
0x4e: {  	_ =	shalt  }
0x4f: {  	_ =	shalt  }
0x50: {  	_ =	shalt  }
0x51: {  	_ =	shalt  }
0x52: {  	_ =	shalt  }
0x53: {  	_ =	shalt  }
0x54: {  	_ =	shalt  }
0x55: {  	_ =	shalt  }
0x56: {  	_ =	shalt  }
0x57: {  	_ =	shalt  }
0x58: {  	_ =	shalt  }
0x59: {  	_ =	shalt  }
0x5a: {  	_ =	shalt  }
0x5b: {  	_ =	shalt  }
0x5c: {  	_ =	shalt  }
0x5d: {  	_ =	shalt  }
0x5e: {  	_ =	shalt  }
0x5f: {  	_ =	shalt  }
0x60: {  	_ =	shalt  }
0x61: {  	_ =	shalt  }
0x62: {  	_ =	shalt  }
0x63: {  	_ =	shalt  }
0x64: {  	_ =	shalt  }
0x65: {  	_ =	shalt  }
0x66: {  	_ =	shalt  }
0x67: {  	_ =	shalt  }
0x68: {  	_ =	shalt  }
0x69: {  	_ =	shalt  }
0x6a: {  	_ =	shalt  }
0x6b: {  	_ =	shalt  }
0x6c: {  	_ =	shalt  }
0x6d: {  	_ =	shalt  }
0x6e: {  	_ =	shalt  }
0x6f: {  	_ =	shalt  }
0x70: {  	_ =	shalt  }
0x71: {  	_ =	shalt  }
0x72: {  	_ =	shalt  }
0x73: {  	_ =	shalt  }
0x74: {  	_ =	shalt  }
0x75: {  	_ =	shalt  }
0x76: {  	_ =	shalt  }
0x77: {  	_ =	shalt  }
0x78: {  	_ =	shalt  }
0x79: {  	_ =	shalt  }
0x7a: {  	_ =	shalt  }
0x7b: {  	_ =	shalt  }
0x7c: {  	_ =	shalt  }
0x7d: {  	_ =	shalt  }
0x7e: {  	_ =	shalt  }
0x7f: {  	_ =	shalt  }
0x80: {  	_ =	shalt  }
0x81: {  	_ =	shalt  }
0x82: {  	_ =	shalt  }
0x83: {  	_ =	shalt  }
0x84: {  	_ =	shalt  }
0x85: {  	_ =	shalt  }
0x86: {  	_ =	shalt  }
0x87: {  	_ =	shalt  }
.Lfunc_end0:
.L_simem_size_0:
called_computation_lowered:
.L_overlay_start_0:
0x88: {  	s2 =	sld [smem:$0x3FD9]  }
0x89: {  	s3 =	sld [smem:$0x3FFE];
	_ =	sdelay $0x1  }
0x8a: {  	s1 =	srdreg.scid  }
0x8b: {  	s0 =	sand.u32 $0x1, s1  }
0x8c: {  	s17 =	sshll.u32 s0, $0xA;
	s2 =	sadd.s32 s3, s2  }
0x8d: {  	s2 =	sadd.s32 s2, s17  }
0x8e: {  	[smem:$0x3FC1] =	sst s2  }
0x8f: {  	_ = 	snop  }
0x90: {  	s2 =	sld [smem:$0x3FD0];
	(tm) =	ssettm $0x1  }
0x91: {  	s18 =	sld [smem:$0x3FFB];
	_ =	sdelay $0x3  }
0x92: {  	_ =	strace s18  }
0x93: {  	s3 =	sld [smem:$0x3FFC];
	_ =	sdelay $0x3  }
0x94: {  	_ =	strace s3  }
0x95: {  	s3 =	sld [smem:$0x3FFD];
	_ =	sdelay $0x3  }
0x96: {  	_ =	strace s3  }
0x97: {  	_ =	strace $0x8FFFFFFF  }
0x98: {  	s19 =	sld [smem:$0x3FDB];
	_ =	sdelay $0x1  }
0x99: {  	s4 =	simm.s32 $_scs_section_size  }
0x9a: {  	s5 =	simm.s32 $_size__tile_overlayer_lowered;
	s6 =	simm.s32 $_tile_overlayer_lowered  }
0x9b: {  	s22 =	simm.s32 $0x1BFF;
	s21 =	sshll.u32 s6, $0x1;
	s3 =	sadd.s32 s4, s19  }
0x9c: {  	s7 =	simm.s32 $0x0;
	s20 =	sshll.u32 s5, $0x1;
	s5 =	sadd.s32 s21, s3  }
0x9d: {  	[timem:s7], [sflag:s22] =	dma.local [hbm:s5], s20  }
0x9e: {  	_ =	swait.ge [sflag:s22], s20  }
0x9f: {  	s4 =	ssub.s32 $0x0, s20;
	[sflag:s22] =	ssyncset.done $0x0  }
0xa0: {  	[sflag:s22] =	ssyncadd.s32 s4;
	_ =	sdelay $0x1  }
0xa1: {  	s23 =	simm.s32 $0x1B8B  }
0xa2: {  	_ =	swait.ge [sflag:s23], $0x1  }
0xa3: {  	[sflag:s23] =	ssyncset.done $0x0  }
0xa4: {  	s25 =	simm.s32 $0x1B8E;
	s24 =	sld [smem:$0x3FFE];
	[sflag:s23] =	ssyncadd.s32 $0xFFFFFFFF  }
0xa5: {  	s26 =	simm.s32 $execute0_lowered;
	[smem:$0x3FD2] =	sst s25  }
0xa6: {  	s5 =	sshll.u32 s26, $0x1;
	_ =	strace $0x80000046;
	[dreg:$0x1] =	wrdreg $0xFFFFFFFF  }
0xa7: {  	s28 =	simm.s32 $_size_execute0_lowered;
	s3 =	sadd.s32 s3, s5;
	[dreg:$0x0] =	wrdreg $0x0  }
0xa8: {  	s5 =	sshll.u32 s28, $0x1;
	[dreg:$0x2] =	wrdreg s3  }
0xa9: {  	[dreg:$0x3] =	wrdreg s5  }
0xaa: {  	[dreg:$0x4] =	wrdreg $0xC0  }
0xab: {  	_ =	task [dreg:s7], $0x5FFFF  }
0xac: {  	[dreg:$0x1] =	wrdreg $0xFFFFFFFF  }
0xad: {  	[dreg:$0x0] =	wrdreg $0x60  }
0xae: {  	[dreg:$0x2] =	wrdreg s24  }
0xaf: {  	[dreg:$0x3] =	wrdreg s2  }
0xb0: {  	[dreg:$0x4] =	wrdreg $0x1C5800  }
0xb1: {  	[dreg:$0x5] =	wrdreg $0x1DDF00  }
0xb2: {  	[dreg:$0x6] =	wrdreg $0x9  }
0xb3: {  	_ =	task.clear_ibuf [dreg:s7], $0x7FFFF;
	_ =	strace $0x90000046  }
0xb4: {  	s29 =	simm.s32 $0x9;
	_ =	strace $0x80000048  }
0xb5: {  	_ =	swait.ge [sflag:s29], $0x1  }
0xb6: {  	[sflag:s29] =	ssyncadd.s32 $0xFFFFFFFF  }
0xb7: {  	_ =	strace $0x90000048  }
0xb8: {  	_ =	sfence  }
0xb9: {  	s30 =	sld [smem:$0x0];
	_ =	sdelay $0x2  }
0xba: {  	s31 =	sshll.u32 s1, $0xD;
	s1 =	sshrl.u32 s1, $0x2  }
0xbb: {  	s3 =	sand.u32 $0x4000, s31;
	s1 =	sadd.s32 s1, s30  }
0xbc: {  	s0 =	sor.u32 s3, s0;
	s1 =	sshll.u32 s1, $0x11  }
0xbd: {  	s0 =	sor.u32 s1, s0  }
0xbe: {  	s0 =	sadd.s32 $0x8F2B, s0  }
0xbf: {  	[sflag:s0] =	ssyncadd.remote.s32 $0x1  }
0xc0: {  	_ =	sfence.sel $0xFFFF  }
0xc1: {  	[dreg:$0x0] =	wrdreg $0xFFFFFFFF;
	(pc) =	sbr.abs _section_cstart, $3  }
0xc2: {  	[dreg:$0x1] =	wrdreg $0xFFFFFFFF  }
0xc3: {  	_ =	task.clear_ibuf [dreg:s7], $0x2FFFF;
	_ =	strace $0x9FFFFFFF  }
0xc4: {  	(tm) =	ssettm $0x7FFFFFFF  }
0xc5: {  	_ =	shalt  }
tec
execute0_lowered:
.L_overlay_start_1:
0x0: {  	(tag) =	ssettag $0x1  }
0x1: {  	s0 =	srdreg.scid;
	s1 =	rddreg [dreg:$0x0]  }
0x2: {  	s7 =	stileid.u32;
	s3 =	rddreg [dreg:$0x2]  }
0x3: {  	s4 =	rddreg [dreg:$0x3];
	s5 =	simm.s32 $0x0;
	s6 =	sand.u32 $0x1, s0  }
0x4: {  	[smem:$0x7FF] =	sst s5;
	s2 =	sadd.s32 $0x63400, s1;
	s11 =	smul.u32 $0x1870, s7  }
0x5: {  	s0 =	sshll.u32 s6, $0x4;
	s13 =	ssub.s32 $0x2, s6;
	s6 =	smul.u32 $0x18700, s6  }
0x6: {  	s12 =	sadd.s32 $0x66600, s1;
	_ =	strace $0x80000047;
	s0 =	sor.u32 s7, s0  }
0x7: {  	[dreg:$0x5] =	wrdreg s2;
	s0 =	smul.u32 $0xC350, s0;
	s6 =	sadd.s32 s11, s6  }
0x8: {  	s14 =	sshrl.u32 s13, $0x1;
	s22 =	sshrl.u32 s6, $0x3;
	s6 =	sadd.s32 $0xC38, s6  }
0x9: {  	s0 =	sshrl.u32 s0, $0x3;
	s23 =	sadd.s32 s12, s22;
	s6 =	sshrl.u32 s6, $0x3  }
0xa: {  	s0 =	sadd.s32 s0, s1;
	[dreg:$0xe] =	wrdreg s23;
	s24 =	sadd.s32 s12, s6  }
0xb: {  	s2 =	ssub.s32 s13, s14;
	s13 =	sadd.s32 $0x1600, s0;
	[dreg:$0x10] =	wrdreg s24  }
0xc: {  	s15 =	sadd.s32 $0x32340, s0;
	[dreg:$0x6] =	wrdreg s13  }
0xd: {  	s16 =	sadd.s32 $0x16FA, s0;
	[dreg:$0x7] =	wrdreg s15  }
0xe: {  	s17 =	sadd.s32 $0x3243A, s0;
	[dreg:$0x8] =	wrdreg s16  }
0xf: {  	s18 =	sadd.s32 $0x17F4, s0;
	[dreg:$0x9] =	wrdreg s17  }
0x10: {  	s7 =	sadd.s32 s11, s3;
	s19 =	sadd.s32 $0x32534, s0;
	[dreg:$0xa] =	wrdreg s18  }
0x11: {  	s10 =	sadd.s32 $0xC38, s11;
	s20 =	sadd.s32 $0x18EE, s0;
	[dreg:$0xb] =	wrdreg s19  }
0x12: {  	s1 =	sadd.s32 $0x6C800, s1;
	s21 =	sadd.s32 $0x3262E, s0;
	[dreg:$0xc] =	wrdreg s20  }
0x13: {  	s8 =	sadd.s32 s11, s4;
	s11 =	sadd.s32 s1, s22;
	[dreg:$0xd] =	wrdreg s21  }
0x14: {  	s1 =	sadd.s32 s1, s6;
	[dreg:$0xf] =	wrdreg s11  }
0x15: {  	s25 =	sadd.s32 $0x19E8, s0;
	[dreg:$0x11] =	wrdreg s1  }
0x16: {  	s26 =	sadd.s32 $0x32728, s0;
	[dreg:$0x12] =	wrdreg s25  }
0x17: {  	s6 =	sadd.s32 $0x1AE2, s0;
	[dreg:$0x13] =	wrdreg s26  }
0x18: {  	s12 =	sadd.s32 $0x1BDC, s0;
	[dreg:$0x14] =	wrdreg s6  }
0x19: {  	s14 =	sadd.s32 $0x1CD6, s0;
	[dreg:$0x16] =	wrdreg s12  }
0x1a: {  	s22 =	sadd.s32 $0x20BE, s0;
	[dreg:$0x18] =	wrdreg s14  }
0x1b: {  	s23 =	sadd.s32 $0x32DFE, s0;
	[smem:$0x7E8] =	sst s22  }
0x1c: {  	s24 =	sadd.s32 $0x21B8, s0;
	[smem:$0x7E9] =	sst s23  }
0x1d: {  	s11 =	sadd.s32 $0x32822, s0;
	[smem:$0x7EA] =	sst s24  }
0x1e: {  	s13 =	sadd.s32 $0x3291C, s0;
	[dreg:$0x15] =	wrdreg s11  }
0x1f: {  	s15 =	sadd.s32 $0x32A16, s0;
	[dreg:$0x17] =	wrdreg s13  }
0x20: {  	s16 =	sadd.s32 $0x1DD0, s0;
	[dreg:$0x19] =	wrdreg s15  }
0x21: {  	s17 =	sadd.s32 $0x32B10, s0;
	[dreg:$0x1a] =	wrdreg s16  }
0x22: {  	s18 =	sadd.s32 $0x1ECA, s0;
	[dreg:$0x1b] =	wrdreg s17  }
0x23: {  	s19 =	sadd.s32 $0x32C0A, s0;
	[dreg:$0x1c] =	wrdreg s18  }
0x24: {  	s20 =	sadd.s32 $0x1FC4, s0;
	[dreg:$0x1d] =	wrdreg s19  }
0x25: {  	s21 =	sadd.s32 $0x32D04, s0;
	[dreg:$0x1e] =	wrdreg s20  }
0x26: {  	s25 =	sadd.s32 $0x32EF8, s0;
	[dreg:$0x1f] =	wrdreg s21  }
0x27: {  	s26 =	sadd.s32 $0x22B2, s0;
	[smem:$0x7EB] =	sst s25  }
0x28: {  	s6 =	sadd.s32 $0x32FF2, s0;
	[smem:$0x7EC] =	sst s26  }
0x29: {  	s12 =	sadd.s32 $0x330EC, s0;
	[smem:$0x7ED] =	sst s6  }
0x2a: {  	s14 =	sadd.s32 $0x331E6, s0;
	[smem:$0x7EF] =	sst s12  }
0x2b: {  	s22 =	sadd.s32 $0x335CE, s0;
	[smem:$0x7F1] =	sst s14  }
0x2c: {  	s23 =	sadd.s32 $0x2988, s0;
	[smem:$0x7F9] =	sst s22  }
0x2d: {  	s24 =	sadd.s32 $0x336C8, s0;
	[smem:$0x7FA] =	sst s23  }
0x2e: {  	s11 =	sadd.s32 $0x23AC, s0;
	[smem:$0x7FB] =	sst s24  }
0x2f: {  	s13 =	sadd.s32 $0x24A6, s0;
	[smem:$0x7EE] =	sst s11  }
0x30: {  	s28 =	simm.s32 $0x1A900;
	s15 =	sadd.s32 $0x25A0, s0;
	[smem:$0x7F0] =	sst s13  }
0x31: {  	s29 =	simm.s32 $0x1B100;
	s16 =	sadd.s32 $0x332E0, s0;
	[smem:$0x7F2] =	sst s15  }
0x32: {  	s30 =	simm.s32 $0x4;
	s17 =	sadd.s32 $0x269A, s0;
	[smem:$0x7F3] =	sst s16  }
0x33: {  	s31 =	simm.s32 $0x3;
	s18 =	sadd.s32 $0x333DA, s0;
	[smem:$0x7F4] =	sst s17  }
0x34: {  	s9 =	sadd.s32 s10, s3;
	s19 =	sadd.s32 $0x2794, s0;
	[smem:$0x7F5] =	sst s18  }
0x35: {  	s10 =	sadd.s32 s10, s4;
	s20 =	sadd.s32 $0x334D4, s0;
	[smem:$0x7F6] =	sst s19  }
0x36: {  	s21 =	sadd.s32 $0x288E, s0;
	s25 =	sadd.s32 $0x2A82, s0;
	[smem:$0x7F7] =	sst s20  }
0x37: {  	s26 =	sadd.s32 $0x337C2, s0;
	s12 =	sadd.s32 $0x338BC, s0;
	[smem:$0x7F8] =	sst s21  }
0x38: {  	s14 =	sadd.s32 $0x339B6, s0;
	s22 =	simm.s32 $0x19900;
	[smem:$0x7FC] =	sst s25  }
0x39: {  	s23 =	simm.s32 $0x19100;
	s24 =	simm.s32 $0x1A100;
	[smem:$0x7FD] =	sst s26  }
0x3a: {  	s11 =	sadd.s32 $0x2B7C, s0;
	s13 =	sadd.s32 $0x2C76, s0;
	s15 =	sadd.s32 $0x2D70, s0  }
0x3b: {  	s16 =	sadd.s32 $0x33AB0, s0;
	s17 =	smax.u32 s2, $0x1;
	s18 =	simm.s32 $0x1B900  }
0x3c: {  	s19 =	simm.s32 $0x5;
	s20 =	simm.s32 $0x1;
	s21 =	simm.s32 $0x18900  }
0x3d: {  	v0 =	vimm.f32 $0.0e+00;
	s25 =	simm.s32 $0x2;
	s26 =	simm.s32 $0x7D0;
	s2 =	simm.s32 $0x0  }
.LBB2_1:
0x3e: {  	s0 =	rddreg [dreg:$0x5]  }
0x3f: {  	[tilespmem:s5], [sflag:$0x1] =	stream.linear.gather [hbm4b:s0+s5], $0x18700, $0x38;
	[tilespmem:$0x1F660] =	vst v63  }
0x40: {  	s1 =	simm.s32 $0x0;
	s0 =	simm.s32 $0x40  }
.LBB2_2:
0x41: {  	p0 =	sne.s32 s0, $0x3080;
	[tilespmem:s1+$0x1B900] =	vst v0;
	s1 =	smov.u32 s0;
	s0 =	sadd.s32 $0x40, s0  }
.Ltmp0:
0x42: {  	(pc) =	sbr.rel @p0 .LBB2_2-.Ltmp0, $2  }
0x43: {  	_ =	sdelay $0x2  }
0x44: {  	s1 =	sshra.s32 s1, $0x2  }
0x45: {  	[tilespmem:s1+$0x1B900] =	vst v0  }
0x46: {  	[tilespmem:$0x1C528] =	vst v0  }
0x47: {  	[spmem:s7] =	stream.linear.scatter [tilespmem:s18], [sflag:$0x5], $0xC38, $0x38;
	[tilespmem:$0x1F660] =	vst v63  }
0x48: {  	_ =	swait.ge [sflag:s19], $0xC38  }
0x49: {  	[sflag:s19] =	ssyncset.done $0x0  }
0x4a: {  	[sflag:s19] =	ssyncadd.s32 $0xFFFFF3C8  }
0x4b: {  	[spmem:s8] =	stream.linear.scatter [tilespmem:s18], [sflag:$0x5], $0xC38, $0x38;
	[tilespmem:$0x1F660] =	vst v63  }
0x4c: {  	_ =	swait.ge [sflag:s19], $0xC38  }
0x4d: {  	[sflag:s19] =	ssyncset.done $0x0  }
0x4e: {  	[sflag:s19] =	ssyncadd.s32 $0xFFFFF3C8  }
0x4f: {  	[spmem:s9] =	stream.linear.scatter [tilespmem:s18], [sflag:$0x5], $0xC38, $0x38;
	[tilespmem:$0x1F660] =	vst v63  }
0x50: {  	_ =	swait.ge [sflag:s19], $0xC38  }
0x51: {  	[sflag:s19] =	ssyncset.done $0x0  }
0x52: {  	[sflag:s19] =	ssyncadd.s32 $0xFFFFF3C8  }
0x53: {  	[spmem:s10] =	stream.linear.scatter [tilespmem:s18], [sflag:$0x5], $0xC38, $0x38;
	[tilespmem:$0x1F660] =	vst v63  }
0x54: {  	_ =	swait.ge [sflag:s19], $0xC38  }
0x55: {  	[sflag:s19] =	ssyncset.done $0x0  }
0x56: {  	[sflag:s19] =	ssyncadd.s32 $0xFFFFF3C8  }
0x57: {  	s0 =	simm.s32 $0x0;
	s6 =	simm.s32 $0x18700;
	s1 =	rddreg [dreg:$0x1]  }
0x58: {  	[tilespmem:s6], [sflag:$0x5] =	stream.linear.gather [hbm4b:s1+s0], $0x200, $0x38;
	[tilespmem:$0x1F660] =	vst v63  }
0x59: {  	_ =	swait.ge [sflag:s19], $0x200  }
0x5a: {  	[sflag:s19] =	ssyncset.done $0x0  }
0x5b: {  	[sflag:s19] =	ssyncadd.s32 $0xFFFFFE00  }
0x5c: {  	_ =	swait.ge [sflag:s20], $0x18700  }
0x5d: {  	[sflag:s20] =	ssyncset.done $0x0  }
0x5e: {  	[sflag:s20] =	ssyncadd.s32 $0xFFFE7900  }
0x5f: {  	[bflag:$0x0] =	sbarrier.arrive $0xFFFF  }
0x60: {  	v2 =	vld [tilespmem:$0x18700]  }
0x61: {  	v3 =	vld [tilespmem:$0x18780];
	s6 =	rddreg [dreg:$0x6]  }
0x62: {  	v1 =	vld [tilespmem:$0x18800];
	[tilespmem:s21], [sflag:$0x2] =	stream.linear.gather [hbm4b:s6+s0], $0x7D0, $0x38  }
0x63: {  	s6 =	rddreg [dreg:$0x7]  }
0x64: {  	[tilespmem:s22], [sflag:$0x2] =	stream.linear.gather [hbm4b:s6+s0], $0x7D0, $0x38;
	[tilespmem:$0x1F660] =	vst v63  }
0x65: {  	s6 =	rddreg [dreg:$0x8]  }
0x66: {  	[tilespmem:s23], [sflag:$0x3] =	stream.linear.gather [hbm4b:s6+s0], $0x7D0, $0x38;
	[tilespmem:$0x1F660] =	vst v63  }
0x67: {  	s6 =	rddreg [dreg:$0x9]  }
0x68: {  	[tilespmem:s24], [sflag:$0x3] =	stream.linear.gather [hbm4b:s6+s0], $0x7D0, $0x38;
	[tilespmem:$0x1F660] =	vst v63  }
0x69: {  	_ =	swait.ge [sflag:s25], $0x7D0  }
0x6a: {  	[sflag:s25] =	ssyncset.done $0x0  }
0x6b: {  	[sflag:s25] =	ssyncadd.s32 $0xFFFFF830  }
0x6c: {  	_ =	swait.ge [sflag:s25], $0x7D0  }
0x6d: {  	[sflag:s25] =	ssyncset.done $0x0  }
0x6e: {  	s0 =	simm.s32 $0x0;
	[sflag:s25] =	ssyncadd.s32 $0xFFFFF830  }
0x6f: {  	v4 =	vld [tilespmem:s0+$0x19900]  }
0x70: {  	v5 =	vld [tilespmem:s0+$0x18900];
	_ =	sdelay $0x6  }
0x71: {  	v6 =	vld.idx.msk [tilespmem:v4+s5+$0x0], $0xffff  }
0x72: {  	v4 =	vld.idx.msk [tilespmem:v5+s5+$0x0], $0xffff;
	_ =	sdelay $0x4  }
0x73: {  	v5 =	vmul.f32 v4, v2;
	v6 =	vmul.f32 v6, v3;
	_ =	sdelay $0x1  }
0x74: {  	v5 =	vadd.f32 v6, v5;
	_ =	sdelay $0x1  }
0x75: {  	v6 =	vmul.f32 $2.000000030e-01, v5  }
0x76: {  	vm0 =	vge.f32 v5, $0.0e+00  }
0x77: {  	v5 =	vsel vm0, v5, v6  }
0x78: {  	v5 =	vsub.f32 v5, v1;
	_ =	sdelay $0x1  }
0x79: {  	v5 =	vmul.f32 $1.442695020e+00, v5;
	_ =	sdelay $0x1  }
0x7a: {  	(erf) = vpow2.f32 v5;
	_ =	sdelay $0x3  }
0x7b: {  	s6 =	simm.s32 $0x10  }
0x7c: {  	s1 =	simm.s32 $0x80;
	v5 =	vld [tilespmem:s6+$0x19900]  }
.LBB2_4:
0x7d: {  	p0 =	sne.s32 s1, $0x1F00;
	v6 =	vld [tilespmem:s6+$0x18900];
	_ =	sdelay $0x2  }
0x7e: {  	v7 =	vpop (erf)  }
0x7f: {  	[tilespmem:s0+$0x1A900] =	vst v7;
	v4 =	vmul.f32 v7, v4;
	_ =	sdelay $0x1  }
0x80: {  	[tilespmem:s0+$0x1B100] =	vst v4;
	s0 =	smov.u32 s6  }
0x81: {  	v5 =	vld.idx.msk [tilespmem:v5+s5+$0x0], $0xffff  }
0x82: {  	v4 =	vld.idx.msk [tilespmem:v6+s5+$0x0], $0xffff;
	_ =	sdelay $0x5  }
0x83: {  	v5 =	vmul.f32 v5, v3;
	v6 =	vmul.f32 v4, v2;
	_ =	sdelay $0x1  }
0x84: {  	v5 =	vadd.f32 v5, v6;
	_ =	sdelay $0x1  }
0x85: {  	v6 =	vmul.f32 $2.000000030e-01, v5  }
0x86: {  	vm0 =	vge.f32 v5, $0.0e+00  }
0x87: {  	v5 =	vsel vm0, v5, v6  }
0x88: {  	v5 =	vsub.f32 v5, v1;
	_ =	sdelay $0x1  }
0x89: {  	v5 =	vmul.f32 $1.442695020e+00, v5;
	_ =	sdelay $0x1  }
0x8a: {  	(erf) = vpow2.f32 v5  }
.Ltmp1:
0x8b: {  	(pc) =	sbr.rel @p0 .LBB2_4-.Ltmp1, $3  }
0x8c: {  	_ =	sdelay $0x1  }
0x8d: {  	s6 =	sshra.s32 s1, $0x2  }
0x8e: {  	s1 =	sadd.s32 $0x40, s1;
	v5 =	vld [tilespmem:s6+$0x19900]  }
0x8f: {  	_ = 	snop  }
0x90: {  	v6 =	vld [tilespmem:s6+$0x18900];
	_ =	sdelay $0x2  }
0x91: {  	v7 =	vpop (erf)  }
0x92: {  	v4 =	vmul.f32 v7, v4  }
0x93: {  	[tilespmem:s0+$0x1A900] =	vst v7  }
0x94: {  	[tilespmem:s0+$0x1B100] =	vst v4  }
0x95: {  	v4 =	vld.idx.msk [tilespmem:v5+s5+$0x0], $0xffff  }
0x96: {  	v5 =	vld.idx.msk [tilespmem:v6+s5+$0x0], $0xffff;
	_ =	sdelay $0x4  }
0x97: {  	v4 =	vmul.f32 v4, v3;
	v6 =	vmul.f32 v5, v2;
	_ =	sdelay $0x1  }
0x98: {  	v4 =	vadd.f32 v4, v6;
	_ =	sdelay $0x1  }
0x99: {  	v6 =	vmul.f32 $2.000000030e-01, v4  }
0x9a: {  	vm0 =	vge.f32 v4, $0.0e+00  }
0x9b: {  	v4 =	vsel vm0, v4, v6  }
0x9c: {  	v4 =	vsub.f32 v4, v1;
	_ =	sdelay $0x1  }
0x9d: {  	v4 =	vmul.f32 $1.442695020e+00, v4;
	_ =	sdelay $0x1  }
0x9e: {  	(erf) = vpow2.f32 v4;
	_ =	sdelay $0x8  }
0x9f: {  	v4 =	vpop (erf)  }
0xa0: {  	v5 =	vmul.f32 v4, v5  }
0xa1: {  	[tilespmem:s6+$0x1A900] =	vst v4  }
0xa2: {  	[tilespmem:s6+$0x1B100] =	vst v5  }
0xa3: {  	[spmem:s4] =	stream.indirect.scatter.add.f32 [tilespmem:s28], [sflag:$0x4], $0x1, s22, s26, $0xb8;
	[tilespmem:$0x1F660] =	vst v63  }
0xa4: {  	_ = 	snop  }
0xa5: {  	[spmem:s3] =	stream.indirect.scatter.add.f32 [tilespmem:s29], [sflag:$0x4], $0x1, s22, s26, $0xb8;
	[tilespmem:$0x1F660] =	vst v63  }
0xa6: {  	_ =	swait.ge [sflag:s30], $0x7D0  }
0xa7: {  	[sflag:s30] =	ssyncset.done $0x0  }
0xa8: {  	[sflag:s30] =	ssyncadd.s32 $0xFFFFF830  }
0xa9: {  	_ =	swait.ge [sflag:s30], $0x7D0  }
0xaa: {  	[sflag:s30] =	ssyncset.done $0x0  }
0xab: {  	s0 =	simm.s32 $0x0;
	s1 =	rddreg [dreg:$0xa];
	[sflag:s30] =	ssyncadd.s32 $0xFFFFF830  }
0xac: {  	[tilespmem:s21], [sflag:$0x2] =	stream.linear.gather [hbm4b:s1+s0], $0x7D0, $0x38;
	[tilespmem:$0x1F660] =	vst v63  }
0xad: {  	s6 =	rddreg [dreg:$0xb]  }
0xae: {  	[tilespmem:s22], [sflag:$0x2] =	stream.linear.gather [hbm4b:s6+s0], $0x7D0, $0x38;
	[tilespmem:$0x1F660] =	vst v63  }
0xaf: {  	_ =	swait.ge [sflag:s31], $0x7D0  }
0xb0: {  	[sflag:s31] =	ssyncset.done $0x0  }
0xb1: {  	[sflag:s31] =	ssyncadd.s32 $0xFFFFF830  }
0xb2: {  	_ =	swait.ge [sflag:s31], $0x7D0  }
0xb3: {  	[sflag:s31] =	ssyncset.done $0x0  }
0xb4: {  	s0 =	simm.s32 $0x0;
	[sflag:s31] =	ssyncadd.s32 $0xFFFFF830  }
0xb5: {  	v4 =	vld [tilespmem:s0+$0x1A100]  }
0xb6: {  	v5 =	vld [tilespmem:s0+$0x19100];
	_ =	sdelay $0x6  }
0xb7: {  	v6 =	vld.idx.msk [tilespmem:v4+s5+$0x0], $0xffff  }
0xb8: {  	v4 =	vld.idx.msk [tilespmem:v5+s5+$0x0], $0xffff;
	_ =	sdelay $0x4  }
0xb9: {  	v5 =	vmul.f32 v4, v2;
	v6 =	vmul.f32 v6, v3;
	_ =	sdelay $0x1  }
0xba: {  	v5 =	vadd.f32 v6, v5;
	_ =	sdelay $0x1  }
0xbb: {  	v6 =	vmul.f32 $2.000000030e-01, v5  }
0xbc: {  	vm15 =	vge.f32 v5, $0.0e+00  }
0xbd: {  	v5 =	vsel vm15, v5, v6  }
0xbe: {  	v5 =	vsub.f32 v5, v1;
	_ =	sdelay $0x1  }
0xbf: {  	v5 =	vmul.f32 $1.442695020e+00, v5;
	_ =	sdelay $0x1  }
0xc0: {  	(erf) = vpow2.f32 v5;
	_ =	sdelay $0x3  }
0xc1: {  	s6 =	simm.s32 $0x10  }
0xc2: {  	s1 =	simm.s32 $0x80;
	v5 =	vld [tilespmem:s6+$0x1A100]  }
.LBB2_6:
0xc3: {  	p0 =	sne.s32 s1, $0x1F00;
	v6 =	vld [tilespmem:s6+$0x19100];
	_ =	sdelay $0x2  }
0xc4: {  	v7 =	vpop (erf)  }
0xc5: {  	[tilespmem:s0+$0x1A900] =	vst v7;
	v4 =	vmul.f32 v7, v4;
	_ =	sdelay $0x1  }
0xc6: {  	[tilespmem:s0+$0x1B100] =	vst v4;
	s0 =	smov.u32 s6  }
0xc7: {  	v5 =	vld.idx.msk [tilespmem:v5+s5+$0x0], $0xffff  }
0xc8: {  	v4 =	vld.idx.msk [tilespmem:v6+s5+$0x0], $0xffff;
	_ =	sdelay $0x5  }
0xc9: {  	v5 =	vmul.f32 v5, v3;
	v6 =	vmul.f32 v4, v2;
	_ =	sdelay $0x1  }
0xca: {  	v5 =	vadd.f32 v5, v6;
	_ =	sdelay $0x1  }
0xcb: {  	v6 =	vmul.f32 $2.000000030e-01, v5  }
0xcc: {  	vm0 =	vge.f32 v5, $0.0e+00  }
0xcd: {  	v5 =	vsel vm0, v5, v6  }
0xce: {  	v5 =	vsub.f32 v5, v1;
	_ =	sdelay $0x1  }
0xcf: {  	v5 =	vmul.f32 $1.442695020e+00, v5;
	_ =	sdelay $0x1  }
0xd0: {  	(erf) = vpow2.f32 v5  }
.Ltmp2:
0xd1: {  	(pc) =	sbr.rel @p0 .LBB2_6-.Ltmp2, $3  }
0xd2: {  	_ =	sdelay $0x1  }
0xd3: {  	s6 =	sshra.s32 s1, $0x2  }
0xd4: {  	s1 =	sadd.s32 $0x40, s1;
	v5 =	vld [tilespmem:s6+$0x1A100]  }
0xd5: {  	_ = 	snop  }
0xd6: {  	v6 =	vld [tilespmem:s6+$0x19100];
	_ =	sdelay $0x2  }
0xd7: {  	v7 =	vpop (erf)  }
0xd8: {  	v4 =	vmul.f32 v7, v4  }
0xd9: {  	[tilespmem:s0+$0x1A900] =	vst v7  }
0xda: {  	[tilespmem:s0+$0x1B100] =	vst v4  }
0xdb: {  	v4 =	vld.idx.msk [tilespmem:v5+s5+$0x0], $0xffff  }
0xdc: {  	v5 =	vld.idx.msk [tilespmem:v6+s5+$0x0], $0xffff;
	_ =	sdelay $0x4  }
0xdd: {  	v4 =	vmul.f32 v4, v3;
	v6 =	vmul.f32 v5, v2;
	_ =	sdelay $0x1  }
0xde: {  	v4 =	vadd.f32 v4, v6;
	_ =	sdelay $0x1  }
0xdf: {  	v6 =	vmul.f32 $2.000000030e-01, v4  }
0xe0: {  	vm0 =	vge.f32 v4, $0.0e+00  }
0xe1: {  	v4 =	vsel vm0, v4, v6  }
0xe2: {  	v4 =	vsub.f32 v4, v1;
	_ =	sdelay $0x1  }
0xe3: {  	v4 =	vmul.f32 $1.442695020e+00, v4;
	_ =	sdelay $0x1  }
0xe4: {  	(erf) = vpow2.f32 v4;
	_ =	sdelay $0x8  }
0xe5: {  	v4 =	vpop (erf)  }
0xe6: {  	v5 =	vmul.f32 v4, v5  }
0xe7: {  	[tilespmem:s6+$0x1A900] =	vst v4  }
0xe8: {  	[tilespmem:s6+$0x1B100] =	vst v5  }
0xe9: {  	[spmem:s4] =	stream.indirect.scatter.add.f32 [tilespmem:s28], [sflag:$0x4], $0x1, s24, s26, $0xb8;
	[tilespmem:$0x1F660] =	vst v63  }
0xea: {  	_ = 	snop  }
0xeb: {  	[spmem:s3] =	stream.indirect.scatter.add.f32 [tilespmem:s29], [sflag:$0x4], $0x1, s24, s26, $0xb8;
	[tilespmem:$0x1F660] =	vst v63  }
0xec: {  	_ =	swait.ge [sflag:s30], $0x7D0  }
0xed: {  	[sflag:s30] =	ssyncset.done $0x0  }
0xee: {  	[sflag:s30] =	ssyncadd.s32 $0xFFFFF830  }
0xef: {  	_ =	swait.ge [sflag:s30], $0x7D0  }
0xf0: {  	[sflag:s30] =	ssyncset.done $0x0  }
0xf1: {  	s0 =	simm.s32 $0x0;
	s1 =	rddreg [dreg:$0xc];
	[sflag:s30] =	ssyncadd.s32 $0xFFFFF830  }
0xf2: {  	[tilespmem:s23], [sflag:$0x3] =	stream.linear.gather [hbm4b:s1+s0], $0x7D0, $0x38;
	[tilespmem:$0x1F660] =	vst v63  }
0xf3: {  	s6 =	rddreg [dreg:$0xd]  }
0xf4: {  	[tilespmem:s24], [sflag:$0x3] =	stream.linear.gather [hbm4b:s6+s0], $0x7D0, $0x38;
	[tilespmem:$0x1F660] =	vst v63  }
0xf5: {  	_ =	swait.ge [sflag:s25], $0x7D0  }
0xf6: {  	[sflag:s25] =	ssyncset.done $0x0  }
0xf7: {  	[sflag:s25] =	ssyncadd.s32 $0xFFFFF830  }
0xf8: {  	_ =	swait.ge [sflag:s25], $0x7D0  }
0xf9: {  	[sflag:s25] =	ssyncset.done $0x0  }
0xfa: {  	s0 =	simm.s32 $0x0;
	[sflag:s25] =	ssyncadd.s32 $0xFFFFF830  }
0xfb: {  	v4 =	vld [tilespmem:s0+$0x19900]  }
0xfc: {  	v5 =	vld [tilespmem:s0+$0x18900];
	_ =	sdelay $0x6  }
0xfd: {  	v6 =	vld.idx.msk [tilespmem:v4+s5+$0x0], $0xffff  }
0xfe: {  	v4 =	vld.idx.msk [tilespmem:v5+s5+$0x0], $0xffff;
	_ =	sdelay $0x4  }
0xff: {  	v5 =	vmul.f32 v4, v2;
	v6 =	vmul.f32 v6, v3;
	_ =	sdelay $0x1  }
0x100: {  	v5 =	vadd.f32 v6, v5;
	_ =	sdelay $0x1  }
0x101: {  	v6 =	vmul.f32 $2.000000030e-01, v5  }
0x102: {  	vm15 =	vge.f32 v5, $0.0e+00  }
0x103: {  	v5 =	vsel vm15, v5, v6  }
0x104: {  	v5 =	vsub.f32 v5, v1;
	_ =	sdelay $0x1  }
0x105: {  	v5 =	vmul.f32 $1.442695020e+00, v5;
	_ =	sdelay $0x1  }
0x106: {  	(erf) = vpow2.f32 v5;
	_ =	sdelay $0x3  }
0x107: {  	s6 =	simm.s32 $0x10  }
0x108: {  	s1 =	simm.s32 $0x80;
	v5 =	vld [tilespmem:s6+$0x19900]  }
.LBB2_8:
0x109: {  	p0 =	sne.s32 s1, $0x1F00;
	v6 =	vld [tilespmem:s6+$0x18900];
	_ =	sdelay $0x2  }
0x10a: {  	v7 =	vpop (erf)  }
0x10b: {  	[tilespmem:s0+$0x1A900] =	vst v7;
	v4 =	vmul.f32 v7, v4;
	_ =	sdelay $0x1  }
0x10c: {  	[tilespmem:s0+$0x1B100] =	vst v4;
	s0 =	smov.u32 s6  }
0x10d: {  	v5 =	vld.idx.msk [tilespmem:v5+s5+$0x0], $0xffff  }
0x10e: {  	v4 =	vld.idx.msk [tilespmem:v6+s5+$0x0], $0xffff;
	_ =	sdelay $0x5  }
0x10f: {  	v5 =	vmul.f32 v5, v3;
	v6 =	vmul.f32 v4, v2;
	_ =	sdelay $0x1  }
0x110: {  	v5 =	vadd.f32 v5, v6;
	_ =	sdelay $0x1  }
0x111: {  	v6 =	vmul.f32 $2.000000030e-01, v5  }
0x112: {  	vm0 =	vge.f32 v5, $0.0e+00  }
0x113: {  	v5 =	vsel vm0, v5, v6  }
0x114: {  	v5 =	vsub.f32 v5, v1;
	_ =	sdelay $0x1  }
0x115: {  	v5 =	vmul.f32 $1.442695020e+00, v5;
	_ =	sdelay $0x1  }
0x116: {  	(erf) = vpow2.f32 v5  }
.Ltmp3:
0x117: {  	(pc) =	sbr.rel @p0 .LBB2_8-.Ltmp3, $3  }
0x118: {  	_ =	sdelay $0x1  }
0x119: {  	s6 =	sshra.s32 s1, $0x2  }
0x11a: {  	s1 =	sadd.s32 $0x40, s1;
	v5 =	vld [tilespmem:s6+$0x19900]  }
0x11b: {  	_ = 	snop  }
0x11c: {  	v6 =	vld [tilespmem:s6+$0x18900];
	_ =	sdelay $0x2  }
0x11d: {  	v7 =	vpop (erf)  }
0x11e: {  	v4 =	vmul.f32 v7, v4  }
0x11f: {  	[tilespmem:s0+$0x1A900] =	vst v7  }
0x120: {  	[tilespmem:s0+$0x1B100] =	vst v4  }
0x121: {  	v4 =	vld.idx.msk [tilespmem:v5+s5+$0x0], $0xffff  }
0x122: {  	v5 =	vld.idx.msk [tilespmem:v6+s5+$0x0], $0xffff;
	_ =	sdelay $0x4  }
0x123: {  	v4 =	vmul.f32 v4, v3;
	v6 =	vmul.f32 v5, v2;
	_ =	sdelay $0x1  }
0x124: {  	v4 =	vadd.f32 v4, v6;
	_ =	sdelay $0x1  }
0x125: {  	v6 =	vmul.f32 $2.000000030e-01, v4  }
0x126: {  	vm0 =	vge.f32 v4, $0.0e+00  }
0x127: {  	v4 =	vsel vm0, v4, v6  }
0x128: {  	v4 =	vsub.f32 v4, v1;
	_ =	sdelay $0x1  }
0x129: {  	v4 =	vmul.f32 $1.442695020e+00, v4;
	_ =	sdelay $0x1  }
0x12a: {  	(erf) = vpow2.f32 v4;
	_ =	sdelay $0x8  }
0x12b: {  	v4 =	vpop (erf)  }
0x12c: {  	v5 =	vmul.f32 v4, v5  }
0x12d: {  	[tilespmem:s6+$0x1A900] =	vst v4  }
0x12e: {  	[tilespmem:s6+$0x1B100] =	vst v5  }
0x12f: {  	[spmem:s4] =	stream.indirect.scatter.add.f32 [tilespmem:s28], [sflag:$0x4], $0x1, s22, s26, $0xb8;
	[tilespmem:$0x1F660] =	vst v63  }
0x130: {  	_ = 	snop  }
0x131: {  	[spmem:s3] =	stream.indirect.scatter.add.f32 [tilespmem:s29], [sflag:$0x4], $0x1, s22, s26, $0xb8;
	[tilespmem:$0x1F660] =	vst v63  }
0x132: {  	_ =	swait.ge [sflag:s30], $0x7D0  }
0x133: {  	[sflag:s30] =	ssyncset.done $0x0  }
0x134: {  	[sflag:s30] =	ssyncadd.s32 $0xFFFFF830  }
0x135: {  	_ =	swait.ge [sflag:s30], $0x7D0  }
0x136: {  	[sflag:s30] =	ssyncset.done $0x0  }
0x137: {  	s0 =	simm.s32 $0x0;
	s1 =	rddreg [dreg:$0x12];
	[sflag:s30] =	ssyncadd.s32 $0xFFFFF830  }
0x138: {  	[tilespmem:s21], [sflag:$0x2] =	stream.linear.gather [hbm4b:s1+s0], $0x7D0, $0x38;
	[tilespmem:$0x1F660] =	vst v63  }
0x139: {  	s6 =	rddreg [dreg:$0x13]  }
0x13a: {  	[tilespmem:s22], [sflag:$0x2] =	stream.linear.gather [hbm4b:s6+s0], $0x7D0, $0x38;
	[tilespmem:$0x1F660] =	vst v63  }
0x13b: {  	_ =	swait.ge [sflag:s31], $0x7D0  }
0x13c: {  	[sflag:s31] =	ssyncset.done $0x0  }
0x13d: {  	[sflag:s31] =	ssyncadd.s32 $0xFFFFF830  }
0x13e: {  	_ =	swait.ge [sflag:s31], $0x7D0  }
0x13f: {  	[sflag:s31] =	ssyncset.done $0x0  }
0x140: {  	s0 =	simm.s32 $0x0;
	[sflag:s31] =	ssyncadd.s32 $0xFFFFF830  }
0x141: {  	v4 =	vld [tilespmem:s0+$0x1A100]  }
0x142: {  	v5 =	vld [tilespmem:s0+$0x19100];
	_ =	sdelay $0x6  }
0x143: {  	v6 =	vld.idx.msk [tilespmem:v4+s5+$0x0], $0xffff  }
0x144: {  	v4 =	vld.idx.msk [tilespmem:v5+s5+$0x0], $0xffff;
	_ =	sdelay $0x4  }
0x145: {  	v5 =	vmul.f32 v4, v2;
	v6 =	vmul.f32 v6, v3;
	_ =	sdelay $0x1  }
0x146: {  	v5 =	vadd.f32 v6, v5;
	_ =	sdelay $0x1  }
0x147: {  	v6 =	vmul.f32 $2.000000030e-01, v5  }
0x148: {  	vm15 =	vge.f32 v5, $0.0e+00  }
0x149: {  	v5 =	vsel vm15, v5, v6  }
0x14a: {  	v5 =	vsub.f32 v5, v1;
	_ =	sdelay $0x1  }
0x14b: {  	v5 =	vmul.f32 $1.442695020e+00, v5;
	_ =	sdelay $0x1  }
0x14c: {  	(erf) = vpow2.f32 v5;
	_ =	sdelay $0x3  }
0x14d: {  	s6 =	simm.s32 $0x10  }
0x14e: {  	s1 =	simm.s32 $0x80;
	v5 =	vld [tilespmem:s6+$0x1A100]  }
.LBB2_10:
0x14f: {  	p0 =	sne.s32 s1, $0x1F00;
	v6 =	vld [tilespmem:s6+$0x19100];
	_ =	sdelay $0x2  }
0x150: {  	v7 =	vpop (erf)  }
0x151: {  	[tilespmem:s0+$0x1A900] =	vst v7;
	v4 =	vmul.f32 v7, v4;
	_ =	sdelay $0x1  }
0x152: {  	[tilespmem:s0+$0x1B100] =	vst v4;
	s0 =	smov.u32 s6  }
0x153: {  	v5 =	vld.idx.msk [tilespmem:v5+s5+$0x0], $0xffff  }
0x154: {  	v4 =	vld.idx.msk [tilespmem:v6+s5+$0x0], $0xffff;
	_ =	sdelay $0x5  }
0x155: {  	v5 =	vmul.f32 v5, v3;
	v6 =	vmul.f32 v4, v2;
	_ =	sdelay $0x1  }
0x156: {  	v5 =	vadd.f32 v5, v6;
	_ =	sdelay $0x1  }
0x157: {  	v6 =	vmul.f32 $2.000000030e-01, v5  }
0x158: {  	vm0 =	vge.f32 v5, $0.0e+00  }
0x159: {  	v5 =	vsel vm0, v5, v6  }
0x15a: {  	v5 =	vsub.f32 v5, v1;
	_ =	sdelay $0x1  }
0x15b: {  	v5 =	vmul.f32 $1.442695020e+00, v5;
	_ =	sdelay $0x1  }
0x15c: {  	(erf) = vpow2.f32 v5  }
.Ltmp4:
0x15d: {  	(pc) =	sbr.rel @p0 .LBB2_10-.Ltmp4, $3  }
0x15e: {  	_ =	sdelay $0x1  }
0x15f: {  	s6 =	sshra.s32 s1, $0x2  }
0x160: {  	s1 =	sadd.s32 $0x40, s1;
	v5 =	vld [tilespmem:s6+$0x1A100]  }
0x161: {  	_ = 	snop  }
0x162: {  	v6 =	vld [tilespmem:s6+$0x19100];
	_ =	sdelay $0x2  }
0x163: {  	v7 =	vpop (erf)  }
0x164: {  	v4 =	vmul.f32 v7, v4  }
0x165: {  	[tilespmem:s0+$0x1A900] =	vst v7  }
0x166: {  	[tilespmem:s0+$0x1B100] =	vst v4  }
0x167: {  	v4 =	vld.idx.msk [tilespmem:v5+s5+$0x0], $0xffff  }
0x168: {  	v5 =	vld.idx.msk [tilespmem:v6+s5+$0x0], $0xffff;
	_ =	sdelay $0x4  }
0x169: {  	v4 =	vmul.f32 v4, v3;
	v6 =	vmul.f32 v5, v2;
	_ =	sdelay $0x1  }
0x16a: {  	v4 =	vadd.f32 v4, v6;
	_ =	sdelay $0x1  }
0x16b: {  	v6 =	vmul.f32 $2.000000030e-01, v4  }
0x16c: {  	vm0 =	vge.f32 v4, $0.0e+00  }
0x16d: {  	v4 =	vsel vm0, v4, v6  }
0x16e: {  	v4 =	vsub.f32 v4, v1;
	_ =	sdelay $0x1  }
0x16f: {  	v4 =	vmul.f32 $1.442695020e+00, v4;
	_ =	sdelay $0x1  }
0x170: {  	(erf) = vpow2.f32 v4;
	_ =	sdelay $0x8  }
0x171: {  	v4 =	vpop (erf)  }
0x172: {  	v5 =	vmul.f32 v4, v5  }
0x173: {  	[tilespmem:s6+$0x1A900] =	vst v4  }
0x174: {  	[tilespmem:s6+$0x1B100] =	vst v5  }
0x175: {  	[spmem:s4] =	stream.indirect.scatter.add.f32 [tilespmem:s28], [sflag:$0x4], $0x1, s24, s26, $0xb8;
	[tilespmem:$0x1F660] =	vst v63  }
0x176: {  	_ = 	snop  }
0x177: {  	[spmem:s3] =	stream.indirect.scatter.add.f32 [tilespmem:s29], [sflag:$0x4], $0x1, s24, s26, $0xb8;
	[tilespmem:$0x1F660] =	vst v63  }
0x178: {  	_ =	swait.ge [sflag:s30], $0x7D0  }
0x179: {  	[sflag:s30] =	ssyncset.done $0x0  }
0x17a: {  	[sflag:s30] =	ssyncadd.s32 $0xFFFFF830  }
0x17b: {  	_ =	swait.ge [sflag:s30], $0x7D0  }
0x17c: {  	[sflag:s30] =	ssyncset.done $0x0  }
0x17d: {  	s0 =	simm.s32 $0x0;
	s1 =	rddreg [dreg:$0x14];
	[sflag:s30] =	ssyncadd.s32 $0xFFFFF830  }
0x17e: {  	[tilespmem:s23], [sflag:$0x3] =	stream.linear.gather [hbm4b:s1+s0], $0x7D0, $0x38;
	[tilespmem:$0x1F660] =	vst v63  }
0x17f: {  	s6 =	rddreg [dreg:$0x15]  }
0x180: {  	[tilespmem:s24], [sflag:$0x3] =	stream.linear.gather [hbm4b:s6+s0], $0x7D0, $0x38;
	[tilespmem:$0x1F660] =	vst v63  }
0x181: {  	_ =	swait.ge [sflag:s25], $0x7D0  }
0x182: {  	[sflag:s25] =	ssyncset.done $0x0  }
0x183: {  	[sflag:s25] =	ssyncadd.s32 $0xFFFFF830  }
0x184: {  	_ =	swait.ge [sflag:s25], $0x7D0  }
0x185: {  	[sflag:s25] =	ssyncset.done $0x0  }
0x186: {  	s0 =	simm.s32 $0x0;
	[sflag:s25] =	ssyncadd.s32 $0xFFFFF830  }
0x187: {  	v4 =	vld [tilespmem:s0+$0x19900]  }
0x188: {  	v5 =	vld [tilespmem:s0+$0x18900];
	_ =	sdelay $0x6  }
0x189: {  	v6 =	vld.idx.msk [tilespmem:v4+s5+$0x0], $0xffff  }
0x18a: {  	v4 =	vld.idx.msk [tilespmem:v5+s5+$0x0], $0xffff;
	_ =	sdelay $0x4  }
0x18b: {  	v5 =	vmul.f32 v4, v2;
	v6 =	vmul.f32 v6, v3;
	_ =	sdelay $0x1  }
0x18c: {  	v5 =	vadd.f32 v6, v5;
	_ =	sdelay $0x1  }
0x18d: {  	v6 =	vmul.f32 $2.000000030e-01, v5  }
0x18e: {  	vm15 =	vge.f32 v5, $0.0e+00  }
0x18f: {  	v5 =	vsel vm15, v5, v6  }
0x190: {  	v5 =	vsub.f32 v5, v1;
	_ =	sdelay $0x1  }
0x191: {  	v5 =	vmul.f32 $1.442695020e+00, v5;
	_ =	sdelay $0x1  }
0x192: {  	(erf) = vpow2.f32 v5;
	_ =	sdelay $0x3  }
0x193: {  	s6 =	simm.s32 $0x10  }
0x194: {  	s1 =	simm.s32 $0x80;
	v5 =	vld [tilespmem:s6+$0x19900]  }
.LBB2_12:
0x195: {  	p0 =	sne.s32 s1, $0x1F00;
	v6 =	vld [tilespmem:s6+$0x18900];
	_ =	sdelay $0x2  }
0x196: {  	v7 =	vpop (erf)  }
0x197: {  	[tilespmem:s0+$0x1A900] =	vst v7;
	v4 =	vmul.f32 v7, v4;
	_ =	sdelay $0x1  }
0x198: {  	[tilespmem:s0+$0x1B100] =	vst v4;
	s0 =	smov.u32 s6  }
0x199: {  	v5 =	vld.idx.msk [tilespmem:v5+s5+$0x0], $0xffff  }
0x19a: {  	v4 =	vld.idx.msk [tilespmem:v6+s5+$0x0], $0xffff;
	_ =	sdelay $0x5  }
0x19b: {  	v5 =	vmul.f32 v5, v3;
	v6 =	vmul.f32 v4, v2;
	_ =	sdelay $0x1  }
0x19c: {  	v5 =	vadd.f32 v5, v6;
	_ =	sdelay $0x1  }
0x19d: {  	v6 =	vmul.f32 $2.000000030e-01, v5  }
0x19e: {  	vm0 =	vge.f32 v5, $0.0e+00  }
0x19f: {  	v5 =	vsel vm0, v5, v6  }
0x1a0: {  	v5 =	vsub.f32 v5, v1;
	_ =	sdelay $0x1  }
0x1a1: {  	v5 =	vmul.f32 $1.442695020e+00, v5;
	_ =	sdelay $0x1  }
0x1a2: {  	(erf) = vpow2.f32 v5  }
.Ltmp5:
0x1a3: {  	(pc) =	sbr.rel @p0 .LBB2_12-.Ltmp5, $3  }
0x1a4: {  	_ =	sdelay $0x1  }
0x1a5: {  	s6 =	sshra.s32 s1, $0x2  }
0x1a6: {  	s1 =	sadd.s32 $0x40, s1;
	v5 =	vld [tilespmem:s6+$0x19900]  }
0x1a7: {  	_ = 	snop  }
0x1a8: {  	v6 =	vld [tilespmem:s6+$0x18900];
	_ =	sdelay $0x2  }
0x1a9: {  	v7 =	vpop (erf)  }
0x1aa: {  	v4 =	vmul.f32 v7, v4  }
0x1ab: {  	[tilespmem:s0+$0x1A900] =	vst v7  }
0x1ac: {  	[tilespmem:s0+$0x1B100] =	vst v4  }
0x1ad: {  	v4 =	vld.idx.msk [tilespmem:v5+s5+$0x0], $0xffff  }
0x1ae: {  	v5 =	vld.idx.msk [tilespmem:v6+s5+$0x0], $0xffff;
	_ =	sdelay $0x4  }
0x1af: {  	v4 =	vmul.f32 v4, v3;
	v6 =	vmul.f32 v5, v2;
	_ =	sdelay $0x1  }
0x1b0: {  	v4 =	vadd.f32 v4, v6;
	_ =	sdelay $0x1  }
0x1b1: {  	v6 =	vmul.f32 $2.000000030e-01, v4  }
0x1b2: {  	vm0 =	vge.f32 v4, $0.0e+00  }
0x1b3: {  	v4 =	vsel vm0, v4, v6  }
0x1b4: {  	v4 =	vsub.f32 v4, v1;
	_ =	sdelay $0x1  }
0x1b5: {  	v4 =	vmul.f32 $1.442695020e+00, v4;
	_ =	sdelay $0x1  }
0x1b6: {  	(erf) = vpow2.f32 v4;
	_ =	sdelay $0x8  }
0x1b7: {  	v4 =	vpop (erf)  }
0x1b8: {  	v5 =	vmul.f32 v4, v5  }
0x1b9: {  	[tilespmem:s6+$0x1A900] =	vst v4  }
0x1ba: {  	[tilespmem:s6+$0x1B100] =	vst v5  }
0x1bb: {  	[spmem:s4] =	stream.indirect.scatter.add.f32 [tilespmem:s28], [sflag:$0x4], $0x1, s22, s26, $0xb8;
	[tilespmem:$0x1F660] =	vst v63  }
0x1bc: {  	_ = 	snop  }
0x1bd: {  	[spmem:s3] =	stream.indirect.scatter.add.f32 [tilespmem:s29], [sflag:$0x4], $0x1, s22, s26, $0xb8;
	[tilespmem:$0x1F660] =	vst v63  }
0x1be: {  	_ =	swait.ge [sflag:s30], $0x7D0  }
0x1bf: {  	[sflag:s30] =	ssyncset.done $0x0  }
0x1c0: {  	[sflag:s30] =	ssyncadd.s32 $0xFFFFF830  }
0x1c1: {  	_ =	swait.ge [sflag:s30], $0x7D0  }
0x1c2: {  	[sflag:s30] =	ssyncset.done $0x0  }
0x1c3: {  	s0 =	simm.s32 $0x0;
	s1 =	rddreg [dreg:$0x16];
	[sflag:s30] =	ssyncadd.s32 $0xFFFFF830  }
0x1c4: {  	[tilespmem:s21], [sflag:$0x2] =	stream.linear.gather [hbm4b:s1+s0], $0x7D0, $0x38;
	[tilespmem:$0x1F660] =	vst v63  }
0x1c5: {  	s6 =	rddreg [dreg:$0x17]  }
0x1c6: {  	[tilespmem:s22], [sflag:$0x2] =	stream.linear.gather [hbm4b:s6+s0], $0x7D0, $0x38;
	[tilespmem:$0x1F660] =	vst v63  }
0x1c7: {  	_ =	swait.ge [sflag:s31], $0x7D0  }
0x1c8: {  	[sflag:s31] =	ssyncset.done $0x0  }
0x1c9: {  	[sflag:s31] =	ssyncadd.s32 $0xFFFFF830  }
0x1ca: {  	_ =	swait.ge [sflag:s31], $0x7D0  }
0x1cb: {  	[sflag:s31] =	ssyncset.done $0x0  }
0x1cc: {  	s0 =	simm.s32 $0x0;
	[sflag:s31] =	ssyncadd.s32 $0xFFFFF830  }
0x1cd: {  	v4 =	vld [tilespmem:s0+$0x1A100]  }
0x1ce: {  	v5 =	vld [tilespmem:s0+$0x19100];
	_ =	sdelay $0x6  }
0x1cf: {  	v6 =	vld.idx.msk [tilespmem:v4+s5+$0x0], $0xffff  }
0x1d0: {  	v4 =	vld.idx.msk [tilespmem:v5+s5+$0x0], $0xffff;
	_ =	sdelay $0x4  }
0x1d1: {  	v5 =	vmul.f32 v4, v2;
	v6 =	vmul.f32 v6, v3;
	_ =	sdelay $0x1  }
0x1d2: {  	v5 =	vadd.f32 v6, v5;
	_ =	sdelay $0x1  }
0x1d3: {  	v6 =	vmul.f32 $2.000000030e-01, v5  }
0x1d4: {  	vm15 =	vge.f32 v5, $0.0e+00  }
0x1d5: {  	v5 =	vsel vm15, v5, v6  }
0x1d6: {  	v5 =	vsub.f32 v5, v1;
	_ =	sdelay $0x1  }
0x1d7: {  	v5 =	vmul.f32 $1.442695020e+00, v5;
	_ =	sdelay $0x1  }
0x1d8: {  	(erf) = vpow2.f32 v5;
	_ =	sdelay $0x3  }
0x1d9: {  	s6 =	simm.s32 $0x10  }
0x1da: {  	s1 =	simm.s32 $0x80;
	v5 =	vld [tilespmem:s6+$0x1A100]  }
.LBB2_14:
0x1db: {  	p0 =	sne.s32 s1, $0x1F00;
	v6 =	vld [tilespmem:s6+$0x19100];
	_ =	sdelay $0x2  }
0x1dc: {  	v7 =	vpop (erf)  }
0x1dd: {  	[tilespmem:s0+$0x1A900] =	vst v7;
	v4 =	vmul.f32 v7, v4;
	_ =	sdelay $0x1  }
0x1de: {  	[tilespmem:s0+$0x1B100] =	vst v4;
	s0 =	smov.u32 s6  }
0x1df: {  	v5 =	vld.idx.msk [tilespmem:v5+s5+$0x0], $0xffff  }
0x1e0: {  	v4 =	vld.idx.msk [tilespmem:v6+s5+$0x0], $0xffff;
	_ =	sdelay $0x5  }
0x1e1: {  	v5 =	vmul.f32 v5, v3;
	v6 =	vmul.f32 v4, v2;
	_ =	sdelay $0x1  }
0x1e2: {  	v5 =	vadd.f32 v5, v6;
	_ =	sdelay $0x1  }
0x1e3: {  	v6 =	vmul.f32 $2.000000030e-01, v5  }
0x1e4: {  	vm0 =	vge.f32 v5, $0.0e+00  }
0x1e5: {  	v5 =	vsel vm0, v5, v6  }
0x1e6: {  	v5 =	vsub.f32 v5, v1;
	_ =	sdelay $0x1  }
0x1e7: {  	v5 =	vmul.f32 $1.442695020e+00, v5;
	_ =	sdelay $0x1  }
0x1e8: {  	(erf) = vpow2.f32 v5  }
.Ltmp6:
0x1e9: {  	(pc) =	sbr.rel @p0 .LBB2_14-.Ltmp6, $3  }
0x1ea: {  	_ =	sdelay $0x1  }
0x1eb: {  	s6 =	sshra.s32 s1, $0x2  }
0x1ec: {  	s1 =	sadd.s32 $0x40, s1;
	v5 =	vld [tilespmem:s6+$0x1A100]  }
0x1ed: {  	_ = 	snop  }
0x1ee: {  	v6 =	vld [tilespmem:s6+$0x19100];
	_ =	sdelay $0x2  }
0x1ef: {  	v7 =	vpop (erf)  }
0x1f0: {  	v4 =	vmul.f32 v7, v4  }
0x1f1: {  	[tilespmem:s0+$0x1A900] =	vst v7  }
0x1f2: {  	[tilespmem:s0+$0x1B100] =	vst v4  }
0x1f3: {  	v4 =	vld.idx.msk [tilespmem:v5+s5+$0x0], $0xffff  }
0x1f4: {  	v5 =	vld.idx.msk [tilespmem:v6+s5+$0x0], $0xffff;
	_ =	sdelay $0x4  }
0x1f5: {  	v4 =	vmul.f32 v4, v3;
	v6 =	vmul.f32 v5, v2;
	_ =	sdelay $0x1  }
0x1f6: {  	v4 =	vadd.f32 v4, v6;
	_ =	sdelay $0x1  }
0x1f7: {  	v6 =	vmul.f32 $2.000000030e-01, v4  }
0x1f8: {  	vm0 =	vge.f32 v4, $0.0e+00  }
0x1f9: {  	v4 =	vsel vm0, v4, v6  }
0x1fa: {  	v4 =	vsub.f32 v4, v1;
	_ =	sdelay $0x1  }
0x1fb: {  	v4 =	vmul.f32 $1.442695020e+00, v4;
	_ =	sdelay $0x1  }
0x1fc: {  	(erf) = vpow2.f32 v4;
	_ =	sdelay $0x8  }
0x1fd: {  	v4 =	vpop (erf)  }
0x1fe: {  	v5 =	vmul.f32 v4, v5  }
0x1ff: {  	[tilespmem:s6+$0x1A900] =	vst v4  }
0x200: {  	[tilespmem:s6+$0x1B100] =	vst v5  }
0x201: {  	[spmem:s4] =	stream.indirect.scatter.add.f32 [tilespmem:s28], [sflag:$0x4], $0x1, s24, s26, $0xb8;
	[tilespmem:$0x1F660] =	vst v63  }
0x202: {  	_ = 	snop  }
0x203: {  	[spmem:s3] =	stream.indirect.scatter.add.f32 [tilespmem:s29], [sflag:$0x4], $0x1, s24, s26, $0xb8;
	[tilespmem:$0x1F660] =	vst v63  }
0x204: {  	_ =	swait.ge [sflag:s30], $0x7D0  }
0x205: {  	[sflag:s30] =	ssyncset.done $0x0  }
0x206: {  	[sflag:s30] =	ssyncadd.s32 $0xFFFFF830  }
0x207: {  	_ =	swait.ge [sflag:s30], $0x7D0  }
0x208: {  	[sflag:s30] =	ssyncset.done $0x0  }
0x209: {  	s0 =	simm.s32 $0x0;
	s1 =	rddreg [dreg:$0x18];
	[sflag:s30] =	ssyncadd.s32 $0xFFFFF830  }
0x20a: {  	[tilespmem:s23], [sflag:$0x3] =	stream.linear.gather [hbm4b:s1+s0], $0x7D0, $0x38;
	[tilespmem:$0x1F660] =	vst v63  }
0x20b: {  	s6 =	rddreg [dreg:$0x19]  }
0x20c: {  	[tilespmem:s24], [sflag:$0x3] =	stream.linear.gather [hbm4b:s6+s0], $0x7D0, $0x38;
	[tilespmem:$0x1F660] =	vst v63  }
0x20d: {  	_ =	swait.ge [sflag:s25], $0x7D0  }
0x20e: {  	[sflag:s25] =	ssyncset.done $0x0  }
0x20f: {  	[sflag:s25] =	ssyncadd.s32 $0xFFFFF830  }
0x210: {  	_ =	swait.ge [sflag:s25], $0x7D0  }
0x211: {  	[sflag:s25] =	ssyncset.done $0x0  }
0x212: {  	s0 =	simm.s32 $0x0;
	[sflag:s25] =	ssyncadd.s32 $0xFFFFF830  }
0x213: {  	v4 =	vld [tilespmem:s0+$0x19900]  }
0x214: {  	v5 =	vld [tilespmem:s0+$0x18900];
	_ =	sdelay $0x6  }
0x215: {  	v6 =	vld.idx.msk [tilespmem:v4+s5+$0x0], $0xffff  }
0x216: {  	v4 =	vld.idx.msk [tilespmem:v5+s5+$0x0], $0xffff;
	_ =	sdelay $0x4  }
0x217: {  	v5 =	vmul.f32 v4, v2;
	v6 =	vmul.f32 v6, v3;
	_ =	sdelay $0x1  }
0x218: {  	v5 =	vadd.f32 v6, v5;
	_ =	sdelay $0x1  }
0x219: {  	v6 =	vmul.f32 $2.000000030e-01, v5  }
0x21a: {  	vm15 =	vge.f32 v5, $0.0e+00  }
0x21b: {  	v5 =	vsel vm15, v5, v6  }
0x21c: {  	v5 =	vsub.f32 v5, v1;
	_ =	sdelay $0x1  }
0x21d: {  	v5 =	vmul.f32 $1.442695020e+00, v5;
	_ =	sdelay $0x1  }
0x21e: {  	(erf) = vpow2.f32 v5;
	_ =	sdelay $0x3  }
0x21f: {  	s6 =	simm.s32 $0x10  }
0x220: {  	s1 =	simm.s32 $0x80;
	v5 =	vld [tilespmem:s6+$0x19900]  }
.LBB2_16:
0x221: {  	p0 =	sne.s32 s1, $0x1F00;
	v6 =	vld [tilespmem:s6+$0x18900];
	_ =	sdelay $0x2  }
0x222: {  	v7 =	vpop (erf)  }
0x223: {  	[tilespmem:s0+$0x1A900] =	vst v7;
	v4 =	vmul.f32 v7, v4;
	_ =	sdelay $0x1  }
0x224: {  	[tilespmem:s0+$0x1B100] =	vst v4;
	s0 =	smov.u32 s6  }
0x225: {  	v5 =	vld.idx.msk [tilespmem:v5+s5+$0x0], $0xffff  }
0x226: {  	v4 =	vld.idx.msk [tilespmem:v6+s5+$0x0], $0xffff;
	_ =	sdelay $0x5  }
0x227: {  	v5 =	vmul.f32 v5, v3;
	v6 =	vmul.f32 v4, v2;
	_ =	sdelay $0x1  }
0x228: {  	v5 =	vadd.f32 v5, v6;
	_ =	sdelay $0x1  }
0x229: {  	v6 =	vmul.f32 $2.000000030e-01, v5  }
0x22a: {  	vm0 =	vge.f32 v5, $0.0e+00  }
0x22b: {  	v5 =	vsel vm0, v5, v6  }
0x22c: {  	v5 =	vsub.f32 v5, v1;
	_ =	sdelay $0x1  }
0x22d: {  	v5 =	vmul.f32 $1.442695020e+00, v5;
	_ =	sdelay $0x1  }
0x22e: {  	(erf) = vpow2.f32 v5  }
.Ltmp7:
0x22f: {  	(pc) =	sbr.rel @p0 .LBB2_16-.Ltmp7, $3  }
0x230: {  	_ =	sdelay $0x1  }
0x231: {  	s6 =	sshra.s32 s1, $0x2  }
0x232: {  	s1 =	sadd.s32 $0x40, s1;
	v5 =	vld [tilespmem:s6+$0x19900]  }
0x233: {  	_ = 	snop  }
0x234: {  	v6 =	vld [tilespmem:s6+$0x18900];
	_ =	sdelay $0x2  }
0x235: {  	v7 =	vpop (erf)  }
0x236: {  	v4 =	vmul.f32 v7, v4  }
0x237: {  	[tilespmem:s0+$0x1A900] =	vst v7  }
0x238: {  	[tilespmem:s0+$0x1B100] =	vst v4  }
0x239: {  	v4 =	vld.idx.msk [tilespmem:v5+s5+$0x0], $0xffff  }
0x23a: {  	v5 =	vld.idx.msk [tilespmem:v6+s5+$0x0], $0xffff;
	_ =	sdelay $0x4  }
0x23b: {  	v4 =	vmul.f32 v4, v3;
	v6 =	vmul.f32 v5, v2;
	_ =	sdelay $0x1  }
0x23c: {  	v4 =	vadd.f32 v4, v6;
	_ =	sdelay $0x1  }
0x23d: {  	v6 =	vmul.f32 $2.000000030e-01, v4  }
0x23e: {  	vm0 =	vge.f32 v4, $0.0e+00  }
0x23f: {  	v4 =	vsel vm0, v4, v6  }
0x240: {  	v4 =	vsub.f32 v4, v1;
	_ =	sdelay $0x1  }
0x241: {  	v4 =	vmul.f32 $1.442695020e+00, v4;
	_ =	sdelay $0x1  }
0x242: {  	(erf) = vpow2.f32 v4;
	_ =	sdelay $0x8  }
0x243: {  	v4 =	vpop (erf)  }
0x244: {  	v5 =	vmul.f32 v4, v5  }
0x245: {  	[tilespmem:s6+$0x1A900] =	vst v4  }
0x246: {  	[tilespmem:s6+$0x1B100] =	vst v5  }
0x247: {  	[spmem:s4] =	stream.indirect.scatter.add.f32 [tilespmem:s28], [sflag:$0x4], $0x1, s22, s26, $0xb8;
	[tilespmem:$0x1F660] =	vst v63  }
0x248: {  	_ = 	snop  }
0x249: {  	[spmem:s3] =	stream.indirect.scatter.add.f32 [tilespmem:s29], [sflag:$0x4], $0x1, s22, s26, $0xb8;
	[tilespmem:$0x1F660] =	vst v63  }
0x24a: {  	_ =	swait.ge [sflag:s30], $0x7D0  }
0x24b: {  	[sflag:s30] =	ssyncset.done $0x0  }
0x24c: {  	[sflag:s30] =	ssyncadd.s32 $0xFFFFF830  }
0x24d: {  	_ =	swait.ge [sflag:s30], $0x7D0  }
0x24e: {  	[sflag:s30] =	ssyncset.done $0x0  }
0x24f: {  	s0 =	simm.s32 $0x0;
	s1 =	rddreg [dreg:$0x1a];
	[sflag:s30] =	ssyncadd.s32 $0xFFFFF830  }
0x250: {  	[tilespmem:s21], [sflag:$0x2] =	stream.linear.gather [hbm4b:s1+s0], $0x7D0, $0x38;
	[tilespmem:$0x1F660] =	vst v63  }
0x251: {  	s6 =	rddreg [dreg:$0x1b]  }
0x252: {  	[tilespmem:s22], [sflag:$0x2] =	stream.linear.gather [hbm4b:s6+s0], $0x7D0, $0x38;
	[tilespmem:$0x1F660] =	vst v63  }
0x253: {  	_ =	swait.ge [sflag:s31], $0x7D0  }
0x254: {  	[sflag:s31] =	ssyncset.done $0x0  }
0x255: {  	[sflag:s31] =	ssyncadd.s32 $0xFFFFF830  }
0x256: {  	_ =	swait.ge [sflag:s31], $0x7D0  }
0x257: {  	[sflag:s31] =	ssyncset.done $0x0  }
0x258: {  	s0 =	simm.s32 $0x0;
	[sflag:s31] =	ssyncadd.s32 $0xFFFFF830  }
0x259: {  	v4 =	vld [tilespmem:s0+$0x1A100]  }
0x25a: {  	v5 =	vld [tilespmem:s0+$0x19100];
	_ =	sdelay $0x6  }
0x25b: {  	v6 =	vld.idx.msk [tilespmem:v4+s5+$0x0], $0xffff  }
0x25c: {  	v4 =	vld.idx.msk [tilespmem:v5+s5+$0x0], $0xffff;
	_ =	sdelay $0x4  }
0x25d: {  	v5 =	vmul.f32 v4, v2;
	v6 =	vmul.f32 v6, v3;
	_ =	sdelay $0x1  }
0x25e: {  	v5 =	vadd.f32 v6, v5;
	_ =	sdelay $0x1  }
0x25f: {  	v6 =	vmul.f32 $2.000000030e-01, v5  }
0x260: {  	vm15 =	vge.f32 v5, $0.0e+00  }
0x261: {  	v5 =	vsel vm15, v5, v6  }
0x262: {  	v5 =	vsub.f32 v5, v1;
	_ =	sdelay $0x1  }
0x263: {  	v5 =	vmul.f32 $1.442695020e+00, v5;
	_ =	sdelay $0x1  }
0x264: {  	(erf) = vpow2.f32 v5;
	_ =	sdelay $0x3  }
0x265: {  	s6 =	simm.s32 $0x10  }
0x266: {  	s1 =	simm.s32 $0x80;
	v5 =	vld [tilespmem:s6+$0x1A100]  }
.LBB2_18:
0x267: {  	p0 =	sne.s32 s1, $0x1F00;
	v6 =	vld [tilespmem:s6+$0x19100];
	_ =	sdelay $0x2  }
0x268: {  	v7 =	vpop (erf)  }
0x269: {  	[tilespmem:s0+$0x1A900] =	vst v7;
	v4 =	vmul.f32 v7, v4;
	_ =	sdelay $0x1  }
0x26a: {  	[tilespmem:s0+$0x1B100] =	vst v4;
	s0 =	smov.u32 s6  }
0x26b: {  	v5 =	vld.idx.msk [tilespmem:v5+s5+$0x0], $0xffff  }
0x26c: {  	v4 =	vld.idx.msk [tilespmem:v6+s5+$0x0], $0xffff;
	_ =	sdelay $0x5  }
0x26d: {  	v5 =	vmul.f32 v5, v3;
	v6 =	vmul.f32 v4, v2;
	_ =	sdelay $0x1  }
0x26e: {  	v5 =	vadd.f32 v5, v6;
	_ =	sdelay $0x1  }
0x26f: {  	v6 =	vmul.f32 $2.000000030e-01, v5  }
0x270: {  	vm0 =	vge.f32 v5, $0.0e+00  }
0x271: {  	v5 =	vsel vm0, v5, v6  }
0x272: {  	v5 =	vsub.f32 v5, v1;
	_ =	sdelay $0x1  }
0x273: {  	v5 =	vmul.f32 $1.442695020e+00, v5;
	_ =	sdelay $0x1  }
0x274: {  	(erf) = vpow2.f32 v5  }
.Ltmp8:
0x275: {  	(pc) =	sbr.rel @p0 .LBB2_18-.Ltmp8, $3  }
0x276: {  	_ =	sdelay $0x1  }
0x277: {  	s6 =	sshra.s32 s1, $0x2  }
0x278: {  	s1 =	sadd.s32 $0x40, s1;
	v5 =	vld [tilespmem:s6+$0x1A100]  }
0x279: {  	_ = 	snop  }
0x27a: {  	v6 =	vld [tilespmem:s6+$0x19100];
	_ =	sdelay $0x2  }
0x27b: {  	v7 =	vpop (erf)  }
0x27c: {  	v4 =	vmul.f32 v7, v4  }
0x27d: {  	[tilespmem:s0+$0x1A900] =	vst v7  }
0x27e: {  	[tilespmem:s0+$0x1B100] =	vst v4  }
0x27f: {  	v4 =	vld.idx.msk [tilespmem:v5+s5+$0x0], $0xffff  }
0x280: {  	v5 =	vld.idx.msk [tilespmem:v6+s5+$0x0], $0xffff;
	_ =	sdelay $0x4  }
0x281: {  	v4 =	vmul.f32 v4, v3;
	v6 =	vmul.f32 v5, v2;
	_ =	sdelay $0x1  }
0x282: {  	v4 =	vadd.f32 v4, v6;
	_ =	sdelay $0x1  }
0x283: {  	v6 =	vmul.f32 $2.000000030e-01, v4  }
0x284: {  	vm0 =	vge.f32 v4, $0.0e+00  }
0x285: {  	v4 =	vsel vm0, v4, v6  }
0x286: {  	v4 =	vsub.f32 v4, v1;
	_ =	sdelay $0x1  }
0x287: {  	v4 =	vmul.f32 $1.442695020e+00, v4;
	_ =	sdelay $0x1  }
0x288: {  	(erf) = vpow2.f32 v4;
	_ =	sdelay $0x8  }
0x289: {  	v4 =	vpop (erf)  }
0x28a: {  	v5 =	vmul.f32 v4, v5  }
0x28b: {  	[tilespmem:s6+$0x1A900] =	vst v4  }
0x28c: {  	[tilespmem:s6+$0x1B100] =	vst v5  }
0x28d: {  	[spmem:s4] =	stream.indirect.scatter.add.f32 [tilespmem:s28], [sflag:$0x4], $0x1, s24, s26, $0xb8;
	[tilespmem:$0x1F660] =	vst v63  }
0x28e: {  	_ = 	snop  }
0x28f: {  	[spmem:s3] =	stream.indirect.scatter.add.f32 [tilespmem:s29], [sflag:$0x4], $0x1, s24, s26, $0xb8;
	[tilespmem:$0x1F660] =	vst v63  }
0x290: {  	_ =	swait.ge [sflag:s30], $0x7D0  }
0x291: {  	[sflag:s30] =	ssyncset.done $0x0  }
0x292: {  	[sflag:s30] =	ssyncadd.s32 $0xFFFFF830  }
0x293: {  	_ =	swait.ge [sflag:s30], $0x7D0  }
0x294: {  	[sflag:s30] =	ssyncset.done $0x0  }
0x295: {  	s0 =	simm.s32 $0x0;
	s1 =	rddreg [dreg:$0x1c];
	[sflag:s30] =	ssyncadd.s32 $0xFFFFF830  }
0x296: {  	[tilespmem:s23], [sflag:$0x3] =	stream.linear.gather [hbm4b:s1+s0], $0x7D0, $0x38;
	[tilespmem:$0x1F660] =	vst v63  }
0x297: {  	s6 =	rddreg [dreg:$0x1d]  }
0x298: {  	[tilespmem:s24], [sflag:$0x3] =	stream.linear.gather [hbm4b:s6+s0], $0x7D0, $0x38;
	[tilespmem:$0x1F660] =	vst v63  }
0x299: {  	_ =	swait.ge [sflag:s25], $0x7D0  }
0x29a: {  	[sflag:s25] =	ssyncset.done $0x0  }
0x29b: {  	[sflag:s25] =	ssyncadd.s32 $0xFFFFF830  }
0x29c: {  	_ =	swait.ge [sflag:s25], $0x7D0  }
0x29d: {  	[sflag:s25] =	ssyncset.done $0x0  }
0x29e: {  	s0 =	simm.s32 $0x0;
	[sflag:s25] =	ssyncadd.s32 $0xFFFFF830  }
0x29f: {  	v4 =	vld [tilespmem:s0+$0x19900]  }
0x2a0: {  	v5 =	vld [tilespmem:s0+$0x18900];
	_ =	sdelay $0x6  }
0x2a1: {  	v6 =	vld.idx.msk [tilespmem:v4+s5+$0x0], $0xffff  }
0x2a2: {  	v4 =	vld.idx.msk [tilespmem:v5+s5+$0x0], $0xffff;
	_ =	sdelay $0x4  }
0x2a3: {  	v5 =	vmul.f32 v4, v2;
	v6 =	vmul.f32 v6, v3;
	_ =	sdelay $0x1  }
0x2a4: {  	v5 =	vadd.f32 v6, v5;
	_ =	sdelay $0x1  }
0x2a5: {  	v6 =	vmul.f32 $2.000000030e-01, v5  }
0x2a6: {  	vm15 =	vge.f32 v5, $0.0e+00  }
0x2a7: {  	v5 =	vsel vm15, v5, v6  }
0x2a8: {  	v5 =	vsub.f32 v5, v1;
	_ =	sdelay $0x1  }
0x2a9: {  	v5 =	vmul.f32 $1.442695020e+00, v5;
	_ =	sdelay $0x1  }
0x2aa: {  	(erf) = vpow2.f32 v5;
	_ =	sdelay $0x3  }
0x2ab: {  	s6 =	simm.s32 $0x10  }
0x2ac: {  	s1 =	simm.s32 $0x80;
	v5 =	vld [tilespmem:s6+$0x19900]  }
.LBB2_20:
0x2ad: {  	p0 =	sne.s32 s1, $0x1F00;
	v6 =	vld [tilespmem:s6+$0x18900];
	_ =	sdelay $0x2  }
0x2ae: {  	v7 =	vpop (erf)  }
0x2af: {  	[tilespmem:s0+$0x1A900] =	vst v7;
	v4 =	vmul.f32 v7, v4;
	_ =	sdelay $0x1  }
0x2b0: {  	[tilespmem:s0+$0x1B100] =	vst v4;
	s0 =	smov.u32 s6  }
0x2b1: {  	v5 =	vld.idx.msk [tilespmem:v5+s5+$0x0], $0xffff  }
0x2b2: {  	v4 =	vld.idx.msk [tilespmem:v6+s5+$0x0], $0xffff;
	_ =	sdelay $0x5  }
0x2b3: {  	v5 =	vmul.f32 v5, v3;
	v6 =	vmul.f32 v4, v2;
	_ =	sdelay $0x1  }
0x2b4: {  	v5 =	vadd.f32 v5, v6;
	_ =	sdelay $0x1  }
0x2b5: {  	v6 =	vmul.f32 $2.000000030e-01, v5  }
0x2b6: {  	vm0 =	vge.f32 v5, $0.0e+00  }
0x2b7: {  	v5 =	vsel vm0, v5, v6  }
0x2b8: {  	v5 =	vsub.f32 v5, v1;
	_ =	sdelay $0x1  }
0x2b9: {  	v5 =	vmul.f32 $1.442695020e+00, v5;
	_ =	sdelay $0x1  }
0x2ba: {  	(erf) = vpow2.f32 v5  }
.Ltmp9:
0x2bb: {  	(pc) =	sbr.rel @p0 .LBB2_20-.Ltmp9, $3  }
0x2bc: {  	_ =	sdelay $0x1  }
0x2bd: {  	s6 =	sshra.s32 s1, $0x2  }
0x2be: {  	s1 =	sadd.s32 $0x40, s1;
	v5 =	vld [tilespmem:s6+$0x19900]  }
0x2bf: {  	_ = 	snop  }
0x2c0: {  	v6 =	vld [tilespmem:s6+$0x18900];
	_ =	sdelay $0x2  }
0x2c1: {  	v7 =	vpop (erf)  }
0x2c2: {  	v4 =	vmul.f32 v7, v4  }
0x2c3: {  	[tilespmem:s0+$0x1A900] =	vst v7  }
0x2c4: {  	[tilespmem:s0+$0x1B100] =	vst v4  }
0x2c5: {  	v4 =	vld.idx.msk [tilespmem:v5+s5+$0x0], $0xffff  }
0x2c6: {  	v5 =	vld.idx.msk [tilespmem:v6+s5+$0x0], $0xffff;
	_ =	sdelay $0x4  }
0x2c7: {  	v4 =	vmul.f32 v4, v3;
	v6 =	vmul.f32 v5, v2;
	_ =	sdelay $0x1  }
0x2c8: {  	v4 =	vadd.f32 v4, v6;
	_ =	sdelay $0x1  }
0x2c9: {  	v6 =	vmul.f32 $2.000000030e-01, v4  }
0x2ca: {  	vm0 =	vge.f32 v4, $0.0e+00  }
0x2cb: {  	v4 =	vsel vm0, v4, v6  }
0x2cc: {  	v4 =	vsub.f32 v4, v1;
	_ =	sdelay $0x1  }
0x2cd: {  	v4 =	vmul.f32 $1.442695020e+00, v4;
	_ =	sdelay $0x1  }
0x2ce: {  	(erf) = vpow2.f32 v4;
	_ =	sdelay $0x8  }
0x2cf: {  	v4 =	vpop (erf)  }
0x2d0: {  	v5 =	vmul.f32 v4, v5  }
0x2d1: {  	[tilespmem:s6+$0x1A900] =	vst v4  }
0x2d2: {  	[tilespmem:s6+$0x1B100] =	vst v5  }
0x2d3: {  	[spmem:s4] =	stream.indirect.scatter.add.f32 [tilespmem:s28], [sflag:$0x4], $0x1, s22, s26, $0xb8;
	[tilespmem:$0x1F660] =	vst v63  }
0x2d4: {  	_ = 	snop  }
0x2d5: {  	[spmem:s3] =	stream.indirect.scatter.add.f32 [tilespmem:s29], [sflag:$0x4], $0x1, s22, s26, $0xb8;
	[tilespmem:$0x1F660] =	vst v63  }
0x2d6: {  	_ =	swait.ge [sflag:s30], $0x7D0  }
0x2d7: {  	[sflag:s30] =	ssyncset.done $0x0  }
0x2d8: {  	[sflag:s30] =	ssyncadd.s32 $0xFFFFF830  }
0x2d9: {  	_ =	swait.ge [sflag:s30], $0x7D0  }
0x2da: {  	[sflag:s30] =	ssyncset.done $0x0  }
0x2db: {  	s0 =	simm.s32 $0x0;
	s1 =	rddreg [dreg:$0x1e];
	[sflag:s30] =	ssyncadd.s32 $0xFFFFF830  }
0x2dc: {  	[tilespmem:s21], [sflag:$0x2] =	stream.linear.gather [hbm4b:s1+s0], $0x7D0, $0x38;
	[tilespmem:$0x1F660] =	vst v63  }
0x2dd: {  	s6 =	rddreg [dreg:$0x1f]  }
0x2de: {  	[tilespmem:s22], [sflag:$0x2] =	stream.linear.gather [hbm4b:s6+s0], $0x7D0, $0x38;
	[tilespmem:$0x1F660] =	vst v63  }
0x2df: {  	_ =	swait.ge [sflag:s31], $0x7D0  }
0x2e0: {  	[sflag:s31] =	ssyncset.done $0x0  }
0x2e1: {  	[sflag:s31] =	ssyncadd.s32 $0xFFFFF830  }
0x2e2: {  	_ =	swait.ge [sflag:s31], $0x7D0  }
0x2e3: {  	[sflag:s31] =	ssyncset.done $0x0  }
0x2e4: {  	s0 =	simm.s32 $0x0;
	[sflag:s31] =	ssyncadd.s32 $0xFFFFF830  }
0x2e5: {  	v4 =	vld [tilespmem:s0+$0x1A100]  }
0x2e6: {  	v5 =	vld [tilespmem:s0+$0x19100];
	_ =	sdelay $0x6  }
0x2e7: {  	v6 =	vld.idx.msk [tilespmem:v4+s5+$0x0], $0xffff  }
0x2e8: {  	v4 =	vld.idx.msk [tilespmem:v5+s5+$0x0], $0xffff;
	_ =	sdelay $0x4  }
0x2e9: {  	v5 =	vmul.f32 v4, v2;
	v6 =	vmul.f32 v6, v3;
	_ =	sdelay $0x1  }
0x2ea: {  	v5 =	vadd.f32 v6, v5;
	_ =	sdelay $0x1  }
0x2eb: {  	v6 =	vmul.f32 $2.000000030e-01, v5  }
0x2ec: {  	vm15 =	vge.f32 v5, $0.0e+00  }
0x2ed: {  	v5 =	vsel vm15, v5, v6  }
0x2ee: {  	v5 =	vsub.f32 v5, v1;
	_ =	sdelay $0x1  }
0x2ef: {  	v5 =	vmul.f32 $1.442695020e+00, v5;
	_ =	sdelay $0x1  }
0x2f0: {  	(erf) = vpow2.f32 v5;
	_ =	sdelay $0x3  }
0x2f1: {  	s6 =	simm.s32 $0x10  }
0x2f2: {  	s1 =	simm.s32 $0x80;
	v5 =	vld [tilespmem:s6+$0x1A100]  }
.LBB2_22:
0x2f3: {  	p0 =	sne.s32 s1, $0x1F00;
	v6 =	vld [tilespmem:s6+$0x19100];
	_ =	sdelay $0x2  }
0x2f4: {  	v7 =	vpop (erf)  }
0x2f5: {  	[tilespmem:s0+$0x1A900] =	vst v7;
	v4 =	vmul.f32 v7, v4;
	_ =	sdelay $0x1  }
0x2f6: {  	[tilespmem:s0+$0x1B100] =	vst v4;
	s0 =	smov.u32 s6  }
0x2f7: {  	v5 =	vld.idx.msk [tilespmem:v5+s5+$0x0], $0xffff  }
0x2f8: {  	v4 =	vld.idx.msk [tilespmem:v6+s5+$0x0], $0xffff;
	_ =	sdelay $0x5  }
0x2f9: {  	v5 =	vmul.f32 v5, v3;
	v6 =	vmul.f32 v4, v2;
	_ =	sdelay $0x1  }
0x2fa: {  	v5 =	vadd.f32 v5, v6;
	_ =	sdelay $0x1  }
0x2fb: {  	v6 =	vmul.f32 $2.000000030e-01, v5  }
0x2fc: {  	vm0 =	vge.f32 v5, $0.0e+00  }
0x2fd: {  	v5 =	vsel vm0, v5, v6  }
0x2fe: {  	v5 =	vsub.f32 v5, v1;
	_ =	sdelay $0x1  }
0x2ff: {  	v5 =	vmul.f32 $1.442695020e+00, v5;
	_ =	sdelay $0x1  }
0x300: {  	(erf) = vpow2.f32 v5  }
.Ltmp10:
0x301: {  	(pc) =	sbr.rel @p0 .LBB2_22-.Ltmp10, $3  }
0x302: {  	_ =	sdelay $0x1  }
0x303: {  	s6 =	sshra.s32 s1, $0x2  }
0x304: {  	s1 =	sadd.s32 $0x40, s1;
	v5 =	vld [tilespmem:s6+$0x1A100]  }
0x305: {  	_ = 	snop  }
0x306: {  	v6 =	vld [tilespmem:s6+$0x19100];
	_ =	sdelay $0x2  }
0x307: {  	v7 =	vpop (erf)  }
0x308: {  	v4 =	vmul.f32 v7, v4  }
0x309: {  	[tilespmem:s0+$0x1A900] =	vst v7  }
0x30a: {  	[tilespmem:s0+$0x1B100] =	vst v4  }
0x30b: {  	v4 =	vld.idx.msk [tilespmem:v5+s5+$0x0], $0xffff  }
0x30c: {  	v5 =	vld.idx.msk [tilespmem:v6+s5+$0x0], $0xffff;
	_ =	sdelay $0x4  }
0x30d: {  	v4 =	vmul.f32 v4, v3;
	v6 =	vmul.f32 v5, v2;
	_ =	sdelay $0x1  }
0x30e: {  	v4 =	vadd.f32 v4, v6;
	_ =	sdelay $0x1  }
0x30f: {  	v6 =	vmul.f32 $2.000000030e-01, v4  }
0x310: {  	vm0 =	vge.f32 v4, $0.0e+00  }
0x311: {  	v4 =	vsel vm0, v4, v6  }
0x312: {  	v4 =	vsub.f32 v4, v1;
	_ =	sdelay $0x1  }
0x313: {  	v4 =	vmul.f32 $1.442695020e+00, v4;
	_ =	sdelay $0x1  }
0x314: {  	(erf) = vpow2.f32 v4;
	_ =	sdelay $0x8  }
0x315: {  	v4 =	vpop (erf)  }
0x316: {  	v5 =	vmul.f32 v4, v5  }
0x317: {  	[tilespmem:s6+$0x1A900] =	vst v4  }
0x318: {  	[tilespmem:s6+$0x1B100] =	vst v5  }
0x319: {  	[spmem:s4] =	stream.indirect.scatter.add.f32 [tilespmem:s28], [sflag:$0x4], $0x1, s24, s26, $0xb8;
	[tilespmem:$0x1F660] =	vst v63  }
0x31a: {  	_ = 	snop  }
0x31b: {  	[spmem:s3] =	stream.indirect.scatter.add.f32 [tilespmem:s29], [sflag:$0x4], $0x1, s24, s26, $0xb8;
	[tilespmem:$0x1F660] =	vst v63  }
0x31c: {  	_ =	swait.ge [sflag:s30], $0x7D0  }
0x31d: {  	[sflag:s30] =	ssyncset.done $0x0  }
0x31e: {  	[sflag:s30] =	ssyncadd.s32 $0xFFFFF830  }
0x31f: {  	_ =	swait.ge [sflag:s30], $0x7D0  }
0x320: {  	s1 =	sld [smem:$0x7E8]  }
0x321: {  	[sflag:s30] =	ssyncset.done $0x0  }
0x322: {  	s0 =	simm.s32 $0x0;
	s6 =	sld [smem:$0x7E9];
	[sflag:s30] =	ssyncadd.s32 $0xFFFFF830  }
0x323: {  	[tilespmem:s23], [sflag:$0x3] =	stream.linear.gather [hbm4b:s1+s0], $0x7D0, $0x38;
	[tilespmem:$0x1F660] =	vst v63  }
0x324: {  	_ = 	snop  }
0x325: {  	[tilespmem:s24], [sflag:$0x3] =	stream.linear.gather [hbm4b:s6+s0], $0x7D0, $0x38;
	[tilespmem:$0x1F660] =	vst v63  }
0x326: {  	_ =	swait.ge [sflag:s25], $0x7D0  }
0x327: {  	[sflag:s25] =	ssyncset.done $0x0  }
0x328: {  	[sflag:s25] =	ssyncadd.s32 $0xFFFFF830  }
0x329: {  	_ =	swait.ge [sflag:s25], $0x7D0  }
0x32a: {  	[sflag:s25] =	ssyncset.done $0x0  }
0x32b: {  	s0 =	simm.s32 $0x0;
	[sflag:s25] =	ssyncadd.s32 $0xFFFFF830  }
0x32c: {  	v4 =	vld [tilespmem:s0+$0x19900]  }
0x32d: {  	v5 =	vld [tilespmem:s0+$0x18900];
	_ =	sdelay $0x6  }
0x32e: {  	v6 =	vld.idx.msk [tilespmem:v4+s5+$0x0], $0xffff  }
0x32f: {  	v4 =	vld.idx.msk [tilespmem:v5+s5+$0x0], $0xffff;
	_ =	sdelay $0x4  }
0x330: {  	v5 =	vmul.f32 v4, v2;
	v6 =	vmul.f32 v6, v3;
	_ =	sdelay $0x1  }
0x331: {  	v5 =	vadd.f32 v6, v5;
	_ =	sdelay $0x1  }
0x332: {  	v6 =	vmul.f32 $2.000000030e-01, v5  }
0x333: {  	vm15 =	vge.f32 v5, $0.0e+00  }
0x334: {  	v5 =	vsel vm15, v5, v6  }
0x335: {  	v5 =	vsub.f32 v5, v1;
	_ =	sdelay $0x1  }
0x336: {  	v5 =	vmul.f32 $1.442695020e+00, v5;
	_ =	sdelay $0x1  }
0x337: {  	(erf) = vpow2.f32 v5;
	_ =	sdelay $0x3  }
0x338: {  	s6 =	simm.s32 $0x10  }
0x339: {  	s1 =	simm.s32 $0x80;
	v5 =	vld [tilespmem:s6+$0x19900]  }
.LBB2_24:
0x33a: {  	p0 =	sne.s32 s1, $0x1F00;
	v6 =	vld [tilespmem:s6+$0x18900];
	_ =	sdelay $0x2  }
0x33b: {  	v7 =	vpop (erf)  }
0x33c: {  	[tilespmem:s0+$0x1A900] =	vst v7;
	v4 =	vmul.f32 v7, v4;
	_ =	sdelay $0x1  }
0x33d: {  	[tilespmem:s0+$0x1B100] =	vst v4;
	s0 =	smov.u32 s6  }
0x33e: {  	v5 =	vld.idx.msk [tilespmem:v5+s5+$0x0], $0xffff  }
0x33f: {  	v4 =	vld.idx.msk [tilespmem:v6+s5+$0x0], $0xffff;
	_ =	sdelay $0x5  }
0x340: {  	v5 =	vmul.f32 v5, v3;
	v6 =	vmul.f32 v4, v2;
	_ =	sdelay $0x1  }
0x341: {  	v5 =	vadd.f32 v5, v6;
	_ =	sdelay $0x1  }
0x342: {  	v6 =	vmul.f32 $2.000000030e-01, v5  }
0x343: {  	vm0 =	vge.f32 v5, $0.0e+00  }
0x344: {  	v5 =	vsel vm0, v5, v6  }
0x345: {  	v5 =	vsub.f32 v5, v1;
	_ =	sdelay $0x1  }
0x346: {  	v5 =	vmul.f32 $1.442695020e+00, v5;
	_ =	sdelay $0x1  }
0x347: {  	(erf) = vpow2.f32 v5  }
.Ltmp11:
0x348: {  	(pc) =	sbr.rel @p0 .LBB2_24-.Ltmp11, $3  }
0x349: {  	_ =	sdelay $0x1  }
0x34a: {  	s6 =	sshra.s32 s1, $0x2  }
0x34b: {  	s1 =	sadd.s32 $0x40, s1;
	v5 =	vld [tilespmem:s6+$0x19900]  }
0x34c: {  	_ = 	snop  }
0x34d: {  	v6 =	vld [tilespmem:s6+$0x18900];
	_ =	sdelay $0x2  }
0x34e: {  	v7 =	vpop (erf)  }
0x34f: {  	v4 =	vmul.f32 v7, v4  }
0x350: {  	[tilespmem:s0+$0x1A900] =	vst v7  }
0x351: {  	[tilespmem:s0+$0x1B100] =	vst v4  }
0x352: {  	v4 =	vld.idx.msk [tilespmem:v5+s5+$0x0], $0xffff  }
0x353: {  	v5 =	vld.idx.msk [tilespmem:v6+s5+$0x0], $0xffff;
	_ =	sdelay $0x4  }
0x354: {  	v4 =	vmul.f32 v4, v3;
	v6 =	vmul.f32 v5, v2;
	_ =	sdelay $0x1  }
0x355: {  	v4 =	vadd.f32 v4, v6;
	_ =	sdelay $0x1  }
0x356: {  	v6 =	vmul.f32 $2.000000030e-01, v4  }
0x357: {  	vm0 =	vge.f32 v4, $0.0e+00  }
0x358: {  	v4 =	vsel vm0, v4, v6  }
0x359: {  	v4 =	vsub.f32 v4, v1;
	_ =	sdelay $0x1  }
0x35a: {  	v4 =	vmul.f32 $1.442695020e+00, v4;
	_ =	sdelay $0x1  }
0x35b: {  	(erf) = vpow2.f32 v4;
	_ =	sdelay $0x8  }
0x35c: {  	v4 =	vpop (erf)  }
0x35d: {  	v5 =	vmul.f32 v4, v5  }
0x35e: {  	[tilespmem:s6+$0x1A900] =	vst v4  }
0x35f: {  	[tilespmem:s6+$0x1B100] =	vst v5  }
0x360: {  	[spmem:s4] =	stream.indirect.scatter.add.f32 [tilespmem:s28], [sflag:$0x4], $0x1, s22, s26, $0xb8;
	[tilespmem:$0x1F660] =	vst v63  }
0x361: {  	_ = 	snop  }
0x362: {  	[spmem:s3] =	stream.indirect.scatter.add.f32 [tilespmem:s29], [sflag:$0x4], $0x1, s22, s26, $0xb8;
	[tilespmem:$0x1F660] =	vst v63  }
0x363: {  	_ =	swait.ge [sflag:s30], $0x7D0  }
0x364: {  	[sflag:s30] =	ssyncset.done $0x0  }
0x365: {  	[sflag:s30] =	ssyncadd.s32 $0xFFFFF830  }
0x366: {  	_ =	swait.ge [sflag:s30], $0x7D0  }
0x367: {  	s1 =	sld [smem:$0x7EA]  }
0x368: {  	[sflag:s30] =	ssyncset.done $0x0  }
0x369: {  	s0 =	simm.s32 $0x0;
	s6 =	sld [smem:$0x7EB];
	[sflag:s30] =	ssyncadd.s32 $0xFFFFF830  }
0x36a: {  	[tilespmem:s21], [sflag:$0x2] =	stream.linear.gather [hbm4b:s1+s0], $0x7D0, $0x38;
	[tilespmem:$0x1F660] =	vst v63  }
0x36b: {  	_ = 	snop  }
0x36c: {  	[tilespmem:s22], [sflag:$0x2] =	stream.linear.gather [hbm4b:s6+s0], $0x7D0, $0x38;
	[tilespmem:$0x1F660] =	vst v63  }
0x36d: {  	_ =	swait.ge [sflag:s31], $0x7D0  }
0x36e: {  	[sflag:s31] =	ssyncset.done $0x0  }
0x36f: {  	[sflag:s31] =	ssyncadd.s32 $0xFFFFF830  }
0x370: {  	_ =	swait.ge [sflag:s31], $0x7D0  }
0x371: {  	[sflag:s31] =	ssyncset.done $0x0  }
0x372: {  	s0 =	simm.s32 $0x0;
	[sflag:s31] =	ssyncadd.s32 $0xFFFFF830  }
0x373: {  	v4 =	vld [tilespmem:s0+$0x1A100]  }
0x374: {  	v5 =	vld [tilespmem:s0+$0x19100];
	_ =	sdelay $0x6  }
0x375: {  	v6 =	vld.idx.msk [tilespmem:v4+s5+$0x0], $0xffff  }
0x376: {  	v4 =	vld.idx.msk [tilespmem:v5+s5+$0x0], $0xffff;
	_ =	sdelay $0x4  }
0x377: {  	v5 =	vmul.f32 v4, v2;
	v6 =	vmul.f32 v6, v3;
	_ =	sdelay $0x1  }
0x378: {  	v5 =	vadd.f32 v6, v5;
	_ =	sdelay $0x1  }
0x379: {  	v6 =	vmul.f32 $2.000000030e-01, v5  }
0x37a: {  	vm15 =	vge.f32 v5, $0.0e+00  }
0x37b: {  	v5 =	vsel vm15, v5, v6  }
0x37c: {  	v5 =	vsub.f32 v5, v1;
	_ =	sdelay $0x1  }
0x37d: {  	v5 =	vmul.f32 $1.442695020e+00, v5;
	_ =	sdelay $0x1  }
0x37e: {  	(erf) = vpow2.f32 v5;
	_ =	sdelay $0x3  }
0x37f: {  	s6 =	simm.s32 $0x10  }
0x380: {  	s1 =	simm.s32 $0x80;
	v5 =	vld [tilespmem:s6+$0x1A100]  }
.LBB2_26:
0x381: {  	p0 =	sne.s32 s1, $0x1F00;
	v6 =	vld [tilespmem:s6+$0x19100];
	_ =	sdelay $0x2  }
0x382: {  	v7 =	vpop (erf)  }
0x383: {  	[tilespmem:s0+$0x1A900] =	vst v7;
	v4 =	vmul.f32 v7, v4;
	_ =	sdelay $0x1  }
0x384: {  	[tilespmem:s0+$0x1B100] =	vst v4;
	s0 =	smov.u32 s6  }
0x385: {  	v5 =	vld.idx.msk [tilespmem:v5+s5+$0x0], $0xffff  }
0x386: {  	v4 =	vld.idx.msk [tilespmem:v6+s5+$0x0], $0xffff;
	_ =	sdelay $0x5  }
0x387: {  	v5 =	vmul.f32 v5, v3;
	v6 =	vmul.f32 v4, v2;
	_ =	sdelay $0x1  }
0x388: {  	v5 =	vadd.f32 v5, v6;
	_ =	sdelay $0x1  }
0x389: {  	v6 =	vmul.f32 $2.000000030e-01, v5  }
0x38a: {  	vm0 =	vge.f32 v5, $0.0e+00  }
0x38b: {  	v5 =	vsel vm0, v5, v6  }
0x38c: {  	v5 =	vsub.f32 v5, v1;
	_ =	sdelay $0x1  }
0x38d: {  	v5 =	vmul.f32 $1.442695020e+00, v5;
	_ =	sdelay $0x1  }
0x38e: {  	(erf) = vpow2.f32 v5  }
.Ltmp12:
0x38f: {  	(pc) =	sbr.rel @p0 .LBB2_26-.Ltmp12, $3  }
0x390: {  	_ =	sdelay $0x1  }
0x391: {  	s6 =	sshra.s32 s1, $0x2  }
0x392: {  	s1 =	sadd.s32 $0x40, s1;
	v5 =	vld [tilespmem:s6+$0x1A100]  }
0x393: {  	_ = 	snop  }
0x394: {  	v6 =	vld [tilespmem:s6+$0x19100];
	_ =	sdelay $0x2  }
0x395: {  	v7 =	vpop (erf)  }
0x396: {  	v4 =	vmul.f32 v7, v4  }
0x397: {  	[tilespmem:s0+$0x1A900] =	vst v7  }
0x398: {  	[tilespmem:s0+$0x1B100] =	vst v4  }
0x399: {  	v4 =	vld.idx.msk [tilespmem:v5+s5+$0x0], $0xffff  }
0x39a: {  	v5 =	vld.idx.msk [tilespmem:v6+s5+$0x0], $0xffff;
	_ =	sdelay $0x4  }
0x39b: {  	v4 =	vmul.f32 v4, v3;
	v6 =	vmul.f32 v5, v2;
	_ =	sdelay $0x1  }
0x39c: {  	v4 =	vadd.f32 v4, v6;
	_ =	sdelay $0x1  }
0x39d: {  	v6 =	vmul.f32 $2.000000030e-01, v4  }
0x39e: {  	vm0 =	vge.f32 v4, $0.0e+00  }
0x39f: {  	v4 =	vsel vm0, v4, v6  }
0x3a0: {  	v4 =	vsub.f32 v4, v1;
	_ =	sdelay $0x1  }
0x3a1: {  	v4 =	vmul.f32 $1.442695020e+00, v4;
	_ =	sdelay $0x1  }
0x3a2: {  	(erf) = vpow2.f32 v4;
	_ =	sdelay $0x8  }
0x3a3: {  	v4 =	vpop (erf)  }
0x3a4: {  	v5 =	vmul.f32 v4, v5  }
0x3a5: {  	[tilespmem:s6+$0x1A900] =	vst v4  }
0x3a6: {  	[tilespmem:s6+$0x1B100] =	vst v5  }
0x3a7: {  	[spmem:s4] =	stream.indirect.scatter.add.f32 [tilespmem:s28], [sflag:$0x4], $0x1, s24, s26, $0xb8;
	[tilespmem:$0x1F660] =	vst v63  }
0x3a8: {  	_ = 	snop  }
0x3a9: {  	[spmem:s3] =	stream.indirect.scatter.add.f32 [tilespmem:s29], [sflag:$0x4], $0x1, s24, s26, $0xb8;
	[tilespmem:$0x1F660] =	vst v63  }
0x3aa: {  	_ =	swait.ge [sflag:s30], $0x7D0  }
0x3ab: {  	[sflag:s30] =	ssyncset.done $0x0  }
0x3ac: {  	[sflag:s30] =	ssyncadd.s32 $0xFFFFF830  }
0x3ad: {  	_ =	swait.ge [sflag:s30], $0x7D0  }
0x3ae: {  	s1 =	sld [smem:$0x7EC]  }
0x3af: {  	[sflag:s30] =	ssyncset.done $0x0  }
0x3b0: {  	s0 =	simm.s32 $0x0;
	s6 =	sld [smem:$0x7ED];
	[sflag:s30] =	ssyncadd.s32 $0xFFFFF830  }
0x3b1: {  	[tilespmem:s23], [sflag:$0x3] =	stream.linear.gather [hbm4b:s1+s0], $0x7D0, $0x38;
	[tilespmem:$0x1F660] =	vst v63  }
0x3b2: {  	_ = 	snop  }
0x3b3: {  	[tilespmem:s24], [sflag:$0x3] =	stream.linear.gather [hbm4b:s6+s0], $0x7D0, $0x38;
	[tilespmem:$0x1F660] =	vst v63  }
0x3b4: {  	_ =	swait.ge [sflag:s25], $0x7D0  }
0x3b5: {  	[sflag:s25] =	ssyncset.done $0x0  }
0x3b6: {  	[sflag:s25] =	ssyncadd.s32 $0xFFFFF830  }
0x3b7: {  	_ =	swait.ge [sflag:s25], $0x7D0  }
0x3b8: {  	[sflag:s25] =	ssyncset.done $0x0  }
0x3b9: {  	s0 =	simm.s32 $0x0;
	[sflag:s25] =	ssyncadd.s32 $0xFFFFF830  }
0x3ba: {  	v4 =	vld [tilespmem:s0+$0x19900]  }
0x3bb: {  	v5 =	vld [tilespmem:s0+$0x18900];
	_ =	sdelay $0x6  }
0x3bc: {  	v6 =	vld.idx.msk [tilespmem:v4+s5+$0x0], $0xffff  }
0x3bd: {  	v4 =	vld.idx.msk [tilespmem:v5+s5+$0x0], $0xffff;
	_ =	sdelay $0x4  }
0x3be: {  	v5 =	vmul.f32 v4, v2;
	v6 =	vmul.f32 v6, v3;
	_ =	sdelay $0x1  }
0x3bf: {  	v5 =	vadd.f32 v6, v5;
	_ =	sdelay $0x1  }
0x3c0: {  	v6 =	vmul.f32 $2.000000030e-01, v5  }
0x3c1: {  	vm15 =	vge.f32 v5, $0.0e+00  }
0x3c2: {  	v5 =	vsel vm15, v5, v6  }
0x3c3: {  	v5 =	vsub.f32 v5, v1;
	_ =	sdelay $0x1  }
0x3c4: {  	v5 =	vmul.f32 $1.442695020e+00, v5;
	_ =	sdelay $0x1  }
0x3c5: {  	(erf) = vpow2.f32 v5;
	_ =	sdelay $0x3  }
0x3c6: {  	s6 =	simm.s32 $0x10  }
0x3c7: {  	s1 =	simm.s32 $0x80;
	v5 =	vld [tilespmem:s6+$0x19900]  }
.LBB2_28:
0x3c8: {  	p0 =	sne.s32 s1, $0x1F00;
	v6 =	vld [tilespmem:s6+$0x18900];
	_ =	sdelay $0x2  }
0x3c9: {  	v7 =	vpop (erf)  }
0x3ca: {  	[tilespmem:s0+$0x1A900] =	vst v7;
	v4 =	vmul.f32 v7, v4;
	_ =	sdelay $0x1  }
0x3cb: {  	[tilespmem:s0+$0x1B100] =	vst v4;
	s0 =	smov.u32 s6  }
0x3cc: {  	v5 =	vld.idx.msk [tilespmem:v5+s5+$0x0], $0xffff  }
0x3cd: {  	v4 =	vld.idx.msk [tilespmem:v6+s5+$0x0], $0xffff;
	_ =	sdelay $0x5  }
0x3ce: {  	v5 =	vmul.f32 v5, v3;
	v6 =	vmul.f32 v4, v2;
	_ =	sdelay $0x1  }
0x3cf: {  	v5 =	vadd.f32 v5, v6;
	_ =	sdelay $0x1  }
0x3d0: {  	v6 =	vmul.f32 $2.000000030e-01, v5  }
0x3d1: {  	vm0 =	vge.f32 v5, $0.0e+00  }
0x3d2: {  	v5 =	vsel vm0, v5, v6  }
0x3d3: {  	v5 =	vsub.f32 v5, v1;
	_ =	sdelay $0x1  }
0x3d4: {  	v5 =	vmul.f32 $1.442695020e+00, v5;
	_ =	sdelay $0x1  }
0x3d5: {  	(erf) = vpow2.f32 v5  }
.Ltmp13:
0x3d6: {  	(pc) =	sbr.rel @p0 .LBB2_28-.Ltmp13, $3  }
0x3d7: {  	_ =	sdelay $0x1  }
0x3d8: {  	s6 =	sshra.s32 s1, $0x2  }
0x3d9: {  	s1 =	sadd.s32 $0x40, s1;
	v5 =	vld [tilespmem:s6+$0x19900]  }
0x3da: {  	_ = 	snop  }
0x3db: {  	v6 =	vld [tilespmem:s6+$0x18900];
	_ =	sdelay $0x2  }
0x3dc: {  	v7 =	vpop (erf)  }
0x3dd: {  	v4 =	vmul.f32 v7, v4  }
0x3de: {  	[tilespmem:s0+$0x1A900] =	vst v7  }
0x3df: {  	[tilespmem:s0+$0x1B100] =	vst v4  }
0x3e0: {  	v4 =	vld.idx.msk [tilespmem:v5+s5+$0x0], $0xffff  }
0x3e1: {  	v5 =	vld.idx.msk [tilespmem:v6+s5+$0x0], $0xffff;
	_ =	sdelay $0x4  }
0x3e2: {  	v4 =	vmul.f32 v4, v3;
	v6 =	vmul.f32 v5, v2;
	_ =	sdelay $0x1  }
0x3e3: {  	v4 =	vadd.f32 v4, v6;
	_ =	sdelay $0x1  }
0x3e4: {  	v6 =	vmul.f32 $2.000000030e-01, v4  }
0x3e5: {  	vm0 =	vge.f32 v4, $0.0e+00  }
0x3e6: {  	v4 =	vsel vm0, v4, v6  }
0x3e7: {  	v4 =	vsub.f32 v4, v1;
	_ =	sdelay $0x1  }
0x3e8: {  	v4 =	vmul.f32 $1.442695020e+00, v4;
	_ =	sdelay $0x1  }
0x3e9: {  	(erf) = vpow2.f32 v4;
	_ =	sdelay $0x8  }
0x3ea: {  	v4 =	vpop (erf)  }
0x3eb: {  	v5 =	vmul.f32 v4, v5  }
0x3ec: {  	[tilespmem:s6+$0x1A900] =	vst v4  }
0x3ed: {  	[tilespmem:s6+$0x1B100] =	vst v5  }
0x3ee: {  	[spmem:s4] =	stream.indirect.scatter.add.f32 [tilespmem:s28], [sflag:$0x4], $0x1, s22, s26, $0xb8;
	[tilespmem:$0x1F660] =	vst v63  }
0x3ef: {  	_ = 	snop  }
0x3f0: {  	[spmem:s3] =	stream.indirect.scatter.add.f32 [tilespmem:s29], [sflag:$0x4], $0x1, s22, s26, $0xb8;
	[tilespmem:$0x1F660] =	vst v63  }
0x3f1: {  	_ =	swait.ge [sflag:s30], $0x7D0  }
0x3f2: {  	[sflag:s30] =	ssyncset.done $0x0  }
0x3f3: {  	[sflag:s30] =	ssyncadd.s32 $0xFFFFF830  }
0x3f4: {  	_ =	swait.ge [sflag:s30], $0x7D0  }
0x3f5: {  	s1 =	sld [smem:$0x7EE]  }
0x3f6: {  	[sflag:s30] =	ssyncset.done $0x0  }
0x3f7: {  	s0 =	simm.s32 $0x0;
	s6 =	sld [smem:$0x7EF];
	[sflag:s30] =	ssyncadd.s32 $0xFFFFF830  }
0x3f8: {  	[tilespmem:s21], [sflag:$0x2] =	stream.linear.gather [hbm4b:s1+s0], $0x7D0, $0x38;
	[tilespmem:$0x1F660] =	vst v63  }
0x3f9: {  	_ = 	snop  }
0x3fa: {  	[tilespmem:s22], [sflag:$0x2] =	stream.linear.gather [hbm4b:s6+s0], $0x7D0, $0x38;
	[tilespmem:$0x1F660] =	vst v63  }
0x3fb: {  	_ =	swait.ge [sflag:s31], $0x7D0  }
0x3fc: {  	[sflag:s31] =	ssyncset.done $0x0  }
0x3fd: {  	[sflag:s31] =	ssyncadd.s32 $0xFFFFF830  }
0x3fe: {  	_ =	swait.ge [sflag:s31], $0x7D0  }
0x3ff: {  	[sflag:s31] =	ssyncset.done $0x0  }
0x400: {  	s0 =	simm.s32 $0x0;
	[sflag:s31] =	ssyncadd.s32 $0xFFFFF830  }
0x401: {  	v4 =	vld [tilespmem:s0+$0x1A100]  }
0x402: {  	v5 =	vld [tilespmem:s0+$0x19100];
	_ =	sdelay $0x6  }
0x403: {  	v6 =	vld.idx.msk [tilespmem:v4+s5+$0x0], $0xffff  }
0x404: {  	v4 =	vld.idx.msk [tilespmem:v5+s5+$0x0], $0xffff;
	_ =	sdelay $0x4  }
0x405: {  	v5 =	vmul.f32 v4, v2;
	v6 =	vmul.f32 v6, v3;
	_ =	sdelay $0x1  }
0x406: {  	v5 =	vadd.f32 v6, v5;
	_ =	sdelay $0x1  }
0x407: {  	v6 =	vmul.f32 $2.000000030e-01, v5  }
0x408: {  	vm15 =	vge.f32 v5, $0.0e+00  }
0x409: {  	v5 =	vsel vm15, v5, v6  }
0x40a: {  	v5 =	vsub.f32 v5, v1;
	_ =	sdelay $0x1  }
0x40b: {  	v5 =	vmul.f32 $1.442695020e+00, v5;
	_ =	sdelay $0x1  }
0x40c: {  	(erf) = vpow2.f32 v5;
	_ =	sdelay $0x3  }
0x40d: {  	s6 =	simm.s32 $0x10  }
0x40e: {  	s1 =	simm.s32 $0x80;
	v5 =	vld [tilespmem:s6+$0x1A100]  }
.LBB2_30:
0x40f: {  	p0 =	sne.s32 s1, $0x1F00;
	v6 =	vld [tilespmem:s6+$0x19100];
	_ =	sdelay $0x2  }
0x410: {  	v7 =	vpop (erf)  }
0x411: {  	[tilespmem:s0+$0x1A900] =	vst v7;
	v4 =	vmul.f32 v7, v4;
	_ =	sdelay $0x1  }
0x412: {  	[tilespmem:s0+$0x1B100] =	vst v4;
	s0 =	smov.u32 s6  }
0x413: {  	v5 =	vld.idx.msk [tilespmem:v5+s5+$0x0], $0xffff  }
0x414: {  	v4 =	vld.idx.msk [tilespmem:v6+s5+$0x0], $0xffff;
	_ =	sdelay $0x5  }
0x415: {  	v5 =	vmul.f32 v5, v3;
	v6 =	vmul.f32 v4, v2;
	_ =	sdelay $0x1  }
0x416: {  	v5 =	vadd.f32 v5, v6;
	_ =	sdelay $0x1  }
0x417: {  	v6 =	vmul.f32 $2.000000030e-01, v5  }
0x418: {  	vm0 =	vge.f32 v5, $0.0e+00  }
0x419: {  	v5 =	vsel vm0, v5, v6  }
0x41a: {  	v5 =	vsub.f32 v5, v1;
	_ =	sdelay $0x1  }
0x41b: {  	v5 =	vmul.f32 $1.442695020e+00, v5;
	_ =	sdelay $0x1  }
0x41c: {  	(erf) = vpow2.f32 v5  }
.Ltmp14:
0x41d: {  	(pc) =	sbr.rel @p0 .LBB2_30-.Ltmp14, $3  }
0x41e: {  	_ =	sdelay $0x1  }
0x41f: {  	s6 =	sshra.s32 s1, $0x2  }
0x420: {  	s1 =	sadd.s32 $0x40, s1;
	v5 =	vld [tilespmem:s6+$0x1A100]  }
0x421: {  	_ = 	snop  }
0x422: {  	v6 =	vld [tilespmem:s6+$0x19100];
	_ =	sdelay $0x2  }
0x423: {  	v7 =	vpop (erf)  }
0x424: {  	v4 =	vmul.f32 v7, v4  }
0x425: {  	[tilespmem:s0+$0x1A900] =	vst v7  }
0x426: {  	[tilespmem:s0+$0x1B100] =	vst v4  }
0x427: {  	v4 =	vld.idx.msk [tilespmem:v5+s5+$0x0], $0xffff  }
0x428: {  	v5 =	vld.idx.msk [tilespmem:v6+s5+$0x0], $0xffff;
	_ =	sdelay $0x4  }
0x429: {  	v4 =	vmul.f32 v4, v3;
	v6 =	vmul.f32 v5, v2;
	_ =	sdelay $0x1  }
0x42a: {  	v4 =	vadd.f32 v4, v6;
	_ =	sdelay $0x1  }
0x42b: {  	v6 =	vmul.f32 $2.000000030e-01, v4  }
0x42c: {  	vm0 =	vge.f32 v4, $0.0e+00  }
0x42d: {  	v4 =	vsel vm0, v4, v6  }
0x42e: {  	v4 =	vsub.f32 v4, v1;
	_ =	sdelay $0x1  }
0x42f: {  	v4 =	vmul.f32 $1.442695020e+00, v4;
	_ =	sdelay $0x1  }
0x430: {  	(erf) = vpow2.f32 v4;
	_ =	sdelay $0x8  }
0x431: {  	v4 =	vpop (erf)  }
0x432: {  	v5 =	vmul.f32 v4, v5  }
0x433: {  	[tilespmem:s6+$0x1A900] =	vst v4  }
0x434: {  	[tilespmem:s6+$0x1B100] =	vst v5  }
0x435: {  	[spmem:s4] =	stream.indirect.scatter.add.f32 [tilespmem:s28], [sflag:$0x4], $0x1, s24, s26, $0xb8;
	[tilespmem:$0x1F660] =	vst v63  }
0x436: {  	_ = 	snop  }
0x437: {  	[spmem:s3] =	stream.indirect.scatter.add.f32 [tilespmem:s29], [sflag:$0x4], $0x1, s24, s26, $0xb8;
	[tilespmem:$0x1F660] =	vst v63  }
0x438: {  	_ =	swait.ge [sflag:s30], $0x7D0  }
0x439: {  	[sflag:s30] =	ssyncset.done $0x0  }
0x43a: {  	[sflag:s30] =	ssyncadd.s32 $0xFFFFF830  }
0x43b: {  	_ =	swait.ge [sflag:s30], $0x7D0  }
0x43c: {  	s1 =	sld [smem:$0x7F0]  }
0x43d: {  	[sflag:s30] =	ssyncset.done $0x0  }
0x43e: {  	s0 =	simm.s32 $0x0;
	s6 =	sld [smem:$0x7F1];
	[sflag:s30] =	ssyncadd.s32 $0xFFFFF830  }
0x43f: {  	[tilespmem:s23], [sflag:$0x3] =	stream.linear.gather [hbm4b:s1+s0], $0x7D0, $0x38;
	[tilespmem:$0x1F660] =	vst v63  }
0x440: {  	_ = 	snop  }
0x441: {  	[tilespmem:s24], [sflag:$0x3] =	stream.linear.gather [hbm4b:s6+s0], $0x7D0, $0x38;
	[tilespmem:$0x1F660] =	vst v63  }
0x442: {  	_ =	swait.ge [sflag:s25], $0x7D0  }
0x443: {  	[sflag:s25] =	ssyncset.done $0x0  }
0x444: {  	[sflag:s25] =	ssyncadd.s32 $0xFFFFF830  }
0x445: {  	_ =	swait.ge [sflag:s25], $0x7D0  }
0x446: {  	[sflag:s25] =	ssyncset.done $0x0  }
0x447: {  	s0 =	simm.s32 $0x0;
	[sflag:s25] =	ssyncadd.s32 $0xFFFFF830  }
0x448: {  	v4 =	vld [tilespmem:s0+$0x19900]  }
0x449: {  	v5 =	vld [tilespmem:s0+$0x18900];
	_ =	sdelay $0x6  }
0x44a: {  	v6 =	vld.idx.msk [tilespmem:v4+s5+$0x0], $0xffff  }
0x44b: {  	v4 =	vld.idx.msk [tilespmem:v5+s5+$0x0], $0xffff;
	_ =	sdelay $0x4  }
0x44c: {  	v5 =	vmul.f32 v4, v2;
	v6 =	vmul.f32 v6, v3;
	_ =	sdelay $0x1  }
0x44d: {  	v5 =	vadd.f32 v6, v5;
	_ =	sdelay $0x1  }
0x44e: {  	v6 =	vmul.f32 $2.000000030e-01, v5  }
0x44f: {  	vm15 =	vge.f32 v5, $0.0e+00  }
0x450: {  	v5 =	vsel vm15, v5, v6  }
0x451: {  	v5 =	vsub.f32 v5, v1;
	_ =	sdelay $0x1  }
0x452: {  	v5 =	vmul.f32 $1.442695020e+00, v5;
	_ =	sdelay $0x1  }
0x453: {  	(erf) = vpow2.f32 v5;
	_ =	sdelay $0x3  }
0x454: {  	s6 =	simm.s32 $0x10  }
0x455: {  	s1 =	simm.s32 $0x80;
	v5 =	vld [tilespmem:s6+$0x19900]  }
.LBB2_32:
0x456: {  	p0 =	sne.s32 s1, $0x1F00;
	v6 =	vld [tilespmem:s6+$0x18900];
	_ =	sdelay $0x2  }
0x457: {  	v7 =	vpop (erf)  }
0x458: {  	[tilespmem:s0+$0x1A900] =	vst v7;
	v4 =	vmul.f32 v7, v4;
	_ =	sdelay $0x1  }
0x459: {  	[tilespmem:s0+$0x1B100] =	vst v4;
	s0 =	smov.u32 s6  }
0x45a: {  	v5 =	vld.idx.msk [tilespmem:v5+s5+$0x0], $0xffff  }
0x45b: {  	v4 =	vld.idx.msk [tilespmem:v6+s5+$0x0], $0xffff;
	_ =	sdelay $0x5  }
0x45c: {  	v5 =	vmul.f32 v5, v3;
	v6 =	vmul.f32 v4, v2;
	_ =	sdelay $0x1  }
0x45d: {  	v5 =	vadd.f32 v5, v6;
	_ =	sdelay $0x1  }
0x45e: {  	v6 =	vmul.f32 $2.000000030e-01, v5  }
0x45f: {  	vm0 =	vge.f32 v5, $0.0e+00  }
0x460: {  	v5 =	vsel vm0, v5, v6  }
0x461: {  	v5 =	vsub.f32 v5, v1;
	_ =	sdelay $0x1  }
0x462: {  	v5 =	vmul.f32 $1.442695020e+00, v5;
	_ =	sdelay $0x1  }
0x463: {  	(erf) = vpow2.f32 v5  }
.Ltmp15:
0x464: {  	(pc) =	sbr.rel @p0 .LBB2_32-.Ltmp15, $3  }
0x465: {  	_ =	sdelay $0x1  }
0x466: {  	s6 =	sshra.s32 s1, $0x2  }
0x467: {  	s1 =	sadd.s32 $0x40, s1;
	v5 =	vld [tilespmem:s6+$0x19900]  }
0x468: {  	_ = 	snop  }
0x469: {  	v6 =	vld [tilespmem:s6+$0x18900];
	_ =	sdelay $0x2  }
0x46a: {  	v7 =	vpop (erf)  }
0x46b: {  	v4 =	vmul.f32 v7, v4  }
0x46c: {  	[tilespmem:s0+$0x1A900] =	vst v7  }
0x46d: {  	[tilespmem:s0+$0x1B100] =	vst v4  }
0x46e: {  	v4 =	vld.idx.msk [tilespmem:v5+s5+$0x0], $0xffff  }
0x46f: {  	v5 =	vld.idx.msk [tilespmem:v6+s5+$0x0], $0xffff;
	_ =	sdelay $0x4  }
0x470: {  	v4 =	vmul.f32 v4, v3;
	v6 =	vmul.f32 v5, v2;
	_ =	sdelay $0x1  }
0x471: {  	v4 =	vadd.f32 v4, v6;
	_ =	sdelay $0x1  }
0x472: {  	v6 =	vmul.f32 $2.000000030e-01, v4  }
0x473: {  	vm0 =	vge.f32 v4, $0.0e+00  }
0x474: {  	v4 =	vsel vm0, v4, v6  }
0x475: {  	v4 =	vsub.f32 v4, v1;
	_ =	sdelay $0x1  }
0x476: {  	v4 =	vmul.f32 $1.442695020e+00, v4;
	_ =	sdelay $0x1  }
0x477: {  	(erf) = vpow2.f32 v4;
	_ =	sdelay $0x8  }
0x478: {  	v4 =	vpop (erf)  }
0x479: {  	v5 =	vmul.f32 v4, v5  }
0x47a: {  	[tilespmem:s6+$0x1A900] =	vst v4  }
0x47b: {  	[tilespmem:s6+$0x1B100] =	vst v5  }
0x47c: {  	[spmem:s4] =	stream.indirect.scatter.add.f32 [tilespmem:s28], [sflag:$0x4], $0x1, s22, s26, $0xb8;
	[tilespmem:$0x1F660] =	vst v63  }
0x47d: {  	_ = 	snop  }
0x47e: {  	[spmem:s3] =	stream.indirect.scatter.add.f32 [tilespmem:s29], [sflag:$0x4], $0x1, s22, s26, $0xb8;
	[tilespmem:$0x1F660] =	vst v63  }
0x47f: {  	_ =	swait.ge [sflag:s30], $0x7D0  }
0x480: {  	[sflag:s30] =	ssyncset.done $0x0  }
0x481: {  	[sflag:s30] =	ssyncadd.s32 $0xFFFFF830  }
0x482: {  	_ =	swait.ge [sflag:s30], $0x7D0  }
0x483: {  	s1 =	sld [smem:$0x7F2]  }
0x484: {  	[sflag:s30] =	ssyncset.done $0x0  }
0x485: {  	s0 =	simm.s32 $0x0;
	s6 =	sld [smem:$0x7F3];
	[sflag:s30] =	ssyncadd.s32 $0xFFFFF830  }
0x486: {  	[tilespmem:s21], [sflag:$0x2] =	stream.linear.gather [hbm4b:s1+s0], $0x7D0, $0x38;
	[tilespmem:$0x1F660] =	vst v63  }
0x487: {  	_ = 	snop  }
0x488: {  	[tilespmem:s22], [sflag:$0x2] =	stream.linear.gather [hbm4b:s6+s0], $0x7D0, $0x38;
	[tilespmem:$0x1F660] =	vst v63  }
0x489: {  	_ =	swait.ge [sflag:s31], $0x7D0  }
0x48a: {  	[sflag:s31] =	ssyncset.done $0x0  }
0x48b: {  	[sflag:s31] =	ssyncadd.s32 $0xFFFFF830  }
0x48c: {  	_ =	swait.ge [sflag:s31], $0x7D0  }
0x48d: {  	[sflag:s31] =	ssyncset.done $0x0  }
0x48e: {  	s0 =	simm.s32 $0x0;
	[sflag:s31] =	ssyncadd.s32 $0xFFFFF830  }
0x48f: {  	v4 =	vld [tilespmem:s0+$0x1A100]  }
0x490: {  	v5 =	vld [tilespmem:s0+$0x19100];
	_ =	sdelay $0x6  }
0x491: {  	v6 =	vld.idx.msk [tilespmem:v4+s5+$0x0], $0xffff  }
0x492: {  	v4 =	vld.idx.msk [tilespmem:v5+s5+$0x0], $0xffff;
	_ =	sdelay $0x4  }
0x493: {  	v5 =	vmul.f32 v4, v2;
	v6 =	vmul.f32 v6, v3;
	_ =	sdelay $0x1  }
0x494: {  	v5 =	vadd.f32 v6, v5;
	_ =	sdelay $0x1  }
0x495: {  	v6 =	vmul.f32 $2.000000030e-01, v5  }
0x496: {  	vm15 =	vge.f32 v5, $0.0e+00  }
0x497: {  	v5 =	vsel vm15, v5, v6  }
0x498: {  	v5 =	vsub.f32 v5, v1;
	_ =	sdelay $0x1  }
0x499: {  	v5 =	vmul.f32 $1.442695020e+00, v5;
	_ =	sdelay $0x1  }
0x49a: {  	(erf) = vpow2.f32 v5;
	_ =	sdelay $0x3  }
0x49b: {  	s6 =	simm.s32 $0x10  }
0x49c: {  	s1 =	simm.s32 $0x80;
	v5 =	vld [tilespmem:s6+$0x1A100]  }
.LBB2_34:
0x49d: {  	p0 =	sne.s32 s1, $0x1F00;
	v6 =	vld [tilespmem:s6+$0x19100];
	_ =	sdelay $0x2  }
0x49e: {  	v7 =	vpop (erf)  }
0x49f: {  	[tilespmem:s0+$0x1A900] =	vst v7;
	v4 =	vmul.f32 v7, v4;
	_ =	sdelay $0x1  }
0x4a0: {  	[tilespmem:s0+$0x1B100] =	vst v4;
	s0 =	smov.u32 s6  }
0x4a1: {  	v5 =	vld.idx.msk [tilespmem:v5+s5+$0x0], $0xffff  }
0x4a2: {  	v4 =	vld.idx.msk [tilespmem:v6+s5+$0x0], $0xffff;
	_ =	sdelay $0x5  }
0x4a3: {  	v5 =	vmul.f32 v5, v3;
	v6 =	vmul.f32 v4, v2;
	_ =	sdelay $0x1  }
0x4a4: {  	v5 =	vadd.f32 v5, v6;
	_ =	sdelay $0x1  }
0x4a5: {  	v6 =	vmul.f32 $2.000000030e-01, v5  }
0x4a6: {  	vm0 =	vge.f32 v5, $0.0e+00  }
0x4a7: {  	v5 =	vsel vm0, v5, v6  }
0x4a8: {  	v5 =	vsub.f32 v5, v1;
	_ =	sdelay $0x1  }
0x4a9: {  	v5 =	vmul.f32 $1.442695020e+00, v5;
	_ =	sdelay $0x1  }
0x4aa: {  	(erf) = vpow2.f32 v5  }
.Ltmp16:
0x4ab: {  	(pc) =	sbr.rel @p0 .LBB2_34-.Ltmp16, $3  }
0x4ac: {  	_ =	sdelay $0x1  }
0x4ad: {  	s6 =	sshra.s32 s1, $0x2  }
0x4ae: {  	s1 =	sadd.s32 $0x40, s1;
	v5 =	vld [tilespmem:s6+$0x1A100]  }
0x4af: {  	_ = 	snop  }
0x4b0: {  	v6 =	vld [tilespmem:s6+$0x19100];
	_ =	sdelay $0x2  }
0x4b1: {  	v7 =	vpop (erf)  }
0x4b2: {  	v4 =	vmul.f32 v7, v4  }
0x4b3: {  	[tilespmem:s0+$0x1A900] =	vst v7  }
0x4b4: {  	[tilespmem:s0+$0x1B100] =	vst v4  }
0x4b5: {  	v4 =	vld.idx.msk [tilespmem:v5+s5+$0x0], $0xffff  }
0x4b6: {  	v5 =	vld.idx.msk [tilespmem:v6+s5+$0x0], $0xffff;
	_ =	sdelay $0x4  }
0x4b7: {  	v4 =	vmul.f32 v4, v3;
	v6 =	vmul.f32 v5, v2;
	_ =	sdelay $0x1  }
0x4b8: {  	v4 =	vadd.f32 v4, v6;
	_ =	sdelay $0x1  }
0x4b9: {  	v6 =	vmul.f32 $2.000000030e-01, v4  }
0x4ba: {  	vm0 =	vge.f32 v4, $0.0e+00  }
0x4bb: {  	v4 =	vsel vm0, v4, v6  }
0x4bc: {  	v4 =	vsub.f32 v4, v1;
	_ =	sdelay $0x1  }
0x4bd: {  	v4 =	vmul.f32 $1.442695020e+00, v4;
	_ =	sdelay $0x1  }
0x4be: {  	(erf) = vpow2.f32 v4;
	_ =	sdelay $0x8  }
0x4bf: {  	v4 =	vpop (erf)  }
0x4c0: {  	v5 =	vmul.f32 v4, v5  }
0x4c1: {  	[tilespmem:s6+$0x1A900] =	vst v4  }
0x4c2: {  	[tilespmem:s6+$0x1B100] =	vst v5  }
0x4c3: {  	[spmem:s4] =	stream.indirect.scatter.add.f32 [tilespmem:s28], [sflag:$0x4], $0x1, s24, s26, $0xb8;
	[tilespmem:$0x1F660] =	vst v63  }
0x4c4: {  	_ = 	snop  }
0x4c5: {  	[spmem:s3] =	stream.indirect.scatter.add.f32 [tilespmem:s29], [sflag:$0x4], $0x1, s24, s26, $0xb8;
	[tilespmem:$0x1F660] =	vst v63  }
0x4c6: {  	_ =	swait.ge [sflag:s30], $0x7D0  }
0x4c7: {  	[sflag:s30] =	ssyncset.done $0x0  }
0x4c8: {  	[sflag:s30] =	ssyncadd.s32 $0xFFFFF830  }
0x4c9: {  	_ =	swait.ge [sflag:s30], $0x7D0  }
0x4ca: {  	s1 =	sld [smem:$0x7F4]  }
0x4cb: {  	[sflag:s30] =	ssyncset.done $0x0  }
0x4cc: {  	s0 =	simm.s32 $0x0;
	s6 =	sld [smem:$0x7F5];
	[sflag:s30] =	ssyncadd.s32 $0xFFFFF830  }
0x4cd: {  	[tilespmem:s23], [sflag:$0x3] =	stream.linear.gather [hbm4b:s1+s0], $0x7D0, $0x38;
	[tilespmem:$0x1F660] =	vst v63  }
0x4ce: {  	_ = 	snop  }
0x4cf: {  	[tilespmem:s24], [sflag:$0x3] =	stream.linear.gather [hbm4b:s6+s0], $0x7D0, $0x38;
	[tilespmem:$0x1F660] =	vst v63  }
0x4d0: {  	_ =	swait.ge [sflag:s25], $0x7D0  }
0x4d1: {  	[sflag:s25] =	ssyncset.done $0x0  }
0x4d2: {  	[sflag:s25] =	ssyncadd.s32 $0xFFFFF830  }
0x4d3: {  	_ =	swait.ge [sflag:s25], $0x7D0  }
0x4d4: {  	[sflag:s25] =	ssyncset.done $0x0  }
0x4d5: {  	s0 =	simm.s32 $0x0;
	[sflag:s25] =	ssyncadd.s32 $0xFFFFF830  }
0x4d6: {  	v4 =	vld [tilespmem:s0+$0x19900]  }
0x4d7: {  	v5 =	vld [tilespmem:s0+$0x18900];
	_ =	sdelay $0x6  }
0x4d8: {  	v6 =	vld.idx.msk [tilespmem:v4+s5+$0x0], $0xffff  }
0x4d9: {  	v4 =	vld.idx.msk [tilespmem:v5+s5+$0x0], $0xffff;
	_ =	sdelay $0x4  }
0x4da: {  	v5 =	vmul.f32 v4, v2;
	v6 =	vmul.f32 v6, v3;
	_ =	sdelay $0x1  }
0x4db: {  	v5 =	vadd.f32 v6, v5;
	_ =	sdelay $0x1  }
0x4dc: {  	v6 =	vmul.f32 $2.000000030e-01, v5  }
0x4dd: {  	vm15 =	vge.f32 v5, $0.0e+00  }
0x4de: {  	v5 =	vsel vm15, v5, v6  }
0x4df: {  	v5 =	vsub.f32 v5, v1;
	_ =	sdelay $0x1  }
0x4e0: {  	v5 =	vmul.f32 $1.442695020e+00, v5;
	_ =	sdelay $0x1  }
0x4e1: {  	(erf) = vpow2.f32 v5;
	_ =	sdelay $0x3  }
0x4e2: {  	s6 =	simm.s32 $0x10  }
0x4e3: {  	s1 =	simm.s32 $0x80;
	v5 =	vld [tilespmem:s6+$0x19900]  }
.LBB2_36:
0x4e4: {  	p0 =	sne.s32 s1, $0x1F00;
	v6 =	vld [tilespmem:s6+$0x18900];
	_ =	sdelay $0x2  }
0x4e5: {  	v7 =	vpop (erf)  }
0x4e6: {  	[tilespmem:s0+$0x1A900] =	vst v7;
	v4 =	vmul.f32 v7, v4;
	_ =	sdelay $0x1  }
0x4e7: {  	[tilespmem:s0+$0x1B100] =	vst v4;
	s0 =	smov.u32 s6  }
0x4e8: {  	v5 =	vld.idx.msk [tilespmem:v5+s5+$0x0], $0xffff  }
0x4e9: {  	v4 =	vld.idx.msk [tilespmem:v6+s5+$0x0], $0xffff;
	_ =	sdelay $0x5  }
0x4ea: {  	v5 =	vmul.f32 v5, v3;
	v6 =	vmul.f32 v4, v2;
	_ =	sdelay $0x1  }
0x4eb: {  	v5 =	vadd.f32 v5, v6;
	_ =	sdelay $0x1  }
0x4ec: {  	v6 =	vmul.f32 $2.000000030e-01, v5  }
0x4ed: {  	vm0 =	vge.f32 v5, $0.0e+00  }
0x4ee: {  	v5 =	vsel vm0, v5, v6  }
0x4ef: {  	v5 =	vsub.f32 v5, v1;
	_ =	sdelay $0x1  }
0x4f0: {  	v5 =	vmul.f32 $1.442695020e+00, v5;
	_ =	sdelay $0x1  }
0x4f1: {  	(erf) = vpow2.f32 v5  }
.Ltmp17:
0x4f2: {  	(pc) =	sbr.rel @p0 .LBB2_36-.Ltmp17, $3  }
0x4f3: {  	_ =	sdelay $0x1  }
0x4f4: {  	s6 =	sshra.s32 s1, $0x2  }
0x4f5: {  	s1 =	sadd.s32 $0x40, s1;
	v5 =	vld [tilespmem:s6+$0x19900]  }
0x4f6: {  	_ = 	snop  }
0x4f7: {  	v6 =	vld [tilespmem:s6+$0x18900];
	_ =	sdelay $0x2  }
0x4f8: {  	v7 =	vpop (erf)  }
0x4f9: {  	v4 =	vmul.f32 v7, v4  }
0x4fa: {  	[tilespmem:s0+$0x1A900] =	vst v7  }
0x4fb: {  	[tilespmem:s0+$0x1B100] =	vst v4  }
0x4fc: {  	v4 =	vld.idx.msk [tilespmem:v5+s5+$0x0], $0xffff  }
0x4fd: {  	v5 =	vld.idx.msk [tilespmem:v6+s5+$0x0], $0xffff;
	_ =	sdelay $0x4  }
0x4fe: {  	v4 =	vmul.f32 v4, v3;
	v6 =	vmul.f32 v5, v2;
	_ =	sdelay $0x1  }
0x4ff: {  	v4 =	vadd.f32 v4, v6;
	_ =	sdelay $0x1  }
0x500: {  	v6 =	vmul.f32 $2.000000030e-01, v4  }
0x501: {  	vm0 =	vge.f32 v4, $0.0e+00  }
0x502: {  	v4 =	vsel vm0, v4, v6  }
0x503: {  	v4 =	vsub.f32 v4, v1;
	_ =	sdelay $0x1  }
0x504: {  	v4 =	vmul.f32 $1.442695020e+00, v4;
	_ =	sdelay $0x1  }
0x505: {  	(erf) = vpow2.f32 v4;
	_ =	sdelay $0x8  }
0x506: {  	v4 =	vpop (erf)  }
0x507: {  	v5 =	vmul.f32 v4, v5  }
0x508: {  	[tilespmem:s6+$0x1A900] =	vst v4  }
0x509: {  	[tilespmem:s6+$0x1B100] =	vst v5  }
0x50a: {  	[spmem:s4] =	stream.indirect.scatter.add.f32 [tilespmem:s28], [sflag:$0x4], $0x1, s22, s26, $0xb8;
	[tilespmem:$0x1F660] =	vst v63  }
0x50b: {  	_ = 	snop  }
0x50c: {  	[spmem:s3] =	stream.indirect.scatter.add.f32 [tilespmem:s29], [sflag:$0x4], $0x1, s22, s26, $0xb8;
	[tilespmem:$0x1F660] =	vst v63  }
0x50d: {  	_ =	swait.ge [sflag:s30], $0x7D0  }
0x50e: {  	[sflag:s30] =	ssyncset.done $0x0  }
0x50f: {  	[sflag:s30] =	ssyncadd.s32 $0xFFFFF830  }
0x510: {  	_ =	swait.ge [sflag:s30], $0x7D0  }
0x511: {  	s1 =	sld [smem:$0x7F6]  }
0x512: {  	[sflag:s30] =	ssyncset.done $0x0  }
0x513: {  	s0 =	simm.s32 $0x0;
	s6 =	sld [smem:$0x7F7];
	[sflag:s30] =	ssyncadd.s32 $0xFFFFF830  }
0x514: {  	[tilespmem:s21], [sflag:$0x2] =	stream.linear.gather [hbm4b:s1+s0], $0x7D0, $0x38;
	[tilespmem:$0x1F660] =	vst v63  }
0x515: {  	_ = 	snop  }
0x516: {  	[tilespmem:s22], [sflag:$0x2] =	stream.linear.gather [hbm4b:s6+s0], $0x7D0, $0x38;
	[tilespmem:$0x1F660] =	vst v63  }
0x517: {  	_ =	swait.ge [sflag:s31], $0x7D0  }
0x518: {  	[sflag:s31] =	ssyncset.done $0x0  }
0x519: {  	[sflag:s31] =	ssyncadd.s32 $0xFFFFF830  }
0x51a: {  	_ =	swait.ge [sflag:s31], $0x7D0  }
0x51b: {  	[sflag:s31] =	ssyncset.done $0x0  }
0x51c: {  	s0 =	simm.s32 $0x0;
	[sflag:s31] =	ssyncadd.s32 $0xFFFFF830  }
0x51d: {  	v4 =	vld [tilespmem:s0+$0x1A100]  }
0x51e: {  	v5 =	vld [tilespmem:s0+$0x19100];
	_ =	sdelay $0x6  }
0x51f: {  	v6 =	vld.idx.msk [tilespmem:v4+s5+$0x0], $0xffff  }
0x520: {  	v4 =	vld.idx.msk [tilespmem:v5+s5+$0x0], $0xffff;
	_ =	sdelay $0x4  }
0x521: {  	v5 =	vmul.f32 v4, v2;
	v6 =	vmul.f32 v6, v3;
	_ =	sdelay $0x1  }
0x522: {  	v5 =	vadd.f32 v6, v5;
	_ =	sdelay $0x1  }
0x523: {  	v6 =	vmul.f32 $2.000000030e-01, v5  }
0x524: {  	vm15 =	vge.f32 v5, $0.0e+00  }
0x525: {  	v5 =	vsel vm15, v5, v6  }
0x526: {  	v5 =	vsub.f32 v5, v1;
	_ =	sdelay $0x1  }
0x527: {  	v5 =	vmul.f32 $1.442695020e+00, v5;
	_ =	sdelay $0x1  }
0x528: {  	(erf) = vpow2.f32 v5;
	_ =	sdelay $0x3  }
0x529: {  	s6 =	simm.s32 $0x10  }
0x52a: {  	s1 =	simm.s32 $0x80;
	v5 =	vld [tilespmem:s6+$0x1A100]  }
.LBB2_38:
0x52b: {  	p0 =	sne.s32 s1, $0x1F00;
	v6 =	vld [tilespmem:s6+$0x19100];
	_ =	sdelay $0x2  }
0x52c: {  	v7 =	vpop (erf)  }
0x52d: {  	[tilespmem:s0+$0x1A900] =	vst v7;
	v4 =	vmul.f32 v7, v4;
	_ =	sdelay $0x1  }
0x52e: {  	[tilespmem:s0+$0x1B100] =	vst v4;
	s0 =	smov.u32 s6  }
0x52f: {  	v5 =	vld.idx.msk [tilespmem:v5+s5+$0x0], $0xffff  }
0x530: {  	v4 =	vld.idx.msk [tilespmem:v6+s5+$0x0], $0xffff;
	_ =	sdelay $0x5  }
0x531: {  	v5 =	vmul.f32 v5, v3;
	v6 =	vmul.f32 v4, v2;
	_ =	sdelay $0x1  }
0x532: {  	v5 =	vadd.f32 v5, v6;
	_ =	sdelay $0x1  }
0x533: {  	v6 =	vmul.f32 $2.000000030e-01, v5  }
0x534: {  	vm0 =	vge.f32 v5, $0.0e+00  }
0x535: {  	v5 =	vsel vm0, v5, v6  }
0x536: {  	v5 =	vsub.f32 v5, v1;
	_ =	sdelay $0x1  }
0x537: {  	v5 =	vmul.f32 $1.442695020e+00, v5;
	_ =	sdelay $0x1  }
0x538: {  	(erf) = vpow2.f32 v5  }
.Ltmp18:
0x539: {  	(pc) =	sbr.rel @p0 .LBB2_38-.Ltmp18, $3  }
0x53a: {  	_ =	sdelay $0x1  }
0x53b: {  	s6 =	sshra.s32 s1, $0x2  }
0x53c: {  	s1 =	sadd.s32 $0x40, s1;
	v5 =	vld [tilespmem:s6+$0x1A100]  }
0x53d: {  	_ = 	snop  }
0x53e: {  	v6 =	vld [tilespmem:s6+$0x19100];
	_ =	sdelay $0x2  }
0x53f: {  	v7 =	vpop (erf)  }
0x540: {  	v4 =	vmul.f32 v7, v4  }
0x541: {  	[tilespmem:s0+$0x1A900] =	vst v7  }
0x542: {  	[tilespmem:s0+$0x1B100] =	vst v4  }
0x543: {  	v4 =	vld.idx.msk [tilespmem:v5+s5+$0x0], $0xffff  }
0x544: {  	v5 =	vld.idx.msk [tilespmem:v6+s5+$0x0], $0xffff;
	_ =	sdelay $0x4  }
0x545: {  	v4 =	vmul.f32 v4, v3;
	v6 =	vmul.f32 v5, v2;
	_ =	sdelay $0x1  }
0x546: {  	v4 =	vadd.f32 v4, v6;
	_ =	sdelay $0x1  }
0x547: {  	v6 =	vmul.f32 $2.000000030e-01, v4  }
0x548: {  	vm0 =	vge.f32 v4, $0.0e+00  }
0x549: {  	v4 =	vsel vm0, v4, v6  }
0x54a: {  	v4 =	vsub.f32 v4, v1;
	_ =	sdelay $0x1  }
0x54b: {  	v4 =	vmul.f32 $1.442695020e+00, v4;
	_ =	sdelay $0x1  }
0x54c: {  	(erf) = vpow2.f32 v4;
	_ =	sdelay $0x8  }
0x54d: {  	v4 =	vpop (erf)  }
0x54e: {  	v5 =	vmul.f32 v4, v5  }
0x54f: {  	[tilespmem:s6+$0x1A900] =	vst v4  }
0x550: {  	[tilespmem:s6+$0x1B100] =	vst v5  }
0x551: {  	[spmem:s4] =	stream.indirect.scatter.add.f32 [tilespmem:s28], [sflag:$0x4], $0x1, s24, s26, $0xb8;
	[tilespmem:$0x1F660] =	vst v63  }
0x552: {  	_ = 	snop  }
0x553: {  	[spmem:s3] =	stream.indirect.scatter.add.f32 [tilespmem:s29], [sflag:$0x4], $0x1, s24, s26, $0xb8;
	[tilespmem:$0x1F660] =	vst v63  }
0x554: {  	_ =	swait.ge [sflag:s30], $0x7D0  }
0x555: {  	[sflag:s30] =	ssyncset.done $0x0  }
0x556: {  	[sflag:s30] =	ssyncadd.s32 $0xFFFFF830  }
0x557: {  	_ =	swait.ge [sflag:s30], $0x7D0  }
0x558: {  	s1 =	sld [smem:$0x7F8]  }
0x559: {  	[sflag:s30] =	ssyncset.done $0x0  }
0x55a: {  	s0 =	simm.s32 $0x0;
	s6 =	sld [smem:$0x7F9];
	[sflag:s30] =	ssyncadd.s32 $0xFFFFF830  }
0x55b: {  	[tilespmem:s23], [sflag:$0x3] =	stream.linear.gather [hbm4b:s1+s0], $0x7D0, $0x38;
	[tilespmem:$0x1F660] =	vst v63  }
0x55c: {  	_ = 	snop  }
0x55d: {  	[tilespmem:s24], [sflag:$0x3] =	stream.linear.gather [hbm4b:s6+s0], $0x7D0, $0x38;
	[tilespmem:$0x1F660] =	vst v63  }
0x55e: {  	_ =	swait.ge [sflag:s25], $0x7D0  }
0x55f: {  	[sflag:s25] =	ssyncset.done $0x0  }
0x560: {  	[sflag:s25] =	ssyncadd.s32 $0xFFFFF830  }
0x561: {  	_ =	swait.ge [sflag:s25], $0x7D0  }
0x562: {  	[sflag:s25] =	ssyncset.done $0x0  }
0x563: {  	s0 =	simm.s32 $0x0;
	[sflag:s25] =	ssyncadd.s32 $0xFFFFF830  }
0x564: {  	v4 =	vld [tilespmem:s0+$0x19900]  }
0x565: {  	v5 =	vld [tilespmem:s0+$0x18900];
	_ =	sdelay $0x6  }
0x566: {  	v6 =	vld.idx.msk [tilespmem:v4+s5+$0x0], $0xffff  }
0x567: {  	v4 =	vld.idx.msk [tilespmem:v5+s5+$0x0], $0xffff;
	_ =	sdelay $0x4  }
0x568: {  	v5 =	vmul.f32 v4, v2;
	v6 =	vmul.f32 v6, v3;
	_ =	sdelay $0x1  }
0x569: {  	v5 =	vadd.f32 v6, v5;
	_ =	sdelay $0x1  }
0x56a: {  	v6 =	vmul.f32 $2.000000030e-01, v5  }
0x56b: {  	vm15 =	vge.f32 v5, $0.0e+00  }
0x56c: {  	v5 =	vsel vm15, v5, v6  }
0x56d: {  	v5 =	vsub.f32 v5, v1;
	_ =	sdelay $0x1  }
0x56e: {  	v5 =	vmul.f32 $1.442695020e+00, v5;
	_ =	sdelay $0x1  }
0x56f: {  	(erf) = vpow2.f32 v5;
	_ =	sdelay $0x3  }
0x570: {  	s6 =	simm.s32 $0x10  }
0x571: {  	s1 =	simm.s32 $0x80;
	v5 =	vld [tilespmem:s6+$0x19900]  }
.LBB2_40:
0x572: {  	p0 =	sne.s32 s1, $0x1F00;
	v6 =	vld [tilespmem:s6+$0x18900];
	_ =	sdelay $0x2  }
0x573: {  	v7 =	vpop (erf)  }
0x574: {  	[tilespmem:s0+$0x1A900] =	vst v7;
	v4 =	vmul.f32 v7, v4;
	_ =	sdelay $0x1  }
0x575: {  	[tilespmem:s0+$0x1B100] =	vst v4;
	s0 =	smov.u32 s6  }
0x576: {  	v5 =	vld.idx.msk [tilespmem:v5+s5+$0x0], $0xffff  }
0x577: {  	v4 =	vld.idx.msk [tilespmem:v6+s5+$0x0], $0xffff;
	_ =	sdelay $0x5  }
0x578: {  	v5 =	vmul.f32 v5, v3;
	v6 =	vmul.f32 v4, v2;
	_ =	sdelay $0x1  }
0x579: {  	v5 =	vadd.f32 v5, v6;
	_ =	sdelay $0x1  }
0x57a: {  	v6 =	vmul.f32 $2.000000030e-01, v5  }
0x57b: {  	vm0 =	vge.f32 v5, $0.0e+00  }
0x57c: {  	v5 =	vsel vm0, v5, v6  }
0x57d: {  	v5 =	vsub.f32 v5, v1;
	_ =	sdelay $0x1  }
0x57e: {  	v5 =	vmul.f32 $1.442695020e+00, v5;
	_ =	sdelay $0x1  }
0x57f: {  	(erf) = vpow2.f32 v5  }
.Ltmp19:
0x580: {  	(pc) =	sbr.rel @p0 .LBB2_40-.Ltmp19, $3  }
0x581: {  	_ =	sdelay $0x1  }
0x582: {  	s6 =	sshra.s32 s1, $0x2  }
0x583: {  	s1 =	sadd.s32 $0x40, s1;
	v5 =	vld [tilespmem:s6+$0x19900]  }
0x584: {  	_ = 	snop  }
0x585: {  	v6 =	vld [tilespmem:s6+$0x18900];
	_ =	sdelay $0x2  }
0x586: {  	v7 =	vpop (erf)  }
0x587: {  	v4 =	vmul.f32 v7, v4  }
0x588: {  	[tilespmem:s0+$0x1A900] =	vst v7  }
0x589: {  	[tilespmem:s0+$0x1B100] =	vst v4  }
0x58a: {  	v4 =	vld.idx.msk [tilespmem:v5+s5+$0x0], $0xffff  }
0x58b: {  	v5 =	vld.idx.msk [tilespmem:v6+s5+$0x0], $0xffff;
	_ =	sdelay $0x4  }
0x58c: {  	v4 =	vmul.f32 v4, v3;
	v6 =	vmul.f32 v5, v2;
	_ =	sdelay $0x1  }
0x58d: {  	v4 =	vadd.f32 v4, v6;
	_ =	sdelay $0x1  }
0x58e: {  	v6 =	vmul.f32 $2.000000030e-01, v4  }
0x58f: {  	vm0 =	vge.f32 v4, $0.0e+00  }
0x590: {  	v4 =	vsel vm0, v4, v6  }
0x591: {  	v4 =	vsub.f32 v4, v1;
	_ =	sdelay $0x1  }
0x592: {  	v4 =	vmul.f32 $1.442695020e+00, v4;
	_ =	sdelay $0x1  }
0x593: {  	(erf) = vpow2.f32 v4;
	_ =	sdelay $0x8  }
0x594: {  	v4 =	vpop (erf)  }
0x595: {  	v5 =	vmul.f32 v4, v5  }
0x596: {  	[tilespmem:s6+$0x1A900] =	vst v4  }
0x597: {  	[tilespmem:s6+$0x1B100] =	vst v5  }
0x598: {  	[spmem:s4] =	stream.indirect.scatter.add.f32 [tilespmem:s28], [sflag:$0x4], $0x1, s22, s26, $0xb8;
	[tilespmem:$0x1F660] =	vst v63  }
0x599: {  	_ = 	snop  }
0x59a: {  	[spmem:s3] =	stream.indirect.scatter.add.f32 [tilespmem:s29], [sflag:$0x4], $0x1, s22, s26, $0xb8;
	[tilespmem:$0x1F660] =	vst v63  }
0x59b: {  	_ =	swait.ge [sflag:s30], $0x7D0  }
0x59c: {  	[sflag:s30] =	ssyncset.done $0x0  }
0x59d: {  	[sflag:s30] =	ssyncadd.s32 $0xFFFFF830  }
0x59e: {  	_ =	swait.ge [sflag:s30], $0x7D0  }
0x59f: {  	s1 =	sld [smem:$0x7FA]  }
0x5a0: {  	[sflag:s30] =	ssyncset.done $0x0  }
0x5a1: {  	s0 =	simm.s32 $0x0;
	s6 =	sld [smem:$0x7FB];
	[sflag:s30] =	ssyncadd.s32 $0xFFFFF830  }
0x5a2: {  	[tilespmem:s21], [sflag:$0x2] =	stream.linear.gather [hbm4b:s1+s0], $0x7D0, $0x38;
	[tilespmem:$0x1F660] =	vst v63  }
0x5a3: {  	_ = 	snop  }
0x5a4: {  	[tilespmem:s22], [sflag:$0x2] =	stream.linear.gather [hbm4b:s6+s0], $0x7D0, $0x38;
	[tilespmem:$0x1F660] =	vst v63  }
0x5a5: {  	_ =	swait.ge [sflag:s31], $0x7D0  }
0x5a6: {  	[sflag:s31] =	ssyncset.done $0x0  }
0x5a7: {  	[sflag:s31] =	ssyncadd.s32 $0xFFFFF830  }
0x5a8: {  	_ =	swait.ge [sflag:s31], $0x7D0  }
0x5a9: {  	[sflag:s31] =	ssyncset.done $0x0  }
0x5aa: {  	s0 =	simm.s32 $0x0;
	[sflag:s31] =	ssyncadd.s32 $0xFFFFF830  }
0x5ab: {  	v4 =	vld [tilespmem:s0+$0x1A100]  }
0x5ac: {  	v5 =	vld [tilespmem:s0+$0x19100];
	_ =	sdelay $0x6  }
0x5ad: {  	v6 =	vld.idx.msk [tilespmem:v4+s5+$0x0], $0xffff  }
0x5ae: {  	v4 =	vld.idx.msk [tilespmem:v5+s5+$0x0], $0xffff;
	_ =	sdelay $0x4  }
0x5af: {  	v5 =	vmul.f32 v4, v2;
	v6 =	vmul.f32 v6, v3;
	_ =	sdelay $0x1  }
0x5b0: {  	v5 =	vadd.f32 v6, v5;
	_ =	sdelay $0x1  }
0x5b1: {  	v6 =	vmul.f32 $2.000000030e-01, v5  }
0x5b2: {  	vm15 =	vge.f32 v5, $0.0e+00  }
0x5b3: {  	v5 =	vsel vm15, v5, v6  }
0x5b4: {  	v5 =	vsub.f32 v5, v1;
	_ =	sdelay $0x1  }
0x5b5: {  	v5 =	vmul.f32 $1.442695020e+00, v5;
	_ =	sdelay $0x1  }
0x5b6: {  	(erf) = vpow2.f32 v5;
	_ =	sdelay $0x3  }
0x5b7: {  	s6 =	simm.s32 $0x10  }
0x5b8: {  	s1 =	simm.s32 $0x80;
	v5 =	vld [tilespmem:s6+$0x1A100]  }
.LBB2_42:
0x5b9: {  	p0 =	sne.s32 s1, $0x1F00;
	v6 =	vld [tilespmem:s6+$0x19100];
	_ =	sdelay $0x2  }
0x5ba: {  	v7 =	vpop (erf)  }
0x5bb: {  	[tilespmem:s0+$0x1A900] =	vst v7;
	v4 =	vmul.f32 v7, v4;
	_ =	sdelay $0x1  }
0x5bc: {  	[tilespmem:s0+$0x1B100] =	vst v4;
	s0 =	smov.u32 s6  }
0x5bd: {  	v5 =	vld.idx.msk [tilespmem:v5+s5+$0x0], $0xffff  }
0x5be: {  	v4 =	vld.idx.msk [tilespmem:v6+s5+$0x0], $0xffff;
	_ =	sdelay $0x5  }
0x5bf: {  	v5 =	vmul.f32 v5, v3;
	v6 =	vmul.f32 v4, v2;
	_ =	sdelay $0x1  }
0x5c0: {  	v5 =	vadd.f32 v5, v6;
	_ =	sdelay $0x1  }
0x5c1: {  	v6 =	vmul.f32 $2.000000030e-01, v5  }
0x5c2: {  	vm0 =	vge.f32 v5, $0.0e+00  }
0x5c3: {  	v5 =	vsel vm0, v5, v6  }
0x5c4: {  	v5 =	vsub.f32 v5, v1;
	_ =	sdelay $0x1  }
0x5c5: {  	v5 =	vmul.f32 $1.442695020e+00, v5;
	_ =	sdelay $0x1  }
0x5c6: {  	(erf) = vpow2.f32 v5  }
.Ltmp20:
0x5c7: {  	(pc) =	sbr.rel @p0 .LBB2_42-.Ltmp20, $3  }
0x5c8: {  	_ =	sdelay $0x1  }
0x5c9: {  	s6 =	sshra.s32 s1, $0x2  }
0x5ca: {  	s1 =	sadd.s32 $0x40, s1;
	v5 =	vld [tilespmem:s6+$0x1A100]  }
0x5cb: {  	_ = 	snop  }
0x5cc: {  	v6 =	vld [tilespmem:s6+$0x19100];
	_ =	sdelay $0x2  }
0x5cd: {  	v7 =	vpop (erf)  }
0x5ce: {  	v4 =	vmul.f32 v7, v4  }
0x5cf: {  	[tilespmem:s0+$0x1A900] =	vst v7  }
0x5d0: {  	[tilespmem:s0+$0x1B100] =	vst v4  }
0x5d1: {  	v4 =	vld.idx.msk [tilespmem:v5+s5+$0x0], $0xffff  }
0x5d2: {  	v5 =	vld.idx.msk [tilespmem:v6+s5+$0x0], $0xffff;
	_ =	sdelay $0x4  }
0x5d3: {  	v4 =	vmul.f32 v4, v3;
	v6 =	vmul.f32 v5, v2;
	_ =	sdelay $0x1  }
0x5d4: {  	v4 =	vadd.f32 v4, v6;
	_ =	sdelay $0x1  }
0x5d5: {  	v6 =	vmul.f32 $2.000000030e-01, v4  }
0x5d6: {  	vm0 =	vge.f32 v4, $0.0e+00  }
0x5d7: {  	v4 =	vsel vm0, v4, v6  }
0x5d8: {  	v4 =	vsub.f32 v4, v1;
	_ =	sdelay $0x1  }
0x5d9: {  	v4 =	vmul.f32 $1.442695020e+00, v4;
	_ =	sdelay $0x1  }
0x5da: {  	(erf) = vpow2.f32 v4;
	_ =	sdelay $0x8  }
0x5db: {  	v4 =	vpop (erf)  }
0x5dc: {  	v5 =	vmul.f32 v4, v5  }
0x5dd: {  	[tilespmem:s6+$0x1A900] =	vst v4  }
0x5de: {  	[tilespmem:s6+$0x1B100] =	vst v5  }
0x5df: {  	[spmem:s4] =	stream.indirect.scatter.add.f32 [tilespmem:s28], [sflag:$0x4], $0x1, s24, s26, $0xb8;
	[tilespmem:$0x1F660] =	vst v63  }
0x5e0: {  	_ = 	snop  }
0x5e1: {  	[spmem:s3] =	stream.indirect.scatter.add.f32 [tilespmem:s29], [sflag:$0x4], $0x1, s24, s26, $0xb8;
	[tilespmem:$0x1F660] =	vst v63  }
0x5e2: {  	_ =	swait.ge [sflag:s30], $0x7D0  }
0x5e3: {  	[sflag:s30] =	ssyncset.done $0x0  }
0x5e4: {  	[sflag:s30] =	ssyncadd.s32 $0xFFFFF830  }
0x5e5: {  	_ =	swait.ge [sflag:s30], $0x7D0  }
0x5e6: {  	s1 =	sld [smem:$0x7FC]  }
0x5e7: {  	[sflag:s30] =	ssyncset.done $0x0  }
0x5e8: {  	s0 =	simm.s32 $0x0;
	s6 =	sld [smem:$0x7FD];
	[sflag:s30] =	ssyncadd.s32 $0xFFFFF830  }
0x5e9: {  	[tilespmem:s23], [sflag:$0x3] =	stream.linear.gather [hbm4b:s1+s0], $0x7D0, $0x38;
	[tilespmem:$0x1F660] =	vst v63  }
0x5ea: {  	_ = 	snop  }
0x5eb: {  	[tilespmem:s24], [sflag:$0x3] =	stream.linear.gather [hbm4b:s6+s0], $0x7D0, $0x38;
	[tilespmem:$0x1F660] =	vst v63  }
0x5ec: {  	_ =	swait.ge [sflag:s25], $0x7D0  }
0x5ed: {  	[sflag:s25] =	ssyncset.done $0x0  }
0x5ee: {  	[sflag:s25] =	ssyncadd.s32 $0xFFFFF830  }
0x5ef: {  	_ =	swait.ge [sflag:s25], $0x7D0  }
0x5f0: {  	[sflag:s25] =	ssyncset.done $0x0  }
0x5f1: {  	s0 =	simm.s32 $0x0;
	[sflag:s25] =	ssyncadd.s32 $0xFFFFF830  }
0x5f2: {  	v4 =	vld [tilespmem:s0+$0x19900]  }
0x5f3: {  	v5 =	vld [tilespmem:s0+$0x18900];
	_ =	sdelay $0x6  }
0x5f4: {  	v6 =	vld.idx.msk [tilespmem:v4+s5+$0x0], $0xffff  }
0x5f5: {  	v4 =	vld.idx.msk [tilespmem:v5+s5+$0x0], $0xffff;
	_ =	sdelay $0x4  }
0x5f6: {  	v5 =	vmul.f32 v4, v2;
	v6 =	vmul.f32 v6, v3;
	_ =	sdelay $0x1  }
0x5f7: {  	v5 =	vadd.f32 v6, v5;
	_ =	sdelay $0x1  }
0x5f8: {  	v6 =	vmul.f32 $2.000000030e-01, v5  }
0x5f9: {  	vm15 =	vge.f32 v5, $0.0e+00  }
0x5fa: {  	v5 =	vsel vm15, v5, v6  }
0x5fb: {  	v5 =	vsub.f32 v5, v1;
	_ =	sdelay $0x1  }
0x5fc: {  	v5 =	vmul.f32 $1.442695020e+00, v5;
	_ =	sdelay $0x1  }
0x5fd: {  	(erf) = vpow2.f32 v5;
	_ =	sdelay $0x3  }
0x5fe: {  	s6 =	simm.s32 $0x10  }
0x5ff: {  	s1 =	simm.s32 $0x80;
	v5 =	vld [tilespmem:s6+$0x19900]  }
.LBB2_44:
0x600: {  	p0 =	sne.s32 s1, $0x1F00;
	v6 =	vld [tilespmem:s6+$0x18900];
	_ =	sdelay $0x2  }
0x601: {  	v7 =	vpop (erf)  }
0x602: {  	[tilespmem:s0+$0x1A900] =	vst v7;
	v4 =	vmul.f32 v7, v4;
	_ =	sdelay $0x1  }
0x603: {  	[tilespmem:s0+$0x1B100] =	vst v4;
	s0 =	smov.u32 s6  }
0x604: {  	v5 =	vld.idx.msk [tilespmem:v5+s5+$0x0], $0xffff  }
0x605: {  	v4 =	vld.idx.msk [tilespmem:v6+s5+$0x0], $0xffff;
	_ =	sdelay $0x5  }
0x606: {  	v5 =	vmul.f32 v5, v3;
	v6 =	vmul.f32 v4, v2;
	_ =	sdelay $0x1  }
0x607: {  	v5 =	vadd.f32 v5, v6;
	_ =	sdelay $0x1  }
0x608: {  	v6 =	vmul.f32 $2.000000030e-01, v5  }
0x609: {  	vm0 =	vge.f32 v5, $0.0e+00  }
0x60a: {  	v5 =	vsel vm0, v5, v6  }
0x60b: {  	v5 =	vsub.f32 v5, v1;
	_ =	sdelay $0x1  }
0x60c: {  	v5 =	vmul.f32 $1.442695020e+00, v5;
	_ =	sdelay $0x1  }
0x60d: {  	(erf) = vpow2.f32 v5  }
.Ltmp21:
0x60e: {  	(pc) =	sbr.rel @p0 .LBB2_44-.Ltmp21, $3  }
0x60f: {  	_ =	sdelay $0x1  }
0x610: {  	s6 =	sshra.s32 s1, $0x2  }
0x611: {  	s1 =	sadd.s32 $0x40, s1;
	v5 =	vld [tilespmem:s6+$0x19900]  }
0x612: {  	_ = 	snop  }
0x613: {  	v6 =	vld [tilespmem:s6+$0x18900];
	_ =	sdelay $0x2  }
0x614: {  	v7 =	vpop (erf)  }
0x615: {  	v4 =	vmul.f32 v7, v4  }
0x616: {  	[tilespmem:s0+$0x1A900] =	vst v7  }
0x617: {  	[tilespmem:s0+$0x1B100] =	vst v4  }
0x618: {  	v4 =	vld.idx.msk [tilespmem:v5+s5+$0x0], $0xffff  }
0x619: {  	v5 =	vld.idx.msk [tilespmem:v6+s5+$0x0], $0xffff;
	_ =	sdelay $0x4  }
0x61a: {  	v4 =	vmul.f32 v4, v3;
	v6 =	vmul.f32 v5, v2;
	_ =	sdelay $0x1  }
0x61b: {  	v4 =	vadd.f32 v4, v6;
	_ =	sdelay $0x1  }
0x61c: {  	v6 =	vmul.f32 $2.000000030e-01, v4  }
0x61d: {  	vm0 =	vge.f32 v4, $0.0e+00  }
0x61e: {  	v4 =	vsel vm0, v4, v6  }
0x61f: {  	v4 =	vsub.f32 v4, v1;
	_ =	sdelay $0x1  }
0x620: {  	v4 =	vmul.f32 $1.442695020e+00, v4;
	_ =	sdelay $0x1  }
0x621: {  	(erf) = vpow2.f32 v4;
	_ =	sdelay $0x8  }
0x622: {  	v4 =	vpop (erf)  }
0x623: {  	v5 =	vmul.f32 v4, v5  }
0x624: {  	[tilespmem:s6+$0x1A900] =	vst v4  }
0x625: {  	[tilespmem:s6+$0x1B100] =	vst v5  }
0x626: {  	[spmem:s4] =	stream.indirect.scatter.add.f32 [tilespmem:s28], [sflag:$0x4], $0x1, s22, s26, $0xb8;
	[tilespmem:$0x1F660] =	vst v63  }
0x627: {  	_ = 	snop  }
0x628: {  	[spmem:s3] =	stream.indirect.scatter.add.f32 [tilespmem:s29], [sflag:$0x4], $0x1, s22, s26, $0xb8;
	[tilespmem:$0x1F660] =	vst v63  }
0x629: {  	_ =	swait.ge [sflag:s30], $0x7D0  }
0x62a: {  	[sflag:s30] =	ssyncset.done $0x0  }
0x62b: {  	[sflag:s30] =	ssyncadd.s32 $0xFFFFF830  }
0x62c: {  	_ =	swait.ge [sflag:s30], $0x7D0  }
0x62d: {  	[sflag:s30] =	ssyncset.done $0x0  }
0x62e: {  	s6 =	simm.s32 $0x0;
	[sflag:s30] =	ssyncadd.s32 $0xFFFFF830  }
0x62f: {  	[tilespmem:s21], [sflag:$0x2] =	stream.linear.gather [hbm4b:s11+s6], $0x7D0, $0x38;
	[tilespmem:$0x1F660] =	vst v63  }
0x630: {  	_ = 	snop  }
0x631: {  	[tilespmem:s22], [sflag:$0x2] =	stream.linear.gather [hbm4b:s12+s6], $0x7D0, $0x38;
	[tilespmem:$0x1F660] =	vst v63  }
0x632: {  	_ =	swait.ge [sflag:s31], $0x7D0  }
0x633: {  	[sflag:s31] =	ssyncset.done $0x0  }
0x634: {  	[sflag:s31] =	ssyncadd.s32 $0xFFFFF830  }
0x635: {  	_ =	swait.ge [sflag:s31], $0x7D0  }
0x636: {  	[sflag:s31] =	ssyncset.done $0x0  }
0x637: {  	s0 =	simm.s32 $0x0;
	[sflag:s31] =	ssyncadd.s32 $0xFFFFF830  }
0x638: {  	v4 =	vld [tilespmem:s0+$0x1A100]  }
0x639: {  	v5 =	vld [tilespmem:s0+$0x19100];
	_ =	sdelay $0x6  }
0x63a: {  	v6 =	vld.idx.msk [tilespmem:v4+s5+$0x0], $0xffff  }
0x63b: {  	v4 =	vld.idx.msk [tilespmem:v5+s5+$0x0], $0xffff;
	_ =	sdelay $0x4  }
0x63c: {  	v5 =	vmul.f32 v4, v2;
	v6 =	vmul.f32 v6, v3;
	_ =	sdelay $0x1  }
0x63d: {  	v5 =	vadd.f32 v6, v5;
	_ =	sdelay $0x1  }
0x63e: {  	v6 =	vmul.f32 $2.000000030e-01, v5  }
0x63f: {  	vm15 =	vge.f32 v5, $0.0e+00  }
0x640: {  	v5 =	vsel vm15, v5, v6  }
0x641: {  	v5 =	vsub.f32 v5, v1;
	_ =	sdelay $0x1  }
0x642: {  	v5 =	vmul.f32 $1.442695020e+00, v5;
	_ =	sdelay $0x1  }
0x643: {  	(erf) = vpow2.f32 v5;
	_ =	sdelay $0x3  }
0x644: {  	s6 =	simm.s32 $0x10  }
0x645: {  	s1 =	simm.s32 $0x80;
	v5 =	vld [tilespmem:s6+$0x1A100]  }
.LBB2_46:
0x646: {  	p0 =	sne.s32 s1, $0x1F00;
	v6 =	vld [tilespmem:s6+$0x19100];
	_ =	sdelay $0x2  }
0x647: {  	v7 =	vpop (erf)  }
0x648: {  	[tilespmem:s0+$0x1A900] =	vst v7;
	v4 =	vmul.f32 v7, v4;
	_ =	sdelay $0x1  }
0x649: {  	[tilespmem:s0+$0x1B100] =	vst v4;
	s0 =	smov.u32 s6  }
0x64a: {  	v5 =	vld.idx.msk [tilespmem:v5+s5+$0x0], $0xffff  }
0x64b: {  	v4 =	vld.idx.msk [tilespmem:v6+s5+$0x0], $0xffff;
	_ =	sdelay $0x5  }
0x64c: {  	v5 =	vmul.f32 v5, v3;
	v6 =	vmul.f32 v4, v2;
	_ =	sdelay $0x1  }
0x64d: {  	v5 =	vadd.f32 v5, v6;
	_ =	sdelay $0x1  }
0x64e: {  	v6 =	vmul.f32 $2.000000030e-01, v5  }
0x64f: {  	vm0 =	vge.f32 v5, $0.0e+00  }
0x650: {  	v5 =	vsel vm0, v5, v6  }
0x651: {  	v5 =	vsub.f32 v5, v1;
	_ =	sdelay $0x1  }
0x652: {  	v5 =	vmul.f32 $1.442695020e+00, v5;
	_ =	sdelay $0x1  }
0x653: {  	(erf) = vpow2.f32 v5  }
.Ltmp22:
0x654: {  	(pc) =	sbr.rel @p0 .LBB2_46-.Ltmp22, $3  }
0x655: {  	_ =	sdelay $0x1  }
0x656: {  	s6 =	sshra.s32 s1, $0x2  }
0x657: {  	s1 =	sadd.s32 $0x40, s1;
	v5 =	vld [tilespmem:s6+$0x1A100]  }
0x658: {  	_ = 	snop  }
0x659: {  	v6 =	vld [tilespmem:s6+$0x19100];
	_ =	sdelay $0x2  }
0x65a: {  	v7 =	vpop (erf)  }
0x65b: {  	v4 =	vmul.f32 v7, v4  }
0x65c: {  	[tilespmem:s0+$0x1A900] =	vst v7  }
0x65d: {  	[tilespmem:s0+$0x1B100] =	vst v4  }
0x65e: {  	v4 =	vld.idx.msk [tilespmem:v5+s5+$0x0], $0xffff  }
0x65f: {  	v5 =	vld.idx.msk [tilespmem:v6+s5+$0x0], $0xffff;
	_ =	sdelay $0x4  }
0x660: {  	v4 =	vmul.f32 v4, v3;
	v6 =	vmul.f32 v5, v2;
	_ =	sdelay $0x1  }
0x661: {  	v4 =	vadd.f32 v4, v6;
	_ =	sdelay $0x1  }
0x662: {  	v6 =	vmul.f32 $2.000000030e-01, v4  }
0x663: {  	vm0 =	vge.f32 v4, $0.0e+00  }
0x664: {  	v4 =	vsel vm0, v4, v6  }
0x665: {  	v4 =	vsub.f32 v4, v1;
	_ =	sdelay $0x1  }
0x666: {  	v4 =	vmul.f32 $1.442695020e+00, v4;
	_ =	sdelay $0x1  }
0x667: {  	(erf) = vpow2.f32 v4;
	_ =	sdelay $0x8  }
0x668: {  	v4 =	vpop (erf)  }
0x669: {  	v5 =	vmul.f32 v4, v5  }
0x66a: {  	[tilespmem:s6+$0x1A900] =	vst v4  }
0x66b: {  	[tilespmem:s6+$0x1B100] =	vst v5  }
0x66c: {  	[spmem:s4] =	stream.indirect.scatter.add.f32 [tilespmem:s28], [sflag:$0x4], $0x1, s24, s26, $0xb8;
	[tilespmem:$0x1F660] =	vst v63  }
0x66d: {  	_ = 	snop  }
0x66e: {  	[spmem:s3] =	stream.indirect.scatter.add.f32 [tilespmem:s29], [sflag:$0x4], $0x1, s24, s26, $0xb8;
	[tilespmem:$0x1F660] =	vst v63  }
0x66f: {  	_ =	swait.ge [sflag:s30], $0x7D0  }
0x670: {  	[sflag:s30] =	ssyncset.done $0x0  }
0x671: {  	[sflag:s30] =	ssyncadd.s32 $0xFFFFF830  }
0x672: {  	_ =	swait.ge [sflag:s30], $0x7D0  }
0x673: {  	[sflag:s30] =	ssyncset.done $0x0  }
0x674: {  	s6 =	simm.s32 $0x0;
	[sflag:s30] =	ssyncadd.s32 $0xFFFFF830  }
0x675: {  	[tilespmem:s23], [sflag:$0x3] =	stream.linear.gather [hbm4b:s13+s6], $0x7D0, $0x38;
	[tilespmem:$0x1F660] =	vst v63  }
0x676: {  	_ = 	snop  }
0x677: {  	[tilespmem:s24], [sflag:$0x3] =	stream.linear.gather [hbm4b:s14+s6], $0x7D0, $0x38;
	[tilespmem:$0x1F660] =	vst v63  }
0x678: {  	_ =	swait.ge [sflag:s25], $0x7D0  }
0x679: {  	[sflag:s25] =	ssyncset.done $0x0  }
0x67a: {  	[sflag:s25] =	ssyncadd.s32 $0xFFFFF830  }
0x67b: {  	_ =	swait.ge [sflag:s25], $0x7D0  }
0x67c: {  	[sflag:s25] =	ssyncset.done $0x0  }
0x67d: {  	s0 =	simm.s32 $0x0;
	[sflag:s25] =	ssyncadd.s32 $0xFFFFF830  }
0x67e: {  	v4 =	vld [tilespmem:s0+$0x19900]  }
0x67f: {  	v5 =	vld [tilespmem:s0+$0x18900];
	_ =	sdelay $0x6  }
0x680: {  	v6 =	vld.idx.msk [tilespmem:v4+s5+$0x0], $0xffff  }
0x681: {  	v4 =	vld.idx.msk [tilespmem:v5+s5+$0x0], $0xffff;
	_ =	sdelay $0x4  }
0x682: {  	v5 =	vmul.f32 v4, v2;
	v6 =	vmul.f32 v6, v3;
	_ =	sdelay $0x1  }
0x683: {  	v5 =	vadd.f32 v6, v5;
	_ =	sdelay $0x1  }
0x684: {  	v6 =	vmul.f32 $2.000000030e-01, v5  }
0x685: {  	vm15 =	vge.f32 v5, $0.0e+00  }
0x686: {  	v5 =	vsel vm15, v5, v6  }
0x687: {  	v5 =	vsub.f32 v5, v1;
	_ =	sdelay $0x1  }
0x688: {  	v5 =	vmul.f32 $1.442695020e+00, v5;
	_ =	sdelay $0x1  }
0x689: {  	(erf) = vpow2.f32 v5;
	_ =	sdelay $0x3  }
0x68a: {  	s6 =	simm.s32 $0x10  }
0x68b: {  	s1 =	simm.s32 $0x80;
	v5 =	vld [tilespmem:s6+$0x19900]  }
.LBB2_48:
0x68c: {  	p0 =	sne.s32 s1, $0x1F00;
	v6 =	vld [tilespmem:s6+$0x18900];
	_ =	sdelay $0x2  }
0x68d: {  	v7 =	vpop (erf)  }
0x68e: {  	[tilespmem:s0+$0x1A900] =	vst v7;
	v4 =	vmul.f32 v7, v4;
	_ =	sdelay $0x1  }
0x68f: {  	[tilespmem:s0+$0x1B100] =	vst v4;
	s0 =	smov.u32 s6  }
0x690: {  	v5 =	vld.idx.msk [tilespmem:v5+s5+$0x0], $0xffff  }
0x691: {  	v4 =	vld.idx.msk [tilespmem:v6+s5+$0x0], $0xffff;
	_ =	sdelay $0x5  }
0x692: {  	v5 =	vmul.f32 v5, v3;
	v6 =	vmul.f32 v4, v2;
	_ =	sdelay $0x1  }
0x693: {  	v5 =	vadd.f32 v5, v6;
	_ =	sdelay $0x1  }
0x694: {  	v6 =	vmul.f32 $2.000000030e-01, v5  }
0x695: {  	vm0 =	vge.f32 v5, $0.0e+00  }
0x696: {  	v5 =	vsel vm0, v5, v6  }
0x697: {  	v5 =	vsub.f32 v5, v1;
	_ =	sdelay $0x1  }
0x698: {  	v5 =	vmul.f32 $1.442695020e+00, v5;
	_ =	sdelay $0x1  }
0x699: {  	(erf) = vpow2.f32 v5  }
.Ltmp23:
0x69a: {  	(pc) =	sbr.rel @p0 .LBB2_48-.Ltmp23, $3  }
0x69b: {  	_ =	sdelay $0x1  }
0x69c: {  	s6 =	sshra.s32 s1, $0x2  }
0x69d: {  	s1 =	sadd.s32 $0x40, s1;
	v5 =	vld [tilespmem:s6+$0x19900]  }
0x69e: {  	_ = 	snop  }
0x69f: {  	v6 =	vld [tilespmem:s6+$0x18900];
	_ =	sdelay $0x2  }
0x6a0: {  	v7 =	vpop (erf)  }
0x6a1: {  	v4 =	vmul.f32 v7, v4  }
0x6a2: {  	[tilespmem:s0+$0x1A900] =	vst v7  }
0x6a3: {  	[tilespmem:s0+$0x1B100] =	vst v4  }
0x6a4: {  	v4 =	vld.idx.msk [tilespmem:v5+s5+$0x0], $0xffff  }
0x6a5: {  	v5 =	vld.idx.msk [tilespmem:v6+s5+$0x0], $0xffff;
	_ =	sdelay $0x4  }
0x6a6: {  	v4 =	vmul.f32 v4, v3;
	v6 =	vmul.f32 v5, v2;
	_ =	sdelay $0x1  }
0x6a7: {  	v4 =	vadd.f32 v4, v6;
	_ =	sdelay $0x1  }
0x6a8: {  	v6 =	vmul.f32 $2.000000030e-01, v4  }
0x6a9: {  	vm0 =	vge.f32 v4, $0.0e+00  }
0x6aa: {  	v4 =	vsel vm0, v4, v6  }
0x6ab: {  	v4 =	vsub.f32 v4, v1;
	_ =	sdelay $0x1  }
0x6ac: {  	v4 =	vmul.f32 $1.442695020e+00, v4;
	_ =	sdelay $0x1  }
0x6ad: {  	(erf) = vpow2.f32 v4;
	_ =	sdelay $0x8  }
0x6ae: {  	v4 =	vpop (erf)  }
0x6af: {  	v5 =	vmul.f32 v4, v5  }
0x6b0: {  	[tilespmem:s6+$0x1A900] =	vst v4  }
0x6b1: {  	[tilespmem:s6+$0x1B100] =	vst v5  }
0x6b2: {  	[spmem:s4] =	stream.indirect.scatter.add.f32 [tilespmem:s28], [sflag:$0x4], $0x1, s22, s26, $0xb8;
	[tilespmem:$0x1F660] =	vst v63  }
0x6b3: {  	_ = 	snop  }
0x6b4: {  	[spmem:s3] =	stream.indirect.scatter.add.f32 [tilespmem:s29], [sflag:$0x4], $0x1, s22, s26, $0xb8;
	[tilespmem:$0x1F660] =	vst v63  }
0x6b5: {  	_ =	swait.ge [sflag:s30], $0x7D0  }
0x6b6: {  	[sflag:s30] =	ssyncset.done $0x0  }
0x6b7: {  	[sflag:s30] =	ssyncadd.s32 $0xFFFFF830  }
0x6b8: {  	_ =	swait.ge [sflag:s30], $0x7D0  }
0x6b9: {  	[sflag:s30] =	ssyncset.done $0x0  }
0x6ba: {  	s6 =	simm.s32 $0x0;
	[sflag:s30] =	ssyncadd.s32 $0xFFFFF830  }
0x6bb: {  	[tilespmem:s21], [sflag:$0x2] =	stream.linear.gather [hbm4b:s15+s6], $0x7D0, $0x38;
	[tilespmem:$0x1F660] =	vst v63  }
0x6bc: {  	_ = 	snop  }
0x6bd: {  	[tilespmem:s22], [sflag:$0x2] =	stream.linear.gather [hbm4b:s16+s6], $0x7D0, $0x38;
	[tilespmem:$0x1F660] =	vst v63  }
0x6be: {  	_ =	swait.ge [sflag:s31], $0x7D0  }
0x6bf: {  	[sflag:s31] =	ssyncset.done $0x0  }
0x6c0: {  	[sflag:s31] =	ssyncadd.s32 $0xFFFFF830  }
0x6c1: {  	_ =	swait.ge [sflag:s31], $0x7D0  }
0x6c2: {  	[sflag:s31] =	ssyncset.done $0x0  }
0x6c3: {  	s0 =	simm.s32 $0x0;
	[sflag:s31] =	ssyncadd.s32 $0xFFFFF830  }
0x6c4: {  	v4 =	vld [tilespmem:s0+$0x1A100]  }
0x6c5: {  	v5 =	vld [tilespmem:s0+$0x19100];
	_ =	sdelay $0x6  }
0x6c6: {  	v6 =	vld.idx.msk [tilespmem:v4+s5+$0x0], $0xffff  }
0x6c7: {  	v4 =	vld.idx.msk [tilespmem:v5+s5+$0x0], $0xffff;
	_ =	sdelay $0x4  }
0x6c8: {  	v5 =	vmul.f32 v4, v2;
	v6 =	vmul.f32 v6, v3;
	_ =	sdelay $0x1  }
0x6c9: {  	v5 =	vadd.f32 v6, v5;
	_ =	sdelay $0x1  }
0x6ca: {  	v6 =	vmul.f32 $2.000000030e-01, v5  }
0x6cb: {  	vm15 =	vge.f32 v5, $0.0e+00  }
0x6cc: {  	v5 =	vsel vm15, v5, v6  }
0x6cd: {  	v5 =	vsub.f32 v5, v1;
	_ =	sdelay $0x1  }
0x6ce: {  	v5 =	vmul.f32 $1.442695020e+00, v5;
	_ =	sdelay $0x1  }
0x6cf: {  	(erf) = vpow2.f32 v5;
	_ =	sdelay $0x3  }
0x6d0: {  	s6 =	simm.s32 $0x10  }
0x6d1: {  	s1 =	simm.s32 $0x80;
	v5 =	vld [tilespmem:s6+$0x1A100]  }
.LBB2_50:
0x6d2: {  	p0 =	sne.s32 s1, $0x1F00;
	v6 =	vld [tilespmem:s6+$0x19100];
	_ =	sdelay $0x2  }
0x6d3: {  	v7 =	vpop (erf)  }
0x6d4: {  	[tilespmem:s0+$0x1A900] =	vst v7;
	v4 =	vmul.f32 v7, v4;
	_ =	sdelay $0x1  }
0x6d5: {  	[tilespmem:s0+$0x1B100] =	vst v4;
	s0 =	smov.u32 s6  }
0x6d6: {  	v5 =	vld.idx.msk [tilespmem:v5+s5+$0x0], $0xffff  }
0x6d7: {  	v4 =	vld.idx.msk [tilespmem:v6+s5+$0x0], $0xffff;
	_ =	sdelay $0x5  }
0x6d8: {  	v5 =	vmul.f32 v5, v3;
	v6 =	vmul.f32 v4, v2;
	_ =	sdelay $0x1  }
0x6d9: {  	v5 =	vadd.f32 v5, v6;
	_ =	sdelay $0x1  }
0x6da: {  	v6 =	vmul.f32 $2.000000030e-01, v5  }
0x6db: {  	vm0 =	vge.f32 v5, $0.0e+00  }
0x6dc: {  	v5 =	vsel vm0, v5, v6  }
0x6dd: {  	v5 =	vsub.f32 v5, v1;
	_ =	sdelay $0x1  }
0x6de: {  	v5 =	vmul.f32 $1.442695020e+00, v5;
	_ =	sdelay $0x1  }
0x6df: {  	(erf) = vpow2.f32 v5  }
.Ltmp24:
0x6e0: {  	(pc) =	sbr.rel @p0 .LBB2_50-.Ltmp24, $3  }
0x6e1: {  	_ =	sdelay $0x1  }
0x6e2: {  	s6 =	sshra.s32 s1, $0x2  }
0x6e3: {  	s1 =	sadd.s32 $0x40, s1;
	v5 =	vld [tilespmem:s6+$0x1A100]  }
0x6e4: {  	_ = 	snop  }
0x6e5: {  	v6 =	vld [tilespmem:s6+$0x19100];
	_ =	sdelay $0x2  }
0x6e6: {  	v7 =	vpop (erf)  }
0x6e7: {  	v4 =	vmul.f32 v7, v4  }
0x6e8: {  	[tilespmem:s0+$0x1A900] =	vst v7  }
0x6e9: {  	[tilespmem:s0+$0x1B100] =	vst v4  }
0x6ea: {  	v4 =	vld.idx.msk [tilespmem:v5+s5+$0x0], $0xffff  }
0x6eb: {  	v5 =	vld.idx.msk [tilespmem:v6+s5+$0x0], $0xffff;
	_ =	sdelay $0x4  }
0x6ec: {  	v4 =	vmul.f32 v4, v3;
	v6 =	vmul.f32 v5, v2;
	_ =	sdelay $0x1  }
0x6ed: {  	v4 =	vadd.f32 v4, v6;
	_ =	sdelay $0x1  }
0x6ee: {  	v6 =	vmul.f32 $2.000000030e-01, v4  }
0x6ef: {  	vm0 =	vge.f32 v4, $0.0e+00  }
0x6f0: {  	v4 =	vsel vm0, v4, v6  }
0x6f1: {  	v4 =	vsub.f32 v4, v1;
	_ =	sdelay $0x1  }
0x6f2: {  	v4 =	vmul.f32 $1.442695020e+00, v4;
	_ =	sdelay $0x1  }
0x6f3: {  	(erf) = vpow2.f32 v4;
	_ =	sdelay $0x8  }
0x6f4: {  	v4 =	vpop (erf)  }
0x6f5: {  	v5 =	vmul.f32 v4, v5  }
0x6f6: {  	[tilespmem:s6+$0x1A900] =	vst v4  }
0x6f7: {  	[tilespmem:s6+$0x1B100] =	vst v5  }
0x6f8: {  	[spmem:s4] =	stream.indirect.scatter.add.f32 [tilespmem:s28], [sflag:$0x4], $0x1, s24, s26, $0xb8;
	[tilespmem:$0x1F660] =	vst v63  }
0x6f9: {  	_ = 	snop  }
0x6fa: {  	[spmem:s3] =	stream.indirect.scatter.add.f32 [tilespmem:s29], [sflag:$0x4], $0x1, s24, s26, $0xb8;
	[tilespmem:$0x1F660] =	vst v63  }
0x6fb: {  	_ =	swait.ge [sflag:s25], $0x7D0  }
0x6fc: {  	[sflag:s25] =	ssyncset.done $0x0  }
0x6fd: {  	[sflag:s25] =	ssyncadd.s32 $0xFFFFF830  }
0x6fe: {  	_ =	swait.ge [sflag:s25], $0x7D0  }
0x6ff: {  	[sflag:s25] =	ssyncset.done $0x0  }
0x700: {  	[sflag:s25] =	ssyncadd.s32 $0xFFFFF830  }
0x701: {  	_ =	swait.ge [sflag:s30], $0x7D0  }
0x702: {  	[sflag:s30] =	ssyncset.done $0x0  }
0x703: {  	[sflag:s30] =	ssyncadd.s32 $0xFFFFF830  }
0x704: {  	_ =	swait.ge [sflag:s30], $0x7D0  }
0x705: {  	[sflag:s30] =	ssyncset.done $0x0  }
0x706: {  	s0 =	simm.s32 $0x0;
	[sflag:s30] =	ssyncadd.s32 $0xFFFFF830  }
0x707: {  	v4 =	vld [tilespmem:s0+$0x19900]  }
0x708: {  	v5 =	vld [tilespmem:s0+$0x18900];
	_ =	sdelay $0x6  }
0x709: {  	v6 =	vld.idx.msk [tilespmem:v4+s5+$0x0], $0xffff  }
0x70a: {  	v4 =	vld.idx.msk [tilespmem:v5+s5+$0x0], $0xffff;
	_ =	sdelay $0x4  }
0x70b: {  	v5 =	vmul.f32 v4, v2;
	v6 =	vmul.f32 v6, v3;
	_ =	sdelay $0x1  }
0x70c: {  	v5 =	vadd.f32 v6, v5;
	_ =	sdelay $0x1  }
0x70d: {  	v6 =	vmul.f32 $2.000000030e-01, v5  }
0x70e: {  	vm15 =	vge.f32 v5, $0.0e+00  }
0x70f: {  	v5 =	vsel vm15, v5, v6  }
0x710: {  	v5 =	vsub.f32 v5, v1;
	_ =	sdelay $0x1  }
0x711: {  	v5 =	vmul.f32 $1.442695020e+00, v5;
	_ =	sdelay $0x1  }
0x712: {  	(erf) = vpow2.f32 v5;
	_ =	sdelay $0x3  }
0x713: {  	s6 =	simm.s32 $0x10  }
0x714: {  	s1 =	simm.s32 $0x80;
	v5 =	vld [tilespmem:s6+$0x19900]  }
.LBB2_52:
0x715: {  	p0 =	sne.s32 s1, $0x1F00;
	v6 =	vld [tilespmem:s6+$0x18900];
	_ =	sdelay $0x2  }
0x716: {  	v7 =	vpop (erf)  }
0x717: {  	[tilespmem:s0+$0x1A900] =	vst v7;
	v4 =	vmul.f32 v7, v4;
	_ =	sdelay $0x1  }
0x718: {  	[tilespmem:s0+$0x1B100] =	vst v4;
	s0 =	smov.u32 s6  }
0x719: {  	v5 =	vld.idx.msk [tilespmem:v5+s5+$0x0], $0xffff  }
0x71a: {  	v4 =	vld.idx.msk [tilespmem:v6+s5+$0x0], $0xffff;
	_ =	sdelay $0x5  }
0x71b: {  	v5 =	vmul.f32 v5, v3;
	v6 =	vmul.f32 v4, v2;
	_ =	sdelay $0x1  }
0x71c: {  	v5 =	vadd.f32 v5, v6;
	_ =	sdelay $0x1  }
0x71d: {  	v6 =	vmul.f32 $2.000000030e-01, v5  }
0x71e: {  	vm0 =	vge.f32 v5, $0.0e+00  }
0x71f: {  	v5 =	vsel vm0, v5, v6  }
0x720: {  	v5 =	vsub.f32 v5, v1;
	_ =	sdelay $0x1  }
0x721: {  	v5 =	vmul.f32 $1.442695020e+00, v5;
	_ =	sdelay $0x1  }
0x722: {  	(erf) = vpow2.f32 v5  }
.Ltmp25:
0x723: {  	(pc) =	sbr.rel @p0 .LBB2_52-.Ltmp25, $3  }
0x724: {  	_ =	sdelay $0x1  }
0x725: {  	s6 =	sshra.s32 s1, $0x2  }
0x726: {  	s1 =	sadd.s32 $0x40, s1;
	v5 =	vld [tilespmem:s6+$0x19900]  }
0x727: {  	_ = 	snop  }
0x728: {  	v6 =	vld [tilespmem:s6+$0x18900];
	_ =	sdelay $0x2  }
0x729: {  	v7 =	vpop (erf)  }
0x72a: {  	v4 =	vmul.f32 v7, v4  }
0x72b: {  	[tilespmem:s0+$0x1A900] =	vst v7  }
0x72c: {  	[tilespmem:s0+$0x1B100] =	vst v4  }
0x72d: {  	v4 =	vld.idx.msk [tilespmem:v5+s5+$0x0], $0xffff  }
0x72e: {  	v63 =	vld.idx.msk [tilespmem:v6+s5+$0x0], $0xffff;
	_ =	sdelay $0x4  }
0x72f: {  	v3 =	vmul.f32 v4, v3;
	v2 =	vmul.f32 v63, v2;
	_ =	sdelay $0x1  }
0x730: {  	v2 =	vadd.f32 v3, v2;
	_ =	sdelay $0x1  }
0x731: {  	v3 =	vmul.f32 $2.000000030e-01, v2  }
0x732: {  	vm0 =	vge.f32 v2, $0.0e+00  }
0x733: {  	v2 =	vsel vm0, v2, v3  }
0x734: {  	v1 =	vsub.f32 v2, v1;
	_ =	sdelay $0x1  }
0x735: {  	v1 =	vmul.f32 $1.442695020e+00, v1;
	_ =	sdelay $0x1  }
0x736: {  	(erf) = vpow2.f32 v1;
	_ =	sdelay $0x8  }
0x737: {  	v1 =	vpop (erf)  }
0x738: {  	v2 =	vmul.f32 v1, v63  }
0x739: {  	[tilespmem:s6+$0x1A900] =	vst v1  }
0x73a: {  	[tilespmem:s6+$0x1B100] =	vst v2  }
0x73b: {  	[spmem:s4] =	stream.indirect.scatter.add.f32 [tilespmem:s28], [sflag:$0x4], $0x1, s22, s26, $0xb8;
	[tilespmem:$0x1F660] =	vst v63  }
0x73c: {  	_ = 	snop  }
0x73d: {  	[spmem:s3] =	stream.indirect.scatter.add.f32 [tilespmem:s29], [sflag:$0x4], $0x1, s22, s26, $0xb8;
	[tilespmem:$0x1F660] =	vst v63  }
0x73e: {  	_ =	swait.ge [sflag:s30], $0x7D0  }
0x73f: {  	[sflag:s30] =	ssyncset.done $0x0  }
0x740: {  	[sflag:s30] =	ssyncadd.s32 $0xFFFFF830  }
0x741: {  	_ =	swait.ge [sflag:s30], $0x7D0  }
0x742: {  	[sflag:s30] =	ssyncset.done $0x0  }
0x743: {  	[sflag:s30] =	ssyncadd.s32 $0xFFFFF830  }
0x744: {  	[bflag:$0x0] =	sbarrier.arrive $0xFFFF  }
0x745: {  	[tilespmem:s18], [sflag:$0x5] =	stream.linear.gather [spmem:s7], $0xC38, $0x38;
	[tilespmem:$0x1F660] =	vst v63  }
0x746: {  	_ =	swait.ge [sflag:s19], $0xC38  }
0x747: {  	[sflag:s19] =	ssyncset.done $0x0  }
0x748: {  	s1 =	rddreg [dreg:$0xe];
	[sflag:s19] =	ssyncadd.s32 $0xFFFFF3C8  }
0x749: {  	[hbm4b:s1+s5] =	stream.linear.scatter [tilespmem:s18], [sflag:$0x5], $0xC38, $0x38;
	[tilespmem:$0x1F660] =	vst v63  }
0x74a: {  	_ =	swait.ge [sflag:s19], $0xC38  }
0x74b: {  	[sflag:s19] =	ssyncset.done $0x0  }
0x74c: {  	[sflag:s19] =	ssyncadd.s32 $0xFFFFF3C8  }
0x74d: {  	[tilespmem:s18], [sflag:$0x5] =	stream.linear.gather [spmem:s8], $0xC38, $0x38;
	[tilespmem:$0x1F660] =	vst v63  }
0x74e: {  	_ =	swait.ge [sflag:s19], $0xC38  }
0x74f: {  	[sflag:s19] =	ssyncset.done $0x0  }
0x750: {  	s6 =	rddreg [dreg:$0xf];
	[sflag:s19] =	ssyncadd.s32 $0xFFFFF3C8  }
0x751: {  	[hbm4b:s6+s5] =	stream.linear.scatter [tilespmem:s18], [sflag:$0x5], $0xC38, $0x38;
	[tilespmem:$0x1F660] =	vst v63  }
0x752: {  	_ =	swait.ge [sflag:s19], $0xC38  }
0x753: {  	[sflag:s19] =	ssyncset.done $0x0  }
0x754: {  	[sflag:s19] =	ssyncadd.s32 $0xFFFFF3C8  }
0x755: {  	[tilespmem:s18], [sflag:$0x5] =	stream.linear.gather [spmem:s9], $0xC38, $0x38;
	[tilespmem:$0x1F660] =	vst v63  }
0x756: {  	_ =	swait.ge [sflag:s19], $0xC38  }
0x757: {  	[sflag:s19] =	ssyncset.done $0x0  }
0x758: {  	s1 =	rddreg [dreg:$0x10];
	[sflag:s19] =	ssyncadd.s32 $0xFFFFF3C8  }
0x759: {  	[hbm4b:s1+s5] =	stream.linear.scatter [tilespmem:s18], [sflag:$0x5], $0xC38, $0x38;
	[tilespmem:$0x1F660] =	vst v63  }
0x75a: {  	_ =	swait.ge [sflag:s19], $0xC38  }
0x75b: {  	[sflag:s19] =	ssyncset.done $0x0  }
0x75c: {  	[sflag:s19] =	ssyncadd.s32 $0xFFFFF3C8  }
0x75d: {  	[tilespmem:s18], [sflag:$0x5] =	stream.linear.gather [spmem:s10], $0xC38, $0x38;
	[tilespmem:$0x1F660] =	vst v63  }
0x75e: {  	s2 =	sadd.s32 $0x1, s2;
	_ =	swait.ge [sflag:s19], $0xC38  }
0x75f: {  	p0 =	sne.s32 s2, s17;
	[sflag:s19] =	ssyncset.done $0x0  }
.Ltmp26:
0x760: {  	s6 =	rddreg [dreg:$0x11];
	[sflag:s19] =	ssyncadd.s32 $0xFFFFF3C8;
	(pc) =	sbr.rel @p0 .LBB2_1-.Ltmp26, $4  }
0x761: {  	[hbm4b:s6+s5] =	stream.linear.scatter [tilespmem:s18], [sflag:$0x5], $0xC38, $0x38;
	[tilespmem:$0x1F660] =	vst v63  }
0x762: {  	_ =	swait.ge [sflag:s19], $0xC38  }
0x763: {  	[sflag:s19] =	ssyncset.done $0x0  }
0x764: {  	[sflag:s19] =	ssyncadd.s32 $0xFFFFF3C8  }
0x765: {  	_ =	sfence.sel $0x180000  }
0x766: {  	[bflag:$0x0] =	sbarrier.arrive $0xFFFF  }
0x767: {  	_ =	strace $0x90000047  }
0x768: {  	s0 =	stileid.u32;
	[bflag:$0x2] =	sbarrier.arrive $0xFFFF  }
0x769: {  	p0 =	sne.s32 s0, $0x0;
	s0 =	rddreg [dreg:$0x4]  }
0x76a: {  	s0 =	sadd.s32 @!p0 $0x100000, s0  }
0x76b: {  	[sflag:s0] =	ssyncadd.tile.s32 @!p0 $0x1;
	_ =	shalt  }
.Lfunc_end2:
_tile_overlayer_lowered:
.L_overlay_start_2:
0x76c: {  	(tag) =	ssettag $0x2  }
0x76d: {  	s0 =	rddreg [dreg:$0x0];
	s2 =	stileid.u32  }
0x76e: {  	s1 =	rddreg [dreg:$0x1];
	p0 =	sne.s32 s2, $0x0  }
0x76f: {  	s3 =	rddreg [dreg:$0x2];
	[bflag:$0x3] =	sbarrier.arrive $0xFFFF;
	s2 =	simm.s32 @!p0 $0x1C05  }
0x770: {  	[timem:s3], [sflag:s2] =	dma.local @!p0 [hbm:s0], s1  }
0x771: {  	s0 =	simm.s32 @!p0 $0x5  }
0x772: {  	_ =	swait.ge @!p0 [sflag:s0], s1  }
0x773: {  	s1 =	ssub.s32 @!p0 $0x0, s1;
	[sflag:s0] =	ssyncset.done @!p0 $0x0  }
0x774: {  	[sflag:s0] =	ssyncadd.s32 @!p0 s1  }
0x775: {  	[bflag:$0x3] =	sbarrier.arrive $0xFFFF  }
0x776: {  	_ =	shalt  }

</sc_bundles>
